<compile_context>
chip_gen: v7x
topology: tpu7x:2x2x1
jax: 0.10.2.dev20260603
libtpu: 0.0.44.dev20260713+nightly
codegen_flags: <defaults>
</compile_context>

<pallas_src>
import functools

import jax
import jax.numpy as jnp
from jax import lax
from jax.experimental import pallas as pl
from jax.experimental.pallas import tpu as pltpu
from jax.experimental.pallas import tpu_sc as plsc

NN = 10000
EE = 320000
FD = 128
GD = 256
HH = 8
DD = 16
KK = 4

NC = 2
NS = 16
NW = NC * NS
EPT = EE // NW
CC = 80
NCH = EPT // CC
NCHP = 128
NP_ = 10240
ROWS = NP_ // NS

f32 = jnp.float32
i32 = jnp.int32


def _mesh():
    return plsc.VectorSubcoreMesh(core_axis_name="c", subcore_axis_name="s")


R624 = 624
TAIL0 = 15 * R624 + R624


def _sc_gat(G, B, src3, dst3, m16):

    @functools.partial(
        pl.kernel,
        out_type=[
            jax.ShapeDtypeStruct((EE, 16), f32),
            jax.ShapeDtypeStruct((EE, FD), f32),
        ],
        mesh=_mesh(),
        scratch_types=[
            pltpu.VMEM((EPT,), i32),
            pltpu.VMEM((EPT,), i32),
            pltpu.VMEM((2 * CC, GD), f32),
            pltpu.VMEM((2 * CC, FD), f32),
            pltpu.VMEM((2 * CC, FD), f32),
            pltpu.VMEM((2 * CC, 16), f32),
            pltpu.VMEM((16,), f32),
            pltpu.SemaphoreType.DMA,
            pltpu.SemaphoreType.DMA,
            pltpu.SemaphoreType.DMA,
        ],
    )
    def k(G_h, B_h, src_h, dst_h, m_h, ee_h, msg_h,
          si, di, ga, bb, msg, eer, mv, gsem, ssem, esem):
        cid = lax.axis_index("c")
        sid = lax.axis_index("s")
        wid = sid * NC + cid
        pltpu.sync_copy(m_h, mv)
        pltpu.sync_copy(src_h.at[pl.ds(wid * EPT, EPT)], si)
        pltpu.sync_copy(dst_h.at[pl.ds(wid * EPT, EPT)], di)
        mvec = mv[...]
        base0 = wid * EPT

        def gathers(i, p):
            pltpu.async_copy(G_h.at[si.at[pl.ds(i * CC, CC)]],
                             ga.at[pl.ds(p * CC, CC)], gsem)
            pltpu.async_copy(B_h.at[di.at[pl.ds(i * CC, CC)]],
                             bb.at[pl.ds(p * CC, CC)], gsem)

        gathers(0, 0)

        def chunk(i, carry):
            p = lax.rem(i, 2)
            q = 1 - p

            @pl.when(i >= 1)
            def _():
                baseq = base0 + (i - 1) * CC
                pltpu.make_async_copy(
                    msg.at[pl.ds(q * CC, CC)], msg_h.at[pl.ds(baseq, CC)],
                    ssem).wait()
                pltpu.make_async_copy(
                    eer.at[pl.ds(q * CC, CC)], ee_h.at[pl.ds(baseq, CC)],
                    esem).wait()

            @pl.when(i < NCH - 1)
            def _():
                gathers(i + 1, q)

            pltpu.make_async_copy(
                G_h.at[si.at[pl.ds(i * CC, CC)]],
                ga.at[pl.ds(p * CC, CC)], gsem).wait()
            pltpu.make_async_copy(
                B_h.at[di.at[pl.ds(i * CC, CC)]],
                bb.at[pl.ds(p * CC, CC)], gsem).wait()

            def inner(c, carry2):
                r = p * CC + c
                v = ga[r, pl.ds(FD, 16)] + bb[r, pl.ds(0, 16)]
                v = jnp.where(v > 0.0, v, 0.2 * v)
                v = jnp.exp(v - mvec)
                eer[r, :] = v
                for hh in range(HH):
                    sl = pl.ds(hh * DD, DD)
                    msg[r, sl] = ga[r, sl] * v[hh]
                return carry2

            lax.fori_loop(0, CC, inner, 0, unroll=4)
            base = base0 + i * CC
            pltpu.async_copy(eer.at[pl.ds(p * CC, CC)],
                             ee_h.at[pl.ds(base, CC)], esem)
            pltpu.async_copy(msg.at[pl.ds(p * CC, CC)],
                             msg_h.at[pl.ds(base, CC)], ssem)
            return carry

        lax.fori_loop(0, NCH, chunk, 0)
        pf = lax.rem(NCH - 1, 2)
        basef = base0 + (NCH - 1) * CC
        pltpu.make_async_copy(
            msg.at[pl.ds(pf * CC, CC)], msg_h.at[pl.ds(basef, CC)],
            ssem).wait()
        pltpu.make_async_copy(
            eer.at[pl.ds(pf * CC, CC)], ee_h.at[pl.ds(basef, CC)],
            esem).wait()

    return k(G, B, src3, dst3, m16)


def _sc_accum(rows, dst3, zz128):

    @functools.partial(
        pl.kernel,
        out_type=jax.ShapeDtypeStruct((NC * NN, FD), f32),
        mesh=_mesh(),
        scratch_types=[
            pltpu.VMEM((NCHP, CC), i32),
            pltpu.VMEM((2 * CC, FD), f32),
            pltpu.VMEM_SHARED((NN, FD), f32),
            pltpu.SemaphoreType.DMA,
            pltpu.SemaphoreType.DMA,
        ],
    )
    def k(rows_h, dst_h, zz_h, out_h, di, rr, accS, gsem, ssem):
        cid = lax.axis_index("c")
        sid = lax.axis_index("s")
        wid = sid * NC + cid
        pltpu.sync_copy(zz_h.at[pl.ds(sid * R624, R624)],
                        accS.at[pl.ds(sid * R624, R624)])

        @pl.when(sid == NS - 1)
        def _():
            pltpu.sync_copy(zz_h.at[pl.ds(TAIL0, NN - TAIL0)],
                            accS.at[pl.ds(TAIL0, NN - TAIL0)])

        pltpu.sync_copy(dst_h.at[pl.ds(wid * NCHP, NCHP)], di)
        plsc.subcore_barrier()
        base0 = wid * EPT

        def read(i, p):
            base = base0 + i * CC
            pltpu.async_copy(rows_h.at[pl.ds(base, CC)],
                             rr.at[pl.ds(p * CC, CC)], gsem)

        read(0, 0)

        def chunk(i, carry):
            p = lax.rem(i, 2)
            q = 1 - p

            @pl.when(i >= 1)
            def _():
                pltpu.make_async_copy(
                    rr.at[pl.ds(q * CC, CC)], accS.at[di.at[i - 1]],
                    ssem).wait()

            @pl.when(i < NCH - 1)
            def _():
                read(i + 1, q)

            base = base0 + i * CC
            pltpu.make_async_copy(
                rows_h.at[pl.ds(base, CC)], rr.at[pl.ds(p * CC, CC)],
                gsem).wait()
            pltpu.async_copy(rr.at[pl.ds(p * CC, CC)], accS.at[di.at[i]],
                             ssem, add=True)
            return carry

        lax.fori_loop(0, NCH, chunk, 0)
        pf = lax.rem(NCH - 1, 2)
        pltpu.make_async_copy(
            rr.at[pl.ds(pf * CC, CC)], accS.at[di.at[NCH - 1]], ssem).wait()
        plsc.subcore_barrier()
        pltpu.sync_copy(accS.at[pl.ds(sid * R624, R624)],
                        out_h.at[pl.ds(cid * NN + sid * R624, R624)])

        @pl.when(sid == NS - 1)
        def _():
            pltpu.sync_copy(accS.at[pl.ds(TAIL0, NN - TAIL0)],
                            out_h.at[pl.ds(cid * NN + TAIL0, NN - TAIL0)])

    return k(rows, dst3, zz128)


CE = 40
NCHE = EPT // CE


def _sc_esum(ee, dst, zz128):

    @functools.partial(
        pl.kernel,
        out_type=jax.ShapeDtypeStruct((NC * NN, FD), f32),
        mesh=_mesh(),
        scratch_types=[
            pltpu.VMEM((CE,), i32),
            pltpu.VMEM((CE,), i32),
            pltpu.VMEM((CE, 16), f32),
            pltpu.VMEM((CE, 16), f32),
            pltpu.VMEM((CE, FD), f32),
            pltpu.VMEM((CE, FD), f32),
            pltpu.VMEM_SHARED((NN, FD), f32),
            pltpu.SemaphoreType.DMA,
            pltpu.SemaphoreType.DMA,
            pltpu.SemaphoreType.DMA,
            pltpu.SemaphoreType.DMA,
        ],
    )
    def k(ee_h, dst_h, zz128_h, acc_h, di0, di1, ev0, ev1, w0, w1, accS,
          g0, g1, s0, s1):
        cid = lax.axis_index("c")
        sid = lax.axis_index("s")
        wid = sid * NC + cid
        pltpu.sync_copy(zz128_h.at[pl.ds(sid * R624, R624)],
                        accS.at[pl.ds(sid * R624, R624)])

        @pl.when(sid == NS - 1)
        def _():
            pltpu.sync_copy(zz128_h.at[pl.ds(TAIL0, NN - TAIL0)],
                            accS.at[pl.ds(TAIL0, NN - TAIL0)])

        pltpu.sync_copy(zz128_h.at[pl.ds(0, CE)], w0)
        pltpu.sync_copy(zz128_h.at[pl.ds(0, CE)], w1)
        plsc.subcore_barrier()
        base0 = wid * EPT

        def expand(ev, w):
            def inner(c, carry2):
                w[c, pl.ds(0, 16)] = ev[c, :]
                return carry2

            lax.fori_loop(0, CE, inner, 0, unroll=8)

        def pair(j, carry):
            a0 = base0 + (2 * j) * CE
            a1 = a0 + CE
            pltpu.sync_copy(dst_h.at[pl.ds(a0, CE)], di0)
            cg0 = pltpu.async_copy(ee_h.at[pl.ds(a0, CE)], ev0, g0)
            pltpu.sync_copy(dst_h.at[pl.ds(a1, CE)], di1)
            cg1 = pltpu.async_copy(ee_h.at[pl.ds(a1, CE)], ev1, g1)
            cg0.wait()
            expand(ev0, w0)
            cs0 = pltpu.async_copy(w0, accS.at[di0], s0, add=True)
            cg1.wait()
            expand(ev1, w1)
            cs1 = pltpu.async_copy(w1, accS.at[di1], s1, add=True)
            cs0.wait()
            cs1.wait()
            return carry

        lax.fori_loop(0, NCHE // 2, pair, 0)
        plsc.subcore_barrier()
        pltpu.sync_copy(accS.at[pl.ds(sid * R624, R624)],
                        acc_h.at[pl.ds(cid * NN + sid * R624, R624)])

        @pl.when(sid == NS - 1)
        def _():
            pltpu.sync_copy(accS.at[pl.ds(TAIL0, NN - TAIL0)],
                            acc_h.at[pl.ds(cid * NN + TAIL0, NN - TAIL0)])

    return k(ee, dst, zz128)


def _sc_adjacency(x, src3, dst3, zz128):

    @functools.partial(
        pl.kernel,
        out_type=jax.ShapeDtypeStruct((NC * NN, FD), f32),
        mesh=_mesh(),
        scratch_types=[
            pltpu.VMEM((EPT,), i32),
            pltpu.VMEM((NCHP, CC), i32),
            pltpu.VMEM((2 * CC, FD), f32),
            pltpu.VMEM_SHARED((NN, FD), f32),
            pltpu.SemaphoreType.DMA,
            pltpu.SemaphoreType.DMA,
        ],
    )
    def k(x_h, src_h, dst_h, zz_h, out_h, si, di, rr, accS, gsem, ssem):
        cid = lax.axis_index("c")
        sid = lax.axis_index("s")
        wid = sid * NC + cid
        pltpu.sync_copy(zz_h.at[pl.ds(sid * R624, R624)],
                        accS.at[pl.ds(sid * R624, R624)])

        @pl.when(sid == NS - 1)
        def _():
            pltpu.sync_copy(zz_h.at[pl.ds(TAIL0, NN - TAIL0)],
                            accS.at[pl.ds(TAIL0, NN - TAIL0)])

        pltpu.sync_copy(src_h.at[pl.ds(wid * EPT, EPT)], si)
        pltpu.sync_copy(dst_h.at[pl.ds(wid * NCHP, NCHP)], di)
        plsc.subcore_barrier()

        def gather(i, p):
            pltpu.async_copy(x_h.at[si.at[pl.ds(i * CC, CC)]],
                             rr.at[pl.ds(p * CC, CC)], gsem)

        gather(0, 0)

        def chunk(i, carry):
            p = lax.rem(i, 2)
            q = 1 - p

            @pl.when(i >= 1)
            def _():
                pltpu.make_async_copy(
                    rr.at[pl.ds(q * CC, CC)], accS.at[di.at[i - 1]],
                    ssem).wait()

            @pl.when(i < NCH - 1)
            def _():
                gather(i + 1, q)

            pltpu.make_async_copy(
                x_h.at[si.at[pl.ds(i * CC, CC)]],
                rr.at[pl.ds(p * CC, CC)], gsem).wait()
            pltpu.async_copy(rr.at[pl.ds(p * CC, CC)], accS.at[di.at[i]],
                             ssem, add=True)
            return carry

        lax.fori_loop(0, NCH, chunk, 0)
        pf = lax.rem(NCH - 1, 2)
        pltpu.make_async_copy(
            rr.at[pl.ds(pf * CC, CC)], accS.at[di.at[NCH - 1]], ssem).wait()
        plsc.subcore_barrier()
        pltpu.sync_copy(accS.at[pl.ds(sid * R624, R624)],
                        out_h.at[pl.ds(cid * NN + sid * R624, R624)])

        @pl.when(sid == NS - 1)
        def _():
            pltpu.sync_copy(accS.at[pl.ds(TAIL0, NN - TAIL0)],
                            out_h.at[pl.ds(cid * NN + TAIL0, NN - TAIL0)])

    return k(x, src3, dst3, zz128)


_NB = 5
_BLK = NN // _NB


def _tc_proj(h, W_gat, AL, AR):

    def body(h_ref, w_ref, al_ref, ar_ref, g_ref, b_ref, el_ref, er_ref):
        f = jnp.dot(h_ref[...], w_ref[...], preferred_element_type=f32)
        el = jnp.dot(f, al_ref[...], preferred_element_type=f32)
        er = jnp.dot(f, ar_ref[...], preferred_element_type=f32)
        z = jnp.zeros((_BLK, GD - FD - HH), f32)
        g_ref[...] = jnp.concatenate([f, el, z], axis=1)
        b_ref[...] = jnp.concatenate([er, jnp.zeros((_BLK, FD - HH), f32)], axis=1)
        el_ref[...] = el
        er_ref[...] = er

    return pl.pallas_call(
        body,
        grid=(_NB,),
        in_specs=[
            pl.BlockSpec((_BLK, FD), lambda i: (i, 0)),
            pl.BlockSpec((FD, FD), lambda i: (0, 0)),
            pl.BlockSpec((FD, HH), lambda i: (0, 0)),
            pl.BlockSpec((FD, HH), lambda i: (0, 0)),
        ],
        out_specs=[
            pl.BlockSpec((_BLK, GD), lambda i: (i, 0)),
            pl.BlockSpec((_BLK, FD), lambda i: (i, 0)),
            pl.BlockSpec((_BLK, HH), lambda i: (i, 0)),
            pl.BlockSpec((_BLK, HH), lambda i: (i, 0)),
        ],
        out_shape=[
            jax.ShapeDtypeStruct((NN, GD), f32),
            jax.ShapeDtypeStruct((NN, FD), f32),
            jax.ShapeDtypeStruct((NN, HH), f32),
            jax.ShapeDtypeStruct((NN, HH), f32),
        ],
    )(h, W_gat, AL, AR)


def _tc_maxm(el, er):
    def body(el_ref, er_ref, m_ref):
        m_ref[...] = jnp.full(
            (1, 1),
            jnp.maximum(jnp.max(el_ref[...]) + jnp.max(er_ref[...]), 0.0), f32)

    return pl.pallas_call(
        body,
        out_shape=jax.ShapeDtypeStruct((1, 1), f32),
    )(el, er)


def _tc_denom(acc2, W_mp, bmp32, WF32, bffn32, R832):
    def body(acc_ref, wmp_ref, bmp_ref, wf_ref, bffn_ref, r_ref,
             invd_ref, rs_ref, pooled_ref):
        acc = acc_ref[0] + acc_ref[1]
        esum = acc[:, :HH]
        invd = 1.0 / (esum + 1e-16)
        invd_ref[...] = invd
        cnt = acc[:, HH:HH + 1]
        deg = jnp.maximum(cnt, 1.0)
        rs_ref[...] = lax.rsqrt(deg)
        s = esum * invd
        s32 = jnp.dot(s, r_ref[...], preferred_element_type=f32)
        colsum = jnp.sum(wmp_ref[...], axis=0, keepdims=True)
        cs32 = jnp.concatenate([colsum] * HH, axis=1)
        xc = jnp.tanh(s32 * cs32 + bmp_ref[...])
        hg = jnp.mean(xc, axis=0, keepdims=True)
        pooled_ref[...] = (
            jnp.dot(hg, wf_ref[...], preferred_element_type=f32) + bffn_ref[...])

    return pl.pallas_call(
        body,
        out_shape=[
            jax.ShapeDtypeStruct((NN, HH), f32),
            jax.ShapeDtypeStruct((NN, 1), f32),
            jax.ShapeDtypeStruct((1, HH * KK), f32),
        ],
    )(acc2, W_mp, bmp32, WF32, bffn32, R832)


def _tc_gatout(hg2, invd, rs, E8, bg128):
    def body(hg_ref, invd_ref, rs_ref, e8_ref, bg_ref, hgat_ref, y_ref):
        invd128 = jnp.dot(invd_ref[...], e8_ref[...], preferred_element_type=f32)
        hgat = (hg_ref[0] + hg_ref[1]) * invd128 + bg_ref[...]
        hgat_ref[...] = hgat
        y_ref[...] = rs_ref[...] * hgat

    return pl.pallas_call(
        body,
        grid=(_NB,),
        in_specs=[
            pl.BlockSpec((2, _BLK, FD), lambda i: (0, i, 0)),
            pl.BlockSpec((_BLK, HH), lambda i: (i, 0)),
            pl.BlockSpec((_BLK, 1), lambda i: (i, 0)),
            pl.BlockSpec((HH, FD), lambda i: (0, 0)),
            pl.BlockSpec((1, FD), lambda i: (0, 0)),
        ],
        out_specs=[
            pl.BlockSpec((_BLK, FD), lambda i: (i, 0)),
            pl.BlockSpec((_BLK, FD), lambda i: (i, 0)),
        ],
        out_shape=[
            jax.ShapeDtypeStruct((NN, FD), f32),
            jax.ShapeDtypeStruct((NN, FD), f32),
        ],
    )(hg2, invd, rs, E8, bg128)


def _tc_cheb_step(p2, rs, prev):
    first = prev is None
    coef = -1.0 if first else -2.0

    def body(*refs):
        if first:
            p_ref, rs_ref, tx_ref, y_ref = refs
            tx = coef * rs_ref[...] * (p_ref[0] + p_ref[1])
        else:
            p_ref, rs_ref, prev_ref, tx_ref, y_ref = refs
            tx = coef * rs_ref[...] * (p_ref[0] + p_ref[1]) - prev_ref[...]
        tx_ref[...] = tx
        y_ref[...] = rs_ref[...] * tx

    in_specs = [
        pl.BlockSpec((2, _BLK, FD), lambda i: (0, i, 0)),
        pl.BlockSpec((_BLK, 1), lambda i: (i, 0)),
    ]
    args = [p2, rs]
    if not first:
        in_specs.append(pl.BlockSpec((_BLK, FD), lambda i: (i, 0)))
        args.append(prev)
    return pl.pallas_call(
        body,
        grid=(_NB,),
        in_specs=in_specs,
        out_specs=[
            pl.BlockSpec((_BLK, FD), lambda i: (i, 0)),
            pl.BlockSpec((_BLK, FD), lambda i: (i, 0)),
        ],
        out_shape=[
            jax.ShapeDtypeStruct((NN, FD), f32),
            jax.ShapeDtypeStruct((NN, FD), f32),
        ],
    )(*args)


def _tc_final(p2, rs, tx1, tx2, hgat, pooled_exp, BD, BDfl, bc128, bfl128, h_in):
    def body(p_ref, rs_ref, tx1_ref, tx2_ref, hgat_ref, pe_ref, bd_ref,
             bdfl_ref, bc_ref, bfl_ref, hin_ref, out_ref):
        tx3 = -2.0 * rs_ref[...] * (p_ref[0] + p_ref[1]) - tx1_ref[...]
        txs = (hgat_ref[...], tx1_ref[...], tx2_ref[...], tx3)
        acc = jnp.zeros((_BLK, FD), f32) + bc_ref[...]
        for k in range(KK):
            acc = acc + jnp.dot(pe_ref[k:k + 1, :] * txs[k], bd_ref[k],
                                preferred_element_type=f32)
        hf = jnp.dot(jnp.tanh(acc), bdfl_ref[...],
                     preferred_element_type=f32) + bfl_ref[...]
        hh = hgat_ref[...] + hf
        hh = jnp.where(hh > 0.0, hh, jnp.exp(jnp.minimum(hh, 0.0)) - 1.0)
        out_ref[...] = hin_ref[...] + hh

    return pl.pallas_call(
        body,
        grid=(_NB,),
        in_specs=[
            pl.BlockSpec((2, _BLK, FD), lambda i: (0, i, 0)),
            pl.BlockSpec((_BLK, 1), lambda i: (i, 0)),
            pl.BlockSpec((_BLK, FD), lambda i: (i, 0)),
            pl.BlockSpec((_BLK, FD), lambda i: (i, 0)),
            pl.BlockSpec((_BLK, FD), lambda i: (i, 0)),
            pl.BlockSpec((KK, FD), lambda i: (0, 0)),
            pl.BlockSpec((KK, FD, FD), lambda i: (0, 0, 0)),
            pl.BlockSpec((FD, FD), lambda i: (0, 0)),
            pl.BlockSpec((1, FD), lambda i: (0, 0)),
            pl.BlockSpec((1, FD), lambda i: (0, 0)),
            pl.BlockSpec((_BLK, FD), lambda i: (i, 0)),
        ],
        out_specs=[pl.BlockSpec((_BLK, FD), lambda i: (i, 0))],
        out_shape=[jax.ShapeDtypeStruct((NN, FD), f32)],
    )(p2, rs, tx1, tx2, hgat, pooled_exp, BD, BDfl, bc128, bfl128, h_in)[0]


def kernel(h, edge_index, W_gat, attn_l, attn_r, b_gat, W_mp, b_mp,
           W_cheb, b_cheb, W_ffn, b_ffn, W_fl, b_fl):
    src = edge_index[0].astype(i32)
    dst = edge_index[1].astype(i32)
    dst2p = jnp.zeros((NW, NCHP, CC), i32).at[:, :NCH].set(
        dst.reshape(NW, NCH, CC)).reshape(NW * NCHP, CC)

    lanes = jnp.arange(FD)
    rowh = lanes // DD
    AL = jnp.zeros((FD, HH), f32).at[lanes, rowh].set(attn_l.reshape(-1))
    AR = jnp.zeros((FD, HH), f32).at[lanes, rowh].set(attn_r.reshape(-1))
    E8 = jnp.zeros((HH, FD), f32).at[rowh, lanes].set(1.0)
    R832 = jnp.zeros((HH, HH * KK), f32).at[
        jnp.arange(HH * KK) // KK, jnp.arange(HH * KK)].set(1.0)
    bmp32 = jnp.tile(b_mp, HH).reshape(1, HH * KK)
    WF32 = jnp.kron(jnp.eye(HH, dtype=f32), W_ffn)
    bffn32 = jnp.tile(b_ffn, HH).reshape(1, HH * KK)
    eye8 = jnp.eye(HH, dtype=f32)
    BD = jnp.stack([jnp.kron(eye8, W_cheb[k]) for k in range(KK)])
    BDfl = jnp.kron(eye8, W_fl)
    bg128 = b_gat.reshape(1, FD)
    bc128 = jnp.tile(b_cheb, HH).reshape(1, FD)
    bfl128 = jnp.tile(b_fl, HH).reshape(1, FD)
    zz128 = jnp.zeros((NP_, FD), f32)

    G, B128, el, er = _tc_proj(h, W_gat, AL, AR)
    m1 = _tc_maxm(el, er)
    m16 = jnp.concatenate(
        [jnp.broadcast_to(m1.reshape(1), (HH,)), jnp.zeros((HH,), f32)])

    ee, msg = _sc_gat(G, B128, src, dst, m16)
    hg = _sc_accum(msg, dst2p, zz128)
    acc = _sc_esum(ee, dst, zz128)

    invd, rs, pooled32 = _tc_denom(acc.reshape(NC, NN, FD)[:, :, :16],
                                   W_mp, bmp32, WF32, bffn32, R832)
    pooled_exp = jnp.repeat(pooled32.reshape(HH, KK).T, DD, axis=1)

    hgat, y1 = _tc_gatout(hg.reshape(NC, NN, FD), invd, rs, E8, bg128)

    p1 = _sc_adjacency(y1, src, dst2p, zz128)
    tx1, y2 = _tc_cheb_step(p1.reshape(NC, NN, FD), rs, None)
    p2 = _sc_adjacency(y2, src, dst2p, zz128)
    tx2, y3 = _tc_cheb_step(p2.reshape(NC, NN, FD), rs, hgat)
    p3 = _sc_adjacency(y3, src, dst2p, zz128)

    return _tc_final(p3.reshape(NC, NN, FD), rs, tx1, tx2, hgat,
                     pooled_exp, BD, BDfl, bc128, bfl128, h)

# --- scband reference (transcript-rebuilt; emitter-appended) ---
"""Pipeline reference for scband-gatfe-talayer-17703855194472 (READ-ONLY COPY).

The authoritative reference and input builder live on the scoring server;
editing this copy changes nothing except your own understanding.
"""

import jax, jax.numpy as jnp
import numpy as np

N = 10000
E = 320000
IN_DIM = 128
OUT_DIM = 16
H = 8
K = 4


def _glorot(k, shape):
    std = float(np.sqrt(6.0 / (shape[-2] + shape[-1])))
    return jax.random.uniform(k, shape, jnp.float32, -std, std)


def setup_inputs(seed: int = 0) -> dict:
    key = jax.random.key(seed)
    ks = jax.random.split(key, 12)
    h = jax.random.normal(ks[0], (N, IN_DIM), dtype=jnp.float32)
    edge_index = jax.random.randint(ks[1], (2, E), 0, N, dtype=jnp.int64)
    W_gat = _glorot(ks[2], (IN_DIM, H * OUT_DIM))
    attn_l = _glorot(ks[3], (H, OUT_DIM))
    attn_r = _glorot(ks[4], (H, OUT_DIM))
    b_gat = jnp.zeros((H * OUT_DIM,), dtype=jnp.float32)
    W_mp = _glorot(ks[5], (K, K))
    b_mp = jnp.zeros((K,), dtype=jnp.float32)
    W_cheb = _glorot(ks[6], (K, OUT_DIM, OUT_DIM))
    b_cheb = jnp.zeros((OUT_DIM,), dtype=jnp.float32)
    W_ffn = _glorot(ks[7], (K, K))
    b_ffn = jnp.zeros((K,), dtype=jnp.float32)
    W_fl = _glorot(ks[8], (OUT_DIM, OUT_DIM))
    b_fl = jnp.zeros((OUT_DIM,), dtype=jnp.float32)
    return dict(h=h, edge_index=edge_index, W_gat=W_gat, attn_l=attn_l, attn_r=attn_r,
                b_gat=b_gat, W_mp=W_mp, b_mp=b_mp, W_cheb=W_cheb, b_cheb=b_cheb,
                W_ffn=W_ffn, b_ffn=b_ffn, W_fl=W_fl, b_fl=b_fl)


def reference(h, edge_index, W_gat, attn_l, attn_r, b_gat, W_mp, b_mp,
              W_cheb, b_cheb, W_ffn, b_ffn, W_fl, b_fl):
    src, dst = edge_index[0], edge_index[1]
    h_in = h
    # --- GATConv (dgl-style, shared fc, edge softmax over incoming edges) ---
    feat = (h @ W_gat).reshape(N, H, OUT_DIM)
    el = (feat * attn_l[None, :, :]).sum(-1)  # [N,H]
    er = (feat * attn_r[None, :, :]).sum(-1)
    e = el[src] + er[dst]                      # [E,H]
    e = jnp.where(e > 0, e, 0.2 * e)           # leaky_relu(0.2)
    emax = jax.ops.segment_max(e, dst, num_segments=N)
    emax = jnp.where(jnp.isfinite(emax), emax, 0.0)
    emax = jax.lax.stop_gradient(emax)
    ee = jnp.exp(e - emax[dst])
    esum = jax.ops.segment_sum(ee, dst, num_segments=N)
    a = ee / (esum[dst] + 1e-16)               # attention [E,H]
    msg = feat[src] * a[:, :, None]
    h_gat = jax.ops.segment_sum(msg, dst, num_segments=N) + b_gat.reshape(1, H, OUT_DIM)
    # --- get_filter_coeff: GCN on H replicated graphs with detached attn as edge wt ---
    a_det = jax.lax.stop_gradient(a)
    s = jax.ops.segment_sum(a_det, dst, num_segments=N)  # [N,H]
    colsum = W_mp.sum(axis=0)                            # x = ones(K): ones @ W_mp
    x_c = jnp.tanh(s.T[:, :, None] * colsum[None, None, :] + b_mp[None, None, :])  # [H,N,K]
    h_g = x_c.mean(axis=1)                               # dgl.mean_nodes -> [H,K]
    pooled = h_g @ W_ffn + b_ffn[None, :]                # filter coeffs [H,K]
    # --- ChebLayer on rescaled Laplacian L_hat = L - I = -D^-1/2 A D^-1/2 (lambda_max=2) ---
    deg = jnp.clip(jnp.bincount(dst, length=N), 1).astype(jnp.float32)
    w_e = -1.0 / jnp.sqrt(deg[src] * deg[dst])

    def lap(x):  # x [H,N,D] -> L_hat x per head
        return jax.vmap(lambda xh: jax.ops.segment_sum(xh[src] * w_e[:, None], dst, num_segments=N))(x)

    xh = jnp.transpose(h_gat, (1, 0, 2))  # [H,N,D]
    Tx0 = xh
    out = (pooled[:, 0][:, None, None] * Tx0) @ W_cheb[0]
    Tx1 = lap(xh)
    out = out + (pooled[:, 1][:, None, None] * Tx1) @ W_cheb[1]
    for k in range(2, K):
        Tx2 = 2.0 * lap(Tx1) - Tx0
        out = out + (pooled[:, k][:, None, None] * Tx2) @ W_cheb[k]
        Tx0, Tx1 = Tx1, Tx2
    out = out + b_cheb[None, None, :]
    # --- filt_linear(tanh(.)) + head merge + residual add ---
    h_filt = jnp.tanh(out) @ W_fl + b_fl[None, None, :]
    h_filt = jnp.transpose(h_filt, (1, 0, 2)).reshape(N, H * OUT_DIM)
    hh = h_gat.reshape(N, H * OUT_DIM) + h_filt
    hh = jnp.where(hh > 0, hh, jnp.expm1(hh))  # ELU
    return h_in + hh

if __name__ == "__main__":
    import jax
    _d = setup_inputs()
    print(jax.jit(kernel)(*tuple(_d.values())))

</pallas_src>

<mosaic_0001>
#map = affine_map<(d0, d1) -> (0, 0)>
module attributes {stable_mosaic.version = 14 : i64} {
  func.func @k(%arg0: i32, %arg1: i32, %arg2: memref<320000x128xf32, #tpu.memory_space<hbm>>, %arg3: memref<4096x80xi32, #tpu.memory_space<hbm>>, %arg4: memref<10240x128xf32, #tpu.memory_space<hbm>>, %arg5: memref<20000x128xf32, #tpu.memory_space<hbm>>, %arg6: memref<128x80xi32, #tpu.memory_space<vmem>>, %arg7: memref<160x128xf32, #tpu.memory_space<vmem>>, %arg8: memref<10000x128xf32, #tpu.memory_space<vmem_shared>>, %arg9: memref<!tpu.dma_semaphore, #tpu.memory_space<semaphore_mem>>, %arg10: memref<!tpu.dma_semaphore, #tpu.memory_space<semaphore_mem>>) attributes {dimension_semantics = [#tpu.dimension_semantics<core_parallel>, #tpu.dimension_semantics<subcore_parallel>], iteration_bounds = array<i64: 2, 16>, scalar_prefetch = 0 : i64, scratch_operands = 5 : i64, tpu.core_type = #tpu.core_type<sc_vector_subcore>, window_params = [{transform_indices = #map}, {transform_indices = #map}, {transform_indices = #map}, {transform_indices = #map}]} {
    %mul3A = arith.constant 2 : i32
    %mul3A_0 = arith.muli %arg1, %mul3A : i32
    %add3A = arith.addi %mul3A_0, %arg0 : i32
    %mul3A_1 = arith.constant 624 : i32
    %mul3A_2 = arith.muli %arg1, %mul3A_1 : i32
    %mul3A_3 = arith.constant 624 : i32
    %mul3A_4 = arith.muli %arg1, %mul3A_3 : i32
    "tpu.region"() ({
      %run_scoped3A = tpu.sem_alloc : memref<!tpu.dma_semaphore, #tpu.memory_space<semaphore_mem>>
      %dma_start3A_52 = arith.constant 0 : i32
      %dma_start3A_53 = tpu.memref_slice %arg8[%mul3A_4, %dma_start3A_52] : memref<10000x128xf32, #tpu.memory_space<vmem_shared>> -> memref<624x128xf32, #tpu.memory_space<vmem_shared>>
      %dma_start3A_54 = arith.constant 0 : i32
      %dma_start3A_55 = tpu.memref_slice %arg4[%mul3A_2, %dma_start3A_54] : memref<10240x128xf32, #tpu.memory_space<hbm>> -> memref<624x128xf32, #tpu.memory_space<hbm>>
      tpu.enqueue_dma source(%dma_start3A_55 : memref<624x128xf32, #tpu.memory_space<hbm>>) target(%dma_start3A_53 : memref<624x128xf32, #tpu.memory_space<vmem_shared>>) target_semaphore(%run_scoped3A : memref<!tpu.dma_semaphore, #tpu.memory_space<semaphore_mem>>)
      %dma_wait3A_56 = arith.constant 0 : i32
      %dma_wait3A_57 = tpu.memref_slice %arg8[%mul3A_4, %dma_wait3A_56] : memref<10000x128xf32, #tpu.memory_space<vmem_shared>> -> memref<624x128xf32, #tpu.memory_space<vmem_shared>>
      %dma_wait3A_58 = arith.constant 0 : i32
      %dma_wait3A_59 = tpu.memref_slice %arg4[%mul3A_2, %dma_wait3A_58] : memref<10240x128xf32, #tpu.memory_space<hbm>> -> memref<624x128xf32, #tpu.memory_space<hbm>>
      tpu.wait_dma2 semaphore(%run_scoped3A : memref<!tpu.dma_semaphore, #tpu.memory_space<semaphore_mem>>) src(%dma_wait3A_59 : memref<624x128xf32, #tpu.memory_space<hbm>>) dst(%dma_wait3A_57 : memref<624x128xf32, #tpu.memory_space<vmem_shared>>)
      tpu.yield
    }) : () -> ()
    %eq3A = arith.constant 15 : i32
    %eq3A_5 = arith.cmpi eq, %arg1, %eq3A : i32
    %convert_element_type3A = arith.extui %eq3A_5 : i1 to i32
    %cond3A = arith.constant 0 : i32
    %cond3A_6 = arith.cmpi ne, %convert_element_type3A, %cond3A : i32
    scf.if %cond3A_6 {
      "tpu.region"() ({
        %run_scoped3A = tpu.sem_alloc : memref<!tpu.dma_semaphore, #tpu.memory_space<semaphore_mem>>
        %dma_start3A_52 = arith.constant 9984 : i32
        %dma_start3A_53 = arith.constant 0 : i32
        %dma_start3A_54 = tpu.memref_slice %arg8[%dma_start3A_52, %dma_start3A_53] : memref<10000x128xf32, #tpu.memory_space<vmem_shared>> -> memref<16x128xf32, #tpu.memory_space<vmem_shared>>
        %dma_start3A_55 = arith.constant 9984 : i32
        %dma_start3A_56 = arith.constant 0 : i32
        %dma_start3A_57 = tpu.memref_slice %arg4[%dma_start3A_55, %dma_start3A_56] : memref<10240x128xf32, #tpu.memory_space<hbm>> -> memref<16x128xf32, #tpu.memory_space<hbm>>
        tpu.enqueue_dma source(%dma_start3A_57 : memref<16x128xf32, #tpu.memory_space<hbm>>) target(%dma_start3A_54 : memref<16x128xf32, #tpu.memory_space<vmem_shared>>) target_semaphore(%run_scoped3A : memref<!tpu.dma_semaphore, #tpu.memory_space<semaphore_mem>>)
        %dma_wait3A_58 = arith.constant 9984 : i32
        %dma_wait3A_59 = arith.constant 0 : i32
        %dma_wait3A_60 = tpu.memref_slice %arg8[%dma_wait3A_58, %dma_wait3A_59] : memref<10000x128xf32, #tpu.memory_space<vmem_shared>> -> memref<16x128xf32, #tpu.memory_space<vmem_shared>>
        %dma_wait3A_61 = arith.constant 9984 : i32
        %dma_wait3A_62 = arith.constant 0 : i32
        %dma_wait3A_63 = tpu.memref_slice %arg4[%dma_wait3A_61, %dma_wait3A_62] : memref<10240x128xf32, #tpu.memory_space<hbm>> -> memref<16x128xf32, #tpu.memory_space<hbm>>
        tpu.wait_dma2 semaphore(%run_scoped3A : memref<!tpu.dma_semaphore, #tpu.memory_space<semaphore_mem>>) src(%dma_wait3A_63 : memref<16x128xf32, #tpu.memory_space<hbm>>) dst(%dma_wait3A_60 : memref<16x128xf32, #tpu.memory_space<vmem_shared>>)
        tpu.yield
      }) : () -> ()
    } else {
    }
    %mul3A_7 = arith.constant 128 : i32
    %mul3A_8 = arith.muli %add3A, %mul3A_7 : i32
    "tpu.region"() ({
      %run_scoped3A = tpu.sem_alloc : memref<!tpu.dma_semaphore, #tpu.memory_space<semaphore_mem>>
      %dma_start3A_52 = arith.constant 0 : i32
      %dma_start3A_53 = tpu.memref_slice %arg3[%mul3A_8, %dma_start3A_52] : memref<4096x80xi32, #tpu.memory_space<hbm>> -> memref<128x80xi32, #tpu.memory_space<hbm>>
      %dma_start3A_54 = arith.constant 0 : i32
      %dma_start3A_55 = tpu.memref_slice %arg3[%mul3A_8, %dma_start3A_54] : memref<4096x80xi32, #tpu.memory_space<hbm>> -> memref<128x80xi32, #tpu.memory_space<hbm>>
      tpu.enqueue_dma source(%dma_start3A_55 : memref<128x80xi32, #tpu.memory_space<hbm>>) target(%arg6 : memref<128x80xi32, #tpu.memory_space<vmem>>) target_semaphore(%run_scoped3A : memref<!tpu.dma_semaphore, #tpu.memory_space<semaphore_mem>>)
      %dma_wait3A_56 = arith.constant 0 : i32
      %dma_wait3A_57 = tpu.memref_slice %arg3[%mul3A_8, %dma_wait3A_56] : memref<4096x80xi32, #tpu.memory_space<hbm>> -> memref<128x80xi32, #tpu.memory_space<hbm>>
      %dma_wait3A_58 = arith.constant 0 : i32
      %dma_wait3A_59 = tpu.memref_slice %arg3[%mul3A_8, %dma_wait3A_58] : memref<4096x80xi32, #tpu.memory_space<hbm>> -> memref<128x80xi32, #tpu.memory_space<hbm>>
      tpu.wait_dma2 semaphore(%run_scoped3A : memref<!tpu.dma_semaphore, #tpu.memory_space<semaphore_mem>>) src(%dma_wait3A_59 : memref<128x80xi32, #tpu.memory_space<hbm>>) dst(%arg6 : memref<128x80xi32, #tpu.memory_space<vmem>>)
      tpu.yield
    }) : () -> ()
    %barrier3A = arith.constant 0 : index
    tpu.barrier barrier_id(%barrier3A)
    %mul3A_9 = arith.constant 10000 : i32
    %mul3A_10 = arith.muli %add3A, %mul3A_9 : i32
    %add3A_11 = arith.constant 0 : i32
    %add3A_12 = arith.addi %mul3A_10, %add3A_11 : i32
    %dma_start3A = arith.constant 0 : i32
    %dma_start3A_13 = arith.constant 0 : i32
    %dma_start3A_14 = tpu.memref_slice %arg7[%dma_start3A, %dma_start3A_13] : memref<160x128xf32, #tpu.memory_space<vmem>> -> memref<80x128xf32, #tpu.memory_space<vmem>>
    %dma_start3A_15 = arith.constant 0 : i32
    %dma_start3A_16 = tpu.memref_slice %arg2[%add3A_12, %dma_start3A_15] : memref<320000x128xf32, #tpu.memory_space<hbm>> -> memref<80x128xf32, #tpu.memory_space<hbm>>
    %dma_start3A_17 = arith.constant 0 : i32
    %dma_start3A_18 = arith.constant 0 : i32
    %dma_start3A_19 = tpu.memref_slice %arg7[%dma_start3A_17, %dma_start3A_18] : memref<160x128xf32, #tpu.memory_space<vmem>> -> memref<80x128xf32, #tpu.memory_space<vmem>>
    %dma_start3A_20 = arith.constant 0 : i32
    %dma_start3A_21 = tpu.memref_slice %arg2[%add3A_12, %dma_start3A_20] : memref<320000x128xf32, #tpu.memory_space<hbm>> -> memref<80x128xf32, #tpu.memory_space<hbm>>
    tpu.enqueue_dma source(%dma_start3A_21 : memref<80x128xf32, #tpu.memory_space<hbm>>) target(%dma_start3A_19 : memref<80x128xf32, #tpu.memory_space<vmem>>) target_semaphore(%arg9 : memref<!tpu.dma_semaphore, #tpu.memory_space<semaphore_mem>>)
    %scan3A = arith.constant 0 : i32
    %scan3A_22 = arith.constant 0 : i32
    %scan3A_23 = arith.constant 125 : i32
    %scan3A_24 = arith.addi %scan3A_22, %scan3A_23 : i32
    %scan3A_25 = arith.constant 1 : i32
    scf.for %scan3A_52 = %scan3A_22 to %scan3A_24 step %scan3A_25  : i32 {
      %rem3A_53 = arith.constant 2 : i32
      %rem3A_54 = arith.remsi %scan3A_52, %rem3A_53 : i32
      %sub3A = arith.constant 1 : i32
      %sub3A_55 = arith.subi %sub3A, %rem3A_54 : i32
      %ge3A = arith.constant 1 : i32
      %ge3A_56 = arith.cmpi sge, %scan3A_52, %ge3A : i32
      %convert_element_type3A_57 = arith.extui %ge3A_56 : i1 to i32
      %cond3A_58 = arith.constant 0 : i32
      %cond3A_59 = arith.cmpi ne, %convert_element_type3A_57, %cond3A_58 : i32
      scf.if %cond3A_59 {
        %mul3A_87 = arith.constant 80 : i32
        %mul3A_88 = arith.muli %sub3A_55, %mul3A_87 : i32
        %sub3A_89 = arith.constant 1 : i32
        %sub3A_90 = arith.subi %scan3A_52, %sub3A_89 : i32
        %dma_wait3A_91 = arith.constant 0 : i32
        %dma_wait3A_92 = tpu.memref_slice %arg7[%mul3A_88, %dma_wait3A_91] : memref<160x128xf32, #tpu.memory_space<vmem>> -> memref<80x128xf32, #tpu.memory_space<vmem>>
        %dma_wait3A_93 = arith.constant 0 : i32
        %dma_wait3A_94 = tpu.memref_slice %arg6[%sub3A_90, %dma_wait3A_93] : memref<128x80xi32, #tpu.memory_space<vmem>> -> memref<1x80xi32, #tpu.memory_space<vmem>>
        %dma_wait3A_95 = tpu.memref_squeeze %dma_wait3A_94 : memref<1x80xi32, #tpu.memory_space<vmem>> -> memref<80xi32, #tpu.memory_space<vmem>>
        %dma_wait3A_96 = arith.constant 0 : i32
        %dma_wait3A_97 = arith.constant 0 : i32
        %dma_wait3A_98 = tpu.memref_slice %arg8[%dma_wait3A_96, %dma_wait3A_97] : memref<10000x128xf32, #tpu.memory_space<vmem_shared>> -> memref<10000x128xf32, #tpu.memory_space<vmem_shared>>
        tpu.wait_indirect_dma semaphore(%arg10 : memref<!tpu.dma_semaphore, #tpu.memory_space<semaphore_mem>>) src(%dma_wait3A_92 : memref<80x128xf32, #tpu.memory_space<vmem>>) dst(%dma_wait3A_98 : memref<10000x128xf32, #tpu.memory_space<vmem_shared>>)
      } else {
      }
      %lt3A = arith.constant 124 : i32
      %lt3A_60 = arith.cmpi slt, %scan3A_52, %lt3A : i32
      %convert_element_type3A_61 = arith.extui %lt3A_60 : i1 to i32
      %cond3A_62 = arith.constant 0 : i32
      %cond3A_63 = arith.cmpi ne, %convert_element_type3A_61, %cond3A_62 : i32
      scf.if %cond3A_63 {
        %add3A_87 = arith.constant 1 : i32
        %add3A_88 = arith.addi %scan3A_52, %add3A_87 : i32
        %mul3A_89 = arith.constant 80 : i32
        %mul3A_90 = arith.muli %add3A_88, %mul3A_89 : i32
        %add3A_91 = arith.addi %mul3A_10, %mul3A_90 : i32
        %mul3A_92 = arith.constant 80 : i32
        %mul3A_93 = arith.muli %sub3A_55, %mul3A_92 : i32
        %dma_start3A_94 = arith.constant 0 : i32
        %dma_start3A_95 = tpu.memref_slice %arg7[%mul3A_93, %dma_start3A_94] : memref<160x128xf32, #tpu.memory_space<vmem>> -> memref<80x128xf32, #tpu.memory_space<vmem>>
        %dma_start3A_96 = arith.constant 0 : i32
        %dma_start3A_97 = tpu.memref_slice %arg2[%add3A_91, %dma_start3A_96] : memref<320000x128xf32, #tpu.memory_space<hbm>> -> memref<80x128xf32, #tpu.memory_space<hbm>>
        %dma_start3A_98 = arith.constant 0 : i32
        %dma_start3A_99 = tpu.memref_slice %arg7[%mul3A_93, %dma_start3A_98] : memref<160x128xf32, #tpu.memory_space<vmem>> -> memref<80x128xf32, #tpu.memory_space<vmem>>
        %dma_start3A_100 = arith.constant 0 : i32
        %dma_start3A_101 = tpu.memref_slice %arg2[%add3A_91, %dma_start3A_100] : memref<320000x128xf32, #tpu.memory_space<hbm>> -> memref<80x128xf32, #tpu.memory_space<hbm>>
        tpu.enqueue_dma source(%dma_start3A_101 : memref<80x128xf32, #tpu.memory_space<hbm>>) target(%dma_start3A_99 : memref<80x128xf32, #tpu.memory_space<vmem>>) target_semaphore(%arg9 : memref<!tpu.dma_semaphore, #tpu.memory_space<semaphore_mem>>)
      } else {
      }
      %mul3A_64 = arith.constant 80 : i32
      %mul3A_65 = arith.muli %scan3A_52, %mul3A_64 : i32
      %add3A_66 = arith.addi %mul3A_10, %mul3A_65 : i32
      %mul3A_67 = arith.constant 80 : i32
      %mul3A_68 = arith.muli %rem3A_54, %mul3A_67 : i32
      %dma_wait3A_69 = arith.constant 0 : i32
      %dma_wait3A_70 = tpu.memref_slice %arg7[%mul3A_68, %dma_wait3A_69] : memref<160x128xf32, #tpu.memory_space<vmem>> -> memref<80x128xf32, #tpu.memory_space<vmem>>
      %dma_wait3A_71 = arith.constant 0 : i32
      %dma_wait3A_72 = tpu.memref_slice %arg2[%add3A_66, %dma_wait3A_71] : memref<320000x128xf32, #tpu.memory_space<hbm>> -> memref<80x128xf32, #tpu.memory_space<hbm>>
      %dma_wait3A_73 = arith.constant 0 : i32
      %dma_wait3A_74 = tpu.memref_slice %arg7[%mul3A_68, %dma_wait3A_73] : memref<160x128xf32, #tpu.memory_space<vmem>> -> memref<80x128xf32, #tpu.memory_space<vmem>>
      %dma_wait3A_75 = arith.constant 0 : i32
      %dma_wait3A_76 = tpu.memref_slice %arg2[%add3A_66, %dma_wait3A_75] : memref<320000x128xf32, #tpu.memory_space<hbm>> -> memref<80x128xf32, #tpu.memory_space<hbm>>
      tpu.wait_dma2 semaphore(%arg9 : memref<!tpu.dma_semaphore, #tpu.memory_space<semaphore_mem>>) src(%dma_wait3A_76 : memref<80x128xf32, #tpu.memory_space<hbm>>) dst(%dma_wait3A_74 : memref<80x128xf32, #tpu.memory_space<vmem>>)
      %mul3A_77 = arith.constant 80 : i32
      %mul3A_78 = arith.muli %rem3A_54, %mul3A_77 : i32
      %dma_start3A_79 = arith.constant 0 : i32
      %dma_start3A_80 = tpu.memref_slice %arg7[%mul3A_78, %dma_start3A_79] : memref<160x128xf32, #tpu.memory_space<vmem>> -> memref<80x128xf32, #tpu.memory_space<vmem>>
      %dma_start3A_81 = arith.constant 0 : i32
      %dma_start3A_82 = tpu.memref_slice %arg6[%scan3A_52, %dma_start3A_81] : memref<128x80xi32, #tpu.memory_space<vmem>> -> memref<1x80xi32, #tpu.memory_space<vmem>>
      %dma_start3A_83 = tpu.memref_squeeze %dma_start3A_82 : memref<1x80xi32, #tpu.memory_space<vmem>> -> memref<80xi32, #tpu.memory_space<vmem>>
      %dma_start3A_84 = arith.constant 0 : i32
      %dma_start3A_85 = arith.constant 0 : i32
      %dma_start3A_86 = tpu.memref_slice %arg8[%dma_start3A_84, %dma_start3A_85] : memref<10000x128xf32, #tpu.memory_space<vmem_shared>> -> memref<10000x128xf32, #tpu.memory_space<vmem_shared>>
      tpu.enqueue_indirect_dma source(%dma_start3A_80 : memref<80x128xf32, #tpu.memory_space<vmem>>) target(%dma_start3A_86 : memref<10000x128xf32, #tpu.memory_space<vmem_shared>>) offsets(%dma_start3A_83 : memref<80xi32, #tpu.memory_space<vmem>>) semaphore(%arg10 : memref<!tpu.dma_semaphore, #tpu.memory_space<semaphore_mem>>) {add = true}
    }
    %scan3A_26 = arith.constant 125 : i32
    %rem3A = arith.constant 124 : i32
    %rem3A_27 = arith.constant 2 : i32
    %rem3A_28 = arith.remsi %rem3A, %rem3A_27 : i32
    %mul3A_29 = arith.constant 80 : i32
    %mul3A_30 = arith.muli %rem3A_28, %mul3A_29 : i32
    %dma_wait3A = arith.constant 124 : i32
    %dma_wait3A_31 = arith.constant 0 : i32
    %dma_wait3A_32 = tpu.memref_slice %arg7[%mul3A_30, %dma_wait3A_31] : memref<160x128xf32, #tpu.memory_space<vmem>> -> memref<80x128xf32, #tpu.memory_space<vmem>>
    %dma_wait3A_33 = arith.constant 0 : i32
    %dma_wait3A_34 = tpu.memref_slice %arg6[%dma_wait3A, %dma_wait3A_33] : memref<128x80xi32, #tpu.memory_space<vmem>> -> memref<1x80xi32, #tpu.memory_space<vmem>>
    %dma_wait3A_35 = tpu.memref_squeeze %dma_wait3A_34 : memref<1x80xi32, #tpu.memory_space<vmem>> -> memref<80xi32, #tpu.memory_space<vmem>>
    %dma_wait3A_36 = arith.constant 0 : i32
    %dma_wait3A_37 = arith.constant 0 : i32
    %dma_wait3A_38 = tpu.memref_slice %arg8[%dma_wait3A_36, %dma_wait3A_37] : memref<10000x128xf32, #tpu.memory_space<vmem_shared>> -> memref<10000x128xf32, #tpu.memory_space<vmem_shared>>
    tpu.wait_indirect_dma semaphore(%arg10 : memref<!tpu.dma_semaphore, #tpu.memory_space<semaphore_mem>>) src(%dma_wait3A_32 : memref<80x128xf32, #tpu.memory_space<vmem>>) dst(%dma_wait3A_38 : memref<10000x128xf32, #tpu.memory_space<vmem_shared>>)
    %barrier3A_39 = arith.constant 0 : index
    tpu.barrier barrier_id(%barrier3A_39)
    %mul3A_40 = arith.constant 624 : i32
    %mul3A_41 = arith.muli %arg1, %mul3A_40 : i32
    %mul3A_42 = arith.constant 10000 : i32
    %mul3A_43 = arith.muli %arg0, %mul3A_42 : i32
    %mul3A_44 = arith.constant 624 : i32
    %mul3A_45 = arith.muli %arg1, %mul3A_44 : i32
    %add3A_46 = arith.addi %mul3A_43, %mul3A_45 : i32
    "tpu.region"() ({
      %run_scoped3A = tpu.sem_alloc : memref<!tpu.dma_semaphore, #tpu.memory_space<semaphore_mem>>
      %dma_start3A_52 = arith.constant 0 : i32
      %dma_start3A_53 = tpu.memref_slice %arg5[%add3A_46, %dma_start3A_52] : memref<20000x128xf32, #tpu.memory_space<hbm>> -> memref<624x128xf32, #tpu.memory_space<hbm>>
      %dma_start3A_54 = arith.constant 0 : i32
      %dma_start3A_55 = tpu.memref_slice %arg8[%mul3A_41, %dma_start3A_54] : memref<10000x128xf32, #tpu.memory_space<vmem_shared>> -> memref<624x128xf32, #tpu.memory_space<vmem_shared>>
      tpu.enqueue_dma source(%dma_start3A_55 : memref<624x128xf32, #tpu.memory_space<vmem_shared>>) target(%dma_start3A_53 : memref<624x128xf32, #tpu.memory_space<hbm>>) target_semaphore(%run_scoped3A : memref<!tpu.dma_semaphore, #tpu.memory_space<semaphore_mem>>)
      %dma_wait3A_56 = arith.constant 0 : i32
      %dma_wait3A_57 = tpu.memref_slice %arg5[%add3A_46, %dma_wait3A_56] : memref<20000x128xf32, #tpu.memory_space<hbm>> -> memref<624x128xf32, #tpu.memory_space<hbm>>
      %dma_wait3A_58 = arith.constant 0 : i32
      %dma_wait3A_59 = tpu.memref_slice %arg8[%mul3A_41, %dma_wait3A_58] : memref<10000x128xf32, #tpu.memory_space<vmem_shared>> -> memref<624x128xf32, #tpu.memory_space<vmem_shared>>
      tpu.wait_dma2 semaphore(%run_scoped3A : memref<!tpu.dma_semaphore, #tpu.memory_space<semaphore_mem>>) src(%dma_wait3A_59 : memref<624x128xf32, #tpu.memory_space<vmem_shared>>) dst(%dma_wait3A_57 : memref<624x128xf32, #tpu.memory_space<hbm>>)
      tpu.yield
    }) : () -> ()
    %eq3A_47 = arith.constant 15 : i32
    %eq3A_48 = arith.cmpi eq, %arg1, %eq3A_47 : i32
    %convert_element_type3A_49 = arith.extui %eq3A_48 : i1 to i32
    %cond3A_50 = arith.constant 0 : i32
    %cond3A_51 = arith.cmpi ne, %convert_element_type3A_49, %cond3A_50 : i32
    scf.if %cond3A_51 {
      %mul3A_52 = arith.constant 10000 : i32
      %mul3A_53 = arith.muli %arg0, %mul3A_52 : i32
      %add3A_54 = arith.constant 9984 : i32
      %add3A_55 = arith.addi %mul3A_53, %add3A_54 : i32
      "tpu.region"() ({
        %run_scoped3A = tpu.sem_alloc : memref<!tpu.dma_semaphore, #tpu.memory_space<semaphore_mem>>
        %dma_start3A_56 = arith.constant 0 : i32
        %dma_start3A_57 = tpu.memref_slice %arg5[%add3A_55, %dma_start3A_56] : memref<20000x128xf32, #tpu.memory_space<hbm>> -> memref<16x128xf32, #tpu.memory_space<hbm>>
        %dma_start3A_58 = arith.constant 9984 : i32
        %dma_start3A_59 = arith.constant 0 : i32
        %dma_start3A_60 = tpu.memref_slice %arg8[%dma_start3A_58, %dma_start3A_59] : memref<10000x128xf32, #tpu.memory_space<vmem_shared>> -> memref<16x128xf32, #tpu.memory_space<vmem_shared>>
        tpu.enqueue_dma source(%dma_start3A_60 : memref<16x128xf32, #tpu.memory_space<vmem_shared>>) target(%dma_start3A_57 : memref<16x128xf32, #tpu.memory_space<hbm>>) target_semaphore(%run_scoped3A : memref<!tpu.dma_semaphore, #tpu.memory_space<semaphore_mem>>)
        %dma_wait3A_61 = arith.constant 0 : i32
        %dma_wait3A_62 = tpu.memref_slice %arg5[%add3A_55, %dma_wait3A_61] : memref<20000x128xf32, #tpu.memory_space<hbm>> -> memref<16x128xf32, #tpu.memory_space<hbm>>
        %dma_wait3A_63 = arith.constant 9984 : i32
        %dma_wait3A_64 = arith.constant 0 : i32
        %dma_wait3A_65 = tpu.memref_slice %arg8[%dma_wait3A_63, %dma_wait3A_64] : memref<10000x128xf32, #tpu.memory_space<vmem_shared>> -> memref<16x128xf32, #tpu.memory_space<vmem_shared>>
        tpu.wait_dma2 semaphore(%run_scoped3A : memref<!tpu.dma_semaphore, #tpu.memory_space<semaphore_mem>>) src(%dma_wait3A_65 : memref<16x128xf32, #tpu.memory_space<vmem_shared>>) dst(%dma_wait3A_62 : memref<16x128xf32, #tpu.memory_space<hbm>>)
        tpu.yield
      }) : () -> ()
    } else {
    }
    return
  }
}

#map = affine_map<(d0, d1) -> (0, 0)>
#map1 = affine_map<(d0, d1) -> (0)>
module attributes {stable_mosaic.version = 14 : i64} {
  func.func @k(%arg0: i32, %arg1: i32, %arg2: memref<10000x128xf32, #tpu.memory_space<hbm>>, %arg3: memref<320000xi32, #tpu.memory_space<hbm>>, %arg4: memref<4096x80xi32, #tpu.memory_space<hbm>>, %arg5: memref<10240x128xf32, #tpu.memory_space<hbm>>, %arg6: memref<20000x128xf32, #tpu.memory_space<hbm>>, %arg7: memref<10000xi32, #tpu.memory_space<vmem>>, %arg8: memref<128x80xi32, #tpu.memory_space<vmem>>, %arg9: memref<160x128xf32, #tpu.memory_space<vmem>>, %arg10: memref<10000x128xf32, #tpu.memory_space<vmem_shared>>, %arg11: memref<!tpu.dma_semaphore, #tpu.memory_space<semaphore_mem>>, %arg12: memref<!tpu.dma_semaphore, #tpu.memory_space<semaphore_mem>>) attributes {dimension_semantics = [#tpu.dimension_semantics<core_parallel>, #tpu.dimension_semantics<subcore_parallel>], iteration_bounds = array<i64: 2, 16>, scalar_prefetch = 0 : i64, scratch_operands = 6 : i64, tpu.core_type = #tpu.core_type<sc_vector_subcore>, window_params = [{transform_indices = #map}, {transform_indices = #map1}, {transform_indices = #map}, {transform_indices = #map}, {transform_indices = #map}]} {
    %mul3A = arith.constant 2 : i32
    %mul3A_0 = arith.muli %arg1, %mul3A : i32
    %add3A = arith.addi %mul3A_0, %arg0 : i32
    %mul3A_1 = arith.constant 624 : i32
    %mul3A_2 = arith.muli %arg1, %mul3A_1 : i32
    %mul3A_3 = arith.constant 624 : i32
    %mul3A_4 = arith.muli %arg1, %mul3A_3 : i32
    "tpu.region"() ({
      %run_scoped3A = tpu.sem_alloc : memref<!tpu.dma_semaphore, #tpu.memory_space<semaphore_mem>>
      %dma_start3A_48 = arith.constant 0 : i32
      %dma_start3A_49 = tpu.memref_slice %arg10[%mul3A_4, %dma_start3A_48] : memref<10000x128xf32, #tpu.memory_space<vmem_shared>> -> memref<624x128xf32, #tpu.memory_space<vmem_shared>>
      %dma_start3A_50 = arith.constant 0 : i32
      %dma_start3A_51 = tpu.memref_slice %arg5[%mul3A_2, %dma_start3A_50] : memref<10240x128xf32, #tpu.memory_space<hbm>> -> memref<624x128xf32, #tpu.memory_space<hbm>>
      tpu.enqueue_dma source(%dma_start3A_51 : memref<624x128xf32, #tpu.memory_space<hbm>>) target(%dma_start3A_49 : memref<624x128xf32, #tpu.memory_space<vmem_shared>>) target_semaphore(%run_scoped3A : memref<!tpu.dma_semaphore, #tpu.memory_space<semaphore_mem>>)
      %dma_wait3A_52 = arith.constant 0 : i32
      %dma_wait3A_53 = tpu.memref_slice %arg10[%mul3A_4, %dma_wait3A_52] : memref<10000x128xf32, #tpu.memory_space<vmem_shared>> -> memref<624x128xf32, #tpu.memory_space<vmem_shared>>
      %dma_wait3A_54 = arith.constant 0 : i32
      %dma_wait3A_55 = tpu.memref_slice %arg5[%mul3A_2, %dma_wait3A_54] : memref<10240x128xf32, #tpu.memory_space<hbm>> -> memref<624x128xf32, #tpu.memory_space<hbm>>
      tpu.wait_dma2 semaphore(%run_scoped3A : memref<!tpu.dma_semaphore, #tpu.memory_space<semaphore_mem>>) src(%dma_wait3A_55 : memref<624x128xf32, #tpu.memory_space<hbm>>) dst(%dma_wait3A_53 : memref<624x128xf32, #tpu.memory_space<vmem_shared>>)
      tpu.yield
    }) : () -> ()
    %eq3A = arith.constant 15 : i32
    %eq3A_5 = arith.cmpi eq, %arg1, %eq3A : i32
    %convert_element_type3A = arith.extui %eq3A_5 : i1 to i32
    %cond3A = arith.constant 0 : i32
    %cond3A_6 = arith.cmpi ne, %convert_element_type3A, %cond3A : i32
    scf.if %cond3A_6 {
      "tpu.region"() ({
        %run_scoped3A = tpu.sem_alloc : memref<!tpu.dma_semaphore, #tpu.memory_space<semaphore_mem>>
        %dma_start3A_48 = arith.constant 9984 : i32
        %dma_start3A_49 = arith.constant 0 : i32
        %dma_start3A_50 = tpu.memref_slice %arg10[%dma_start3A_48, %dma_start3A_49] : memref<10000x128xf32, #tpu.memory_space<vmem_shared>> -> memref<16x128xf32, #tpu.memory_space<vmem_shared>>
        %dma_start3A_51 = arith.constant 9984 : i32
        %dma_start3A_52 = arith.constant 0 : i32
        %dma_start3A_53 = tpu.memref_slice %arg5[%dma_start3A_51, %dma_start3A_52] : memref<10240x128xf32, #tpu.memory_space<hbm>> -> memref<16x128xf32, #tpu.memory_space<hbm>>
        tpu.enqueue_dma source(%dma_start3A_53 : memref<16x128xf32, #tpu.memory_space<hbm>>) target(%dma_start3A_50 : memref<16x128xf32, #tpu.memory_space<vmem_shared>>) target_semaphore(%run_scoped3A : memref<!tpu.dma_semaphore, #tpu.memory_space<semaphore_mem>>)
        %dma_wait3A_54 = arith.constant 9984 : i32
        %dma_wait3A_55 = arith.constant 0 : i32
        %dma_wait3A_56 = tpu.memref_slice %arg10[%dma_wait3A_54, %dma_wait3A_55] : memref<10000x128xf32, #tpu.memory_space<vmem_shared>> -> memref<16x128xf32, #tpu.memory_space<vmem_shared>>
        %dma_wait3A_57 = arith.constant 9984 : i32
        %dma_wait3A_58 = arith.constant 0 : i32
        %dma_wait3A_59 = tpu.memref_slice %arg5[%dma_wait3A_57, %dma_wait3A_58] : memref<10240x128xf32, #tpu.memory_space<hbm>> -> memref<16x128xf32, #tpu.memory_space<hbm>>
        tpu.wait_dma2 semaphore(%run_scoped3A : memref<!tpu.dma_semaphore, #tpu.memory_space<semaphore_mem>>) src(%dma_wait3A_59 : memref<16x128xf32, #tpu.memory_space<hbm>>) dst(%dma_wait3A_56 : memref<16x128xf32, #tpu.memory_space<vmem_shared>>)
        tpu.yield
      }) : () -> ()
    } else {
    }
    %mul3A_7 = arith.constant 10000 : i32
    %mul3A_8 = arith.muli %add3A, %mul3A_7 : i32
    "tpu.region"() ({
      %run_scoped3A = tpu.sem_alloc : memref<!tpu.dma_semaphore, #tpu.memory_space<semaphore_mem>>
      %dma_start3A_48 = tpu.memref_slice %arg3[%mul3A_8] : memref<320000xi32, #tpu.memory_space<hbm>> -> memref<10000xi32, #tpu.memory_space<hbm>>
      %dma_start3A_49 = tpu.memref_slice %arg3[%mul3A_8] : memref<320000xi32, #tpu.memory_space<hbm>> -> memref<10000xi32, #tpu.memory_space<hbm>>
      tpu.enqueue_dma source(%dma_start3A_49 : memref<10000xi32, #tpu.memory_space<hbm>>) target(%arg7 : memref<10000xi32, #tpu.memory_space<vmem>>) target_semaphore(%run_scoped3A : memref<!tpu.dma_semaphore, #tpu.memory_space<semaphore_mem>>)
      %dma_wait3A_50 = tpu.memref_slice %arg3[%mul3A_8] : memref<320000xi32, #tpu.memory_space<hbm>> -> memref<10000xi32, #tpu.memory_space<hbm>>
      %dma_wait3A_51 = tpu.memref_slice %arg3[%mul3A_8] : memref<320000xi32, #tpu.memory_space<hbm>> -> memref<10000xi32, #tpu.memory_space<hbm>>
      tpu.wait_dma2 semaphore(%run_scoped3A : memref<!tpu.dma_semaphore, #tpu.memory_space<semaphore_mem>>) src(%dma_wait3A_51 : memref<10000xi32, #tpu.memory_space<hbm>>) dst(%arg7 : memref<10000xi32, #tpu.memory_space<vmem>>)
      tpu.yield
    }) : () -> ()
    %mul3A_9 = arith.constant 128 : i32
    %mul3A_10 = arith.muli %add3A, %mul3A_9 : i32
    "tpu.region"() ({
      %run_scoped3A = tpu.sem_alloc : memref<!tpu.dma_semaphore, #tpu.memory_space<semaphore_mem>>
      %dma_start3A_48 = arith.constant 0 : i32
      %dma_start3A_49 = tpu.memref_slice %arg4[%mul3A_10, %dma_start3A_48] : memref<4096x80xi32, #tpu.memory_space<hbm>> -> memref<128x80xi32, #tpu.memory_space<hbm>>
      %dma_start3A_50 = arith.constant 0 : i32
      %dma_start3A_51 = tpu.memref_slice %arg4[%mul3A_10, %dma_start3A_50] : memref<4096x80xi32, #tpu.memory_space<hbm>> -> memref<128x80xi32, #tpu.memory_space<hbm>>
      tpu.enqueue_dma source(%dma_start3A_51 : memref<128x80xi32, #tpu.memory_space<hbm>>) target(%arg8 : memref<128x80xi32, #tpu.memory_space<vmem>>) target_semaphore(%run_scoped3A : memref<!tpu.dma_semaphore, #tpu.memory_space<semaphore_mem>>)
      %dma_wait3A_52 = arith.constant 0 : i32
      %dma_wait3A_53 = tpu.memref_slice %arg4[%mul3A_10, %dma_wait3A_52] : memref<4096x80xi32, #tpu.memory_space<hbm>> -> memref<128x80xi32, #tpu.memory_space<hbm>>
      %dma_wait3A_54 = arith.constant 0 : i32
      %dma_wait3A_55 = tpu.memref_slice %arg4[%mul3A_10, %dma_wait3A_54] : memref<4096x80xi32, #tpu.memory_space<hbm>> -> memref<128x80xi32, #tpu.memory_space<hbm>>
      tpu.wait_dma2 semaphore(%run_scoped3A : memref<!tpu.dma_semaphore, #tpu.memory_space<semaphore_mem>>) src(%dma_wait3A_55 : memref<128x80xi32, #tpu.memory_space<hbm>>) dst(%arg8 : memref<128x80xi32, #tpu.memory_space<vmem>>)
      tpu.yield
    }) : () -> ()
    %barrier3A = arith.constant 0 : index
    tpu.barrier barrier_id(%barrier3A)
    %dma_start3A = arith.constant 0 : i32
    %dma_start3A_11 = arith.constant 0 : i32
    %dma_start3A_12 = tpu.memref_slice %arg9[%dma_start3A, %dma_start3A_11] : memref<160x128xf32, #tpu.memory_space<vmem>> -> memref<80x128xf32, #tpu.memory_space<vmem>>
    %dma_start3A_13 = arith.constant 0 : i32
    %dma_start3A_14 = tpu.memref_slice %arg7[%dma_start3A_13] : memref<10000xi32, #tpu.memory_space<vmem>> -> memref<80xi32, #tpu.memory_space<vmem>>
    %dma_start3A_15 = arith.constant 0 : i32
    %dma_start3A_16 = arith.constant 0 : i32
    %dma_start3A_17 = tpu.memref_slice %arg2[%dma_start3A_15, %dma_start3A_16] : memref<10000x128xf32, #tpu.memory_space<hbm>> -> memref<10000x128xf32, #tpu.memory_space<hbm>>
    tpu.enqueue_indirect_dma source(%dma_start3A_17 : memref<10000x128xf32, #tpu.memory_space<hbm>>) target(%dma_start3A_12 : memref<80x128xf32, #tpu.memory_space<vmem>>) offsets(%dma_start3A_14 : memref<80xi32, #tpu.memory_space<vmem>>) semaphore(%arg11 : memref<!tpu.dma_semaphore, #tpu.memory_space<semaphore_mem>>)
    %scan3A = arith.constant 0 : i32
    %scan3A_18 = arith.constant 0 : i32
    %scan3A_19 = arith.constant 125 : i32
    %scan3A_20 = arith.addi %scan3A_18, %scan3A_19 : i32
    %scan3A_21 = arith.constant 1 : i32
    scf.for %scan3A_48 = %scan3A_18 to %scan3A_20 step %scan3A_21  : i32 {
      %rem3A_49 = arith.constant 2 : i32
      %rem3A_50 = arith.remsi %scan3A_48, %rem3A_49 : i32
      %sub3A = arith.constant 1 : i32
      %sub3A_51 = arith.subi %sub3A, %rem3A_50 : i32
      %ge3A = arith.constant 1 : i32
      %ge3A_52 = arith.cmpi sge, %scan3A_48, %ge3A : i32
      %convert_element_type3A_53 = arith.extui %ge3A_52 : i1 to i32
      %cond3A_54 = arith.constant 0 : i32
      %cond3A_55 = arith.cmpi ne, %convert_element_type3A_53, %cond3A_54 : i32
      scf.if %cond3A_55 {
        %mul3A_80 = arith.constant 80 : i32
        %mul3A_81 = arith.muli %sub3A_51, %mul3A_80 : i32
        %sub3A_82 = arith.constant 1 : i32
        %sub3A_83 = arith.subi %scan3A_48, %sub3A_82 : i32
        %dma_wait3A_84 = arith.constant 0 : i32
        %dma_wait3A_85 = tpu.memref_slice %arg9[%mul3A_81, %dma_wait3A_84] : memref<160x128xf32, #tpu.memory_space<vmem>> -> memref<80x128xf32, #tpu.memory_space<vmem>>
        %dma_wait3A_86 = arith.constant 0 : i32
        %dma_wait3A_87 = tpu.memref_slice %arg8[%sub3A_83, %dma_wait3A_86] : memref<128x80xi32, #tpu.memory_space<vmem>> -> memref<1x80xi32, #tpu.memory_space<vmem>>
        %dma_wait3A_88 = tpu.memref_squeeze %dma_wait3A_87 : memref<1x80xi32, #tpu.memory_space<vmem>> -> memref<80xi32, #tpu.memory_space<vmem>>
        %dma_wait3A_89 = arith.constant 0 : i32
        %dma_wait3A_90 = arith.constant 0 : i32
        %dma_wait3A_91 = tpu.memref_slice %arg10[%dma_wait3A_89, %dma_wait3A_90] : memref<10000x128xf32, #tpu.memory_space<vmem_shared>> -> memref<10000x128xf32, #tpu.memory_space<vmem_shared>>
        tpu.wait_indirect_dma semaphore(%arg12 : memref<!tpu.dma_semaphore, #tpu.memory_space<semaphore_mem>>) src(%dma_wait3A_85 : memref<80x128xf32, #tpu.memory_space<vmem>>) dst(%dma_wait3A_91 : memref<10000x128xf32, #tpu.memory_space<vmem_shared>>)
      } else {
      }
      %lt3A = arith.constant 124 : i32
      %lt3A_56 = arith.cmpi slt, %scan3A_48, %lt3A : i32
      %convert_element_type3A_57 = arith.extui %lt3A_56 : i1 to i32
      %cond3A_58 = arith.constant 0 : i32
      %cond3A_59 = arith.cmpi ne, %convert_element_type3A_57, %cond3A_58 : i32
      scf.if %cond3A_59 {
        %add3A_80 = arith.constant 1 : i32
        %add3A_81 = arith.addi %scan3A_48, %add3A_80 : i32
        %mul3A_82 = arith.constant 80 : i32
        %mul3A_83 = arith.muli %add3A_81, %mul3A_82 : i32
        %mul3A_84 = arith.constant 80 : i32
        %mul3A_85 = arith.muli %sub3A_51, %mul3A_84 : i32
        %dma_start3A_86 = arith.constant 0 : i32
        %dma_start3A_87 = tpu.memref_slice %arg9[%mul3A_85, %dma_start3A_86] : memref<160x128xf32, #tpu.memory_space<vmem>> -> memref<80x128xf32, #tpu.memory_space<vmem>>
        %dma_start3A_88 = tpu.memref_slice %arg7[%mul3A_83] : memref<10000xi32, #tpu.memory_space<vmem>> -> memref<80xi32, #tpu.memory_space<vmem>>
        %dma_start3A_89 = arith.constant 0 : i32
        %dma_start3A_90 = arith.constant 0 : i32
        %dma_start3A_91 = tpu.memref_slice %arg2[%dma_start3A_89, %dma_start3A_90] : memref<10000x128xf32, #tpu.memory_space<hbm>> -> memref<10000x128xf32, #tpu.memory_space<hbm>>
        tpu.enqueue_indirect_dma source(%dma_start3A_91 : memref<10000x128xf32, #tpu.memory_space<hbm>>) target(%dma_start3A_87 : memref<80x128xf32, #tpu.memory_space<vmem>>) offsets(%dma_start3A_88 : memref<80xi32, #tpu.memory_space<vmem>>) semaphore(%arg11 : memref<!tpu.dma_semaphore, #tpu.memory_space<semaphore_mem>>)
      } else {
      }
      %mul3A_60 = arith.constant 80 : i32
      %mul3A_61 = arith.muli %scan3A_48, %mul3A_60 : i32
      %mul3A_62 = arith.constant 80 : i32
      %mul3A_63 = arith.muli %rem3A_50, %mul3A_62 : i32
      %dma_wait3A_64 = arith.constant 0 : i32
      %dma_wait3A_65 = tpu.memref_slice %arg9[%mul3A_63, %dma_wait3A_64] : memref<160x128xf32, #tpu.memory_space<vmem>> -> memref<80x128xf32, #tpu.memory_space<vmem>>
      %dma_wait3A_66 = tpu.memref_slice %arg7[%mul3A_61] : memref<10000xi32, #tpu.memory_space<vmem>> -> memref<80xi32, #tpu.memory_space<vmem>>
      %dma_wait3A_67 = arith.constant 0 : i32
      %dma_wait3A_68 = arith.constant 0 : i32
      %dma_wait3A_69 = tpu.memref_slice %arg2[%dma_wait3A_67, %dma_wait3A_68] : memref<10000x128xf32, #tpu.memory_space<hbm>> -> memref<10000x128xf32, #tpu.memory_space<hbm>>
      tpu.wait_indirect_dma semaphore(%arg11 : memref<!tpu.dma_semaphore, #tpu.memory_space<semaphore_mem>>) src(%dma_wait3A_69 : memref<10000x128xf32, #tpu.memory_space<hbm>>) dst(%dma_wait3A_65 : memref<80x128xf32, #tpu.memory_space<vmem>>)
      %mul3A_70 = arith.constant 80 : i32
      %mul3A_71 = arith.muli %rem3A_50, %mul3A_70 : i32
      %dma_start3A_72 = arith.constant 0 : i32
      %dma_start3A_73 = tpu.memref_slice %arg9[%mul3A_71, %dma_start3A_72] : memref<160x128xf32, #tpu.memory_space<vmem>> -> memref<80x128xf32, #tpu.memory_space<vmem>>
      %dma_start3A_74 = arith.constant 0 : i32
      %dma_start3A_75 = tpu.memref_slice %arg8[%scan3A_48, %dma_start3A_74] : memref<128x80xi32, #tpu.memory_space<vmem>> -> memref<1x80xi32, #tpu.memory_space<vmem>>
      %dma_start3A_76 = tpu.memref_squeeze %dma_start3A_75 : memref<1x80xi32, #tpu.memory_space<vmem>> -> memref<80xi32, #tpu.memory_space<vmem>>
      %dma_start3A_77 = arith.constant 0 : i32
      %dma_start3A_78 = arith.constant 0 : i32
      %dma_start3A_79 = tpu.memref_slice %arg10[%dma_start3A_77, %dma_start3A_78] : memref<10000x128xf32, #tpu.memory_space<vmem_shared>> -> memref<10000x128xf32, #tpu.memory_space<vmem_shared>>
      tpu.enqueue_indirect_dma source(%dma_start3A_73 : memref<80x128xf32, #tpu.memory_space<vmem>>) target(%dma_start3A_79 : memref<10000x128xf32, #tpu.memory_space<vmem_shared>>) offsets(%dma_start3A_76 : memref<80xi32, #tpu.memory_space<vmem>>) semaphore(%arg12 : memref<!tpu.dma_semaphore, #tpu.memory_space<semaphore_mem>>) {add = true}
    }
    %scan3A_22 = arith.constant 125 : i32
    %rem3A = arith.constant 124 : i32
    %rem3A_23 = arith.constant 2 : i32
    %rem3A_24 = arith.remsi %rem3A, %rem3A_23 : i32
    %mul3A_25 = arith.constant 80 : i32
    %mul3A_26 = arith.muli %rem3A_24, %mul3A_25 : i32
    %dma_wait3A = arith.constant 124 : i32
    %dma_wait3A_27 = arith.constant 0 : i32
    %dma_wait3A_28 = tpu.memref_slice %arg9[%mul3A_26, %dma_wait3A_27] : memref<160x128xf32, #tpu.memory_space<vmem>> -> memref<80x128xf32, #tpu.memory_space<vmem>>
    %dma_wait3A_29 = arith.constant 0 : i32
    %dma_wait3A_30 = tpu.memref_slice %arg8[%dma_wait3A, %dma_wait3A_29] : memref<128x80xi32, #tpu.memory_space<vmem>> -> memref<1x80xi32, #tpu.memory_space<vmem>>
    %dma_wait3A_31 = tpu.memref_squeeze %dma_wait3A_30 : memref<1x80xi32, #tpu.memory_space<vmem>> -> memref<80xi32, #tpu.memory_space<vmem>>
    %dma_wait3A_32 = arith.constant 0 : i32
    %dma_wait3A_33 = arith.constant 0 : i32
    %dma_wait3A_34 = tpu.memref_slice %arg10[%dma_wait3A_32, %dma_wait3A_33] : memref<10000x128xf32, #tpu.memory_space<vmem_shared>> -> memref<10000x128xf32, #tpu.memory_space<vmem_shared>>
    tpu.wait_indirect_dma semaphore(%arg12 : memref<!tpu.dma_semaphore, #tpu.memory_space<semaphore_mem>>) src(%dma_wait3A_28 : memref<80x128xf32, #tpu.memory_space<vmem>>) dst(%dma_wait3A_34 : memref<10000x128xf32, #tpu.memory_space<vmem_shared>>)
    %barrier3A_35 = arith.constant 0 : index
    tpu.barrier barrier_id(%barrier3A_35)
    %mul3A_36 = arith.constant 624 : i32
    %mul3A_37 = arith.muli %arg1, %mul3A_36 : i32
    %mul3A_38 = arith.constant 10000 : i32
    %mul3A_39 = arith.muli %arg0, %mul3A_38 : i32
    %mul3A_40 = arith.constant 624 : i32
    %mul3A_41 = arith.muli %arg1, %mul3A_40 : i32
    %add3A_42 = arith.addi %mul3A_39, %mul3A_41 : i32
    "tpu.region"() ({
      %run_scoped3A = tpu.sem_alloc : memref<!tpu.dma_semaphore, #tpu.memory_space<semaphore_mem>>
      %dma_start3A_48 = arith.constant 0 : i32
      %dma_start3A_49 = tpu.memref_slice %arg6[%add3A_42, %dma_start3A_48] : memref<20000x128xf32, #tpu.memory_space<hbm>> -> memref<624x128xf32, #tpu.memory_space<hbm>>
      %dma_start3A_50 = arith.constant 0 : i32
      %dma_start3A_51 = tpu.memref_slice %arg10[%mul3A_37, %dma_start3A_50] : memref<10000x128xf32, #tpu.memory_space<vmem_shared>> -> memref<624x128xf32, #tpu.memory_space<vmem_shared>>
      tpu.enqueue_dma source(%dma_start3A_51 : memref<624x128xf32, #tpu.memory_space<vmem_shared>>) target(%dma_start3A_49 : memref<624x128xf32, #tpu.memory_space<hbm>>) target_semaphore(%run_scoped3A : memref<!tpu.dma_semaphore, #tpu.memory_space<semaphore_mem>>)
      %dma_wait3A_52 = arith.constant 0 : i32
      %dma_wait3A_53 = tpu.memref_slice %arg6[%add3A_42, %dma_wait3A_52] : memref<20000x128xf32, #tpu.memory_space<hbm>> -> memref<624x128xf32, #tpu.memory_space<hbm>>
      %dma_wait3A_54 = arith.constant 0 : i32
      %dma_wait3A_55 = tpu.memref_slice %arg10[%mul3A_37, %dma_wait3A_54] : memref<10000x128xf32, #tpu.memory_space<vmem_shared>> -> memref<624x128xf32, #tpu.memory_space<vmem_shared>>
      tpu.wait_dma2 semaphore(%run_scoped3A : memref<!tpu.dma_semaphore, #tpu.memory_space<semaphore_mem>>) src(%dma_wait3A_55 : memref<624x128xf32, #tpu.memory_space<vmem_shared>>) dst(%dma_wait3A_53 : memref<624x128xf32, #tpu.memory_space<hbm>>)
      tpu.yield
    }) : () -> ()
    %eq3A_43 = arith.constant 15 : i32
    %eq3A_44 = arith.cmpi eq, %arg1, %eq3A_43 : i32
    %convert_element_type3A_45 = arith.extui %eq3A_44 : i1 to i32
    %cond3A_46 = arith.constant 0 : i32
    %cond3A_47 = arith.cmpi ne, %convert_element_type3A_45, %cond3A_46 : i32
    scf.if %cond3A_47 {
      %mul3A_48 = arith.constant 10000 : i32
      %mul3A_49 = arith.muli %arg0, %mul3A_48 : i32
      %add3A_50 = arith.constant 9984 : i32
      %add3A_51 = arith.addi %mul3A_49, %add3A_50 : i32
      "tpu.region"() ({
        %run_scoped3A = tpu.sem_alloc : memref<!tpu.dma_semaphore, #tpu.memory_space<semaphore_mem>>
        %dma_start3A_52 = arith.constant 0 : i32
        %dma_start3A_53 = tpu.memref_slice %arg6[%add3A_51, %dma_start3A_52] : memref<20000x128xf32, #tpu.memory_space<hbm>> -> memref<16x128xf32, #tpu.memory_space<hbm>>
        %dma_start3A_54 = arith.constant 9984 : i32
        %dma_start3A_55 = arith.constant 0 : i32
        %dma_start3A_56 = tpu.memref_slice %arg10[%dma_start3A_54, %dma_start3A_55] : memref<10000x128xf32, #tpu.memory_space<vmem_shared>> -> memref<16x128xf32, #tpu.memory_space<vmem_shared>>
        tpu.enqueue_dma source(%dma_start3A_56 : memref<16x128xf32, #tpu.memory_space<vmem_shared>>) target(%dma_start3A_53 : memref<16x128xf32, #tpu.memory_space<hbm>>) target_semaphore(%run_scoped3A : memref<!tpu.dma_semaphore, #tpu.memory_space<semaphore_mem>>)
        %dma_wait3A_57 = arith.constant 0 : i32
        %dma_wait3A_58 = tpu.memref_slice %arg6[%add3A_51, %dma_wait3A_57] : memref<20000x128xf32, #tpu.memory_space<hbm>> -> memref<16x128xf32, #tpu.memory_space<hbm>>
        %dma_wait3A_59 = arith.constant 9984 : i32
        %dma_wait3A_60 = arith.constant 0 : i32
        %dma_wait3A_61 = tpu.memref_slice %arg10[%dma_wait3A_59, %dma_wait3A_60] : memref<10000x128xf32, #tpu.memory_space<vmem_shared>> -> memref<16x128xf32, #tpu.memory_space<vmem_shared>>
        tpu.wait_dma2 semaphore(%run_scoped3A : memref<!tpu.dma_semaphore, #tpu.memory_space<semaphore_mem>>) src(%dma_wait3A_61 : memref<16x128xf32, #tpu.memory_space<vmem_shared>>) dst(%dma_wait3A_58 : memref<16x128xf32, #tpu.memory_space<hbm>>)
        tpu.yield
      }) : () -> ()
    } else {
    }
    return
  }
}

#map = affine_map<(d0, d1) -> (0, 0)>
#map1 = affine_map<(d0, d1) -> (0)>
module attributes {stable_mosaic.version = 14 : i64} {
  func.func @k(%arg0: i32, %arg1: i32, %arg2: memref<10000x256xf32, #tpu.memory_space<hbm>>, %arg3: memref<10000x128xf32, #tpu.memory_space<hbm>>, %arg4: memref<320000xi32, #tpu.memory_space<hbm>>, %arg5: memref<320000xi32, #tpu.memory_space<hbm>>, %arg6: memref<16xf32, #tpu.memory_space<hbm>>, %arg7: memref<320000x16xf32, #tpu.memory_space<hbm>>, %arg8: memref<320000x128xf32, #tpu.memory_space<hbm>>, %arg9: memref<10000xi32, #tpu.memory_space<vmem>>, %arg10: memref<10000xi32, #tpu.memory_space<vmem>>, %arg11: memref<160x256xf32, #tpu.memory_space<vmem>>, %arg12: memref<160x128xf32, #tpu.memory_space<vmem>>, %arg13: memref<160x128xf32, #tpu.memory_space<vmem>>, %arg14: memref<160x16xf32, #tpu.memory_space<vmem>>, %arg15: memref<16xf32, #tpu.memory_space<vmem>>, %arg16: memref<!tpu.dma_semaphore, #tpu.memory_space<semaphore_mem>>, %arg17: memref<!tpu.dma_semaphore, #tpu.memory_space<semaphore_mem>>, %arg18: memref<!tpu.dma_semaphore, #tpu.memory_space<semaphore_mem>>) attributes {dimension_semantics = [#tpu.dimension_semantics<core_parallel>, #tpu.dimension_semantics<subcore_parallel>], iteration_bounds = array<i64: 2, 16>, scalar_prefetch = 0 : i64, scratch_operands = 10 : i64, tpu.core_type = #tpu.core_type<sc_vector_subcore>, window_params = [{transform_indices = #map}, {transform_indices = #map}, {transform_indices = #map1}, {transform_indices = #map1}, {transform_indices = #map1}, {transform_indices = #map}, {transform_indices = #map}]} {
    %mul3A = arith.constant 2 : i32
    %mul3A_0 = arith.muli %arg1, %mul3A : i32
    %add3A = arith.addi %mul3A_0, %arg0 : i32
    "tpu.region"() ({
      %run_scoped3A = tpu.sem_alloc : memref<!tpu.dma_semaphore, #tpu.memory_space<semaphore_mem>>
      tpu.enqueue_dma source(%arg6 : memref<16xf32, #tpu.memory_space<hbm>>) target(%arg15 : memref<16xf32, #tpu.memory_space<vmem>>) target_semaphore(%run_scoped3A : memref<!tpu.dma_semaphore, #tpu.memory_space<semaphore_mem>>)
      tpu.wait_dma2 semaphore(%run_scoped3A : memref<!tpu.dma_semaphore, #tpu.memory_space<semaphore_mem>>) src(%arg6 : memref<16xf32, #tpu.memory_space<hbm>>) dst(%arg15 : memref<16xf32, #tpu.memory_space<vmem>>)
      tpu.yield
    }) : () -> ()
    %mul3A_1 = arith.constant 10000 : i32
    %mul3A_2 = arith.muli %add3A, %mul3A_1 : i32
    "tpu.region"() ({
      %run_scoped3A = tpu.sem_alloc : memref<!tpu.dma_semaphore, #tpu.memory_space<semaphore_mem>>
      %dma_start3A_52 = tpu.memref_slice %arg4[%mul3A_2] : memref<320000xi32, #tpu.memory_space<hbm>> -> memref<10000xi32, #tpu.memory_space<hbm>>
      %dma_start3A_53 = tpu.memref_slice %arg4[%mul3A_2] : memref<320000xi32, #tpu.memory_space<hbm>> -> memref<10000xi32, #tpu.memory_space<hbm>>
      tpu.enqueue_dma source(%dma_start3A_53 : memref<10000xi32, #tpu.memory_space<hbm>>) target(%arg9 : memref<10000xi32, #tpu.memory_space<vmem>>) target_semaphore(%run_scoped3A : memref<!tpu.dma_semaphore, #tpu.memory_space<semaphore_mem>>)
      %dma_wait3A_54 = tpu.memref_slice %arg4[%mul3A_2] : memref<320000xi32, #tpu.memory_space<hbm>> -> memref<10000xi32, #tpu.memory_space<hbm>>
      %dma_wait3A_55 = tpu.memref_slice %arg4[%mul3A_2] : memref<320000xi32, #tpu.memory_space<hbm>> -> memref<10000xi32, #tpu.memory_space<hbm>>
      tpu.wait_dma2 semaphore(%run_scoped3A : memref<!tpu.dma_semaphore, #tpu.memory_space<semaphore_mem>>) src(%dma_wait3A_55 : memref<10000xi32, #tpu.memory_space<hbm>>) dst(%arg9 : memref<10000xi32, #tpu.memory_space<vmem>>)
      tpu.yield
    }) : () -> ()
    %mul3A_3 = arith.constant 10000 : i32
    %mul3A_4 = arith.muli %add3A, %mul3A_3 : i32
    "tpu.region"() ({
      %run_scoped3A = tpu.sem_alloc : memref<!tpu.dma_semaphore, #tpu.memory_space<semaphore_mem>>
      %dma_start3A_52 = tpu.memref_slice %arg5[%mul3A_4] : memref<320000xi32, #tpu.memory_space<hbm>> -> memref<10000xi32, #tpu.memory_space<hbm>>
      %dma_start3A_53 = tpu.memref_slice %arg5[%mul3A_4] : memref<320000xi32, #tpu.memory_space<hbm>> -> memref<10000xi32, #tpu.memory_space<hbm>>
      tpu.enqueue_dma source(%dma_start3A_53 : memref<10000xi32, #tpu.memory_space<hbm>>) target(%arg10 : memref<10000xi32, #tpu.memory_space<vmem>>) target_semaphore(%run_scoped3A : memref<!tpu.dma_semaphore, #tpu.memory_space<semaphore_mem>>)
      %dma_wait3A_54 = tpu.memref_slice %arg5[%mul3A_4] : memref<320000xi32, #tpu.memory_space<hbm>> -> memref<10000xi32, #tpu.memory_space<hbm>>
      %dma_wait3A_55 = tpu.memref_slice %arg5[%mul3A_4] : memref<320000xi32, #tpu.memory_space<hbm>> -> memref<10000xi32, #tpu.memory_space<hbm>>
      tpu.wait_dma2 semaphore(%run_scoped3A : memref<!tpu.dma_semaphore, #tpu.memory_space<semaphore_mem>>) src(%dma_wait3A_55 : memref<10000xi32, #tpu.memory_space<hbm>>) dst(%arg10 : memref<10000xi32, #tpu.memory_space<vmem>>)
      tpu.yield
    }) : () -> ()
    %get3A = arith.constant 0 : index
    %get3A_5 = tpu.vector_load %arg15[%get3A] {strides = array<i32>} : memref<16xf32, #tpu.memory_space<vmem>>, vector<16xf32>,
    %get3A_6 = vector.shape_cast %get3A_5 : vector<16xf32> to vector<16xf32>
    %mul3A_7 = arith.constant 10000 : i32
    %mul3A_8 = arith.muli %add3A, %mul3A_7 : i32
    %dma_start3A = arith.constant 0 : i32
    %dma_start3A_9 = arith.constant 0 : i32
    %dma_start3A_10 = tpu.memref_slice %arg11[%dma_start3A, %dma_start3A_9] : memref<160x256xf32, #tpu.memory_space<vmem>> -> memref<80x256xf32, #tpu.memory_space<vmem>>
    %dma_start3A_11 = arith.constant 0 : i32
    %dma_start3A_12 = tpu.memref_slice %arg9[%dma_start3A_11] : memref<10000xi32, #tpu.memory_space<vmem>> -> memref<80xi32, #tpu.memory_space<vmem>>
    %dma_start3A_13 = arith.constant 0 : i32
    %dma_start3A_14 = arith.constant 0 : i32
    %dma_start3A_15 = tpu.memref_slice %arg2[%dma_start3A_13, %dma_start3A_14] : memref<10000x256xf32, #tpu.memory_space<hbm>> -> memref<10000x256xf32, #tpu.memory_space<hbm>>
    tpu.enqueue_indirect_dma source(%dma_start3A_15 : memref<10000x256xf32, #tpu.memory_space<hbm>>) target(%dma_start3A_10 : memref<80x256xf32, #tpu.memory_space<vmem>>) offsets(%dma_start3A_12 : memref<80xi32, #tpu.memory_space<vmem>>) semaphore(%arg16 : memref<!tpu.dma_semaphore, #tpu.memory_space<semaphore_mem>>)
    %dma_start3A_16 = arith.constant 0 : i32
    %dma_start3A_17 = arith.constant 0 : i32
    %dma_start3A_18 = tpu.memref_slice %arg12[%dma_start3A_16, %dma_start3A_17] : memref<160x128xf32, #tpu.memory_space<vmem>> -> memref<80x128xf32, #tpu.memory_space<vmem>>
    %dma_start3A_19 = arith.constant 0 : i32
    %dma_start3A_20 = tpu.memref_slice %arg10[%dma_start3A_19] : memref<10000xi32, #tpu.memory_space<vmem>> -> memref<80xi32, #tpu.memory_space<vmem>>
    %dma_start3A_21 = arith.constant 0 : i32
    %dma_start3A_22 = arith.constant 0 : i32
    %dma_start3A_23 = tpu.memref_slice %arg3[%dma_start3A_21, %dma_start3A_22] : memref<10000x128xf32, #tpu.memory_space<hbm>> -> memref<10000x128xf32, #tpu.memory_space<hbm>>
    tpu.enqueue_indirect_dma source(%dma_start3A_23 : memref<10000x128xf32, #tpu.memory_space<hbm>>) target(%dma_start3A_18 : memref<80x128xf32, #tpu.memory_space<vmem>>) offsets(%dma_start3A_20 : memref<80xi32, #tpu.memory_space<vmem>>) semaphore(%arg16 : memref<!tpu.dma_semaphore, #tpu.memory_space<semaphore_mem>>)
    %scan3A = arith.constant 0 : i32
    %scan3A_24 = arith.constant 0 : i32
    %scan3A_25 = arith.constant 125 : i32
    %scan3A_26 = arith.addi %scan3A_24, %scan3A_25 : i32
    %scan3A_27 = arith.constant 1 : i32
    scf.for %scan3A_52 = %scan3A_24 to %scan3A_26 step %scan3A_27  : i32 {
      %rem3A_53 = arith.constant 2 : i32
      %rem3A_54 = arith.remsi %scan3A_52, %rem3A_53 : i32
      %sub3A = arith.constant 1 : i32
      %sub3A_55 = arith.subi %sub3A, %rem3A_54 : i32
      %ge3A = arith.constant 1 : i32
      %ge3A_56 = arith.cmpi sge, %scan3A_52, %ge3A : i32
      %convert_element_type3A = arith.extui %ge3A_56 : i1 to i32
      %cond3A = arith.constant 0 : i32
      %cond3A_57 = arith.cmpi ne, %convert_element_type3A, %cond3A : i32
      scf.if %cond3A_57 {
        %sub3A_111 = arith.constant 1 : i32
        %sub3A_112 = arith.subi %scan3A_52, %sub3A_111 : i32
        %mul3A_113 = arith.constant 80 : i32
        %mul3A_114 = arith.muli %sub3A_112, %mul3A_113 : i32
        %add3A_115 = arith.addi %mul3A_8, %mul3A_114 : i32
        %mul3A_116 = arith.constant 80 : i32
        %mul3A_117 = arith.muli %sub3A_55, %mul3A_116 : i32
        %dma_wait3A_118 = arith.constant 0 : i32
        %dma_wait3A_119 = tpu.memref_slice %arg13[%mul3A_117, %dma_wait3A_118] : memref<160x128xf32, #tpu.memory_space<vmem>> -> memref<80x128xf32, #tpu.memory_space<vmem>>
        %dma_wait3A_120 = arith.constant 0 : i32
        %dma_wait3A_121 = tpu.memref_slice %arg8[%add3A_115, %dma_wait3A_120] : memref<320000x128xf32, #tpu.memory_space<hbm>> -> memref<80x128xf32, #tpu.memory_space<hbm>>
        %dma_wait3A_122 = arith.constant 0 : i32
        %dma_wait3A_123 = tpu.memref_slice %arg8[%add3A_115, %dma_wait3A_122] : memref<320000x128xf32, #tpu.memory_space<hbm>> -> memref<80x128xf32, #tpu.memory_space<hbm>>
        %dma_wait3A_124 = arith.constant 0 : i32
        %dma_wait3A_125 = tpu.memref_slice %arg13[%mul3A_117, %dma_wait3A_124] : memref<160x128xf32, #tpu.memory_space<vmem>> -> memref<80x128xf32, #tpu.memory_space<vmem>>
        tpu.wait_dma2 semaphore(%arg17 : memref<!tpu.dma_semaphore, #tpu.memory_space<semaphore_mem>>) src(%dma_wait3A_125 : memref<80x128xf32, #tpu.memory_space<vmem>>) dst(%dma_wait3A_123 : memref<80x128xf32, #tpu.memory_space<hbm>>)
        %mul3A_126 = arith.constant 80 : i32
        %mul3A_127 = arith.muli %sub3A_55, %mul3A_126 : i32
        %dma_wait3A_128 = arith.constant 0 : i32
        %dma_wait3A_129 = tpu.memref_slice %arg14[%mul3A_127, %dma_wait3A_128] : memref<160x16xf32, #tpu.memory_space<vmem>> -> memref<80x16xf32, #tpu.memory_space<vmem>>
        %dma_wait3A_130 = arith.constant 0 : i32
        %dma_wait3A_131 = tpu.memref_slice %arg7[%add3A_115, %dma_wait3A_130] : memref<320000x16xf32, #tpu.memory_space<hbm>> -> memref<80x16xf32, #tpu.memory_space<hbm>>
        %dma_wait3A_132 = arith.constant 0 : i32
        %dma_wait3A_133 = tpu.memref_slice %arg7[%add3A_115, %dma_wait3A_132] : memref<320000x16xf32, #tpu.memory_space<hbm>> -> memref<80x16xf32, #tpu.memory_space<hbm>>
        %dma_wait3A_134 = arith.constant 0 : i32
        %dma_wait3A_135 = tpu.memref_slice %arg14[%mul3A_127, %dma_wait3A_134] : memref<160x16xf32, #tpu.memory_space<vmem>> -> memref<80x16xf32, #tpu.memory_space<vmem>>
        tpu.wait_dma2 semaphore(%arg18 : memref<!tpu.dma_semaphore, #tpu.memory_space<semaphore_mem>>) src(%dma_wait3A_135 : memref<80x16xf32, #tpu.memory_space<vmem>>) dst(%dma_wait3A_133 : memref<80x16xf32, #tpu.memory_space<hbm>>)
      } else {
      }
      %lt3A = arith.constant 124 : i32
      %lt3A_58 = arith.cmpi slt, %scan3A_52, %lt3A : i32
      %convert_element_type3A_59 = arith.extui %lt3A_58 : i1 to i32
      %cond3A_60 = arith.constant 0 : i32
      %cond3A_61 = arith.cmpi ne, %convert_element_type3A_59, %cond3A_60 : i32
      scf.if %cond3A_61 {
        %add3A_111 = arith.constant 1 : i32
        %add3A_112 = arith.addi %scan3A_52, %add3A_111 : i32
        %mul3A_113 = arith.constant 80 : i32
        %mul3A_114 = arith.muli %add3A_112, %mul3A_113 : i32
        %mul3A_115 = arith.constant 80 : i32
        %mul3A_116 = arith.muli %sub3A_55, %mul3A_115 : i32
        %dma_start3A_117 = arith.constant 0 : i32
        %dma_start3A_118 = tpu.memref_slice %arg11[%mul3A_116, %dma_start3A_117] : memref<160x256xf32, #tpu.memory_space<vmem>> -> memref<80x256xf32, #tpu.memory_space<vmem>>
        %dma_start3A_119 = tpu.memref_slice %arg9[%mul3A_114] : memref<10000xi32, #tpu.memory_space<vmem>> -> memref<80xi32, #tpu.memory_space<vmem>>
        %dma_start3A_120 = arith.constant 0 : i32
        %dma_start3A_121 = arith.constant 0 : i32
        %dma_start3A_122 = tpu.memref_slice %arg2[%dma_start3A_120, %dma_start3A_121] : memref<10000x256xf32, #tpu.memory_space<hbm>> -> memref<10000x256xf32, #tpu.memory_space<hbm>>
        tpu.enqueue_indirect_dma source(%dma_start3A_122 : memref<10000x256xf32, #tpu.memory_space<hbm>>) target(%dma_start3A_118 : memref<80x256xf32, #tpu.memory_space<vmem>>) offsets(%dma_start3A_119 : memref<80xi32, #tpu.memory_space<vmem>>) semaphore(%arg16 : memref<!tpu.dma_semaphore, #tpu.memory_space<semaphore_mem>>)
        %mul3A_123 = arith.constant 80 : i32
        %mul3A_124 = arith.muli %add3A_112, %mul3A_123 : i32
        %mul3A_125 = arith.constant 80 : i32
        %mul3A_126 = arith.muli %sub3A_55, %mul3A_125 : i32
        %dma_start3A_127 = arith.constant 0 : i32
        %dma_start3A_128 = tpu.memref_slice %arg12[%mul3A_126, %dma_start3A_127] : memref<160x128xf32, #tpu.memory_space<vmem>> -> memref<80x128xf32, #tpu.memory_space<vmem>>
        %dma_start3A_129 = tpu.memref_slice %arg10[%mul3A_124] : memref<10000xi32, #tpu.memory_space<vmem>> -> memref<80xi32, #tpu.memory_space<vmem>>
        %dma_start3A_130 = arith.constant 0 : i32
        %dma_start3A_131 = arith.constant 0 : i32
        %dma_start3A_132 = tpu.memref_slice %arg3[%dma_start3A_130, %dma_start3A_131] : memref<10000x128xf32, #tpu.memory_space<hbm>> -> memref<10000x128xf32, #tpu.memory_space<hbm>>
        tpu.enqueue_indirect_dma source(%dma_start3A_132 : memref<10000x128xf32, #tpu.memory_space<hbm>>) target(%dma_start3A_128 : memref<80x128xf32, #tpu.memory_space<vmem>>) offsets(%dma_start3A_129 : memref<80xi32, #tpu.memory_space<vmem>>) semaphore(%arg16 : memref<!tpu.dma_semaphore, #tpu.memory_space<semaphore_mem>>)
      } else {
      }
      %mul3A_62 = arith.constant 80 : i32
      %mul3A_63 = arith.muli %scan3A_52, %mul3A_62 : i32
      %mul3A_64 = arith.constant 80 : i32
      %mul3A_65 = arith.muli %rem3A_54, %mul3A_64 : i32
      %dma_wait3A_66 = arith.constant 0 : i32
      %dma_wait3A_67 = tpu.memref_slice %arg11[%mul3A_65, %dma_wait3A_66] : memref<160x256xf32, #tpu.memory_space<vmem>> -> memref<80x256xf32, #tpu.memory_space<vmem>>
      %dma_wait3A_68 = tpu.memref_slice %arg9[%mul3A_63] : memref<10000xi32, #tpu.memory_space<vmem>> -> memref<80xi32, #tpu.memory_space<vmem>>
      %dma_wait3A_69 = arith.constant 0 : i32
      %dma_wait3A_70 = arith.constant 0 : i32
      %dma_wait3A_71 = tpu.memref_slice %arg2[%dma_wait3A_69, %dma_wait3A_70] : memref<10000x256xf32, #tpu.memory_space<hbm>> -> memref<10000x256xf32, #tpu.memory_space<hbm>>
      tpu.wait_indirect_dma semaphore(%arg16 : memref<!tpu.dma_semaphore, #tpu.memory_space<semaphore_mem>>) src(%dma_wait3A_71 : memref<10000x256xf32, #tpu.memory_space<hbm>>) dst(%dma_wait3A_67 : memref<80x256xf32, #tpu.memory_space<vmem>>)
      %mul3A_72 = arith.constant 80 : i32
      %mul3A_73 = arith.muli %scan3A_52, %mul3A_72 : i32
      %mul3A_74 = arith.constant 80 : i32
      %mul3A_75 = arith.muli %rem3A_54, %mul3A_74 : i32
      %dma_wait3A_76 = arith.constant 0 : i32
      %dma_wait3A_77 = tpu.memref_slice %arg12[%mul3A_75, %dma_wait3A_76] : memref<160x128xf32, #tpu.memory_space<vmem>> -> memref<80x128xf32, #tpu.memory_space<vmem>>
      %dma_wait3A_78 = tpu.memref_slice %arg10[%mul3A_73] : memref<10000xi32, #tpu.memory_space<vmem>> -> memref<80xi32, #tpu.memory_space<vmem>>
      %dma_wait3A_79 = arith.constant 0 : i32
      %dma_wait3A_80 = arith.constant 0 : i32
      %dma_wait3A_81 = tpu.memref_slice %arg3[%dma_wait3A_79, %dma_wait3A_80] : memref<10000x128xf32, #tpu.memory_space<hbm>> -> memref<10000x128xf32, #tpu.memory_space<hbm>>
      tpu.wait_indirect_dma semaphore(%arg16 : memref<!tpu.dma_semaphore, #tpu.memory_space<semaphore_mem>>) src(%dma_wait3A_81 : memref<10000x128xf32, #tpu.memory_space<hbm>>) dst(%dma_wait3A_77 : memref<80x128xf32, #tpu.memory_space<vmem>>)
      %scan3A_82 = arith.constant 0 : i32
      %scan3A_83 = arith.constant 0 : i32
      %scan3A_84 = arith.constant 80 : i32
      %scan3A_85 = arith.addi %scan3A_83, %scan3A_84 : i32
      %scan3A_86 = arith.constant 4 : i32
      scf.for %scan3A_111 = %scan3A_83 to %scan3A_85 step %scan3A_86  : i32 {
        %mul3A_112 = arith.constant 80 : i32
        %mul3A_113 = arith.muli %rem3A_54, %mul3A_112 : i32
        %add3A_114 = arith.addi %mul3A_113, %scan3A_111 : i32
        %get3A_115 = arith.index_cast %add3A_114 : i32 to index
        %get3A_116 = arith.constant 128 : index
        %get3A_117 = tpu.vector_load %arg11[%get3A_115, %get3A_116] {strides = array<i32>} : memref<160x256xf32, #tpu.memory_space<vmem>>, vector<1x16xf32>,
        %get3A_118 = vector.shape_cast %get3A_117 : vector<1x16xf32> to vector<16xf32>
        %get3A_119 = arith.index_cast %add3A_114 : i32 to index
        %get3A_120 = arith.constant 0 : index
        %get3A_121 = tpu.vector_load %arg12[%get3A_119, %get3A_120] {strides = array<i32>} : memref<160x128xf32, #tpu.memory_space<vmem>>, vector<1x16xf32>,
        %get3A_122 = vector.shape_cast %get3A_121 : vector<1x16xf32> to vector<16xf32>
        %add3A_123 = arith.addf %get3A_118, %get3A_122 : vector<16xf32>
        %gt3A = arith.constant 0.000000e+00 : f32
        %gt3A_124 = vector.broadcast %gt3A : f32 to vector<16xf32>
        %gt3A_125 = arith.cmpf ogt, %add3A_123, %gt3A_124 : vector<16xf32>
        %mul3A_126 = arith.constant 2.000000e-01 : f32
        %mul3A_127 = vector.broadcast %mul3A_126 : f32 to vector<16xf32>
        %mul3A_128 = arith.mulf %mul3A_127, %add3A_123 : vector<16xf32>
        %select_n3A = arith.select %gt3A_125, %add3A_123, %mul3A_128 : vector<16xi1>, vector<16xf32>
        %sub3A_129 = arith.subf %select_n3A, %get3A_6 : vector<16xf32>
        %exp3A = math.exp %sub3A_129 : vector<16xf32>
        %swap3A = arith.index_cast %add3A_114 : i32 to index
        %swap3A_130 = arith.constant 0 : index
        %swap3A_131 = tpu.vector_load %arg14[%swap3A, %swap3A_130] {strides = array<i32>} : memref<160x16xf32, #tpu.memory_space<vmem>>, vector<1x16xf32>,
        %swap3A_132 = vector.shape_cast %swap3A_131 : vector<1x16xf32> to vector<16xf32>
        %swap3A_133 = vector.shape_cast %exp3A : vector<16xf32> to vector<1x16xf32>
        tpu.vector_store %arg14[%swap3A, %swap3A_130], %swap3A_133 {strides = array<i32>} : memref<160x16xf32, #tpu.memory_space<vmem>>, vector<1x16xf32>,
        %get3A_134 = arith.index_cast %add3A_114 : i32 to index
        %get3A_135 = arith.constant 0 : index
        %get3A_136 = tpu.vector_load %arg11[%get3A_134, %get3A_135] {strides = array<i32>} : memref<160x256xf32, #tpu.memory_space<vmem>>, vector<1x16xf32>,
        %get3A_137 = vector.shape_cast %get3A_136 : vector<1x16xf32> to vector<16xf32>
        %slice3A = vector.extract_strided_slice %exp3A {offsets = [0], sizes = [1], strides = [1]} : vector<16xf32> to vector<1xf32>
        %squeeze3A = vector.extract %slice3A[0] : f32 from vector<1xf32>
        %mul3A_138 = vector.broadcast %squeeze3A : f32 to vector<16xf32>
        %mul3A_139 = arith.mulf %get3A_137, %mul3A_138 : vector<16xf32>
        %swap3A_140 = arith.index_cast %add3A_114 : i32 to index
        %swap3A_141 = arith.constant 0 : index
        %swap3A_142 = tpu.vector_load %arg13[%swap3A_140, %swap3A_141] {strides = array<i32>} : memref<160x128xf32, #tpu.memory_space<vmem>>, vector<1x16xf32>,
        %swap3A_143 = vector.shape_cast %swap3A_142 : vector<1x16xf32> to vector<16xf32>
        %swap3A_144 = vector.shape_cast %mul3A_139 : vector<16xf32> to vector<1x16xf32>
        tpu.vector_store %arg13[%swap3A_140, %swap3A_141], %swap3A_144 {strides = array<i32>} : memref<160x128xf32, #tpu.memory_space<vmem>>, vector<1x16xf32>,
        %get3A_145 = arith.index_cast %add3A_114 : i32 to index
        %get3A_146 = arith.constant 16 : index
        %get3A_147 = tpu.vector_load %arg11[%get3A_145, %get3A_146] {strides = array<i32>} : memref<160x256xf32, #tpu.memory_space<vmem>>, vector<1x16xf32>,
        %get3A_148 = vector.shape_cast %get3A_147 : vector<1x16xf32> to vector<16xf32>
        %slice3A_149 = vector.extract_strided_slice %exp3A {offsets = [1], sizes = [1], strides = [1]} : vector<16xf32> to vector<1xf32>
        %squeeze3A_150 = vector.extract %slice3A_149[0] : f32 from vector<1xf32>
        %mul3A_151 = vector.broadcast %squeeze3A_150 : f32 to vector<16xf32>
        %mul3A_152 = arith.mulf %get3A_148, %mul3A_151 : vector<16xf32>
        %swap3A_153 = arith.index_cast %add3A_114 : i32 to index
        %swap3A_154 = arith.constant 16 : index
        %swap3A_155 = tpu.vector_load %arg13[%swap3A_153, %swap3A_154] {strides = array<i32>} : memref<160x128xf32, #tpu.memory_space<vmem>>, vector<1x16xf32>,
        %swap3A_156 = vector.shape_cast %swap3A_155 : vector<1x16xf32> to vector<16xf32>
        %swap3A_157 = vector.shape_cast %mul3A_152 : vector<16xf32> to vector<1x16xf32>
        tpu.vector_store %arg13[%swap3A_153, %swap3A_154], %swap3A_157 {strides = array<i32>} : memref<160x128xf32, #tpu.memory_space<vmem>>, vector<1x16xf32>,
        %get3A_158 = arith.index_cast %add3A_114 : i32 to index
        %get3A_159 = arith.constant 32 : index
        %get3A_160 = tpu.vector_load %arg11[%get3A_158, %get3A_159] {strides = array<i32>} : memref<160x256xf32, #tpu.memory_space<vmem>>, vector<1x16xf32>,
        %get3A_161 = vector.shape_cast %get3A_160 : vector<1x16xf32> to vector<16xf32>
        %slice3A_162 = vector.extract_strided_slice %exp3A {offsets = [2], sizes = [1], strides = [1]} : vector<16xf32> to vector<1xf32>
        %squeeze3A_163 = vector.extract %slice3A_162[0] : f32 from vector<1xf32>
        %mul3A_164 = vector.broadcast %squeeze3A_163 : f32 to vector<16xf32>
        %mul3A_165 = arith.mulf %get3A_161, %mul3A_164 : vector<16xf32>
        %swap3A_166 = arith.index_cast %add3A_114 : i32 to index
        %swap3A_167 = arith.constant 32 : index
        %swap3A_168 = tpu.vector_load %arg13[%swap3A_166, %swap3A_167] {strides = array<i32>} : memref<160x128xf32, #tpu.memory_space<vmem>>, vector<1x16xf32>,
        %swap3A_169 = vector.shape_cast %swap3A_168 : vector<1x16xf32> to vector<16xf32>
        %swap3A_170 = vector.shape_cast %mul3A_165 : vector<16xf32> to vector<1x16xf32>
        tpu.vector_store %arg13[%swap3A_166, %swap3A_167], %swap3A_170 {strides = array<i32>} : memref<160x128xf32, #tpu.memory_space<vmem>>, vector<1x16xf32>,
        %get3A_171 = arith.index_cast %add3A_114 : i32 to index
        %get3A_172 = arith.constant 48 : index
        %get3A_173 = tpu.vector_load %arg11[%get3A_171, %get3A_172] {strides = array<i32>} : memref<160x256xf32, #tpu.memory_space<vmem>>, vector<1x16xf32>,
        %get3A_174 = vector.shape_cast %get3A_173 : vector<1x16xf32> to vector<16xf32>
        %slice3A_175 = vector.extract_strided_slice %exp3A {offsets = [3], sizes = [1], strides = [1]} : vector<16xf32> to vector<1xf32>
        %squeeze3A_176 = vector.extract %slice3A_175[0] : f32 from vector<1xf32>
        %mul3A_177 = vector.broadcast %squeeze3A_176 : f32 to vector<16xf32>
        %mul3A_178 = arith.mulf %get3A_174, %mul3A_177 : vector<16xf32>
        %swap3A_179 = arith.index_cast %add3A_114 : i32 to index
        %swap3A_180 = arith.constant 48 : index
        %swap3A_181 = tpu.vector_load %arg13[%swap3A_179, %swap3A_180] {strides = array<i32>} : memref<160x128xf32, #tpu.memory_space<vmem>>, vector<1x16xf32>,
        %swap3A_182 = vector.shape_cast %swap3A_181 : vector<1x16xf32> to vector<16xf32>
        %swap3A_183 = vector.shape_cast %mul3A_178 : vector<16xf32> to vector<1x16xf32>
        tpu.vector_store %arg13[%swap3A_179, %swap3A_180], %swap3A_183 {strides = array<i32>} : memref<160x128xf32, #tpu.memory_space<vmem>>, vector<1x16xf32>,
        %get3A_184 = arith.index_cast %add3A_114 : i32 to index
        %get3A_185 = arith.constant 64 : index
        %get3A_186 = tpu.vector_load %arg11[%get3A_184, %get3A_185] {strides = array<i32>} : memref<160x256xf32, #tpu.memory_space<vmem>>, vector<1x16xf32>,
        %get3A_187 = vector.shape_cast %get3A_186 : vector<1x16xf32> to vector<16xf32>
        %slice3A_188 = vector.extract_strided_slice %exp3A {offsets = [4], sizes = [1], strides = [1]} : vector<16xf32> to vector<1xf32>
        %squeeze3A_189 = vector.extract %slice3A_188[0] : f32 from vector<1xf32>
        %mul3A_190 = vector.broadcast %squeeze3A_189 : f32 to vector<16xf32>
        %mul3A_191 = arith.mulf %get3A_187, %mul3A_190 : vector<16xf32>
        %swap3A_192 = arith.index_cast %add3A_114 : i32 to index
        %swap3A_193 = arith.constant 64 : index
        %swap3A_194 = tpu.vector_load %arg13[%swap3A_192, %swap3A_193] {strides = array<i32>} : memref<160x128xf32, #tpu.memory_space<vmem>>, vector<1x16xf32>,
        %swap3A_195 = vector.shape_cast %swap3A_194 : vector<1x16xf32> to vector<16xf32>
        %swap3A_196 = vector.shape_cast %mul3A_191 : vector<16xf32> to vector<1x16xf32>
        tpu.vector_store %arg13[%swap3A_192, %swap3A_193], %swap3A_196 {strides = array<i32>} : memref<160x128xf32, #tpu.memory_space<vmem>>, vector<1x16xf32>,
        %get3A_197 = arith.index_cast %add3A_114 : i32 to index
        %get3A_198 = arith.constant 80 : index
        %get3A_199 = tpu.vector_load %arg11[%get3A_197, %get3A_198] {strides = array<i32>} : memref<160x256xf32, #tpu.memory_space<vmem>>, vector<1x16xf32>,
        %get3A_200 = vector.shape_cast %get3A_199 : vector<1x16xf32> to vector<16xf32>
        %slice3A_201 = vector.extract_strided_slice %exp3A {offsets = [5], sizes = [1], strides = [1]} : vector<16xf32> to vector<1xf32>
        %squeeze3A_202 = vector.extract %slice3A_201[0] : f32 from vector<1xf32>
        %mul3A_203 = vector.broadcast %squeeze3A_202 : f32 to vector<16xf32>
        %mul3A_204 = arith.mulf %get3A_200, %mul3A_203 : vector<16xf32>
        %swap3A_205 = arith.index_cast %add3A_114 : i32 to index
        %swap3A_206 = arith.constant 80 : index
        %swap3A_207 = tpu.vector_load %arg13[%swap3A_205, %swap3A_206] {strides = array<i32>} : memref<160x128xf32, #tpu.memory_space<vmem>>, vector<1x16xf32>,
        %swap3A_208 = vector.shape_cast %swap3A_207 : vector<1x16xf32> to vector<16xf32>
        %swap3A_209 = vector.shape_cast %mul3A_204 : vector<16xf32> to vector<1x16xf32>
        tpu.vector_store %arg13[%swap3A_205, %swap3A_206], %swap3A_209 {strides = array<i32>} : memref<160x128xf32, #tpu.memory_space<vmem>>, vector<1x16xf32>,
        %get3A_210 = arith.index_cast %add3A_114 : i32 to index
        %get3A_211 = arith.constant 96 : index
        %get3A_212 = tpu.vector_load %arg11[%get3A_210, %get3A_211] {strides = array<i32>} : memref<160x256xf32, #tpu.memory_space<vmem>>, vector<1x16xf32>,
        %get3A_213 = vector.shape_cast %get3A_212 : vector<1x16xf32> to vector<16xf32>
        %slice3A_214 = vector.extract_strided_slice %exp3A {offsets = [6], sizes = [1], strides = [1]} : vector<16xf32> to vector<1xf32>
        %squeeze3A_215 = vector.extract %slice3A_214[0] : f32 from vector<1xf32>
        %mul3A_216 = vector.broadcast %squeeze3A_215 : f32 to vector<16xf32>
        %mul3A_217 = arith.mulf %get3A_213, %mul3A_216 : vector<16xf32>
        %swap3A_218 = arith.index_cast %add3A_114 : i32 to index
        %swap3A_219 = arith.constant 96 : index
        %swap3A_220 = tpu.vector_load %arg13[%swap3A_218, %swap3A_219] {strides = array<i32>} : memref<160x128xf32, #tpu.memory_space<vmem>>, vector<1x16xf32>,
        %swap3A_221 = vector.shape_cast %swap3A_220 : vector<1x16xf32> to vector<16xf32>
        %swap3A_222 = vector.shape_cast %mul3A_217 : vector<16xf32> to vector<1x16xf32>
        tpu.vector_store %arg13[%swap3A_218, %swap3A_219], %swap3A_222 {strides = array<i32>} : memref<160x128xf32, #tpu.memory_space<vmem>>, vector<1x16xf32>,
        %get3A_223 = arith.index_cast %add3A_114 : i32 to index
        %get3A_224 = arith.constant 112 : index
        %get3A_225 = tpu.vector_load %arg11[%get3A_223, %get3A_224] {strides = array<i32>} : memref<160x256xf32, #tpu.memory_space<vmem>>, vector<1x16xf32>,
        %get3A_226 = vector.shape_cast %get3A_225 : vector<1x16xf32> to vector<16xf32>
        %slice3A_227 = vector.extract_strided_slice %exp3A {offsets = [7], sizes = [1], strides = [1]} : vector<16xf32> to vector<1xf32>
        %squeeze3A_228 = vector.extract %slice3A_227[0] : f32 from vector<1xf32>
        %mul3A_229 = vector.broadcast %squeeze3A_228 : f32 to vector<16xf32>
        %mul3A_230 = arith.mulf %get3A_226, %mul3A_229 : vector<16xf32>
        %swap3A_231 = arith.index_cast %add3A_114 : i32 to index
        %swap3A_232 = arith.constant 112 : index
        %swap3A_233 = tpu.vector_load %arg13[%swap3A_231, %swap3A_232] {strides = array<i32>} : memref<160x128xf32, #tpu.memory_space<vmem>>, vector<1x16xf32>,
        %swap3A_234 = vector.shape_cast %swap3A_233 : vector<1x16xf32> to vector<16xf32>
        %swap3A_235 = vector.shape_cast %mul3A_230 : vector<16xf32> to vector<1x16xf32>
        tpu.vector_store %arg13[%swap3A_231, %swap3A_232], %swap3A_235 {strides = array<i32>} : memref<160x128xf32, #tpu.memory_space<vmem>>, vector<1x16xf32>,
        %scan3A_236 = arith.constant 1 : i32
        %scan3A_237 = arith.addi %scan3A_111, %scan3A_236 : i32
        %mul3A_238 = arith.constant 80 : i32
        %mul3A_239 = arith.muli %rem3A_54, %mul3A_238 : i32
        %add3A_240 = arith.addi %mul3A_239, %scan3A_237 : i32
        %get3A_241 = arith.index_cast %add3A_240 : i32 to index
        %get3A_242 = arith.constant 128 : index
        %get3A_243 = tpu.vector_load %arg11[%get3A_241, %get3A_242] {strides = array<i32>} : memref<160x256xf32, #tpu.memory_space<vmem>>, vector<1x16xf32>,
        %get3A_244 = vector.shape_cast %get3A_243 : vector<1x16xf32> to vector<16xf32>
        %get3A_245 = arith.index_cast %add3A_240 : i32 to index
        %get3A_246 = arith.constant 0 : index
        %get3A_247 = tpu.vector_load %arg12[%get3A_245, %get3A_246] {strides = array<i32>} : memref<160x128xf32, #tpu.memory_space<vmem>>, vector<1x16xf32>,
        %get3A_248 = vector.shape_cast %get3A_247 : vector<1x16xf32> to vector<16xf32>
        %add3A_249 = arith.addf %get3A_244, %get3A_248 : vector<16xf32>
        %gt3A_250 = arith.constant 0.000000e+00 : f32
        %gt3A_251 = vector.broadcast %gt3A_250 : f32 to vector<16xf32>
        %gt3A_252 = arith.cmpf ogt, %add3A_249, %gt3A_251 : vector<16xf32>
        %mul3A_253 = arith.constant 2.000000e-01 : f32
        %mul3A_254 = vector.broadcast %mul3A_253 : f32 to vector<16xf32>
        %mul3A_255 = arith.mulf %mul3A_254, %add3A_249 : vector<16xf32>
        %select_n3A_256 = arith.select %gt3A_252, %add3A_249, %mul3A_255 : vector<16xi1>, vector<16xf32>
        %sub3A_257 = arith.subf %select_n3A_256, %get3A_6 : vector<16xf32>
        %exp3A_258 = math.exp %sub3A_257 : vector<16xf32>
        %swap3A_259 = arith.index_cast %add3A_240 : i32 to index
        %swap3A_260 = arith.constant 0 : index
        %swap3A_261 = tpu.vector_load %arg14[%swap3A_259, %swap3A_260] {strides = array<i32>} : memref<160x16xf32, #tpu.memory_space<vmem>>, vector<1x16xf32>,
        %swap3A_262 = vector.shape_cast %swap3A_261 : vector<1x16xf32> to vector<16xf32>
        %swap3A_263 = vector.shape_cast %exp3A_258 : vector<16xf32> to vector<1x16xf32>
        tpu.vector_store %arg14[%swap3A_259, %swap3A_260], %swap3A_263 {strides = array<i32>} : memref<160x16xf32, #tpu.memory_space<vmem>>, vector<1x16xf32>,
        %get3A_264 = arith.index_cast %add3A_240 : i32 to index
        %get3A_265 = arith.constant 0 : index
        %get3A_266 = tpu.vector_load %arg11[%get3A_264, %get3A_265] {strides = array<i32>} : memref<160x256xf32, #tpu.memory_space<vmem>>, vector<1x16xf32>,
        %get3A_267 = vector.shape_cast %get3A_266 : vector<1x16xf32> to vector<16xf32>
        %slice3A_268 = vector.extract_strided_slice %exp3A_258 {offsets = [0], sizes = [1], strides = [1]} : vector<16xf32> to vector<1xf32>
        %squeeze3A_269 = vector.extract %slice3A_268[0] : f32 from vector<1xf32>
        %mul3A_270 = vector.broadcast %squeeze3A_269 : f32 to vector<16xf32>
        %mul3A_271 = arith.mulf %get3A_267, %mul3A_270 : vector<16xf32>
        %swap3A_272 = arith.index_cast %add3A_240 : i32 to index
        %swap3A_273 = arith.constant 0 : index
        %swap3A_274 = tpu.vector_load %arg13[%swap3A_272, %swap3A_273] {strides = array<i32>} : memref<160x128xf32, #tpu.memory_space<vmem>>, vector<1x16xf32>,
        %swap3A_275 = vector.shape_cast %swap3A_274 : vector<1x16xf32> to vector<16xf32>
        %swap3A_276 = vector.shape_cast %mul3A_271 : vector<16xf32> to vector<1x16xf32>
        tpu.vector_store %arg13[%swap3A_272, %swap3A_273], %swap3A_276 {strides = array<i32>} : memref<160x128xf32, #tpu.memory_space<vmem>>, vector<1x16xf32>,
        %get3A_277 = arith.index_cast %add3A_240 : i32 to index
        %get3A_278 = arith.constant 16 : index
        %get3A_279 = tpu.vector_load %arg11[%get3A_277, %get3A_278] {strides = array<i32>} : memref<160x256xf32, #tpu.memory_space<vmem>>, vector<1x16xf32>,
        %get3A_280 = vector.shape_cast %get3A_279 : vector<1x16xf32> to vector<16xf32>
        %slice3A_281 = vector.extract_strided_slice %exp3A_258 {offsets = [1], sizes = [1], strides = [1]} : vector<16xf32> to vector<1xf32>
        %squeeze3A_282 = vector.extract %slice3A_281[0] : f32 from vector<1xf32>
        %mul3A_283 = vector.broadcast %squeeze3A_282 : f32 to vector<16xf32>
        %mul3A_284 = arith.mulf %get3A_280, %mul3A_283 : vector<16xf32>
        %swap3A_285 = arith.index_cast %add3A_240 : i32 to index
        %swap3A_286 = arith.constant 16 : index
        %swap3A_287 = tpu.vector_load %arg13[%swap3A_285, %swap3A_286] {strides = array<i32>} : memref<160x128xf32, #tpu.memory_space<vmem>>, vector<1x16xf32>,
        %swap3A_288 = vector.shape_cast %swap3A_287 : vector<1x16xf32> to vector<16xf32>
        %swap3A_289 = vector.shape_cast %mul3A_284 : vector<16xf32> to vector<1x16xf32>
        tpu.vector_store %arg13[%swap3A_285, %swap3A_286], %swap3A_289 {strides = array<i32>} : memref<160x128xf32, #tpu.memory_space<vmem>>, vector<1x16xf32>,
        %get3A_290 = arith.index_cast %add3A_240 : i32 to index
        %get3A_291 = arith.constant 32 : index
        %get3A_292 = tpu.vector_load %arg11[%get3A_290, %get3A_291] {strides = array<i32>} : memref<160x256xf32, #tpu.memory_space<vmem>>, vector<1x16xf32>,
        %get3A_293 = vector.shape_cast %get3A_292 : vector<1x16xf32> to vector<16xf32>
        %slice3A_294 = vector.extract_strided_slice %exp3A_258 {offsets = [2], sizes = [1], strides = [1]} : vector<16xf32> to vector<1xf32>
        %squeeze3A_295 = vector.extract %slice3A_294[0] : f32 from vector<1xf32>
        %mul3A_296 = vector.broadcast %squeeze3A_295 : f32 to vector<16xf32>
        %mul3A_297 = arith.mulf %get3A_293, %mul3A_296 : vector<16xf32>
        %swap3A_298 = arith.index_cast %add3A_240 : i32 to index
        %swap3A_299 = arith.constant 32 : index
        %swap3A_300 = tpu.vector_load %arg13[%swap3A_298, %swap3A_299] {strides = array<i32>} : memref<160x128xf32, #tpu.memory_space<vmem>>, vector<1x16xf32>,
        %swap3A_301 = vector.shape_cast %swap3A_300 : vector<1x16xf32> to vector<16xf32>
        %swap3A_302 = vector.shape_cast %mul3A_297 : vector<16xf32> to vector<1x16xf32>
        tpu.vector_store %arg13[%swap3A_298, %swap3A_299], %swap3A_302 {strides = array<i32>} : memref<160x128xf32, #tpu.memory_space<vmem>>, vector<1x16xf32>,
        %get3A_303 = arith.index_cast %add3A_240 : i32 to index
        %get3A_304 = arith.constant 48 : index
        %get3A_305 = tpu.vector_load %arg11[%get3A_303, %get3A_304] {strides = array<i32>} : memref<160x256xf32, #tpu.memory_space<vmem>>, vector<1x16xf32>,
        %get3A_306 = vector.shape_cast %get3A_305 : vector<1x16xf32> to vector<16xf32>
        %slice3A_307 = vector.extract_strided_slice %exp3A_258 {offsets = [3], sizes = [1], strides = [1]} : vector<16xf32> to vector<1xf32>
        %squeeze3A_308 = vector.extract %slice3A_307[0] : f32 from vector<1xf32>
        %mul3A_309 = vector.broadcast %squeeze3A_308 : f32 to vector<16xf32>
        %mul3A_310 = arith.mulf %get3A_306, %mul3A_309 : vector<16xf32>
        %swap3A_311 = arith.index_cast %add3A_240 : i32 to index
        %swap3A_312 = arith.constant 48 : index
        %swap3A_313 = tpu.vector_load %arg13[%swap3A_311, %swap3A_312] {strides = array<i32>} : memref<160x128xf32, #tpu.memory_space<vmem>>, vector<1x16xf32>,
        %swap3A_314 = vector.shape_cast %swap3A_313 : vector<1x16xf32> to vector<16xf32>
        %swap3A_315 = vector.shape_cast %mul3A_310 : vector<16xf32> to vector<1x16xf32>
        tpu.vector_store %arg13[%swap3A_311, %swap3A_312], %swap3A_315 {strides = array<i32>} : memref<160x128xf32, #tpu.memory_space<vmem>>, vector<1x16xf32>,
        %get3A_316 = arith.index_cast %add3A_240 : i32 to index
        %get3A_317 = arith.constant 64 : index
        %get3A_318 = tpu.vector_load %arg11[%get3A_316, %get3A_317] {strides = array<i32>} : memref<160x256xf32, #tpu.memory_space<vmem>>, vector<1x16xf32>,
        %get3A_319 = vector.shape_cast %get3A_318 : vector<1x16xf32> to vector<16xf32>
        %slice3A_320 = vector.extract_strided_slice %exp3A_258 {offsets = [4], sizes = [1], strides = [1]} : vector<16xf32> to vector<1xf32>
        %squeeze3A_321 = vector.extract %slice3A_320[0] : f32 from vector<1xf32>
        %mul3A_322 = vector.broadcast %squeeze3A_321 : f32 to vector<16xf32>
        %mul3A_323 = arith.mulf %get3A_319, %mul3A_322 : vector<16xf32>
        %swap3A_324 = arith.index_cast %add3A_240 : i32 to index
        %swap3A_325 = arith.constant 64 : index
        %swap3A_326 = tpu.vector_load %arg13[%swap3A_324, %swap3A_325] {strides = array<i32>} : memref<160x128xf32, #tpu.memory_space<vmem>>, vector<1x16xf32>,
        %swap3A_327 = vector.shape_cast %swap3A_326 : vector<1x16xf32> to vector<16xf32>
        %swap3A_328 = vector.shape_cast %mul3A_323 : vector<16xf32> to vector<1x16xf32>
        tpu.vector_store %arg13[%swap3A_324, %swap3A_325], %swap3A_328 {strides = array<i32>} : memref<160x128xf32, #tpu.memory_space<vmem>>, vector<1x16xf32>,
        %get3A_329 = arith.index_cast %add3A_240 : i32 to index
        %get3A_330 = arith.constant 80 : index
        %get3A_331 = tpu.vector_load %arg11[%get3A_329, %get3A_330] {strides = array<i32>} : memref<160x256xf32, #tpu.memory_space<vmem>>, vector<1x16xf32>,
        %get3A_332 = vector.shape_cast %get3A_331 : vector<1x16xf32> to vector<16xf32>
        %slice3A_333 = vector.extract_strided_slice %exp3A_258 {offsets = [5], sizes = [1], strides = [1]} : vector<16xf32> to vector<1xf32>
        %squeeze3A_334 = vector.extract %slice3A_333[0] : f32 from vector<1xf32>
        %mul3A_335 = vector.broadcast %squeeze3A_334 : f32 to vector<16xf32>
        %mul3A_336 = arith.mulf %get3A_332, %mul3A_335 : vector<16xf32>
        %swap3A_337 = arith.index_cast %add3A_240 : i32 to index
        %swap3A_338 = arith.constant 80 : index
        %swap3A_339 = tpu.vector_load %arg13[%swap3A_337, %swap3A_338] {strides = array<i32>} : memref<160x128xf32, #tpu.memory_space<vmem>>, vector<1x16xf32>,
        %swap3A_340 = vector.shape_cast %swap3A_339 : vector<1x16xf32> to vector<16xf32>
        %swap3A_341 = vector.shape_cast %mul3A_336 : vector<16xf32> to vector<1x16xf32>
        tpu.vector_store %arg13[%swap3A_337, %swap3A_338], %swap3A_341 {strides = array<i32>} : memref<160x128xf32, #tpu.memory_space<vmem>>, vector<1x16xf32>,
        %get3A_342 = arith.index_cast %add3A_240 : i32 to index
        %get3A_343 = arith.constant 96 : index
        %get3A_344 = tpu.vector_load %arg11[%get3A_342, %get3A_343] {strides = array<i32>} : memref<160x256xf32, #tpu.memory_space<vmem>>, vector<1x16xf32>,
        %get3A_345 = vector.shape_cast %get3A_344 : vector<1x16xf32> to vector<16xf32>
        %slice3A_346 = vector.extract_strided_slice %exp3A_258 {offsets = [6], sizes = [1], strides = [1]} : vector<16xf32> to vector<1xf32>
        %squeeze3A_347 = vector.extract %slice3A_346[0] : f32 from vector<1xf32>
        %mul3A_348 = vector.broadcast %squeeze3A_347 : f32 to vector<16xf32>
        %mul3A_349 = arith.mulf %get3A_345, %mul3A_348 : vector<16xf32>
        %swap3A_350 = arith.index_cast %add3A_240 : i32 to index
        %swap3A_351 = arith.constant 96 : index
        %swap3A_352 = tpu.vector_load %arg13[%swap3A_350, %swap3A_351] {strides = array<i32>} : memref<160x128xf32, #tpu.memory_space<vmem>>, vector<1x16xf32>,
        %swap3A_353 = vector.shape_cast %swap3A_352 : vector<1x16xf32> to vector<16xf32>
        %swap3A_354 = vector.shape_cast %mul3A_349 : vector<16xf32> to vector<1x16xf32>
        tpu.vector_store %arg13[%swap3A_350, %swap3A_351], %swap3A_354 {strides = array<i32>} : memref<160x128xf32, #tpu.memory_space<vmem>>, vector<1x16xf32>,
        %get3A_355 = arith.index_cast %add3A_240 : i32 to index
        %get3A_356 = arith.constant 112 : index
        %get3A_357 = tpu.vector_load %arg11[%get3A_355, %get3A_356] {strides = array<i32>} : memref<160x256xf32, #tpu.memory_space<vmem>>, vector<1x16xf32>,
        %get3A_358 = vector.shape_cast %get3A_357 : vector<1x16xf32> to vector<16xf32>
        %slice3A_359 = vector.extract_strided_slice %exp3A_258 {offsets = [7], sizes = [1], strides = [1]} : vector<16xf32> to vector<1xf32>
        %squeeze3A_360 = vector.extract %slice3A_359[0] : f32 from vector<1xf32>
        %mul3A_361 = vector.broadcast %squeeze3A_360 : f32 to vector<16xf32>
        %mul3A_362 = arith.mulf %get3A_358, %mul3A_361 : vector<16xf32>
        %swap3A_363 = arith.index_cast %add3A_240 : i32 to index
        %swap3A_364 = arith.constant 112 : index
        %swap3A_365 = tpu.vector_load %arg13[%swap3A_363, %swap3A_364] {strides = array<i32>} : memref<160x128xf32, #tpu.memory_space<vmem>>, vector<1x16xf32>,
        %swap3A_366 = vector.shape_cast %swap3A_365 : vector<1x16xf32> to vector<16xf32>
        %swap3A_367 = vector.shape_cast %mul3A_362 : vector<16xf32> to vector<1x16xf32>
        tpu.vector_store %arg13[%swap3A_363, %swap3A_364], %swap3A_367 {strides = array<i32>} : memref<160x128xf32, #tpu.memory_space<vmem>>, vector<1x16xf32>,
        %scan3A_368 = arith.constant 2 : i32
        %scan3A_369 = arith.addi %scan3A_111, %scan3A_368 : i32
        %mul3A_370 = arith.constant 80 : i32
        %mul3A_371 = arith.muli %rem3A_54, %mul3A_370 : i32
        %add3A_372 = arith.addi %mul3A_371, %scan3A_369 : i32
        %get3A_373 = arith.index_cast %add3A_372 : i32 to index
        %get3A_374 = arith.constant 128 : index
        %get3A_375 = tpu.vector_load %arg11[%get3A_373, %get3A_374] {strides = array<i32>} : memref<160x256xf32, #tpu.memory_space<vmem>>, vector<1x16xf32>,
        %get3A_376 = vector.shape_cast %get3A_375 : vector<1x16xf32> to vector<16xf32>
        %get3A_377 = arith.index_cast %add3A_372 : i32 to index
        %get3A_378 = arith.constant 0 : index
        %get3A_379 = tpu.vector_load %arg12[%get3A_377, %get3A_378] {strides = array<i32>} : memref<160x128xf32, #tpu.memory_space<vmem>>, vector<1x16xf32>,
        %get3A_380 = vector.shape_cast %get3A_379 : vector<1x16xf32> to vector<16xf32>
        %add3A_381 = arith.addf %get3A_376, %get3A_380 : vector<16xf32>
        %gt3A_382 = arith.constant 0.000000e+00 : f32
        %gt3A_383 = vector.broadcast %gt3A_382 : f32 to vector<16xf32>
        %gt3A_384 = arith.cmpf ogt, %add3A_381, %gt3A_383 : vector<16xf32>
        %mul3A_385 = arith.constant 2.000000e-01 : f32
        %mul3A_386 = vector.broadcast %mul3A_385 : f32 to vector<16xf32>
        %mul3A_387 = arith.mulf %mul3A_386, %add3A_381 : vector<16xf32>
        %select_n3A_388 = arith.select %gt3A_384, %add3A_381, %mul3A_387 : vector<16xi1>, vector<16xf32>
        %sub3A_389 = arith.subf %select_n3A_388, %get3A_6 : vector<16xf32>
        %exp3A_390 = math.exp %sub3A_389 : vector<16xf32>
        %swap3A_391 = arith.index_cast %add3A_372 : i32 to index
        %swap3A_392 = arith.constant 0 : index
        %swap3A_393 = tpu.vector_load %arg14[%swap3A_391, %swap3A_392] {strides = array<i32>} : memref<160x16xf32, #tpu.memory_space<vmem>>, vector<1x16xf32>,
        %swap3A_394 = vector.shape_cast %swap3A_393 : vector<1x16xf32> to vector<16xf32>
        %swap3A_395 = vector.shape_cast %exp3A_390 : vector<16xf32> to vector<1x16xf32>
        tpu.vector_store %arg14[%swap3A_391, %swap3A_392], %swap3A_395 {strides = array<i32>} : memref<160x16xf32, #tpu.memory_space<vmem>>, vector<1x16xf32>,
        %get3A_396 = arith.index_cast %add3A_372 : i32 to index
        %get3A_397 = arith.constant 0 : index
        %get3A_398 = tpu.vector_load %arg11[%get3A_396, %get3A_397] {strides = array<i32>} : memref<160x256xf32, #tpu.memory_space<vmem>>, vector<1x16xf32>,
        %get3A_399 = vector.shape_cast %get3A_398 : vector<1x16xf32> to vector<16xf32>
        %slice3A_400 = vector.extract_strided_slice %exp3A_390 {offsets = [0], sizes = [1], strides = [1]} : vector<16xf32> to vector<1xf32>
        %squeeze3A_401 = vector.extract %slice3A_400[0] : f32 from vector<1xf32>
        %mul3A_402 = vector.broadcast %squeeze3A_401 : f32 to vector<16xf32>
        %mul3A_403 = arith.mulf %get3A_399, %mul3A_402 : vector<16xf32>
        %swap3A_404 = arith.index_cast %add3A_372 : i32 to index
        %swap3A_405 = arith.constant 0 : index
        %swap3A_406 = tpu.vector_load %arg13[%swap3A_404, %swap3A_405] {strides = array<i32>} : memref<160x128xf32, #tpu.memory_space<vmem>>, vector<1x16xf32>,
        %swap3A_407 = vector.shape_cast %swap3A_406 : vector<1x16xf32> to vector<16xf32>
        %swap3A_408 = vector.shape_cast %mul3A_403 : vector<16xf32> to vector<1x16xf32>
        tpu.vector_store %arg13[%swap3A_404, %swap3A_405], %swap3A_408 {strides = array<i32>} : memref<160x128xf32, #tpu.memory_space<vmem>>, vector<1x16xf32>,
        %get3A_409 = arith.index_cast %add3A_372 : i32 to index
        %get3A_410 = arith.constant 16 : index
        %get3A_411 = tpu.vector_load %arg11[%get3A_409, %get3A_410] {strides = array<i32>} : memref<160x256xf32, #tpu.memory_space<vmem>>, vector<1x16xf32>,
        %get3A_412 = vector.shape_cast %get3A_411 : vector<1x16xf32> to vector<16xf32>
        %slice3A_413 = vector.extract_strided_slice %exp3A_390 {offsets = [1], sizes = [1], strides = [1]} : vector<16xf32> to vector<1xf32>
        %squeeze3A_414 = vector.extract %slice3A_413[0] : f32 from vector<1xf32>
        %mul3A_415 = vector.broadcast %squeeze3A_414 : f32 to vector<16xf32>
        %mul3A_416 = arith.mulf %get3A_412, %mul3A_415 : vector<16xf32>
        %swap3A_417 = arith.index_cast %add3A_372 : i32 to index
        %swap3A_418 = arith.constant 16 : index
        %swap3A_419 = tpu.vector_load %arg13[%swap3A_417, %swap3A_418] {strides = array<i32>} : memref<160x128xf32, #tpu.memory_space<vmem>>, vector<1x16xf32>,
        %swap3A_420 = vector.shape_cast %swap3A_419 : vector<1x16xf32> to vector<16xf32>
        %swap3A_421 = vector.shape_cast %mul3A_416 : vector<16xf32> to vector<1x16xf32>
        tpu.vector_store %arg13[%swap3A_417, %swap3A_418], %swap3A_421 {strides = array<i32>} : memref<160x128xf32, #tpu.memory_space<vmem>>, vector<1x16xf32>,
        %get3A_422 = arith.index_cast %add3A_372 : i32 to index
        %get3A_423 = arith.constant 32 : index
        %get3A_424 = tpu.vector_load %arg11[%get3A_422, %get3A_423] {strides = array<i32>} : memref<160x256xf32, #tpu.memory_space<vmem>>, vector<1x16xf32>,
        %get3A_425 = vector.shape_cast %get3A_424 : vector<1x16xf32> to vector<16xf32>
        %slice3A_426 = vector.extract_strided_slice %exp3A_390 {offsets = [2], sizes = [1], strides = [1]} : vector<16xf32> to vector<1xf32>
        %squeeze3A_427 = vector.extract %slice3A_426[0] : f32 from vector<1xf32>
        %mul3A_428 = vector.broadcast %squeeze3A_427 : f32 to vector<16xf32>
        %mul3A_429 = arith.mulf %get3A_425, %mul3A_428 : vector<16xf32>
        %swap3A_430 = arith.index_cast %add3A_372 : i32 to index
        %swap3A_431 = arith.constant 32 : index
        %swap3A_432 = tpu.vector_load %arg13[%swap3A_430, %swap3A_431] {strides = array<i32>} : memref<160x128xf32, #tpu.memory_space<vmem>>, vector<1x16xf32>,
        %swap3A_433 = vector.shape_cast %swap3A_432 : vector<1x16xf32> to vector<16xf32>
        %swap3A_434 = vector.shape_cast %mul3A_429 : vector<16xf32> to vector<1x16xf32>
        tpu.vector_store %arg13[%swap3A_430, %swap3A_431], %swap3A_434 {strides = array<i32>} : memref<160x128xf32, #tpu.memory_space<vmem>>, vector<1x16xf32>,
        %get3A_435 = arith.index_cast %add3A_372 : i32 to index
        %get3A_436 = arith.constant 48 : index
        %get3A_437 = tpu.vector_load %arg11[%get3A_435, %get3A_436] {strides = array<i32>} : memref<160x256xf32, #tpu.memory_space<vmem>>, vector<1x16xf32>,
        %get3A_438 = vector.shape_cast %get3A_437 : vector<1x16xf32> to vector<16xf32>
        %slice3A_439 = vector.extract_strided_slice %exp3A_390 {offsets = [3], sizes = [1], strides = [1]} : vector<16xf32> to vector<1xf32>
        %squeeze3A_440 = vector.extract %slice3A_439[0] : f32 from vector<1xf32>
        %mul3A_441 = vector.broadcast %squeeze3A_440 : f32 to vector<16xf32>
        %mul3A_442 = arith.mulf %get3A_438, %mul3A_441 : vector<16xf32>
        %swap3A_443 = arith.index_cast %add3A_372 : i32 to index
        %swap3A_444 = arith.constant 48 : index
        %swap3A_445 = tpu.vector_load %arg13[%swap3A_443, %swap3A_444] {strides = array<i32>} : memref<160x128xf32, #tpu.memory_space<vmem>>, vector<1x16xf32>,
        %swap3A_446 = vector.shape_cast %swap3A_445 : vector<1x16xf32> to vector<16xf32>
        %swap3A_447 = vector.shape_cast %mul3A_442 : vector<16xf32> to vector<1x16xf32>
        tpu.vector_store %arg13[%swap3A_443, %swap3A_444], %swap3A_447 {strides = array<i32>} : memref<160x128xf32, #tpu.memory_space<vmem>>, vector<1x16xf32>,
        %get3A_448 = arith.index_cast %add3A_372 : i32 to index
        %get3A_449 = arith.constant 64 : index
        %get3A_450 = tpu.vector_load %arg11[%get3A_448, %get3A_449] {strides = array<i32>} : memref<160x256xf32, #tpu.memory_space<vmem>>, vector<1x16xf32>,
        %get3A_451 = vector.shape_cast %get3A_450 : vector<1x16xf32> to vector<16xf32>
        %slice3A_452 = vector.extract_strided_slice %exp3A_390 {offsets = [4], sizes = [1], strides = [1]} : vector<16xf32> to vector<1xf32>
        %squeeze3A_453 = vector.extract %slice3A_452[0] : f32 from vector<1xf32>
        %mul3A_454 = vector.broadcast %squeeze3A_453 : f32 to vector<16xf32>
        %mul3A_455 = arith.mulf %get3A_451, %mul3A_454 : vector<16xf32>
        %swap3A_456 = arith.index_cast %add3A_372 : i32 to index
        %swap3A_457 = arith.constant 64 : index
        %swap3A_458 = tpu.vector_load %arg13[%swap3A_456, %swap3A_457] {strides = array<i32>} : memref<160x128xf32, #tpu.memory_space<vmem>>, vector<1x16xf32>,
        %swap3A_459 = vector.shape_cast %swap3A_458 : vector<1x16xf32> to vector<16xf32>
        %swap3A_460 = vector.shape_cast %mul3A_455 : vector<16xf32> to vector<1x16xf32>
        tpu.vector_store %arg13[%swap3A_456, %swap3A_457], %swap3A_460 {strides = array<i32>} : memref<160x128xf32, #tpu.memory_space<vmem>>, vector<1x16xf32>,
        %get3A_461 = arith.index_cast %add3A_372 : i32 to index
        %get3A_462 = arith.constant 80 : index
        %get3A_463 = tpu.vector_load %arg11[%get3A_461, %get3A_462] {strides = array<i32>} : memref<160x256xf32, #tpu.memory_space<vmem>>, vector<1x16xf32>,
        %get3A_464 = vector.shape_cast %get3A_463 : vector<1x16xf32> to vector<16xf32>
        %slice3A_465 = vector.extract_strided_slice %exp3A_390 {offsets = [5], sizes = [1], strides = [1]} : vector<16xf32> to vector<1xf32>
        %squeeze3A_466 = vector.extract %slice3A_465[0] : f32 from vector<1xf32>
        %mul3A_467 = vector.broadcast %squeeze3A_466 : f32 to vector<16xf32>
        %mul3A_468 = arith.mulf %get3A_464, %mul3A_467 : vector<16xf32>
        %swap3A_469 = arith.index_cast %add3A_372 : i32 to index
        %swap3A_470 = arith.constant 80 : index
        %swap3A_471 = tpu.vector_load %arg13[%swap3A_469, %swap3A_470] {strides = array<i32>} : memref<160x128xf32, #tpu.memory_space<vmem>>, vector<1x16xf32>,
        %swap3A_472 = vector.shape_cast %swap3A_471 : vector<1x16xf32> to vector<16xf32>
        %swap3A_473 = vector.shape_cast %mul3A_468 : vector<16xf32> to vector<1x16xf32>
        tpu.vector_store %arg13[%swap3A_469, %swap3A_470], %swap3A_473 {strides = array<i32>} : memref<160x128xf32, #tpu.memory_space<vmem>>, vector<1x16xf32>,
        %get3A_474 = arith.index_cast %add3A_372 : i32 to index
        %get3A_475 = arith.constant 96 : index
        %get3A_476 = tpu.vector_load %arg11[%get3A_474, %get3A_475] {strides = array<i32>} : memref<160x256xf32, #tpu.memory_space<vmem>>, vector<1x16xf32>,
        %get3A_477 = vector.shape_cast %get3A_476 : vector<1x16xf32> to vector<16xf32>
        %slice3A_478 = vector.extract_strided_slice %exp3A_390 {offsets = [6], sizes = [1], strides = [1]} : vector<16xf32> to vector<1xf32>
        %squeeze3A_479 = vector.extract %slice3A_478[0] : f32 from vector<1xf32>
        %mul3A_480 = vector.broadcast %squeeze3A_479 : f32 to vector<16xf32>
        %mul3A_481 = arith.mulf %get3A_477, %mul3A_480 : vector<16xf32>
        %swap3A_482 = arith.index_cast %add3A_372 : i32 to index
        %swap3A_483 = arith.constant 96 : index
        %swap3A_484 = tpu.vector_load %arg13[%swap3A_482, %swap3A_483] {strides = array<i32>} : memref<160x128xf32, #tpu.memory_space<vmem>>, vector<1x16xf32>,
        %swap3A_485 = vector.shape_cast %swap3A_484 : vector<1x16xf32> to vector<16xf32>
        %swap3A_486 = vector.shape_cast %mul3A_481 : vector<16xf32> to vector<1x16xf32>
        tpu.vector_store %arg13[%swap3A_482, %swap3A_483], %swap3A_486 {strides = array<i32>} : memref<160x128xf32, #tpu.memory_space<vmem>>, vector<1x16xf32>,
        %get3A_487 = arith.index_cast %add3A_372 : i32 to index
        %get3A_488 = arith.constant 112 : index
        %get3A_489 = tpu.vector_load %arg11[%get3A_487, %get3A_488] {strides = array<i32>} : memref<160x256xf32, #tpu.memory_space<vmem>>, vector<1x16xf32>,
        %get3A_490 = vector.shape_cast %get3A_489 : vector<1x16xf32> to vector<16xf32>
        %slice3A_491 = vector.extract_strided_slice %exp3A_390 {offsets = [7], sizes = [1], strides = [1]} : vector<16xf32> to vector<1xf32>
        %squeeze3A_492 = vector.extract %slice3A_491[0] : f32 from vector<1xf32>
        %mul3A_493 = vector.broadcast %squeeze3A_492 : f32 to vector<16xf32>
        %mul3A_494 = arith.mulf %get3A_490, %mul3A_493 : vector<16xf32>
        %swap3A_495 = arith.index_cast %add3A_372 : i32 to index
        %swap3A_496 = arith.constant 112 : index
        %swap3A_497 = tpu.vector_load %arg13[%swap3A_495, %swap3A_496] {strides = array<i32>} : memref<160x128xf32, #tpu.memory_space<vmem>>, vector<1x16xf32>,
        %swap3A_498 = vector.shape_cast %swap3A_497 : vector<1x16xf32> to vector<16xf32>
        %swap3A_499 = vector.shape_cast %mul3A_494 : vector<16xf32> to vector<1x16xf32>
        tpu.vector_store %arg13[%swap3A_495, %swap3A_496], %swap3A_499 {strides = array<i32>} : memref<160x128xf32, #tpu.memory_space<vmem>>, vector<1x16xf32>,
        %scan3A_500 = arith.constant 3 : i32
        %scan3A_501 = arith.addi %scan3A_111, %scan3A_500 : i32
        %mul3A_502 = arith.constant 80 : i32
        %mul3A_503 = arith.muli %rem3A_54, %mul3A_502 : i32
        %add3A_504 = arith.addi %mul3A_503, %scan3A_501 : i32
        %get3A_505 = arith.index_cast %add3A_504 : i32 to index
        %get3A_506 = arith.constant 128 : index
        %get3A_507 = tpu.vector_load %arg11[%get3A_505, %get3A_506] {strides = array<i32>} : memref<160x256xf32, #tpu.memory_space<vmem>>, vector<1x16xf32>,
        %get3A_508 = vector.shape_cast %get3A_507 : vector<1x16xf32> to vector<16xf32>
        %get3A_509 = arith.index_cast %add3A_504 : i32 to index
        %get3A_510 = arith.constant 0 : index
        %get3A_511 = tpu.vector_load %arg12[%get3A_509, %get3A_510] {strides = array<i32>} : memref<160x128xf32, #tpu.memory_space<vmem>>, vector<1x16xf32>,
        %get3A_512 = vector.shape_cast %get3A_511 : vector<1x16xf32> to vector<16xf32>
        %add3A_513 = arith.addf %get3A_508, %get3A_512 : vector<16xf32>
        %gt3A_514 = arith.constant 0.000000e+00 : f32
        %gt3A_515 = vector.broadcast %gt3A_514 : f32 to vector<16xf32>
        %gt3A_516 = arith.cmpf ogt, %add3A_513, %gt3A_515 : vector<16xf32>
        %mul3A_517 = arith.constant 2.000000e-01 : f32
        %mul3A_518 = vector.broadcast %mul3A_517 : f32 to vector<16xf32>
        %mul3A_519 = arith.mulf %mul3A_518, %add3A_513 : vector<16xf32>
        %select_n3A_520 = arith.select %gt3A_516, %add3A_513, %mul3A_519 : vector<16xi1>, vector<16xf32>
        %sub3A_521 = arith.subf %select_n3A_520, %get3A_6 : vector<16xf32>
        %exp3A_522 = math.exp %sub3A_521 : vector<16xf32>
        %swap3A_523 = arith.index_cast %add3A_504 : i32 to index
        %swap3A_524 = arith.constant 0 : index
        %swap3A_525 = tpu.vector_load %arg14[%swap3A_523, %swap3A_524] {strides = array<i32>} : memref<160x16xf32, #tpu.memory_space<vmem>>, vector<1x16xf32>,
        %swap3A_526 = vector.shape_cast %swap3A_525 : vector<1x16xf32> to vector<16xf32>
        %swap3A_527 = vector.shape_cast %exp3A_522 : vector<16xf32> to vector<1x16xf32>
        tpu.vector_store %arg14[%swap3A_523, %swap3A_524], %swap3A_527 {strides = array<i32>} : memref<160x16xf32, #tpu.memory_space<vmem>>, vector<1x16xf32>,
        %get3A_528 = arith.index_cast %add3A_504 : i32 to index
        %get3A_529 = arith.constant 0 : index
        %get3A_530 = tpu.vector_load %arg11[%get3A_528, %get3A_529] {strides = array<i32>} : memref<160x256xf32, #tpu.memory_space<vmem>>, vector<1x16xf32>,
        %get3A_531 = vector.shape_cast %get3A_530 : vector<1x16xf32> to vector<16xf32>
        %slice3A_532 = vector.extract_strided_slice %exp3A_522 {offsets = [0], sizes = [1], strides = [1]} : vector<16xf32> to vector<1xf32>
        %squeeze3A_533 = vector.extract %slice3A_532[0] : f32 from vector<1xf32>
        %mul3A_534 = vector.broadcast %squeeze3A_533 : f32 to vector<16xf32>
        %mul3A_535 = arith.mulf %get3A_531, %mul3A_534 : vector<16xf32>
        %swap3A_536 = arith.index_cast %add3A_504 : i32 to index
        %swap3A_537 = arith.constant 0 : index
        %swap3A_538 = tpu.vector_load %arg13[%swap3A_536, %swap3A_537] {strides = array<i32>} : memref<160x128xf32, #tpu.memory_space<vmem>>, vector<1x16xf32>,
        %swap3A_539 = vector.shape_cast %swap3A_538 : vector<1x16xf32> to vector<16xf32>
        %swap3A_540 = vector.shape_cast %mul3A_535 : vector<16xf32> to vector<1x16xf32>
        tpu.vector_store %arg13[%swap3A_536, %swap3A_537], %swap3A_540 {strides = array<i32>} : memref<160x128xf32, #tpu.memory_space<vmem>>, vector<1x16xf32>,
        %get3A_541 = arith.index_cast %add3A_504 : i32 to index
        %get3A_542 = arith.constant 16 : index
        %get3A_543 = tpu.vector_load %arg11[%get3A_541, %get3A_542] {strides = array<i32>} : memref<160x256xf32, #tpu.memory_space<vmem>>, vector<1x16xf32>,
        %get3A_544 = vector.shape_cast %get3A_543 : vector<1x16xf32> to vector<16xf32>
        %slice3A_545 = vector.extract_strided_slice %exp3A_522 {offsets = [1], sizes = [1], strides = [1]} : vector<16xf32> to vector<1xf32>
        %squeeze3A_546 = vector.extract %slice3A_545[0] : f32 from vector<1xf32>
        %mul3A_547 = vector.broadcast %squeeze3A_546 : f32 to vector<16xf32>
        %mul3A_548 = arith.mulf %get3A_544, %mul3A_547 : vector<16xf32>
        %swap3A_549 = arith.index_cast %add3A_504 : i32 to index
        %swap3A_550 = arith.constant 16 : index
        %swap3A_551 = tpu.vector_load %arg13[%swap3A_549, %swap3A_550] {strides = array<i32>} : memref<160x128xf32, #tpu.memory_space<vmem>>, vector<1x16xf32>,
        %swap3A_552 = vector.shape_cast %swap3A_551 : vector<1x16xf32> to vector<16xf32>
        %swap3A_553 = vector.shape_cast %mul3A_548 : vector<16xf32> to vector<1x16xf32>
        tpu.vector_store %arg13[%swap3A_549, %swap3A_550], %swap3A_553 {strides = array<i32>} : memref<160x128xf32, #tpu.memory_space<vmem>>, vector<1x16xf32>,
        %get3A_554 = arith.index_cast %add3A_504 : i32 to index
        %get3A_555 = arith.constant 32 : index
        %get3A_556 = tpu.vector_load %arg11[%get3A_554, %get3A_555] {strides = array<i32>} : memref<160x256xf32, #tpu.memory_space<vmem>>, vector<1x16xf32>,
        %get3A_557 = vector.shape_cast %get3A_556 : vector<1x16xf32> to vector<16xf32>
        %slice3A_558 = vector.extract_strided_slice %exp3A_522 {offsets = [2], sizes = [1], strides = [1]} : vector<16xf32> to vector<1xf32>
        %squeeze3A_559 = vector.extract %slice3A_558[0] : f32 from vector<1xf32>
        %mul3A_560 = vector.broadcast %squeeze3A_559 : f32 to vector<16xf32>
        %mul3A_561 = arith.mulf %get3A_557, %mul3A_560 : vector<16xf32>
        %swap3A_562 = arith.index_cast %add3A_504 : i32 to index
        %swap3A_563 = arith.constant 32 : index
        %swap3A_564 = tpu.vector_load %arg13[%swap3A_562, %swap3A_563] {strides = array<i32>} : memref<160x128xf32, #tpu.memory_space<vmem>>, vector<1x16xf32>,
        %swap3A_565 = vector.shape_cast %swap3A_564 : vector<1x16xf32> to vector<16xf32>
        %swap3A_566 = vector.shape_cast %mul3A_561 : vector<16xf32> to vector<1x16xf32>
        tpu.vector_store %arg13[%swap3A_562, %swap3A_563], %swap3A_566 {strides = array<i32>} : memref<160x128xf32, #tpu.memory_space<vmem>>, vector<1x16xf32>,
        %get3A_567 = arith.index_cast %add3A_504 : i32 to index
        %get3A_568 = arith.constant 48 : index
        %get3A_569 = tpu.vector_load %arg11[%get3A_567, %get3A_568] {strides = array<i32>} : memref<160x256xf32, #tpu.memory_space<vmem>>, vector<1x16xf32>,
        %get3A_570 = vector.shape_cast %get3A_569 : vector<1x16xf32> to vector<16xf32>
        %slice3A_571 = vector.extract_strided_slice %exp3A_522 {offsets = [3], sizes = [1], strides = [1]} : vector<16xf32> to vector<1xf32>
        %squeeze3A_572 = vector.extract %slice3A_571[0] : f32 from vector<1xf32>
        %mul3A_573 = vector.broadcast %squeeze3A_572 : f32 to vector<16xf32>
        %mul3A_574 = arith.mulf %get3A_570, %mul3A_573 : vector<16xf32>
        %swap3A_575 = arith.index_cast %add3A_504 : i32 to index
        %swap3A_576 = arith.constant 48 : index
        %swap3A_577 = tpu.vector_load %arg13[%swap3A_575, %swap3A_576] {strides = array<i32>} : memref<160x128xf32, #tpu.memory_space<vmem>>, vector<1x16xf32>,
        %swap3A_578 = vector.shape_cast %swap3A_577 : vector<1x16xf32> to vector<16xf32>
        %swap3A_579 = vector.shape_cast %mul3A_574 : vector<16xf32> to vector<1x16xf32>
        tpu.vector_store %arg13[%swap3A_575, %swap3A_576], %swap3A_579 {strides = array<i32>} : memref<160x128xf32, #tpu.memory_space<vmem>>, vector<1x16xf32>,
        %get3A_580 = arith.index_cast %add3A_504 : i32 to index
        %get3A_581 = arith.constant 64 : index
        %get3A_582 = tpu.vector_load %arg11[%get3A_580, %get3A_581] {strides = array<i32>} : memref<160x256xf32, #tpu.memory_space<vmem>>, vector<1x16xf32>,
        %get3A_583 = vector.shape_cast %get3A_582 : vector<1x16xf32> to vector<16xf32>
        %slice3A_584 = vector.extract_strided_slice %exp3A_522 {offsets = [4], sizes = [1], strides = [1]} : vector<16xf32> to vector<1xf32>
        %squeeze3A_585 = vector.extract %slice3A_584[0] : f32 from vector<1xf32>
        %mul3A_586 = vector.broadcast %squeeze3A_585 : f32 to vector<16xf32>
        %mul3A_587 = arith.mulf %get3A_583, %mul3A_586 : vector<16xf32>
        %swap3A_588 = arith.index_cast %add3A_504 : i32 to index
        %swap3A_589 = arith.constant 64 : index
        %swap3A_590 = tpu.vector_load %arg13[%swap3A_588, %swap3A_589] {strides = array<i32>} : memref<160x128xf32, #tpu.memory_space<vmem>>, vector<1x16xf32>,
        %swap3A_591 = vector.shape_cast %swap3A_590 : vector<1x16xf32> to vector<16xf32>
        %swap3A_592 = vector.shape_cast %mul3A_587 : vector<16xf32> to vector<1x16xf32>
        tpu.vector_store %arg13[%swap3A_588, %swap3A_589], %swap3A_592 {strides = array<i32>} : memref<160x128xf32, #tpu.memory_space<vmem>>, vector<1x16xf32>,
        %get3A_593 = arith.index_cast %add3A_504 : i32 to index
        %get3A_594 = arith.constant 80 : index
        %get3A_595 = tpu.vector_load %arg11[%get3A_593, %get3A_594] {strides = array<i32>} : memref<160x256xf32, #tpu.memory_space<vmem>>, vector<1x16xf32>,
        %get3A_596 = vector.shape_cast %get3A_595 : vector<1x16xf32> to vector<16xf32>
        %slice3A_597 = vector.extract_strided_slice %exp3A_522 {offsets = [5], sizes = [1], strides = [1]} : vector<16xf32> to vector<1xf32>
        %squeeze3A_598 = vector.extract %slice3A_597[0] : f32 from vector<1xf32>
        %mul3A_599 = vector.broadcast %squeeze3A_598 : f32 to vector<16xf32>
        %mul3A_600 = arith.mulf %get3A_596, %mul3A_599 : vector<16xf32>
        %swap3A_601 = arith.index_cast %add3A_504 : i32 to index
        %swap3A_602 = arith.constant 80 : index
        %swap3A_603 = tpu.vector_load %arg13[%swap3A_601, %swap3A_602] {strides = array<i32>} : memref<160x128xf32, #tpu.memory_space<vmem>>, vector<1x16xf32>,
        %swap3A_604 = vector.shape_cast %swap3A_603 : vector<1x16xf32> to vector<16xf32>
        %swap3A_605 = vector.shape_cast %mul3A_600 : vector<16xf32> to vector<1x16xf32>
        tpu.vector_store %arg13[%swap3A_601, %swap3A_602], %swap3A_605 {strides = array<i32>} : memref<160x128xf32, #tpu.memory_space<vmem>>, vector<1x16xf32>,
        %get3A_606 = arith.index_cast %add3A_504 : i32 to index
        %get3A_607 = arith.constant 96 : index
        %get3A_608 = tpu.vector_load %arg11[%get3A_606, %get3A_607] {strides = array<i32>} : memref<160x256xf32, #tpu.memory_space<vmem>>, vector<1x16xf32>,
        %get3A_609 = vector.shape_cast %get3A_608 : vector<1x16xf32> to vector<16xf32>
        %slice3A_610 = vector.extract_strided_slice %exp3A_522 {offsets = [6], sizes = [1], strides = [1]} : vector<16xf32> to vector<1xf32>
        %squeeze3A_611 = vector.extract %slice3A_610[0] : f32 from vector<1xf32>
        %mul3A_612 = vector.broadcast %squeeze3A_611 : f32 to vector<16xf32>
        %mul3A_613 = arith.mulf %get3A_609, %mul3A_612 : vector<16xf32>
        %swap3A_614 = arith.index_cast %add3A_504 : i32 to index
        %swap3A_615 = arith.constant 96 : index
        %swap3A_616 = tpu.vector_load %arg13[%swap3A_614, %swap3A_615] {strides = array<i32>} : memref<160x128xf32, #tpu.memory_space<vmem>>, vector<1x16xf32>,
        %swap3A_617 = vector.shape_cast %swap3A_616 : vector<1x16xf32> to vector<16xf32>
        %swap3A_618 = vector.shape_cast %mul3A_613 : vector<16xf32> to vector<1x16xf32>
        tpu.vector_store %arg13[%swap3A_614, %swap3A_615], %swap3A_618 {strides = array<i32>} : memref<160x128xf32, #tpu.memory_space<vmem>>, vector<1x16xf32>,
        %get3A_619 = arith.index_cast %add3A_504 : i32 to index
        %get3A_620 = arith.constant 112 : index
        %get3A_621 = tpu.vector_load %arg11[%get3A_619, %get3A_620] {strides = array<i32>} : memref<160x256xf32, #tpu.memory_space<vmem>>, vector<1x16xf32>,
        %get3A_622 = vector.shape_cast %get3A_621 : vector<1x16xf32> to vector<16xf32>
        %slice3A_623 = vector.extract_strided_slice %exp3A_522 {offsets = [7], sizes = [1], strides = [1]} : vector<16xf32> to vector<1xf32>
        %squeeze3A_624 = vector.extract %slice3A_623[0] : f32 from vector<1xf32>
        %mul3A_625 = vector.broadcast %squeeze3A_624 : f32 to vector<16xf32>
        %mul3A_626 = arith.mulf %get3A_622, %mul3A_625 : vector<16xf32>
        %swap3A_627 = arith.index_cast %add3A_504 : i32 to index
        %swap3A_628 = arith.constant 112 : index
        %swap3A_629 = tpu.vector_load %arg13[%swap3A_627, %swap3A_628] {strides = array<i32>} : memref<160x128xf32, #tpu.memory_space<vmem>>, vector<1x16xf32>,
        %swap3A_630 = vector.shape_cast %swap3A_629 : vector<1x16xf32> to vector<16xf32>
        %swap3A_631 = vector.shape_cast %mul3A_626 : vector<16xf32> to vector<1x16xf32>
        tpu.vector_store %arg13[%swap3A_627, %swap3A_628], %swap3A_631 {strides = array<i32>} : memref<160x128xf32, #tpu.memory_space<vmem>>, vector<1x16xf32>,
      }
      %scan3A_87 = arith.constant 80 : i32
      %mul3A_88 = arith.constant 80 : i32
      %mul3A_89 = arith.muli %scan3A_52, %mul3A_88 : i32
      %add3A_90 = arith.addi %mul3A_8, %mul3A_89 : i32
      %mul3A_91 = arith.constant 80 : i32
      %mul3A_92 = arith.muli %rem3A_54, %mul3A_91 : i32
      %dma_start3A_93 = arith.constant 0 : i32
      %dma_start3A_94 = tpu.memref_slice %arg14[%mul3A_92, %dma_start3A_93] : memref<160x16xf32, #tpu.memory_space<vmem>> -> memref<80x16xf32, #tpu.memory_space<vmem>>
      %dma_start3A_95 = arith.constant 0 : i32
      %dma_start3A_96 = tpu.memref_slice %arg7[%add3A_90, %dma_start3A_95] : memref<320000x16xf32, #tpu.memory_space<hbm>> -> memref<80x16xf32, #tpu.memory_space<hbm>>
      %dma_start3A_97 = arith.constant 0 : i32
      %dma_start3A_98 = tpu.memref_slice %arg7[%add3A_90, %dma_start3A_97] : memref<320000x16xf32, #tpu.memory_space<hbm>> -> memref<80x16xf32, #tpu.memory_space<hbm>>
      %dma_start3A_99 = arith.constant 0 : i32
      %dma_start3A_100 = tpu.memref_slice %arg14[%mul3A_92, %dma_start3A_99] : memref<160x16xf32, #tpu.memory_space<vmem>> -> memref<80x16xf32, #tpu.memory_space<vmem>>
      tpu.enqueue_dma source(%dma_start3A_100 : memref<80x16xf32, #tpu.memory_space<vmem>>) target(%dma_start3A_98 : memref<80x16xf32, #tpu.memory_space<hbm>>) target_semaphore(%arg18 : memref<!tpu.dma_semaphore, #tpu.memory_space<semaphore_mem>>)
      %mul3A_101 = arith.constant 80 : i32
      %mul3A_102 = arith.muli %rem3A_54, %mul3A_101 : i32
      %dma_start3A_103 = arith.constant 0 : i32
      %dma_start3A_104 = tpu.memref_slice %arg13[%mul3A_102, %dma_start3A_103] : memref<160x128xf32, #tpu.memory_space<vmem>> -> memref<80x128xf32, #tpu.memory_space<vmem>>
      %dma_start3A_105 = arith.constant 0 : i32
      %dma_start3A_106 = tpu.memref_slice %arg8[%add3A_90, %dma_start3A_105] : memref<320000x128xf32, #tpu.memory_space<hbm>> -> memref<80x128xf32, #tpu.memory_space<hbm>>
      %dma_start3A_107 = arith.constant 0 : i32
      %dma_start3A_108 = tpu.memref_slice %arg8[%add3A_90, %dma_start3A_107] : memref<320000x128xf32, #tpu.memory_space<hbm>> -> memref<80x128xf32, #tpu.memory_space<hbm>>
      %dma_start3A_109 = arith.constant 0 : i32
      %dma_start3A_110 = tpu.memref_slice %arg13[%mul3A_102, %dma_start3A_109] : memref<160x128xf32, #tpu.memory_space<vmem>> -> memref<80x128xf32, #tpu.memory_space<vmem>>
      tpu.enqueue_dma source(%dma_start3A_110 : memref<80x128xf32, #tpu.memory_space<vmem>>) target(%dma_start3A_108 : memref<80x128xf32, #tpu.memory_space<hbm>>) target_semaphore(%arg17 : memref<!tpu.dma_semaphore, #tpu.memory_space<semaphore_mem>>)
    }
    %scan3A_28 = arith.constant 125 : i32
    %rem3A = arith.constant 124 : i32
    %rem3A_29 = arith.constant 2 : i32
    %rem3A_30 = arith.remsi %rem3A, %rem3A_29 : i32
    %add3A_31 = arith.constant 9920 : i32
    %add3A_32 = arith.addi %mul3A_8, %add3A_31 : i32
    %mul3A_33 = arith.constant 80 : i32
    %mul3A_34 = arith.muli %rem3A_30, %mul3A_33 : i32
    %dma_wait3A = arith.constant 0 : i32
    %dma_wait3A_35 = tpu.memref_slice %arg13[%mul3A_34, %dma_wait3A] : memref<160x128xf32, #tpu.memory_space<vmem>> -> memref<80x128xf32, #tpu.memory_space<vmem>>
    %dma_wait3A_36 = arith.constant 0 : i32
    %dma_wait3A_37 = tpu.memref_slice %arg8[%add3A_32, %dma_wait3A_36] : memref<320000x128xf32, #tpu.memory_space<hbm>> -> memref<80x128xf32, #tpu.memory_space<hbm>>
    %dma_wait3A_38 = arith.constant 0 : i32
    %dma_wait3A_39 = tpu.memref_slice %arg8[%add3A_32, %dma_wait3A_38] : memref<320000x128xf32, #tpu.memory_space<hbm>> -> memref<80x128xf32, #tpu.memory_space<hbm>>
    %dma_wait3A_40 = arith.constant 0 : i32
    %dma_wait3A_41 = tpu.memref_slice %arg13[%mul3A_34, %dma_wait3A_40] : memref<160x128xf32, #tpu.memory_space<vmem>> -> memref<80x128xf32, #tpu.memory_space<vmem>>
    tpu.wait_dma2 semaphore(%arg17 : memref<!tpu.dma_semaphore, #tpu.memory_space<semaphore_mem>>) src(%dma_wait3A_41 : memref<80x128xf32, #tpu.memory_space<vmem>>) dst(%dma_wait3A_39 : memref<80x128xf32, #tpu.memory_space<hbm>>)
    %mul3A_42 = arith.constant 80 : i32
    %mul3A_43 = arith.muli %rem3A_30, %mul3A_42 : i32
    %dma_wait3A_44 = arith.constant 0 : i32
    %dma_wait3A_45 = tpu.memref_slice %arg14[%mul3A_43, %dma_wait3A_44] : memref<160x16xf32, #tpu.memory_space<vmem>> -> memref<80x16xf32, #tpu.memory_space<vmem>>
    %dma_wait3A_46 = arith.constant 0 : i32
    %dma_wait3A_47 = tpu.memref_slice %arg7[%add3A_32, %dma_wait3A_46] : memref<320000x16xf32, #tpu.memory_space<hbm>> -> memref<80x16xf32, #tpu.memory_space<hbm>>
    %dma_wait3A_48 = arith.constant 0 : i32
    %dma_wait3A_49 = tpu.memref_slice %arg7[%add3A_32, %dma_wait3A_48] : memref<320000x16xf32, #tpu.memory_space<hbm>> -> memref<80x16xf32, #tpu.memory_space<hbm>>
    %dma_wait3A_50 = arith.constant 0 : i32
    %dma_wait3A_51 = tpu.memref_slice %arg14[%mul3A_43, %dma_wait3A_50] : memref<160x16xf32, #tpu.memory_space<vmem>> -> memref<80x16xf32, #tpu.memory_space<vmem>>
    tpu.wait_dma2 semaphore(%arg18 : memref<!tpu.dma_semaphore, #tpu.memory_space<semaphore_mem>>) src(%dma_wait3A_51 : memref<80x16xf32, #tpu.memory_space<vmem>>) dst(%dma_wait3A_49 : memref<80x16xf32, #tpu.memory_space<hbm>>)
    return
  }
}

#map = affine_map<(d0, d1) -> (0, 0)>
#map1 = affine_map<(d0, d1) -> (0)>
module attributes {stable_mosaic.version = 14 : i64} {
  func.func @k(%arg0: i32, %arg1: i32, %arg2: memref<320000x16xf32, #tpu.memory_space<hbm>>, %arg3: memref<320000xi32, #tpu.memory_space<hbm>>, %arg4: memref<10240x128xf32, #tpu.memory_space<hbm>>, %arg5: memref<20000x128xf32, #tpu.memory_space<hbm>>, %arg6: memref<40xi32, #tpu.memory_space<vmem>>, %arg7: memref<40xi32, #tpu.memory_space<vmem>>, %arg8: memref<40x16xf32, #tpu.memory_space<vmem>>, %arg9: memref<40x16xf32, #tpu.memory_space<vmem>>, %arg10: memref<40x128xf32, #tpu.memory_space<vmem>>, %arg11: memref<40x128xf32, #tpu.memory_space<vmem>>, %arg12: memref<10000x128xf32, #tpu.memory_space<vmem_shared>>, %arg13: memref<!tpu.dma_semaphore, #tpu.memory_space<semaphore_mem>>, %arg14: memref<!tpu.dma_semaphore, #tpu.memory_space<semaphore_mem>>, %arg15: memref<!tpu.dma_semaphore, #tpu.memory_space<semaphore_mem>>, %arg16: memref<!tpu.dma_semaphore, #tpu.memory_space<semaphore_mem>>) attributes {dimension_semantics = [#tpu.dimension_semantics<core_parallel>, #tpu.dimension_semantics<subcore_parallel>], iteration_bounds = array<i64: 2, 16>, scalar_prefetch = 0 : i64, scratch_operands = 11 : i64, tpu.core_type = #tpu.core_type<sc_vector_subcore>, window_params = [{transform_indices = #map}, {transform_indices = #map1}, {transform_indices = #map}, {transform_indices = #map}]} {
    %mul3A = arith.constant 2 : i32
    %mul3A_0 = arith.muli %arg1, %mul3A : i32
    %add3A = arith.addi %mul3A_0, %arg0 : i32
    %mul3A_1 = arith.constant 624 : i32
    %mul3A_2 = arith.muli %arg1, %mul3A_1 : i32
    %mul3A_3 = arith.constant 624 : i32
    %mul3A_4 = arith.muli %arg1, %mul3A_3 : i32
    "tpu.region"() ({
      %run_scoped3A = tpu.sem_alloc : memref<!tpu.dma_semaphore, #tpu.memory_space<semaphore_mem>>
      %dma_start3A = arith.constant 0 : i32
      %dma_start3A_27 = tpu.memref_slice %arg12[%mul3A_4, %dma_start3A] : memref<10000x128xf32, #tpu.memory_space<vmem_shared>> -> memref<624x128xf32, #tpu.memory_space<vmem_shared>>
      %dma_start3A_28 = arith.constant 0 : i32
      %dma_start3A_29 = tpu.memref_slice %arg4[%mul3A_2, %dma_start3A_28] : memref<10240x128xf32, #tpu.memory_space<hbm>> -> memref<624x128xf32, #tpu.memory_space<hbm>>
      tpu.enqueue_dma source(%dma_start3A_29 : memref<624x128xf32, #tpu.memory_space<hbm>>) target(%dma_start3A_27 : memref<624x128xf32, #tpu.memory_space<vmem_shared>>) target_semaphore(%run_scoped3A : memref<!tpu.dma_semaphore, #tpu.memory_space<semaphore_mem>>)
      %dma_wait3A = arith.constant 0 : i32
      %dma_wait3A_30 = tpu.memref_slice %arg12[%mul3A_4, %dma_wait3A] : memref<10000x128xf32, #tpu.memory_space<vmem_shared>> -> memref<624x128xf32, #tpu.memory_space<vmem_shared>>
      %dma_wait3A_31 = arith.constant 0 : i32
      %dma_wait3A_32 = tpu.memref_slice %arg4[%mul3A_2, %dma_wait3A_31] : memref<10240x128xf32, #tpu.memory_space<hbm>> -> memref<624x128xf32, #tpu.memory_space<hbm>>
      tpu.wait_dma2 semaphore(%run_scoped3A : memref<!tpu.dma_semaphore, #tpu.memory_space<semaphore_mem>>) src(%dma_wait3A_32 : memref<624x128xf32, #tpu.memory_space<hbm>>) dst(%dma_wait3A_30 : memref<624x128xf32, #tpu.memory_space<vmem_shared>>)
      tpu.yield
    }) : () -> ()
    %eq3A = arith.constant 15 : i32
    %eq3A_5 = arith.cmpi eq, %arg1, %eq3A : i32
    %convert_element_type3A = arith.extui %eq3A_5 : i1 to i32
    %cond3A = arith.constant 0 : i32
    %cond3A_6 = arith.cmpi ne, %convert_element_type3A, %cond3A : i32
    scf.if %cond3A_6 {
      "tpu.region"() ({
        %run_scoped3A = tpu.sem_alloc : memref<!tpu.dma_semaphore, #tpu.memory_space<semaphore_mem>>
        %dma_start3A = arith.constant 9984 : i32
        %dma_start3A_27 = arith.constant 0 : i32
        %dma_start3A_28 = tpu.memref_slice %arg12[%dma_start3A, %dma_start3A_27] : memref<10000x128xf32, #tpu.memory_space<vmem_shared>> -> memref<16x128xf32, #tpu.memory_space<vmem_shared>>
        %dma_start3A_29 = arith.constant 9984 : i32
        %dma_start3A_30 = arith.constant 0 : i32
        %dma_start3A_31 = tpu.memref_slice %arg4[%dma_start3A_29, %dma_start3A_30] : memref<10240x128xf32, #tpu.memory_space<hbm>> -> memref<16x128xf32, #tpu.memory_space<hbm>>
        tpu.enqueue_dma source(%dma_start3A_31 : memref<16x128xf32, #tpu.memory_space<hbm>>) target(%dma_start3A_28 : memref<16x128xf32, #tpu.memory_space<vmem_shared>>) target_semaphore(%run_scoped3A : memref<!tpu.dma_semaphore, #tpu.memory_space<semaphore_mem>>)
        %dma_wait3A = arith.constant 9984 : i32
        %dma_wait3A_32 = arith.constant 0 : i32
        %dma_wait3A_33 = tpu.memref_slice %arg12[%dma_wait3A, %dma_wait3A_32] : memref<10000x128xf32, #tpu.memory_space<vmem_shared>> -> memref<16x128xf32, #tpu.memory_space<vmem_shared>>
        %dma_wait3A_34 = arith.constant 9984 : i32
        %dma_wait3A_35 = arith.constant 0 : i32
        %dma_wait3A_36 = tpu.memref_slice %arg4[%dma_wait3A_34, %dma_wait3A_35] : memref<10240x128xf32, #tpu.memory_space<hbm>> -> memref<16x128xf32, #tpu.memory_space<hbm>>
        tpu.wait_dma2 semaphore(%run_scoped3A : memref<!tpu.dma_semaphore, #tpu.memory_space<semaphore_mem>>) src(%dma_wait3A_36 : memref<16x128xf32, #tpu.memory_space<hbm>>) dst(%dma_wait3A_33 : memref<16x128xf32, #tpu.memory_space<vmem_shared>>)
        tpu.yield
      }) : () -> ()
    } else {
    }
    "tpu.region"() ({
      %run_scoped3A = tpu.sem_alloc : memref<!tpu.dma_semaphore, #tpu.memory_space<semaphore_mem>>
      %dma_start3A = arith.constant 0 : i32
      %dma_start3A_27 = arith.constant 0 : i32
      %dma_start3A_28 = tpu.memref_slice %arg4[%dma_start3A, %dma_start3A_27] : memref<10240x128xf32, #tpu.memory_space<hbm>> -> memref<40x128xf32, #tpu.memory_space<hbm>>
      %dma_start3A_29 = arith.constant 0 : i32
      %dma_start3A_30 = arith.constant 0 : i32
      %dma_start3A_31 = tpu.memref_slice %arg4[%dma_start3A_29, %dma_start3A_30] : memref<10240x128xf32, #tpu.memory_space<hbm>> -> memref<40x128xf32, #tpu.memory_space<hbm>>
      tpu.enqueue_dma source(%dma_start3A_31 : memref<40x128xf32, #tpu.memory_space<hbm>>) target(%arg10 : memref<40x128xf32, #tpu.memory_space<vmem>>) target_semaphore(%run_scoped3A : memref<!tpu.dma_semaphore, #tpu.memory_space<semaphore_mem>>)
      %dma_wait3A = arith.constant 0 : i32
      %dma_wait3A_32 = arith.constant 0 : i32
      %dma_wait3A_33 = tpu.memref_slice %arg4[%dma_wait3A, %dma_wait3A_32] : memref<10240x128xf32, #tpu.memory_space<hbm>> -> memref<40x128xf32, #tpu.memory_space<hbm>>
      %dma_wait3A_34 = arith.constant 0 : i32
      %dma_wait3A_35 = arith.constant 0 : i32
      %dma_wait3A_36 = tpu.memref_slice %arg4[%dma_wait3A_34, %dma_wait3A_35] : memref<10240x128xf32, #tpu.memory_space<hbm>> -> memref<40x128xf32, #tpu.memory_space<hbm>>
      tpu.wait_dma2 semaphore(%run_scoped3A : memref<!tpu.dma_semaphore, #tpu.memory_space<semaphore_mem>>) src(%dma_wait3A_36 : memref<40x128xf32, #tpu.memory_space<hbm>>) dst(%arg10 : memref<40x128xf32, #tpu.memory_space<vmem>>)
      tpu.yield
    }) : () -> ()
    "tpu.region"() ({
      %run_scoped3A = tpu.sem_alloc : memref<!tpu.dma_semaphore, #tpu.memory_space<semaphore_mem>>
      %dma_start3A = arith.constant 0 : i32
      %dma_start3A_27 = arith.constant 0 : i32
      %dma_start3A_28 = tpu.memref_slice %arg4[%dma_start3A, %dma_start3A_27] : memref<10240x128xf32, #tpu.memory_space<hbm>> -> memref<40x128xf32, #tpu.memory_space<hbm>>
      %dma_start3A_29 = arith.constant 0 : i32
      %dma_start3A_30 = arith.constant 0 : i32
      %dma_start3A_31 = tpu.memref_slice %arg4[%dma_start3A_29, %dma_start3A_30] : memref<10240x128xf32, #tpu.memory_space<hbm>> -> memref<40x128xf32, #tpu.memory_space<hbm>>
      tpu.enqueue_dma source(%dma_start3A_31 : memref<40x128xf32, #tpu.memory_space<hbm>>) target(%arg11 : memref<40x128xf32, #tpu.memory_space<vmem>>) target_semaphore(%run_scoped3A : memref<!tpu.dma_semaphore, #tpu.memory_space<semaphore_mem>>)
      %dma_wait3A = arith.constant 0 : i32
      %dma_wait3A_32 = arith.constant 0 : i32
      %dma_wait3A_33 = tpu.memref_slice %arg4[%dma_wait3A, %dma_wait3A_32] : memref<10240x128xf32, #tpu.memory_space<hbm>> -> memref<40x128xf32, #tpu.memory_space<hbm>>
      %dma_wait3A_34 = arith.constant 0 : i32
      %dma_wait3A_35 = arith.constant 0 : i32
      %dma_wait3A_36 = tpu.memref_slice %arg4[%dma_wait3A_34, %dma_wait3A_35] : memref<10240x128xf32, #tpu.memory_space<hbm>> -> memref<40x128xf32, #tpu.memory_space<hbm>>
      tpu.wait_dma2 semaphore(%run_scoped3A : memref<!tpu.dma_semaphore, #tpu.memory_space<semaphore_mem>>) src(%dma_wait3A_36 : memref<40x128xf32, #tpu.memory_space<hbm>>) dst(%arg11 : memref<40x128xf32, #tpu.memory_space<vmem>>)
      tpu.yield
    }) : () -> ()
    %barrier3A = arith.constant 0 : index
    tpu.barrier barrier_id(%barrier3A)
    %mul3A_7 = arith.constant 10000 : i32
    %mul3A_8 = arith.muli %add3A, %mul3A_7 : i32
    %scan3A = arith.constant 0 : i32
    %scan3A_9 = arith.constant 0 : i32
    %scan3A_10 = arith.constant 125 : i32
    %scan3A_11 = arith.addi %scan3A_9, %scan3A_10 : i32
    %scan3A_12 = arith.constant 1 : i32
    scf.for %scan3A_27 = %scan3A_9 to %scan3A_11 step %scan3A_12  : i32 {
      %mul3A_28 = arith.constant 2 : i32
      %mul3A_29 = arith.muli %mul3A_28, %scan3A_27 : i32
      %mul3A_30 = arith.constant 40 : i32
      %mul3A_31 = arith.muli %mul3A_29, %mul3A_30 : i32
      %add3A_32 = arith.addi %mul3A_8, %mul3A_31 : i32
      %add3A_33 = arith.constant 40 : i32
      %add3A_34 = arith.addi %add3A_32, %add3A_33 : i32
      "tpu.region"() ({
        %run_scoped3A = tpu.sem_alloc : memref<!tpu.dma_semaphore, #tpu.memory_space<semaphore_mem>>
        %dma_start3A_73 = tpu.memref_slice %arg3[%add3A_32] : memref<320000xi32, #tpu.memory_space<hbm>> -> memref<40xi32, #tpu.memory_space<hbm>>
        %dma_start3A_74 = tpu.memref_slice %arg3[%add3A_32] : memref<320000xi32, #tpu.memory_space<hbm>> -> memref<40xi32, #tpu.memory_space<hbm>>
        tpu.enqueue_dma source(%dma_start3A_74 : memref<40xi32, #tpu.memory_space<hbm>>) target(%arg6 : memref<40xi32, #tpu.memory_space<vmem>>) target_semaphore(%run_scoped3A : memref<!tpu.dma_semaphore, #tpu.memory_space<semaphore_mem>>)
        %dma_wait3A_75 = tpu.memref_slice %arg3[%add3A_32] : memref<320000xi32, #tpu.memory_space<hbm>> -> memref<40xi32, #tpu.memory_space<hbm>>
        %dma_wait3A_76 = tpu.memref_slice %arg3[%add3A_32] : memref<320000xi32, #tpu.memory_space<hbm>> -> memref<40xi32, #tpu.memory_space<hbm>>
        tpu.wait_dma2 semaphore(%run_scoped3A : memref<!tpu.dma_semaphore, #tpu.memory_space<semaphore_mem>>) src(%dma_wait3A_76 : memref<40xi32, #tpu.memory_space<hbm>>) dst(%arg6 : memref<40xi32, #tpu.memory_space<vmem>>)
        tpu.yield
      }) : () -> ()
      %dma_start3A = arith.constant 0 : i32
      %dma_start3A_35 = tpu.memref_slice %arg2[%add3A_32, %dma_start3A] : memref<320000x16xf32, #tpu.memory_space<hbm>> -> memref<40x16xf32, #tpu.memory_space<hbm>>
      %dma_start3A_36 = arith.constant 0 : i32
      %dma_start3A_37 = tpu.memref_slice %arg2[%add3A_32, %dma_start3A_36] : memref<320000x16xf32, #tpu.memory_space<hbm>> -> memref<40x16xf32, #tpu.memory_space<hbm>>
      tpu.enqueue_dma source(%dma_start3A_37 : memref<40x16xf32, #tpu.memory_space<hbm>>) target(%arg8 : memref<40x16xf32, #tpu.memory_space<vmem>>) target_semaphore(%arg13 : memref<!tpu.dma_semaphore, #tpu.memory_space<semaphore_mem>>)
      "tpu.region"() ({
        %run_scoped3A = tpu.sem_alloc : memref<!tpu.dma_semaphore, #tpu.memory_space<semaphore_mem>>
        %dma_start3A_73 = tpu.memref_slice %arg3[%add3A_34] : memref<320000xi32, #tpu.memory_space<hbm>> -> memref<40xi32, #tpu.memory_space<hbm>>
        %dma_start3A_74 = tpu.memref_slice %arg3[%add3A_34] : memref<320000xi32, #tpu.memory_space<hbm>> -> memref<40xi32, #tpu.memory_space<hbm>>
        tpu.enqueue_dma source(%dma_start3A_74 : memref<40xi32, #tpu.memory_space<hbm>>) target(%arg7 : memref<40xi32, #tpu.memory_space<vmem>>) target_semaphore(%run_scoped3A : memref<!tpu.dma_semaphore, #tpu.memory_space<semaphore_mem>>)
        %dma_wait3A_75 = tpu.memref_slice %arg3[%add3A_34] : memref<320000xi32, #tpu.memory_space<hbm>> -> memref<40xi32, #tpu.memory_space<hbm>>
        %dma_wait3A_76 = tpu.memref_slice %arg3[%add3A_34] : memref<320000xi32, #tpu.memory_space<hbm>> -> memref<40xi32, #tpu.memory_space<hbm>>
        tpu.wait_dma2 semaphore(%run_scoped3A : memref<!tpu.dma_semaphore, #tpu.memory_space<semaphore_mem>>) src(%dma_wait3A_76 : memref<40xi32, #tpu.memory_space<hbm>>) dst(%arg7 : memref<40xi32, #tpu.memory_space<vmem>>)
        tpu.yield
      }) : () -> ()
      %dma_start3A_38 = arith.constant 0 : i32
      %dma_start3A_39 = tpu.memref_slice %arg2[%add3A_34, %dma_start3A_38] : memref<320000x16xf32, #tpu.memory_space<hbm>> -> memref<40x16xf32, #tpu.memory_space<hbm>>
      %dma_start3A_40 = arith.constant 0 : i32
      %dma_start3A_41 = tpu.memref_slice %arg2[%add3A_34, %dma_start3A_40] : memref<320000x16xf32, #tpu.memory_space<hbm>> -> memref<40x16xf32, #tpu.memory_space<hbm>>
      tpu.enqueue_dma source(%dma_start3A_41 : memref<40x16xf32, #tpu.memory_space<hbm>>) target(%arg9 : memref<40x16xf32, #tpu.memory_space<vmem>>) target_semaphore(%arg14 : memref<!tpu.dma_semaphore, #tpu.memory_space<semaphore_mem>>)
      %dma_wait3A = arith.constant 0 : i32
      %dma_wait3A_42 = tpu.memref_slice %arg2[%add3A_32, %dma_wait3A] : memref<320000x16xf32, #tpu.memory_space<hbm>> -> memref<40x16xf32, #tpu.memory_space<hbm>>
      %dma_wait3A_43 = arith.constant 0 : i32
      %dma_wait3A_44 = tpu.memref_slice %arg2[%add3A_32, %dma_wait3A_43] : memref<320000x16xf32, #tpu.memory_space<hbm>> -> memref<40x16xf32, #tpu.memory_space<hbm>>
      tpu.wait_dma2 semaphore(%arg13 : memref<!tpu.dma_semaphore, #tpu.memory_space<semaphore_mem>>) src(%dma_wait3A_44 : memref<40x16xf32, #tpu.memory_space<hbm>>) dst(%arg8 : memref<40x16xf32, #tpu.memory_space<vmem>>)
      %scan3A_45 = arith.constant 0 : i32
      %scan3A_46 = arith.constant 0 : i32
      %scan3A_47 = arith.constant 40 : i32
      %scan3A_48 = arith.addi %scan3A_46, %scan3A_47 : i32
      %scan3A_49 = arith.constant 8 : i32
      scf.for %scan3A_73 = %scan3A_46 to %scan3A_48 step %scan3A_49  : i32 {
        %get3A = arith.index_cast %scan3A_73 : i32 to index
        %get3A_74 = arith.constant 0 : index
        %get3A_75 = tpu.vector_load %arg8[%get3A, %get3A_74] {strides = array<i32>} : memref<40x16xf32, #tpu.memory_space<vmem>>, vector<1x16xf32>,
        %get3A_76 = vector.shape_cast %get3A_75 : vector<1x16xf32> to vector<16xf32>
        %swap3A = arith.index_cast %scan3A_73 : i32 to index
        %swap3A_77 = arith.constant 0 : index
        %swap3A_78 = tpu.vector_load %arg10[%swap3A, %swap3A_77] {strides = array<i32>} : memref<40x128xf32, #tpu.memory_space<vmem>>, vector<1x16xf32>,
        %swap3A_79 = vector.shape_cast %swap3A_78 : vector<1x16xf32> to vector<16xf32>
        %swap3A_80 = vector.shape_cast %get3A_76 : vector<16xf32> to vector<1x16xf32>
        tpu.vector_store %arg10[%swap3A, %swap3A_77], %swap3A_80 {strides = array<i32>} : memref<40x128xf32, #tpu.memory_space<vmem>>, vector<1x16xf32>,
        %scan3A_81 = arith.constant 1 : i32
        %scan3A_82 = arith.addi %scan3A_73, %scan3A_81 : i32
        %get3A_83 = arith.index_cast %scan3A_82 : i32 to index
        %get3A_84 = arith.constant 0 : index
        %get3A_85 = tpu.vector_load %arg8[%get3A_83, %get3A_84] {strides = array<i32>} : memref<40x16xf32, #tpu.memory_space<vmem>>, vector<1x16xf32>,
        %get3A_86 = vector.shape_cast %get3A_85 : vector<1x16xf32> to vector<16xf32>
        %swap3A_87 = arith.index_cast %scan3A_82 : i32 to index
        %swap3A_88 = arith.constant 0 : index
        %swap3A_89 = tpu.vector_load %arg10[%swap3A_87, %swap3A_88] {strides = array<i32>} : memref<40x128xf32, #tpu.memory_space<vmem>>, vector<1x16xf32>,
        %swap3A_90 = vector.shape_cast %swap3A_89 : vector<1x16xf32> to vector<16xf32>
        %swap3A_91 = vector.shape_cast %get3A_86 : vector<16xf32> to vector<1x16xf32>
        tpu.vector_store %arg10[%swap3A_87, %swap3A_88], %swap3A_91 {strides = array<i32>} : memref<40x128xf32, #tpu.memory_space<vmem>>, vector<1x16xf32>,
        %scan3A_92 = arith.constant 2 : i32
        %scan3A_93 = arith.addi %scan3A_73, %scan3A_92 : i32
        %get3A_94 = arith.index_cast %scan3A_93 : i32 to index
        %get3A_95 = arith.constant 0 : index
        %get3A_96 = tpu.vector_load %arg8[%get3A_94, %get3A_95] {strides = array<i32>} : memref<40x16xf32, #tpu.memory_space<vmem>>, vector<1x16xf32>,
        %get3A_97 = vector.shape_cast %get3A_96 : vector<1x16xf32> to vector<16xf32>
        %swap3A_98 = arith.index_cast %scan3A_93 : i32 to index
        %swap3A_99 = arith.constant 0 : index
        %swap3A_100 = tpu.vector_load %arg10[%swap3A_98, %swap3A_99] {strides = array<i32>} : memref<40x128xf32, #tpu.memory_space<vmem>>, vector<1x16xf32>,
        %swap3A_101 = vector.shape_cast %swap3A_100 : vector<1x16xf32> to vector<16xf32>
        %swap3A_102 = vector.shape_cast %get3A_97 : vector<16xf32> to vector<1x16xf32>
        tpu.vector_store %arg10[%swap3A_98, %swap3A_99], %swap3A_102 {strides = array<i32>} : memref<40x128xf32, #tpu.memory_space<vmem>>, vector<1x16xf32>,
        %scan3A_103 = arith.constant 3 : i32
        %scan3A_104 = arith.addi %scan3A_73, %scan3A_103 : i32
        %get3A_105 = arith.index_cast %scan3A_104 : i32 to index
        %get3A_106 = arith.constant 0 : index
        %get3A_107 = tpu.vector_load %arg8[%get3A_105, %get3A_106] {strides = array<i32>} : memref<40x16xf32, #tpu.memory_space<vmem>>, vector<1x16xf32>,
        %get3A_108 = vector.shape_cast %get3A_107 : vector<1x16xf32> to vector<16xf32>
        %swap3A_109 = arith.index_cast %scan3A_104 : i32 to index
        %swap3A_110 = arith.constant 0 : index
        %swap3A_111 = tpu.vector_load %arg10[%swap3A_109, %swap3A_110] {strides = array<i32>} : memref<40x128xf32, #tpu.memory_space<vmem>>, vector<1x16xf32>,
        %swap3A_112 = vector.shape_cast %swap3A_111 : vector<1x16xf32> to vector<16xf32>
        %swap3A_113 = vector.shape_cast %get3A_108 : vector<16xf32> to vector<1x16xf32>
        tpu.vector_store %arg10[%swap3A_109, %swap3A_110], %swap3A_113 {strides = array<i32>} : memref<40x128xf32, #tpu.memory_space<vmem>>, vector<1x16xf32>,
        %scan3A_114 = arith.constant 4 : i32
        %scan3A_115 = arith.addi %scan3A_73, %scan3A_114 : i32
        %get3A_116 = arith.index_cast %scan3A_115 : i32 to index
        %get3A_117 = arith.constant 0 : index
        %get3A_118 = tpu.vector_load %arg8[%get3A_116, %get3A_117] {strides = array<i32>} : memref<40x16xf32, #tpu.memory_space<vmem>>, vector<1x16xf32>,
        %get3A_119 = vector.shape_cast %get3A_118 : vector<1x16xf32> to vector<16xf32>
        %swap3A_120 = arith.index_cast %scan3A_115 : i32 to index
        %swap3A_121 = arith.constant 0 : index
        %swap3A_122 = tpu.vector_load %arg10[%swap3A_120, %swap3A_121] {strides = array<i32>} : memref<40x128xf32, #tpu.memory_space<vmem>>, vector<1x16xf32>,
        %swap3A_123 = vector.shape_cast %swap3A_122 : vector<1x16xf32> to vector<16xf32>
        %swap3A_124 = vector.shape_cast %get3A_119 : vector<16xf32> to vector<1x16xf32>
        tpu.vector_store %arg10[%swap3A_120, %swap3A_121], %swap3A_124 {strides = array<i32>} : memref<40x128xf32, #tpu.memory_space<vmem>>, vector<1x16xf32>,
        %scan3A_125 = arith.constant 5 : i32
        %scan3A_126 = arith.addi %scan3A_73, %scan3A_125 : i32
        %get3A_127 = arith.index_cast %scan3A_126 : i32 to index
        %get3A_128 = arith.constant 0 : index
        %get3A_129 = tpu.vector_load %arg8[%get3A_127, %get3A_128] {strides = array<i32>} : memref<40x16xf32, #tpu.memory_space<vmem>>, vector<1x16xf32>,
        %get3A_130 = vector.shape_cast %get3A_129 : vector<1x16xf32> to vector<16xf32>
        %swap3A_131 = arith.index_cast %scan3A_126 : i32 to index
        %swap3A_132 = arith.constant 0 : index
        %swap3A_133 = tpu.vector_load %arg10[%swap3A_131, %swap3A_132] {strides = array<i32>} : memref<40x128xf32, #tpu.memory_space<vmem>>, vector<1x16xf32>,
        %swap3A_134 = vector.shape_cast %swap3A_133 : vector<1x16xf32> to vector<16xf32>
        %swap3A_135 = vector.shape_cast %get3A_130 : vector<16xf32> to vector<1x16xf32>
        tpu.vector_store %arg10[%swap3A_131, %swap3A_132], %swap3A_135 {strides = array<i32>} : memref<40x128xf32, #tpu.memory_space<vmem>>, vector<1x16xf32>,
        %scan3A_136 = arith.constant 6 : i32
        %scan3A_137 = arith.addi %scan3A_73, %scan3A_136 : i32
        %get3A_138 = arith.index_cast %scan3A_137 : i32 to index
        %get3A_139 = arith.constant 0 : index
        %get3A_140 = tpu.vector_load %arg8[%get3A_138, %get3A_139] {strides = array<i32>} : memref<40x16xf32, #tpu.memory_space<vmem>>, vector<1x16xf32>,
        %get3A_141 = vector.shape_cast %get3A_140 : vector<1x16xf32> to vector<16xf32>
        %swap3A_142 = arith.index_cast %scan3A_137 : i32 to index
        %swap3A_143 = arith.constant 0 : index
        %swap3A_144 = tpu.vector_load %arg10[%swap3A_142, %swap3A_143] {strides = array<i32>} : memref<40x128xf32, #tpu.memory_space<vmem>>, vector<1x16xf32>,
        %swap3A_145 = vector.shape_cast %swap3A_144 : vector<1x16xf32> to vector<16xf32>
        %swap3A_146 = vector.shape_cast %get3A_141 : vector<16xf32> to vector<1x16xf32>
        tpu.vector_store %arg10[%swap3A_142, %swap3A_143], %swap3A_146 {strides = array<i32>} : memref<40x128xf32, #tpu.memory_space<vmem>>, vector<1x16xf32>,
        %scan3A_147 = arith.constant 7 : i32
        %scan3A_148 = arith.addi %scan3A_73, %scan3A_147 : i32
        %get3A_149 = arith.index_cast %scan3A_148 : i32 to index
        %get3A_150 = arith.constant 0 : index
        %get3A_151 = tpu.vector_load %arg8[%get3A_149, %get3A_150] {strides = array<i32>} : memref<40x16xf32, #tpu.memory_space<vmem>>, vector<1x16xf32>,
        %get3A_152 = vector.shape_cast %get3A_151 : vector<1x16xf32> to vector<16xf32>
        %swap3A_153 = arith.index_cast %scan3A_148 : i32 to index
        %swap3A_154 = arith.constant 0 : index
        %swap3A_155 = tpu.vector_load %arg10[%swap3A_153, %swap3A_154] {strides = array<i32>} : memref<40x128xf32, #tpu.memory_space<vmem>>, vector<1x16xf32>,
        %swap3A_156 = vector.shape_cast %swap3A_155 : vector<1x16xf32> to vector<16xf32>
        %swap3A_157 = vector.shape_cast %get3A_152 : vector<16xf32> to vector<1x16xf32>
        tpu.vector_store %arg10[%swap3A_153, %swap3A_154], %swap3A_157 {strides = array<i32>} : memref<40x128xf32, #tpu.memory_space<vmem>>, vector<1x16xf32>,
      }
      %scan3A_50 = arith.constant 40 : i32
      %dma_start3A_51 = arith.constant 0 : i32
      %dma_start3A_52 = arith.constant 0 : i32
      %dma_start3A_53 = tpu.memref_slice %arg12[%dma_start3A_51, %dma_start3A_52] : memref<10000x128xf32, #tpu.memory_space<vmem_shared>> -> memref<10000x128xf32, #tpu.memory_space<vmem_shared>>
      tpu.enqueue_indirect_dma source(%arg10 : memref<40x128xf32, #tpu.memory_space<vmem>>) target(%dma_start3A_53 : memref<10000x128xf32, #tpu.memory_space<vmem_shared>>) offsets(%arg6 : memref<40xi32, #tpu.memory_space<vmem>>) semaphore(%arg15 : memref<!tpu.dma_semaphore, #tpu.memory_space<semaphore_mem>>) {add = true}
      %dma_wait3A_54 = arith.constant 0 : i32
      %dma_wait3A_55 = tpu.memref_slice %arg2[%add3A_34, %dma_wait3A_54] : memref<320000x16xf32, #tpu.memory_space<hbm>> -> memref<40x16xf32, #tpu.memory_space<hbm>>
      %dma_wait3A_56 = arith.constant 0 : i32
      %dma_wait3A_57 = tpu.memref_slice %arg2[%add3A_34, %dma_wait3A_56] : memref<320000x16xf32, #tpu.memory_space<hbm>> -> memref<40x16xf32, #tpu.memory_space<hbm>>
      tpu.wait_dma2 semaphore(%arg14 : memref<!tpu.dma_semaphore, #tpu.memory_space<semaphore_mem>>) src(%dma_wait3A_57 : memref<40x16xf32, #tpu.memory_space<hbm>>) dst(%arg9 : memref<40x16xf32, #tpu.memory_space<vmem>>)
      %scan3A_58 = arith.constant 0 : i32
      %scan3A_59 = arith.constant 0 : i32
      %scan3A_60 = arith.constant 40 : i32
      %scan3A_61 = arith.addi %scan3A_59, %scan3A_60 : i32
      %scan3A_62 = arith.constant 8 : i32
      scf.for %scan3A_73 = %scan3A_59 to %scan3A_61 step %scan3A_62  : i32 {
        %get3A = arith.index_cast %scan3A_73 : i32 to index
        %get3A_74 = arith.constant 0 : index
        %get3A_75 = tpu.vector_load %arg9[%get3A, %get3A_74] {strides = array<i32>} : memref<40x16xf32, #tpu.memory_space<vmem>>, vector<1x16xf32>,
        %get3A_76 = vector.shape_cast %get3A_75 : vector<1x16xf32> to vector<16xf32>
        %swap3A = arith.index_cast %scan3A_73 : i32 to index
        %swap3A_77 = arith.constant 0 : index
        %swap3A_78 = tpu.vector_load %arg11[%swap3A, %swap3A_77] {strides = array<i32>} : memref<40x128xf32, #tpu.memory_space<vmem>>, vector<1x16xf32>,
        %swap3A_79 = vector.shape_cast %swap3A_78 : vector<1x16xf32> to vector<16xf32>
        %swap3A_80 = vector.shape_cast %get3A_76 : vector<16xf32> to vector<1x16xf32>
        tpu.vector_store %arg11[%swap3A, %swap3A_77], %swap3A_80 {strides = array<i32>} : memref<40x128xf32, #tpu.memory_space<vmem>>, vector<1x16xf32>,
        %scan3A_81 = arith.constant 1 : i32
        %scan3A_82 = arith.addi %scan3A_73, %scan3A_81 : i32
        %get3A_83 = arith.index_cast %scan3A_82 : i32 to index
        %get3A_84 = arith.constant 0 : index
        %get3A_85 = tpu.vector_load %arg9[%get3A_83, %get3A_84] {strides = array<i32>} : memref<40x16xf32, #tpu.memory_space<vmem>>, vector<1x16xf32>,
        %get3A_86 = vector.shape_cast %get3A_85 : vector<1x16xf32> to vector<16xf32>
        %swap3A_87 = arith.index_cast %scan3A_82 : i32 to index
        %swap3A_88 = arith.constant 0 : index
        %swap3A_89 = tpu.vector_load %arg11[%swap3A_87, %swap3A_88] {strides = array<i32>} : memref<40x128xf32, #tpu.memory_space<vmem>>, vector<1x16xf32>,
        %swap3A_90 = vector.shape_cast %swap3A_89 : vector<1x16xf32> to vector<16xf32>
        %swap3A_91 = vector.shape_cast %get3A_86 : vector<16xf32> to vector<1x16xf32>
        tpu.vector_store %arg11[%swap3A_87, %swap3A_88], %swap3A_91 {strides = array<i32>} : memref<40x128xf32, #tpu.memory_space<vmem>>, vector<1x16xf32>,
        %scan3A_92 = arith.constant 2 : i32
        %scan3A_93 = arith.addi %scan3A_73, %scan3A_92 : i32
        %get3A_94 = arith.index_cast %scan3A_93 : i32 to index
        %get3A_95 = arith.constant 0 : index
        %get3A_96 = tpu.vector_load %arg9[%get3A_94, %get3A_95] {strides = array<i32>} : memref<40x16xf32, #tpu.memory_space<vmem>>, vector<1x16xf32>,
        %get3A_97 = vector.shape_cast %get3A_96 : vector<1x16xf32> to vector<16xf32>
        %swap3A_98 = arith.index_cast %scan3A_93 : i32 to index
        %swap3A_99 = arith.constant 0 : index
        %swap3A_100 = tpu.vector_load %arg11[%swap3A_98, %swap3A_99] {strides = array<i32>} : memref<40x128xf32, #tpu.memory_space<vmem>>, vector<1x16xf32>,
        %swap3A_101 = vector.shape_cast %swap3A_100 : vector<1x16xf32> to vector<16xf32>
        %swap3A_102 = vector.shape_cast %get3A_97 : vector<16xf32> to vector<1x16xf32>
        tpu.vector_store %arg11[%swap3A_98, %swap3A_99], %swap3A_102 {strides = array<i32>} : memref<40x128xf32, #tpu.memory_space<vmem>>, vector<1x16xf32>,
        %scan3A_103 = arith.constant 3 : i32
        %scan3A_104 = arith.addi %scan3A_73, %scan3A_103 : i32
        %get3A_105 = arith.index_cast %scan3A_104 : i32 to index
        %get3A_106 = arith.constant 0 : index
        %get3A_107 = tpu.vector_load %arg9[%get3A_105, %get3A_106] {strides = array<i32>} : memref<40x16xf32, #tpu.memory_space<vmem>>, vector<1x16xf32>,
        %get3A_108 = vector.shape_cast %get3A_107 : vector<1x16xf32> to vector<16xf32>
        %swap3A_109 = arith.index_cast %scan3A_104 : i32 to index
        %swap3A_110 = arith.constant 0 : index
        %swap3A_111 = tpu.vector_load %arg11[%swap3A_109, %swap3A_110] {strides = array<i32>} : memref<40x128xf32, #tpu.memory_space<vmem>>, vector<1x16xf32>,
        %swap3A_112 = vector.shape_cast %swap3A_111 : vector<1x16xf32> to vector<16xf32>
        %swap3A_113 = vector.shape_cast %get3A_108 : vector<16xf32> to vector<1x16xf32>
        tpu.vector_store %arg11[%swap3A_109, %swap3A_110], %swap3A_113 {strides = array<i32>} : memref<40x128xf32, #tpu.memory_space<vmem>>, vector<1x16xf32>,
        %scan3A_114 = arith.constant 4 : i32
        %scan3A_115 = arith.addi %scan3A_73, %scan3A_114 : i32
        %get3A_116 = arith.index_cast %scan3A_115 : i32 to index
        %get3A_117 = arith.constant 0 : index
        %get3A_118 = tpu.vector_load %arg9[%get3A_116, %get3A_117] {strides = array<i32>} : memref<40x16xf32, #tpu.memory_space<vmem>>, vector<1x16xf32>,
        %get3A_119 = vector.shape_cast %get3A_118 : vector<1x16xf32> to vector<16xf32>
        %swap3A_120 = arith.index_cast %scan3A_115 : i32 to index
        %swap3A_121 = arith.constant 0 : index
        %swap3A_122 = tpu.vector_load %arg11[%swap3A_120, %swap3A_121] {strides = array<i32>} : memref<40x128xf32, #tpu.memory_space<vmem>>, vector<1x16xf32>,
        %swap3A_123 = vector.shape_cast %swap3A_122 : vector<1x16xf32> to vector<16xf32>
        %swap3A_124 = vector.shape_cast %get3A_119 : vector<16xf32> to vector<1x16xf32>
        tpu.vector_store %arg11[%swap3A_120, %swap3A_121], %swap3A_124 {strides = array<i32>} : memref<40x128xf32, #tpu.memory_space<vmem>>, vector<1x16xf32>,
        %scan3A_125 = arith.constant 5 : i32
        %scan3A_126 = arith.addi %scan3A_73, %scan3A_125 : i32
        %get3A_127 = arith.index_cast %scan3A_126 : i32 to index
        %get3A_128 = arith.constant 0 : index
        %get3A_129 = tpu.vector_load %arg9[%get3A_127, %get3A_128] {strides = array<i32>} : memref<40x16xf32, #tpu.memory_space<vmem>>, vector<1x16xf32>,
        %get3A_130 = vector.shape_cast %get3A_129 : vector<1x16xf32> to vector<16xf32>
        %swap3A_131 = arith.index_cast %scan3A_126 : i32 to index
        %swap3A_132 = arith.constant 0 : index
        %swap3A_133 = tpu.vector_load %arg11[%swap3A_131, %swap3A_132] {strides = array<i32>} : memref<40x128xf32, #tpu.memory_space<vmem>>, vector<1x16xf32>,
        %swap3A_134 = vector.shape_cast %swap3A_133 : vector<1x16xf32> to vector<16xf32>
        %swap3A_135 = vector.shape_cast %get3A_130 : vector<16xf32> to vector<1x16xf32>
        tpu.vector_store %arg11[%swap3A_131, %swap3A_132], %swap3A_135 {strides = array<i32>} : memref<40x128xf32, #tpu.memory_space<vmem>>, vector<1x16xf32>,
        %scan3A_136 = arith.constant 6 : i32
        %scan3A_137 = arith.addi %scan3A_73, %scan3A_136 : i32
        %get3A_138 = arith.index_cast %scan3A_137 : i32 to index
        %get3A_139 = arith.constant 0 : index
        %get3A_140 = tpu.vector_load %arg9[%get3A_138, %get3A_139] {strides = array<i32>} : memref<40x16xf32, #tpu.memory_space<vmem>>, vector<1x16xf32>,
        %get3A_141 = vector.shape_cast %get3A_140 : vector<1x16xf32> to vector<16xf32>
        %swap3A_142 = arith.index_cast %scan3A_137 : i32 to index
        %swap3A_143 = arith.constant 0 : index
        %swap3A_144 = tpu.vector_load %arg11[%swap3A_142, %swap3A_143] {strides = array<i32>} : memref<40x128xf32, #tpu.memory_space<vmem>>, vector<1x16xf32>,
        %swap3A_145 = vector.shape_cast %swap3A_144 : vector<1x16xf32> to vector<16xf32>
        %swap3A_146 = vector.shape_cast %get3A_141 : vector<16xf32> to vector<1x16xf32>
        tpu.vector_store %arg11[%swap3A_142, %swap3A_143], %swap3A_146 {strides = array<i32>} : memref<40x128xf32, #tpu.memory_space<vmem>>, vector<1x16xf32>,
        %scan3A_147 = arith.constant 7 : i32
        %scan3A_148 = arith.addi %scan3A_73, %scan3A_147 : i32
        %get3A_149 = arith.index_cast %scan3A_148 : i32 to index
        %get3A_150 = arith.constant 0 : index
        %get3A_151 = tpu.vector_load %arg9[%get3A_149, %get3A_150] {strides = array<i32>} : memref<40x16xf32, #tpu.memory_space<vmem>>, vector<1x16xf32>,
        %get3A_152 = vector.shape_cast %get3A_151 : vector<1x16xf32> to vector<16xf32>
        %swap3A_153 = arith.index_cast %scan3A_148 : i32 to index
        %swap3A_154 = arith.constant 0 : index
        %swap3A_155 = tpu.vector_load %arg11[%swap3A_153, %swap3A_154] {strides = array<i32>} : memref<40x128xf32, #tpu.memory_space<vmem>>, vector<1x16xf32>,
        %swap3A_156 = vector.shape_cast %swap3A_155 : vector<1x16xf32> to vector<16xf32>
        %swap3A_157 = vector.shape_cast %get3A_152 : vector<16xf32> to vector<1x16xf32>
        tpu.vector_store %arg11[%swap3A_153, %swap3A_154], %swap3A_157 {strides = array<i32>} : memref<40x128xf32, #tpu.memory_space<vmem>>, vector<1x16xf32>,
      }
      %scan3A_63 = arith.constant 40 : i32
      %dma_start3A_64 = arith.constant 0 : i32
      %dma_start3A_65 = arith.constant 0 : i32
      %dma_start3A_66 = tpu.memref_slice %arg12[%dma_start3A_64, %dma_start3A_65] : memref<10000x128xf32, #tpu.memory_space<vmem_shared>> -> memref<10000x128xf32, #tpu.memory_space<vmem_shared>>
      tpu.enqueue_indirect_dma source(%arg11 : memref<40x128xf32, #tpu.memory_space<vmem>>) target(%dma_start3A_66 : memref<10000x128xf32, #tpu.memory_space<vmem_shared>>) offsets(%arg7 : memref<40xi32, #tpu.memory_space<vmem>>) semaphore(%arg16 : memref<!tpu.dma_semaphore, #tpu.memory_space<semaphore_mem>>) {add = true}
      %dma_wait3A_67 = arith.constant 0 : i32
      %dma_wait3A_68 = arith.constant 0 : i32
      %dma_wait3A_69 = tpu.memref_slice %arg12[%dma_wait3A_67, %dma_wait3A_68] : memref<10000x128xf32, #tpu.memory_space<vmem_shared>> -> memref<10000x128xf32, #tpu.memory_space<vmem_shared>>
      tpu.wait_indirect_dma semaphore(%arg15 : memref<!tpu.dma_semaphore, #tpu.memory_space<semaphore_mem>>) src(%arg10 : memref<40x128xf32, #tpu.memory_space<vmem>>) dst(%dma_wait3A_69 : memref<10000x128xf32, #tpu.memory_space<vmem_shared>>)
      %dma_wait3A_70 = arith.constant 0 : i32
      %dma_wait3A_71 = arith.constant 0 : i32
      %dma_wait3A_72 = tpu.memref_slice %arg12[%dma_wait3A_70, %dma_wait3A_71] : memref<10000x128xf32, #tpu.memory_space<vmem_shared>> -> memref<10000x128xf32, #tpu.memory_space<vmem_shared>>
      tpu.wait_indirect_dma semaphore(%arg16 : memref<!tpu.dma_semaphore, #tpu.memory_space<semaphore_mem>>) src(%arg11 : memref<40x128xf32, #tpu.memory_space<vmem>>) dst(%dma_wait3A_72 : memref<10000x128xf32, #tpu.memory_space<vmem_shared>>)
    }
    %scan3A_13 = arith.constant 125 : i32
    %barrier3A_14 = arith.constant 0 : index
    tpu.barrier barrier_id(%barrier3A_14)
    %mul3A_15 = arith.constant 624 : i32
    %mul3A_16 = arith.muli %arg1, %mul3A_15 : i32
    %mul3A_17 = arith.constant 10000 : i32
    %mul3A_18 = arith.muli %arg0, %mul3A_17 : i32
    %mul3A_19 = arith.constant 624 : i32
    %mul3A_20 = arith.muli %arg1, %mul3A_19 : i32
    %add3A_21 = arith.addi %mul3A_18, %mul3A_20 : i32
    "tpu.region"() ({
      %run_scoped3A = tpu.sem_alloc : memref<!tpu.dma_semaphore, #tpu.memory_space<semaphore_mem>>
      %dma_start3A = arith.constant 0 : i32
      %dma_start3A_27 = tpu.memref_slice %arg5[%add3A_21, %dma_start3A] : memref<20000x128xf32, #tpu.memory_space<hbm>> -> memref<624x128xf32, #tpu.memory_space<hbm>>
      %dma_start3A_28 = arith.constant 0 : i32
      %dma_start3A_29 = tpu.memref_slice %arg12[%mul3A_16, %dma_start3A_28] : memref<10000x128xf32, #tpu.memory_space<vmem_shared>> -> memref<624x128xf32, #tpu.memory_space<vmem_shared>>
      tpu.enqueue_dma source(%dma_start3A_29 : memref<624x128xf32, #tpu.memory_space<vmem_shared>>) target(%dma_start3A_27 : memref<624x128xf32, #tpu.memory_space<hbm>>) target_semaphore(%run_scoped3A : memref<!tpu.dma_semaphore, #tpu.memory_space<semaphore_mem>>)
      %dma_wait3A = arith.constant 0 : i32
      %dma_wait3A_30 = tpu.memref_slice %arg5[%add3A_21, %dma_wait3A] : memref<20000x128xf32, #tpu.memory_space<hbm>> -> memref<624x128xf32, #tpu.memory_space<hbm>>
      %dma_wait3A_31 = arith.constant 0 : i32
      %dma_wait3A_32 = tpu.memref_slice %arg12[%mul3A_16, %dma_wait3A_31] : memref<10000x128xf32, #tpu.memory_space<vmem_shared>> -> memref<624x128xf32, #tpu.memory_space<vmem_shared>>
      tpu.wait_dma2 semaphore(%run_scoped3A : memref<!tpu.dma_semaphore, #tpu.memory_space<semaphore_mem>>) src(%dma_wait3A_32 : memref<624x128xf32, #tpu.memory_space<vmem_shared>>) dst(%dma_wait3A_30 : memref<624x128xf32, #tpu.memory_space<hbm>>)
      tpu.yield
    }) : () -> ()
    %eq3A_22 = arith.constant 15 : i32
    %eq3A_23 = arith.cmpi eq, %arg1, %eq3A_22 : i32
    %convert_element_type3A_24 = arith.extui %eq3A_23 : i1 to i32
    %cond3A_25 = arith.constant 0 : i32
    %cond3A_26 = arith.cmpi ne, %convert_element_type3A_24, %cond3A_25 : i32
    scf.if %cond3A_26 {
      %mul3A_27 = arith.constant 10000 : i32
      %mul3A_28 = arith.muli %arg0, %mul3A_27 : i32
      %add3A_29 = arith.constant 9984 : i32
      %add3A_30 = arith.addi %mul3A_28, %add3A_29 : i32
      "tpu.region"() ({
        %run_scoped3A = tpu.sem_alloc : memref<!tpu.dma_semaphore, #tpu.memory_space<semaphore_mem>>
        %dma_start3A = arith.constant 0 : i32
        %dma_start3A_31 = tpu.memref_slice %arg5[%add3A_30, %dma_start3A] : memref<20000x128xf32, #tpu.memory_space<hbm>> -> memref<16x128xf32, #tpu.memory_space<hbm>>
        %dma_start3A_32 = arith.constant 9984 : i32
        %dma_start3A_33 = arith.constant 0 : i32
        %dma_start3A_34 = tpu.memref_slice %arg12[%dma_start3A_32, %dma_start3A_33] : memref<10000x128xf32, #tpu.memory_space<vmem_shared>> -> memref<16x128xf32, #tpu.memory_space<vmem_shared>>
        tpu.enqueue_dma source(%dma_start3A_34 : memref<16x128xf32, #tpu.memory_space<vmem_shared>>) target(%dma_start3A_31 : memref<16x128xf32, #tpu.memory_space<hbm>>) target_semaphore(%run_scoped3A : memref<!tpu.dma_semaphore, #tpu.memory_space<semaphore_mem>>)
        %dma_wait3A = arith.constant 0 : i32
        %dma_wait3A_35 = tpu.memref_slice %arg5[%add3A_30, %dma_wait3A] : memref<20000x128xf32, #tpu.memory_space<hbm>> -> memref<16x128xf32, #tpu.memory_space<hbm>>
        %dma_wait3A_36 = arith.constant 9984 : i32
        %dma_wait3A_37 = arith.constant 0 : i32
        %dma_wait3A_38 = tpu.memref_slice %arg12[%dma_wait3A_36, %dma_wait3A_37] : memref<10000x128xf32, #tpu.memory_space<vmem_shared>> -> memref<16x128xf32, #tpu.memory_space<vmem_shared>>
        tpu.wait_dma2 semaphore(%run_scoped3A : memref<!tpu.dma_semaphore, #tpu.memory_space<semaphore_mem>>) src(%dma_wait3A_38 : memref<16x128xf32, #tpu.memory_space<vmem_shared>>) dst(%dma_wait3A_35 : memref<16x128xf32, #tpu.memory_space<hbm>>)
        tpu.yield
      }) : () -> ()
    } else {
    }
    return
  }
}

#map = affine_map<(d0, d1) -> (0, 0)>
#map1 = affine_map<(d0, d1) -> (0)>
module attributes {stable_mosaic.version = 14 : i64} {
  func.func @k(%arg0: i32, %arg1: i32, %arg2: memref<10000x128xf32, #tpu.memory_space<hbm>>, %arg3: memref<320000xi32, #tpu.memory_space<hbm>>, %arg4: memref<4096x80xi32, #tpu.memory_space<hbm>>, %arg5: memref<10240x128xf32, #tpu.memory_space<hbm>>, %arg6: memref<20000x128xf32, #tpu.memory_space<hbm>>, %arg7: memref<10000xi32, #tpu.memory_space<vmem>>, %arg8: memref<128x80xi32, #tpu.memory_space<vmem>>, %arg9: memref<160x128xf32, #tpu.memory_space<vmem>>, %arg10: memref<10000x128xf32, #tpu.memory_space<vmem_shared>>, %arg11: memref<!tpu.dma_semaphore, #tpu.memory_space<semaphore_mem>>, %arg12: memref<!tpu.dma_semaphore, #tpu.memory_space<semaphore_mem>>) attributes {dimension_semantics = [#tpu.dimension_semantics<core_parallel>, #tpu.dimension_semantics<subcore_parallel>], iteration_bounds = array<i64: 2, 16>, scalar_prefetch = 0 : i64, scratch_operands = 6 : i64, tpu.core_type = #tpu.core_type<sc_vector_subcore>, window_params = [{transform_indices = #map}, {transform_indices = #map1}, {transform_indices = #map}, {transform_indices = #map}, {transform_indices = #map}]} {
    %mul3A = arith.constant 2 : i32
    %mul3A_0 = arith.muli %arg1, %mul3A : i32
    %add3A = arith.addi %mul3A_0, %arg0 : i32
    %mul3A_1 = arith.constant 624 : i32
    %mul3A_2 = arith.muli %arg1, %mul3A_1 : i32
    %mul3A_3 = arith.constant 624 : i32
    %mul3A_4 = arith.muli %arg1, %mul3A_3 : i32
    "tpu.region"() ({
      %run_scoped3A = tpu.sem_alloc : memref<!tpu.dma_semaphore, #tpu.memory_space<semaphore_mem>>
      %dma_start3A_48 = arith.constant 0 : i32
      %dma_start3A_49 = tpu.memref_slice %arg10[%mul3A_4, %dma_start3A_48] : memref<10000x128xf32, #tpu.memory_space<vmem_shared>> -> memref<624x128xf32, #tpu.memory_space<vmem_shared>>
      %dma_start3A_50 = arith.constant 0 : i32
      %dma_start3A_51 = tpu.memref_slice %arg5[%mul3A_2, %dma_start3A_50] : memref<10240x128xf32, #tpu.memory_space<hbm>> -> memref<624x128xf32, #tpu.memory_space<hbm>>
      tpu.enqueue_dma source(%dma_start3A_51 : memref<624x128xf32, #tpu.memory_space<hbm>>) target(%dma_start3A_49 : memref<624x128xf32, #tpu.memory_space<vmem_shared>>) target_semaphore(%run_scoped3A : memref<!tpu.dma_semaphore, #tpu.memory_space<semaphore_mem>>)
      %dma_wait3A_52 = arith.constant 0 : i32
      %dma_wait3A_53 = tpu.memref_slice %arg10[%mul3A_4, %dma_wait3A_52] : memref<10000x128xf32, #tpu.memory_space<vmem_shared>> -> memref<624x128xf32, #tpu.memory_space<vmem_shared>>
      %dma_wait3A_54 = arith.constant 0 : i32
      %dma_wait3A_55 = tpu.memref_slice %arg5[%mul3A_2, %dma_wait3A_54] : memref<10240x128xf32, #tpu.memory_space<hbm>> -> memref<624x128xf32, #tpu.memory_space<hbm>>
      tpu.wait_dma2 semaphore(%run_scoped3A : memref<!tpu.dma_semaphore, #tpu.memory_space<semaphore_mem>>) src(%dma_wait3A_55 : memref<624x128xf32, #tpu.memory_space<hbm>>) dst(%dma_wait3A_53 : memref<624x128xf32, #tpu.memory_space<vmem_shared>>)
      tpu.yield
    }) : () -> ()
    %eq3A = arith.constant 15 : i32
    %eq3A_5 = arith.cmpi eq, %arg1, %eq3A : i32
    %convert_element_type3A = arith.extui %eq3A_5 : i1 to i32
    %cond3A = arith.constant 0 : i32
    %cond3A_6 = arith.cmpi ne, %convert_element_type3A, %cond3A : i32
    scf.if %cond3A_6 {
      "tpu.region"() ({
        %run_scoped3A = tpu.sem_alloc : memref<!tpu.dma_semaphore, #tpu.memory_space<semaphore_mem>>
        %dma_start3A_48 = arith.constant 9984 : i32
        %dma_start3A_49 = arith.constant 0 : i32
        %dma_start3A_50 = tpu.memref_slice %arg10[%dma_start3A_48, %dma_start3A_49] : memref<10000x128xf32, #tpu.memory_space<vmem_shared>> -> memref<16x128xf32, #tpu.memory_space<vmem_shared>>
        %dma_start3A_51 = arith.constant 9984 : i32
        %dma_start3A_52 = arith.constant 0 : i32
        %dma_start3A_53 = tpu.memref_slice %arg5[%dma_start3A_51, %dma_start3A_52] : memref<10240x128xf32, #tpu.memory_space<hbm>> -> memref<16x128xf32, #tpu.memory_space<hbm>>
        tpu.enqueue_dma source(%dma_start3A_53 : memref<16x128xf32, #tpu.memory_space<hbm>>) target(%dma_start3A_50 : memref<16x128xf32, #tpu.memory_space<vmem_shared>>) target_semaphore(%run_scoped3A : memref<!tpu.dma_semaphore, #tpu.memory_space<semaphore_mem>>)
        %dma_wait3A_54 = arith.constant 9984 : i32
        %dma_wait3A_55 = arith.constant 0 : i32
        %dma_wait3A_56 = tpu.memref_slice %arg10[%dma_wait3A_54, %dma_wait3A_55] : memref<10000x128xf32, #tpu.memory_space<vmem_shared>> -> memref<16x128xf32, #tpu.memory_space<vmem_shared>>
        %dma_wait3A_57 = arith.constant 9984 : i32
        %dma_wait3A_58 = arith.constant 0 : i32
        %dma_wait3A_59 = tpu.memref_slice %arg5[%dma_wait3A_57, %dma_wait3A_58] : memref<10240x128xf32, #tpu.memory_space<hbm>> -> memref<16x128xf32, #tpu.memory_space<hbm>>
        tpu.wait_dma2 semaphore(%run_scoped3A : memref<!tpu.dma_semaphore, #tpu.memory_space<semaphore_mem>>) src(%dma_wait3A_59 : memref<16x128xf32, #tpu.memory_space<hbm>>) dst(%dma_wait3A_56 : memref<16x128xf32, #tpu.memory_space<vmem_shared>>)
        tpu.yield
      }) : () -> ()
    } else {
    }
    %mul3A_7 = arith.constant 10000 : i32
    %mul3A_8 = arith.muli %add3A, %mul3A_7 : i32
    "tpu.region"() ({
      %run_scoped3A = tpu.sem_alloc : memref<!tpu.dma_semaphore, #tpu.memory_space<semaphore_mem>>
      %dma_start3A_48 = tpu.memref_slice %arg3[%mul3A_8] : memref<320000xi32, #tpu.memory_space<hbm>> -> memref<10000xi32, #tpu.memory_space<hbm>>
      %dma_start3A_49 = tpu.memref_slice %arg3[%mul3A_8] : memref<320000xi32, #tpu.memory_space<hbm>> -> memref<10000xi32, #tpu.memory_space<hbm>>
      tpu.enqueue_dma source(%dma_start3A_49 : memref<10000xi32, #tpu.memory_space<hbm>>) target(%arg7 : memref<10000xi32, #tpu.memory_space<vmem>>) target_semaphore(%run_scoped3A : memref<!tpu.dma_semaphore, #tpu.memory_space<semaphore_mem>>)
      %dma_wait3A_50 = tpu.memref_slice %arg3[%mul3A_8] : memref<320000xi32, #tpu.memory_space<hbm>> -> memref<10000xi32, #tpu.memory_space<hbm>>
      %dma_wait3A_51 = tpu.memref_slice %arg3[%mul3A_8] : memref<320000xi32, #tpu.memory_space<hbm>> -> memref<10000xi32, #tpu.memory_space<hbm>>
      tpu.wait_dma2 semaphore(%run_scoped3A : memref<!tpu.dma_semaphore, #tpu.memory_space<semaphore_mem>>) src(%dma_wait3A_51 : memref<10000xi32, #tpu.memory_space<hbm>>) dst(%arg7 : memref<10000xi32, #tpu.memory_space<vmem>>)
      tpu.yield
    }) : () -> ()
    %mul3A_9 = arith.constant 128 : i32
    %mul3A_10 = arith.muli %add3A, %mul3A_9 : i32
    "tpu.region"() ({
      %run_scoped3A = tpu.sem_alloc : memref<!tpu.dma_semaphore, #tpu.memory_space<semaphore_mem>>
      %dma_start3A_48 = arith.constant 0 : i32
      %dma_start3A_49 = tpu.memref_slice %arg4[%mul3A_10, %dma_start3A_48] : memref<4096x80xi32, #tpu.memory_space<hbm>> -> memref<128x80xi32, #tpu.memory_space<hbm>>
      %dma_start3A_50 = arith.constant 0 : i32
      %dma_start3A_51 = tpu.memref_slice %arg4[%mul3A_10, %dma_start3A_50] : memref<4096x80xi32, #tpu.memory_space<hbm>> -> memref<128x80xi32, #tpu.memory_space<hbm>>
      tpu.enqueue_dma source(%dma_start3A_51 : memref<128x80xi32, #tpu.memory_space<hbm>>) target(%arg8 : memref<128x80xi32, #tpu.memory_space<vmem>>) target_semaphore(%run_scoped3A : memref<!tpu.dma_semaphore, #tpu.memory_space<semaphore_mem>>)
      %dma_wait3A_52 = arith.constant 0 : i32
      %dma_wait3A_53 = tpu.memref_slice %arg4[%mul3A_10, %dma_wait3A_52] : memref<4096x80xi32, #tpu.memory_space<hbm>> -> memref<128x80xi32, #tpu.memory_space<hbm>>
      %dma_wait3A_54 = arith.constant 0 : i32
      %dma_wait3A_55 = tpu.memref_slice %arg4[%mul3A_10, %dma_wait3A_54] : memref<4096x80xi32, #tpu.memory_space<hbm>> -> memref<128x80xi32, #tpu.memory_space<hbm>>
      tpu.wait_dma2 semaphore(%run_scoped3A : memref<!tpu.dma_semaphore, #tpu.memory_space<semaphore_mem>>) src(%dma_wait3A_55 : memref<128x80xi32, #tpu.memory_space<hbm>>) dst(%arg8 : memref<128x80xi32, #tpu.memory_space<vmem>>)
      tpu.yield
    }) : () -> ()
    %barrier3A = arith.constant 0 : index
    tpu.barrier barrier_id(%barrier3A)
    %dma_start3A = arith.constant 0 : i32
    %dma_start3A_11 = arith.constant 0 : i32
    %dma_start3A_12 = tpu.memref_slice %arg9[%dma_start3A, %dma_start3A_11] : memref<160x128xf32, #tpu.memory_space<vmem>> -> memref<80x128xf32, #tpu.memory_space<vmem>>
    %dma_start3A_13 = arith.constant 0 : i32
    %dma_start3A_14 = tpu.memref_slice %arg7[%dma_start3A_13] : memref<10000xi32, #tpu.memory_space<vmem>> -> memref<80xi32, #tpu.memory_space<vmem>>
    %dma_start3A_15 = arith.constant 0 : i32
    %dma_start3A_16 = arith.constant 0 : i32
    %dma_start3A_17 = tpu.memref_slice %arg2[%dma_start3A_15, %dma_start3A_16] : memref<10000x128xf32, #tpu.memory_space<hbm>> -> memref<10000x128xf32, #tpu.memory_space<hbm>>
    tpu.enqueue_indirect_dma source(%dma_start3A_17 : memref<10000x128xf32, #tpu.memory_space<hbm>>) target(%dma_start3A_12 : memref<80x128xf32, #tpu.memory_space<vmem>>) offsets(%dma_start3A_14 : memref<80xi32, #tpu.memory_space<vmem>>) semaphore(%arg11 : memref<!tpu.dma_semaphore, #tpu.memory_space<semaphore_mem>>)
    %scan3A = arith.constant 0 : i32
    %scan3A_18 = arith.constant 0 : i32
    %scan3A_19 = arith.constant 125 : i32
    %scan3A_20 = arith.addi %scan3A_18, %scan3A_19 : i32
    %scan3A_21 = arith.constant 1 : i32
    scf.for %scan3A_48 = %scan3A_18 to %scan3A_20 step %scan3A_21  : i32 {
      %rem3A_49 = arith.constant 2 : i32
      %rem3A_50 = arith.remsi %scan3A_48, %rem3A_49 : i32
      %sub3A = arith.constant 1 : i32
      %sub3A_51 = arith.subi %sub3A, %rem3A_50 : i32
      %ge3A = arith.constant 1 : i32
      %ge3A_52 = arith.cmpi sge, %scan3A_48, %ge3A : i32
      %convert_element_type3A_53 = arith.extui %ge3A_52 : i1 to i32
      %cond3A_54 = arith.constant 0 : i32
      %cond3A_55 = arith.cmpi ne, %convert_element_type3A_53, %cond3A_54 : i32
      scf.if %cond3A_55 {
        %mul3A_80 = arith.constant 80 : i32
        %mul3A_81 = arith.muli %sub3A_51, %mul3A_80 : i32
        %sub3A_82 = arith.constant 1 : i32
        %sub3A_83 = arith.subi %scan3A_48, %sub3A_82 : i32
        %dma_wait3A_84 = arith.constant 0 : i32
        %dma_wait3A_85 = tpu.memref_slice %arg9[%mul3A_81, %dma_wait3A_84] : memref<160x128xf32, #tpu.memory_space<vmem>> -> memref<80x128xf32, #tpu.memory_space<vmem>>
        %dma_wait3A_86 = arith.constant 0 : i32
        %dma_wait3A_87 = tpu.memref_slice %arg8[%sub3A_83, %dma_wait3A_86] : memref<128x80xi32, #tpu.memory_space<vmem>> -> memref<1x80xi32, #tpu.memory_space<vmem>>
        %dma_wait3A_88 = tpu.memref_squeeze %dma_wait3A_87 : memref<1x80xi32, #tpu.memory_space<vmem>> -> memref<80xi32, #tpu.memory_space<vmem>>
        %dma_wait3A_89 = arith.constant 0 : i32
        %dma_wait3A_90 = arith.constant 0 : i32
        %dma_wait3A_91 = tpu.memref_slice %arg10[%dma_wait3A_89, %dma_wait3A_90] : memref<10000x128xf32, #tpu.memory_space<vmem_shared>> -> memref<10000x128xf32, #tpu.memory_space<vmem_shared>>
        tpu.wait_indirect_dma semaphore(%arg12 : memref<!tpu.dma_semaphore, #tpu.memory_space<semaphore_mem>>) src(%dma_wait3A_85 : memref<80x128xf32, #tpu.memory_space<vmem>>) dst(%dma_wait3A_91 : memref<10000x128xf32, #tpu.memory_space<vmem_shared>>)
      } else {
      }
      %lt3A = arith.constant 124 : i32
      %lt3A_56 = arith.cmpi slt, %scan3A_48, %lt3A : i32
      %convert_element_type3A_57 = arith.extui %lt3A_56 : i1 to i32
      %cond3A_58 = arith.constant 0 : i32
      %cond3A_59 = arith.cmpi ne, %convert_element_type3A_57, %cond3A_58 : i32
      scf.if %cond3A_59 {
        %add3A_80 = arith.constant 1 : i32
        %add3A_81 = arith.addi %scan3A_48, %add3A_80 : i32
        %mul3A_82 = arith.constant 80 : i32
        %mul3A_83 = arith.muli %add3A_81, %mul3A_82 : i32
        %mul3A_84 = arith.constant 80 : i32
        %mul3A_85 = arith.muli %sub3A_51, %mul3A_84 : i32
        %dma_start3A_86 = arith.constant 0 : i32
        %dma_start3A_87 = tpu.memref_slice %arg9[%mul3A_85, %dma_start3A_86] : memref<160x128xf32, #tpu.memory_space<vmem>> -> memref<80x128xf32, #tpu.memory_space<vmem>>
        %dma_start3A_88 = tpu.memref_slice %arg7[%mul3A_83] : memref<10000xi32, #tpu.memory_space<vmem>> -> memref<80xi32, #tpu.memory_space<vmem>>
        %dma_start3A_89 = arith.constant 0 : i32
        %dma_start3A_90 = arith.constant 0 : i32
        %dma_start3A_91 = tpu.memref_slice %arg2[%dma_start3A_89, %dma_start3A_90] : memref<10000x128xf32, #tpu.memory_space<hbm>> -> memref<10000x128xf32, #tpu.memory_space<hbm>>
        tpu.enqueue_indirect_dma source(%dma_start3A_91 : memref<10000x128xf32, #tpu.memory_space<hbm>>) target(%dma_start3A_87 : memref<80x128xf32, #tpu.memory_space<vmem>>) offsets(%dma_start3A_88 : memref<80xi32, #tpu.memory_space<vmem>>) semaphore(%arg11 : memref<!tpu.dma_semaphore, #tpu.memory_space<semaphore_mem>>)
      } else {
      }
      %mul3A_60 = arith.constant 80 : i32
      %mul3A_61 = arith.muli %scan3A_48, %mul3A_60 : i32
      %mul3A_62 = arith.constant 80 : i32
      %mul3A_63 = arith.muli %rem3A_50, %mul3A_62 : i32
      %dma_wait3A_64 = arith.constant 0 : i32
      %dma_wait3A_65 = tpu.memref_slice %arg9[%mul3A_63, %dma_wait3A_64] : memref<160x128xf32, #tpu.memory_space<vmem>> -> memref<80x128xf32, #tpu.memory_space<vmem>>
      %dma_wait3A_66 = tpu.memref_slice %arg7[%mul3A_61] : memref<10000xi32, #tpu.memory_space<vmem>> -> memref<80xi32, #tpu.memory_space<vmem>>
      %dma_wait3A_67 = arith.constant 0 : i32
      %dma_wait3A_68 = arith.constant 0 : i32
      %dma_wait3A_69 = tpu.memref_slice %arg2[%dma_wait3A_67, %dma_wait3A_68] : memref<10000x128xf32, #tpu.memory_space<hbm>> -> memref<10000x128xf32, #tpu.memory_space<hbm>>
      tpu.wait_indirect_dma semaphore(%arg11 : memref<!tpu.dma_semaphore, #tpu.memory_space<semaphore_mem>>) src(%dma_wait3A_69 : memref<10000x128xf32, #tpu.memory_space<hbm>>) dst(%dma_wait3A_65 : memref<80x128xf32, #tpu.memory_space<vmem>>)
      %mul3A_70 = arith.constant 80 : i32
      %mul3A_71 = arith.muli %rem3A_50, %mul3A_70 : i32
      %dma_start3A_72 = arith.constant 0 : i32
      %dma_start3A_73 = tpu.memref_slice %arg9[%mul3A_71, %dma_start3A_72] : memref<160x128xf32, #tpu.memory_space<vmem>> -> memref<80x128xf32, #tpu.memory_space<vmem>>
      %dma_start3A_74 = arith.constant 0 : i32
      %dma_start3A_75 = tpu.memref_slice %arg8[%scan3A_48, %dma_start3A_74] : memref<128x80xi32, #tpu.memory_space<vmem>> -> memref<1x80xi32, #tpu.memory_space<vmem>>
      %dma_start3A_76 = tpu.memref_squeeze %dma_start3A_75 : memref<1x80xi32, #tpu.memory_space<vmem>> -> memref<80xi32, #tpu.memory_space<vmem>>
      %dma_start3A_77 = arith.constant 0 : i32
      %dma_start3A_78 = arith.constant 0 : i32
      %dma_start3A_79 = tpu.memref_slice %arg10[%dma_start3A_77, %dma_start3A_78] : memref<10000x128xf32, #tpu.memory_space<vmem_shared>> -> memref<10000x128xf32, #tpu.memory_space<vmem_shared>>
      tpu.enqueue_indirect_dma source(%dma_start3A_73 : memref<80x128xf32, #tpu.memory_space<vmem>>) target(%dma_start3A_79 : memref<10000x128xf32, #tpu.memory_space<vmem_shared>>) offsets(%dma_start3A_76 : memref<80xi32, #tpu.memory_space<vmem>>) semaphore(%arg12 : memref<!tpu.dma_semaphore, #tpu.memory_space<semaphore_mem>>) {add = true}
    }
    %scan3A_22 = arith.constant 125 : i32
    %rem3A = arith.constant 124 : i32
    %rem3A_23 = arith.constant 2 : i32
    %rem3A_24 = arith.remsi %rem3A, %rem3A_23 : i32
    %mul3A_25 = arith.constant 80 : i32
    %mul3A_26 = arith.muli %rem3A_24, %mul3A_25 : i32
    %dma_wait3A = arith.constant 124 : i32
    %dma_wait3A_27 = arith.constant 0 : i32
    %dma_wait3A_28 = tpu.memref_slice %arg9[%mul3A_26, %dma_wait3A_27] : memref<160x128xf32, #tpu.memory_space<vmem>> -> memref<80x128xf32, #tpu.memory_space<vmem>>
    %dma_wait3A_29 = arith.constant 0 : i32
    %dma_wait3A_30 = tpu.memref_slice %arg8[%dma_wait3A, %dma_wait3A_29] : memref<128x80xi32, #tpu.memory_space<vmem>> -> memref<1x80xi32, #tpu.memory_space<vmem>>
    %dma_wait3A_31 = tpu.memref_squeeze %dma_wait3A_30 : memref<1x80xi32, #tpu.memory_space<vmem>> -> memref<80xi32, #tpu.memory_space<vmem>>
    %dma_wait3A_32 = arith.constant 0 : i32
    %dma_wait3A_33 = arith.constant 0 : i32
    %dma_wait3A_34 = tpu.memref_slice %arg10[%dma_wait3A_32, %dma_wait3A_33] : memref<10000x128xf32, #tpu.memory_space<vmem_shared>> -> memref<10000x128xf32, #tpu.memory_space<vmem_shared>>
    tpu.wait_indirect_dma semaphore(%arg12 : memref<!tpu.dma_semaphore, #tpu.memory_space<semaphore_mem>>) src(%dma_wait3A_28 : memref<80x128xf32, #tpu.memory_space<vmem>>) dst(%dma_wait3A_34 : memref<10000x128xf32, #tpu.memory_space<vmem_shared>>)
    %barrier3A_35 = arith.constant 0 : index
    tpu.barrier barrier_id(%barrier3A_35)
    %mul3A_36 = arith.constant 624 : i32
    %mul3A_37 = arith.muli %arg1, %mul3A_36 : i32
    %mul3A_38 = arith.constant 10000 : i32
    %mul3A_39 = arith.muli %arg0, %mul3A_38 : i32
    %mul3A_40 = arith.constant 624 : i32
    %mul3A_41 = arith.muli %arg1, %mul3A_40 : i32
    %add3A_42 = arith.addi %mul3A_39, %mul3A_41 : i32
    "tpu.region"() ({
      %run_scoped3A = tpu.sem_alloc : memref<!tpu.dma_semaphore, #tpu.memory_space<semaphore_mem>>
      %dma_start3A_48 = arith.constant 0 : i32
      %dma_start3A_49 = tpu.memref_slice %arg6[%add3A_42, %dma_start3A_48] : memref<20000x128xf32, #tpu.memory_space<hbm>> -> memref<624x128xf32, #tpu.memory_space<hbm>>
      %dma_start3A_50 = arith.constant 0 : i32
      %dma_start3A_51 = tpu.memref_slice %arg10[%mul3A_37, %dma_start3A_50] : memref<10000x128xf32, #tpu.memory_space<vmem_shared>> -> memref<624x128xf32, #tpu.memory_space<vmem_shared>>
      tpu.enqueue_dma source(%dma_start3A_51 : memref<624x128xf32, #tpu.memory_space<vmem_shared>>) target(%dma_start3A_49 : memref<624x128xf32, #tpu.memory_space<hbm>>) target_semaphore(%run_scoped3A : memref<!tpu.dma_semaphore, #tpu.memory_space<semaphore_mem>>)
      %dma_wait3A_52 = arith.constant 0 : i32
      %dma_wait3A_53 = tpu.memref_slice %arg6[%add3A_42, %dma_wait3A_52] : memref<20000x128xf32, #tpu.memory_space<hbm>> -> memref<624x128xf32, #tpu.memory_space<hbm>>
      %dma_wait3A_54 = arith.constant 0 : i32
      %dma_wait3A_55 = tpu.memref_slice %arg10[%mul3A_37, %dma_wait3A_54] : memref<10000x128xf32, #tpu.memory_space<vmem_shared>> -> memref<624x128xf32, #tpu.memory_space<vmem_shared>>
      tpu.wait_dma2 semaphore(%run_scoped3A : memref<!tpu.dma_semaphore, #tpu.memory_space<semaphore_mem>>) src(%dma_wait3A_55 : memref<624x128xf32, #tpu.memory_space<vmem_shared>>) dst(%dma_wait3A_53 : memref<624x128xf32, #tpu.memory_space<hbm>>)
      tpu.yield
    }) : () -> ()
    %eq3A_43 = arith.constant 15 : i32
    %eq3A_44 = arith.cmpi eq, %arg1, %eq3A_43 : i32
    %convert_element_type3A_45 = arith.extui %eq3A_44 : i1 to i32
    %cond3A_46 = arith.constant 0 : i32
    %cond3A_47 = arith.cmpi ne, %convert_element_type3A_45, %cond3A_46 : i32
    scf.if %cond3A_47 {
      %mul3A_48 = arith.constant 10000 : i32
      %mul3A_49 = arith.muli %arg0, %mul3A_48 : i32
      %add3A_50 = arith.constant 9984 : i32
      %add3A_51 = arith.addi %mul3A_49, %add3A_50 : i32
      "tpu.region"() ({
        %run_scoped3A = tpu.sem_alloc : memref<!tpu.dma_semaphore, #tpu.memory_space<semaphore_mem>>
        %dma_start3A_52 = arith.constant 0 : i32
        %dma_start3A_53 = tpu.memref_slice %arg6[%add3A_51, %dma_start3A_52] : memref<20000x128xf32, #tpu.memory_space<hbm>> -> memref<16x128xf32, #tpu.memory_space<hbm>>
        %dma_start3A_54 = arith.constant 9984 : i32
        %dma_start3A_55 = arith.constant 0 : i32
        %dma_start3A_56 = tpu.memref_slice %arg10[%dma_start3A_54, %dma_start3A_55] : memref<10000x128xf32, #tpu.memory_space<vmem_shared>> -> memref<16x128xf32, #tpu.memory_space<vmem_shared>>
        tpu.enqueue_dma source(%dma_start3A_56 : memref<16x128xf32, #tpu.memory_space<vmem_shared>>) target(%dma_start3A_53 : memref<16x128xf32, #tpu.memory_space<hbm>>) target_semaphore(%run_scoped3A : memref<!tpu.dma_semaphore, #tpu.memory_space<semaphore_mem>>)
        %dma_wait3A_57 = arith.constant 0 : i32
        %dma_wait3A_58 = tpu.memref_slice %arg6[%add3A_51, %dma_wait3A_57] : memref<20000x128xf32, #tpu.memory_space<hbm>> -> memref<16x128xf32, #tpu.memory_space<hbm>>
        %dma_wait3A_59 = arith.constant 9984 : i32
        %dma_wait3A_60 = arith.constant 0 : i32
        %dma_wait3A_61 = tpu.memref_slice %arg10[%dma_wait3A_59, %dma_wait3A_60] : memref<10000x128xf32, #tpu.memory_space<vmem_shared>> -> memref<16x128xf32, #tpu.memory_space<vmem_shared>>
        tpu.wait_dma2 semaphore(%run_scoped3A : memref<!tpu.dma_semaphore, #tpu.memory_space<semaphore_mem>>) src(%dma_wait3A_61 : memref<16x128xf32, #tpu.memory_space<vmem_shared>>) dst(%dma_wait3A_58 : memref<16x128xf32, #tpu.memory_space<hbm>>)
        tpu.yield
      }) : () -> ()
    } else {
    }
    return
  }
}

#map = affine_map<(d0, d1) -> (0, 0)>
#map1 = affine_map<(d0, d1) -> (0)>
module attributes {stable_mosaic.version = 14 : i64} {
  func.func @k(%arg0: i32, %arg1: i32, %arg2: memref<10000x128xf32, #tpu.memory_space<hbm>>, %arg3: memref<320000xi32, #tpu.memory_space<hbm>>, %arg4: memref<4096x80xi32, #tpu.memory_space<hbm>>, %arg5: memref<10240x128xf32, #tpu.memory_space<hbm>>, %arg6: memref<20000x128xf32, #tpu.memory_space<hbm>>, %arg7: memref<10000xi32, #tpu.memory_space<vmem>>, %arg8: memref<128x80xi32, #tpu.memory_space<vmem>>, %arg9: memref<160x128xf32, #tpu.memory_space<vmem>>, %arg10: memref<10000x128xf32, #tpu.memory_space<vmem_shared>>, %arg11: memref<!tpu.dma_semaphore, #tpu.memory_space<semaphore_mem>>, %arg12: memref<!tpu.dma_semaphore, #tpu.memory_space<semaphore_mem>>) attributes {dimension_semantics = [#tpu.dimension_semantics<core_parallel>, #tpu.dimension_semantics<subcore_parallel>], iteration_bounds = array<i64: 2, 16>, scalar_prefetch = 0 : i64, scratch_operands = 6 : i64, tpu.core_type = #tpu.core_type<sc_vector_subcore>, window_params = [{transform_indices = #map}, {transform_indices = #map1}, {transform_indices = #map}, {transform_indices = #map}, {transform_indices = #map}]} {
    %mul3A = arith.constant 2 : i32
    %mul3A_0 = arith.muli %arg1, %mul3A : i32
    %add3A = arith.addi %mul3A_0, %arg0 : i32
    %mul3A_1 = arith.constant 624 : i32
    %mul3A_2 = arith.muli %arg1, %mul3A_1 : i32
    %mul3A_3 = arith.constant 624 : i32
    %mul3A_4 = arith.muli %arg1, %mul3A_3 : i32
    "tpu.region"() ({
      %run_scoped3A = tpu.sem_alloc : memref<!tpu.dma_semaphore, #tpu.memory_space<semaphore_mem>>
      %dma_start3A_48 = arith.constant 0 : i32
      %dma_start3A_49 = tpu.memref_slice %arg10[%mul3A_4, %dma_start3A_48] : memref<10000x128xf32, #tpu.memory_space<vmem_shared>> -> memref<624x128xf32, #tpu.memory_space<vmem_shared>>
      %dma_start3A_50 = arith.constant 0 : i32
      %dma_start3A_51 = tpu.memref_slice %arg5[%mul3A_2, %dma_start3A_50] : memref<10240x128xf32, #tpu.memory_space<hbm>> -> memref<624x128xf32, #tpu.memory_space<hbm>>
      tpu.enqueue_dma source(%dma_start3A_51 : memref<624x128xf32, #tpu.memory_space<hbm>>) target(%dma_start3A_49 : memref<624x128xf32, #tpu.memory_space<vmem_shared>>) target_semaphore(%run_scoped3A : memref<!tpu.dma_semaphore, #tpu.memory_space<semaphore_mem>>)
      %dma_wait3A_52 = arith.constant 0 : i32
      %dma_wait3A_53 = tpu.memref_slice %arg10[%mul3A_4, %dma_wait3A_52] : memref<10000x128xf32, #tpu.memory_space<vmem_shared>> -> memref<624x128xf32, #tpu.memory_space<vmem_shared>>
      %dma_wait3A_54 = arith.constant 0 : i32
      %dma_wait3A_55 = tpu.memref_slice %arg5[%mul3A_2, %dma_wait3A_54] : memref<10240x128xf32, #tpu.memory_space<hbm>> -> memref<624x128xf32, #tpu.memory_space<hbm>>
      tpu.wait_dma2 semaphore(%run_scoped3A : memref<!tpu.dma_semaphore, #tpu.memory_space<semaphore_mem>>) src(%dma_wait3A_55 : memref<624x128xf32, #tpu.memory_space<hbm>>) dst(%dma_wait3A_53 : memref<624x128xf32, #tpu.memory_space<vmem_shared>>)
      tpu.yield
    }) : () -> ()
    %eq3A = arith.constant 15 : i32
    %eq3A_5 = arith.cmpi eq, %arg1, %eq3A : i32
    %convert_element_type3A = arith.extui %eq3A_5 : i1 to i32
    %cond3A = arith.constant 0 : i32
    %cond3A_6 = arith.cmpi ne, %convert_element_type3A, %cond3A : i32
    scf.if %cond3A_6 {
      "tpu.region"() ({
        %run_scoped3A = tpu.sem_alloc : memref<!tpu.dma_semaphore, #tpu.memory_space<semaphore_mem>>
        %dma_start3A_48 = arith.constant 9984 : i32
        %dma_start3A_49 = arith.constant 0 : i32
        %dma_start3A_50 = tpu.memref_slice %arg10[%dma_start3A_48, %dma_start3A_49] : memref<10000x128xf32, #tpu.memory_space<vmem_shared>> -> memref<16x128xf32, #tpu.memory_space<vmem_shared>>
        %dma_start3A_51 = arith.constant 9984 : i32
        %dma_start3A_52 = arith.constant 0 : i32
        %dma_start3A_53 = tpu.memref_slice %arg5[%dma_start3A_51, %dma_start3A_52] : memref<10240x128xf32, #tpu.memory_space<hbm>> -> memref<16x128xf32, #tpu.memory_space<hbm>>
        tpu.enqueue_dma source(%dma_start3A_53 : memref<16x128xf32, #tpu.memory_space<hbm>>) target(%dma_start3A_50 : memref<16x128xf32, #tpu.memory_space<vmem_shared>>) target_semaphore(%run_scoped3A : memref<!tpu.dma_semaphore, #tpu.memory_space<semaphore_mem>>)
        %dma_wait3A_54 = arith.constant 9984 : i32
        %dma_wait3A_55 = arith.constant 0 : i32
        %dma_wait3A_56 = tpu.memref_slice %arg10[%dma_wait3A_54, %dma_wait3A_55] : memref<10000x128xf32, #tpu.memory_space<vmem_shared>> -> memref<16x128xf32, #tpu.memory_space<vmem_shared>>
        %dma_wait3A_57 = arith.constant 9984 : i32
        %dma_wait3A_58 = arith.constant 0 : i32
        %dma_wait3A_59 = tpu.memref_slice %arg5[%dma_wait3A_57, %dma_wait3A_58] : memref<10240x128xf32, #tpu.memory_space<hbm>> -> memref<16x128xf32, #tpu.memory_space<hbm>>
        tpu.wait_dma2 semaphore(%run_scoped3A : memref<!tpu.dma_semaphore, #tpu.memory_space<semaphore_mem>>) src(%dma_wait3A_59 : memref<16x128xf32, #tpu.memory_space<hbm>>) dst(%dma_wait3A_56 : memref<16x128xf32, #tpu.memory_space<vmem_shared>>)
        tpu.yield
      }) : () -> ()
    } else {
    }
    %mul3A_7 = arith.constant 10000 : i32
    %mul3A_8 = arith.muli %add3A, %mul3A_7 : i32
    "tpu.region"() ({
      %run_scoped3A = tpu.sem_alloc : memref<!tpu.dma_semaphore, #tpu.memory_space<semaphore_mem>>
      %dma_start3A_48 = tpu.memref_slice %arg3[%mul3A_8] : memref<320000xi32, #tpu.memory_space<hbm>> -> memref<10000xi32, #tpu.memory_space<hbm>>
      %dma_start3A_49 = tpu.memref_slice %arg3[%mul3A_8] : memref<320000xi32, #tpu.memory_space<hbm>> -> memref<10000xi32, #tpu.memory_space<hbm>>
      tpu.enqueue_dma source(%dma_start3A_49 : memref<10000xi32, #tpu.memory_space<hbm>>) target(%arg7 : memref<10000xi32, #tpu.memory_space<vmem>>) target_semaphore(%run_scoped3A : memref<!tpu.dma_semaphore, #tpu.memory_space<semaphore_mem>>)
      %dma_wait3A_50 = tpu.memref_slice %arg3[%mul3A_8] : memref<320000xi32, #tpu.memory_space<hbm>> -> memref<10000xi32, #tpu.memory_space<hbm>>
      %dma_wait3A_51 = tpu.memref_slice %arg3[%mul3A_8] : memref<320000xi32, #tpu.memory_space<hbm>> -> memref<10000xi32, #tpu.memory_space<hbm>>
      tpu.wait_dma2 semaphore(%run_scoped3A : memref<!tpu.dma_semaphore, #tpu.memory_space<semaphore_mem>>) src(%dma_wait3A_51 : memref<10000xi32, #tpu.memory_space<hbm>>) dst(%arg7 : memref<10000xi32, #tpu.memory_space<vmem>>)
      tpu.yield
    }) : () -> ()
    %mul3A_9 = arith.constant 128 : i32
    %mul3A_10 = arith.muli %add3A, %mul3A_9 : i32
    "tpu.region"() ({
      %run_scoped3A = tpu.sem_alloc : memref<!tpu.dma_semaphore, #tpu.memory_space<semaphore_mem>>
      %dma_start3A_48 = arith.constant 0 : i32
      %dma_start3A_49 = tpu.memref_slice %arg4[%mul3A_10, %dma_start3A_48] : memref<4096x80xi32, #tpu.memory_space<hbm>> -> memref<128x80xi32, #tpu.memory_space<hbm>>
      %dma_start3A_50 = arith.constant 0 : i32
      %dma_start3A_51 = tpu.memref_slice %arg4[%mul3A_10, %dma_start3A_50] : memref<4096x80xi32, #tpu.memory_space<hbm>> -> memref<128x80xi32, #tpu.memory_space<hbm>>
      tpu.enqueue_dma source(%dma_start3A_51 : memref<128x80xi32, #tpu.memory_space<hbm>>) target(%arg8 : memref<128x80xi32, #tpu.memory_space<vmem>>) target_semaphore(%run_scoped3A : memref<!tpu.dma_semaphore, #tpu.memory_space<semaphore_mem>>)
      %dma_wait3A_52 = arith.constant 0 : i32
      %dma_wait3A_53 = tpu.memref_slice %arg4[%mul3A_10, %dma_wait3A_52] : memref<4096x80xi32, #tpu.memory_space<hbm>> -> memref<128x80xi32, #tpu.memory_space<hbm>>
      %dma_wait3A_54 = arith.constant 0 : i32
      %dma_wait3A_55 = tpu.memref_slice %arg4[%mul3A_10, %dma_wait3A_54] : memref<4096x80xi32, #tpu.memory_space<hbm>> -> memref<128x80xi32, #tpu.memory_space<hbm>>
      tpu.wait_dma2 semaphore(%run_scoped3A : memref<!tpu.dma_semaphore, #tpu.memory_space<semaphore_mem>>) src(%dma_wait3A_55 : memref<128x80xi32, #tpu.memory_space<hbm>>) dst(%arg8 : memref<128x80xi32, #tpu.memory_space<vmem>>)
      tpu.yield
    }) : () -> ()
    %barrier3A = arith.constant 0 : index
    tpu.barrier barrier_id(%barrier3A)
    %dma_start3A = arith.constant 0 : i32
    %dma_start3A_11 = arith.constant 0 : i32
    %dma_start3A_12 = tpu.memref_slice %arg9[%dma_start3A, %dma_start3A_11] : memref<160x128xf32, #tpu.memory_space<vmem>> -> memref<80x128xf32, #tpu.memory_space<vmem>>
    %dma_start3A_13 = arith.constant 0 : i32
    %dma_start3A_14 = tpu.memref_slice %arg7[%dma_start3A_13] : memref<10000xi32, #tpu.memory_space<vmem>> -> memref<80xi32, #tpu.memory_space<vmem>>
    %dma_start3A_15 = arith.constant 0 : i32
    %dma_start3A_16 = arith.constant 0 : i32
    %dma_start3A_17 = tpu.memref_slice %arg2[%dma_start3A_15, %dma_start3A_16] : memref<10000x128xf32, #tpu.memory_space<hbm>> -> memref<10000x128xf32, #tpu.memory_space<hbm>>
    tpu.enqueue_indirect_dma source(%dma_start3A_17 : memref<10000x128xf32, #tpu.memory_space<hbm>>) target(%dma_start3A_12 : memref<80x128xf32, #tpu.memory_space<vmem>>) offsets(%dma_start3A_14 : memref<80xi32, #tpu.memory_space<vmem>>) semaphore(%arg11 : memref<!tpu.dma_semaphore, #tpu.memory_space<semaphore_mem>>)
    %scan3A = arith.constant 0 : i32
    %scan3A_18 = arith.constant 0 : i32
    %scan3A_19 = arith.constant 125 : i32
    %scan3A_20 = arith.addi %scan3A_18, %scan3A_19 : i32
    %scan3A_21 = arith.constant 1 : i32
    scf.for %scan3A_48 = %scan3A_18 to %scan3A_20 step %scan3A_21  : i32 {
      %rem3A_49 = arith.constant 2 : i32
      %rem3A_50 = arith.remsi %scan3A_48, %rem3A_49 : i32
      %sub3A = arith.constant 1 : i32
      %sub3A_51 = arith.subi %sub3A, %rem3A_50 : i32
      %ge3A = arith.constant 1 : i32
      %ge3A_52 = arith.cmpi sge, %scan3A_48, %ge3A : i32
      %convert_element_type3A_53 = arith.extui %ge3A_52 : i1 to i32
      %cond3A_54 = arith.constant 0 : i32
      %cond3A_55 = arith.cmpi ne, %convert_element_type3A_53, %cond3A_54 : i32
      scf.if %cond3A_55 {
        %mul3A_80 = arith.constant 80 : i32
        %mul3A_81 = arith.muli %sub3A_51, %mul3A_80 : i32
        %sub3A_82 = arith.constant 1 : i32
        %sub3A_83 = arith.subi %scan3A_48, %sub3A_82 : i32
        %dma_wait3A_84 = arith.constant 0 : i32
        %dma_wait3A_85 = tpu.memref_slice %arg9[%mul3A_81, %dma_wait3A_84] : memref<160x128xf32, #tpu.memory_space<vmem>> -> memref<80x128xf32, #tpu.memory_space<vmem>>
        %dma_wait3A_86 = arith.constant 0 : i32
        %dma_wait3A_87 = tpu.memref_slice %arg8[%sub3A_83, %dma_wait3A_86] : memref<128x80xi32, #tpu.memory_space<vmem>> -> memref<1x80xi32, #tpu.memory_space<vmem>>
        %dma_wait3A_88 = tpu.memref_squeeze %dma_wait3A_87 : memref<1x80xi32, #tpu.memory_space<vmem>> -> memref<80xi32, #tpu.memory_space<vmem>>
        %dma_wait3A_89 = arith.constant 0 : i32
        %dma_wait3A_90 = arith.constant 0 : i32
        %dma_wait3A_91 = tpu.memref_slice %arg10[%dma_wait3A_89, %dma_wait3A_90] : memref<10000x128xf32, #tpu.memory_space<vmem_shared>> -> memref<10000x128xf32, #tpu.memory_space<vmem_shared>>
        tpu.wait_indirect_dma semaphore(%arg12 : memref<!tpu.dma_semaphore, #tpu.memory_space<semaphore_mem>>) src(%dma_wait3A_85 : memref<80x128xf32, #tpu.memory_space<vmem>>) dst(%dma_wait3A_91 : memref<10000x128xf32, #tpu.memory_space<vmem_shared>>)
      } else {
      }
      %lt3A = arith.constant 124 : i32
      %lt3A_56 = arith.cmpi slt, %scan3A_48, %lt3A : i32
      %convert_element_type3A_57 = arith.extui %lt3A_56 : i1 to i32
      %cond3A_58 = arith.constant 0 : i32
      %cond3A_59 = arith.cmpi ne, %convert_element_type3A_57, %cond3A_58 : i32
      scf.if %cond3A_59 {
        %add3A_80 = arith.constant 1 : i32
        %add3A_81 = arith.addi %scan3A_48, %add3A_80 : i32
        %mul3A_82 = arith.constant 80 : i32
        %mul3A_83 = arith.muli %add3A_81, %mul3A_82 : i32
        %mul3A_84 = arith.constant 80 : i32
        %mul3A_85 = arith.muli %sub3A_51, %mul3A_84 : i32
        %dma_start3A_86 = arith.constant 0 : i32
        %dma_start3A_87 = tpu.memref_slice %arg9[%mul3A_85, %dma_start3A_86] : memref<160x128xf32, #tpu.memory_space<vmem>> -> memref<80x128xf32, #tpu.memory_space<vmem>>
        %dma_start3A_88 = tpu.memref_slice %arg7[%mul3A_83] : memref<10000xi32, #tpu.memory_space<vmem>> -> memref<80xi32, #tpu.memory_space<vmem>>
        %dma_start3A_89 = arith.constant 0 : i32
        %dma_start3A_90 = arith.constant 0 : i32
        %dma_start3A_91 = tpu.memref_slice %arg2[%dma_start3A_89, %dma_start3A_90] : memref<10000x128xf32, #tpu.memory_space<hbm>> -> memref<10000x128xf32, #tpu.memory_space<hbm>>
        tpu.enqueue_indirect_dma source(%dma_start3A_91 : memref<10000x128xf32, #tpu.memory_space<hbm>>) target(%dma_start3A_87 : memref<80x128xf32, #tpu.memory_space<vmem>>) offsets(%dma_start3A_88 : memref<80xi32, #tpu.memory_space<vmem>>) semaphore(%arg11 : memref<!tpu.dma_semaphore, #tpu.memory_space<semaphore_mem>>)
      } else {
      }
      %mul3A_60 = arith.constant 80 : i32
      %mul3A_61 = arith.muli %scan3A_48, %mul3A_60 : i32
      %mul3A_62 = arith.constant 80 : i32
      %mul3A_63 = arith.muli %rem3A_50, %mul3A_62 : i32
      %dma_wait3A_64 = arith.constant 0 : i32
      %dma_wait3A_65 = tpu.memref_slice %arg9[%mul3A_63, %dma_wait3A_64] : memref<160x128xf32, #tpu.memory_space<vmem>> -> memref<80x128xf32, #tpu.memory_space<vmem>>
      %dma_wait3A_66 = tpu.memref_slice %arg7[%mul3A_61] : memref<10000xi32, #tpu.memory_space<vmem>> -> memref<80xi32, #tpu.memory_space<vmem>>
      %dma_wait3A_67 = arith.constant 0 : i32
      %dma_wait3A_68 = arith.constant 0 : i32
      %dma_wait3A_69 = tpu.memref_slice %arg2[%dma_wait3A_67, %dma_wait3A_68] : memref<10000x128xf32, #tpu.memory_space<hbm>> -> memref<10000x128xf32, #tpu.memory_space<hbm>>
      tpu.wait_indirect_dma semaphore(%arg11 : memref<!tpu.dma_semaphore, #tpu.memory_space<semaphore_mem>>) src(%dma_wait3A_69 : memref<10000x128xf32, #tpu.memory_space<hbm>>) dst(%dma_wait3A_65 : memref<80x128xf32, #tpu.memory_space<vmem>>)
      %mul3A_70 = arith.constant 80 : i32
      %mul3A_71 = arith.muli %rem3A_50, %mul3A_70 : i32
      %dma_start3A_72 = arith.constant 0 : i32
      %dma_start3A_73 = tpu.memref_slice %arg9[%mul3A_71, %dma_start3A_72] : memref<160x128xf32, #tpu.memory_space<vmem>> -> memref<80x128xf32, #tpu.memory_space<vmem>>
      %dma_start3A_74 = arith.constant 0 : i32
      %dma_start3A_75 = tpu.memref_slice %arg8[%scan3A_48, %dma_start3A_74] : memref<128x80xi32, #tpu.memory_space<vmem>> -> memref<1x80xi32, #tpu.memory_space<vmem>>
      %dma_start3A_76 = tpu.memref_squeeze %dma_start3A_75 : memref<1x80xi32, #tpu.memory_space<vmem>> -> memref<80xi32, #tpu.memory_space<vmem>>
      %dma_start3A_77 = arith.constant 0 : i32
      %dma_start3A_78 = arith.constant 0 : i32
      %dma_start3A_79 = tpu.memref_slice %arg10[%dma_start3A_77, %dma_start3A_78] : memref<10000x128xf32, #tpu.memory_space<vmem_shared>> -> memref<10000x128xf32, #tpu.memory_space<vmem_shared>>
      tpu.enqueue_indirect_dma source(%dma_start3A_73 : memref<80x128xf32, #tpu.memory_space<vmem>>) target(%dma_start3A_79 : memref<10000x128xf32, #tpu.memory_space<vmem_shared>>) offsets(%dma_start3A_76 : memref<80xi32, #tpu.memory_space<vmem>>) semaphore(%arg12 : memref<!tpu.dma_semaphore, #tpu.memory_space<semaphore_mem>>) {add = true}
    }
    %scan3A_22 = arith.constant 125 : i32
    %rem3A = arith.constant 124 : i32
    %rem3A_23 = arith.constant 2 : i32
    %rem3A_24 = arith.remsi %rem3A, %rem3A_23 : i32
    %mul3A_25 = arith.constant 80 : i32
    %mul3A_26 = arith.muli %rem3A_24, %mul3A_25 : i32
    %dma_wait3A = arith.constant 124 : i32
    %dma_wait3A_27 = arith.constant 0 : i32
    %dma_wait3A_28 = tpu.memref_slice %arg9[%mul3A_26, %dma_wait3A_27] : memref<160x128xf32, #tpu.memory_space<vmem>> -> memref<80x128xf32, #tpu.memory_space<vmem>>
    %dma_wait3A_29 = arith.constant 0 : i32
    %dma_wait3A_30 = tpu.memref_slice %arg8[%dma_wait3A, %dma_wait3A_29] : memref<128x80xi32, #tpu.memory_space<vmem>> -> memref<1x80xi32, #tpu.memory_space<vmem>>
    %dma_wait3A_31 = tpu.memref_squeeze %dma_wait3A_30 : memref<1x80xi32, #tpu.memory_space<vmem>> -> memref<80xi32, #tpu.memory_space<vmem>>
    %dma_wait3A_32 = arith.constant 0 : i32
    %dma_wait3A_33 = arith.constant 0 : i32
    %dma_wait3A_34 = tpu.memref_slice %arg10[%dma_wait3A_32, %dma_wait3A_33] : memref<10000x128xf32, #tpu.memory_space<vmem_shared>> -> memref<10000x128xf32, #tpu.memory_space<vmem_shared>>
    tpu.wait_indirect_dma semaphore(%arg12 : memref<!tpu.dma_semaphore, #tpu.memory_space<semaphore_mem>>) src(%dma_wait3A_28 : memref<80x128xf32, #tpu.memory_space<vmem>>) dst(%dma_wait3A_34 : memref<10000x128xf32, #tpu.memory_space<vmem_shared>>)
    %barrier3A_35 = arith.constant 0 : index
    tpu.barrier barrier_id(%barrier3A_35)
    %mul3A_36 = arith.constant 624 : i32
    %mul3A_37 = arith.muli %arg1, %mul3A_36 : i32
    %mul3A_38 = arith.constant 10000 : i32
    %mul3A_39 = arith.muli %arg0, %mul3A_38 : i32
    %mul3A_40 = arith.constant 624 : i32
    %mul3A_41 = arith.muli %arg1, %mul3A_40 : i32
    %add3A_42 = arith.addi %mul3A_39, %mul3A_41 : i32
    "tpu.region"() ({
      %run_scoped3A = tpu.sem_alloc : memref<!tpu.dma_semaphore, #tpu.memory_space<semaphore_mem>>
      %dma_start3A_48 = arith.constant 0 : i32
      %dma_start3A_49 = tpu.memref_slice %arg6[%add3A_42, %dma_start3A_48] : memref<20000x128xf32, #tpu.memory_space<hbm>> -> memref<624x128xf32, #tpu.memory_space<hbm>>
      %dma_start3A_50 = arith.constant 0 : i32
      %dma_start3A_51 = tpu.memref_slice %arg10[%mul3A_37, %dma_start3A_50] : memref<10000x128xf32, #tpu.memory_space<vmem_shared>> -> memref<624x128xf32, #tpu.memory_space<vmem_shared>>
      tpu.enqueue_dma source(%dma_start3A_51 : memref<624x128xf32, #tpu.memory_space<vmem_shared>>) target(%dma_start3A_49 : memref<624x128xf32, #tpu.memory_space<hbm>>) target_semaphore(%run_scoped3A : memref<!tpu.dma_semaphore, #tpu.memory_space<semaphore_mem>>)
      %dma_wait3A_52 = arith.constant 0 : i32
      %dma_wait3A_53 = tpu.memref_slice %arg6[%add3A_42, %dma_wait3A_52] : memref<20000x128xf32, #tpu.memory_space<hbm>> -> memref<624x128xf32, #tpu.memory_space<hbm>>
      %dma_wait3A_54 = arith.constant 0 : i32
      %dma_wait3A_55 = tpu.memref_slice %arg10[%mul3A_37, %dma_wait3A_54] : memref<10000x128xf32, #tpu.memory_space<vmem_shared>> -> memref<624x128xf32, #tpu.memory_space<vmem_shared>>
      tpu.wait_dma2 semaphore(%run_scoped3A : memref<!tpu.dma_semaphore, #tpu.memory_space<semaphore_mem>>) src(%dma_wait3A_55 : memref<624x128xf32, #tpu.memory_space<vmem_shared>>) dst(%dma_wait3A_53 : memref<624x128xf32, #tpu.memory_space<hbm>>)
      tpu.yield
    }) : () -> ()
    %eq3A_43 = arith.constant 15 : i32
    %eq3A_44 = arith.cmpi eq, %arg1, %eq3A_43 : i32
    %convert_element_type3A_45 = arith.extui %eq3A_44 : i1 to i32
    %cond3A_46 = arith.constant 0 : i32
    %cond3A_47 = arith.cmpi ne, %convert_element_type3A_45, %cond3A_46 : i32
    scf.if %cond3A_47 {
      %mul3A_48 = arith.constant 10000 : i32
      %mul3A_49 = arith.muli %arg0, %mul3A_48 : i32
      %add3A_50 = arith.constant 9984 : i32
      %add3A_51 = arith.addi %mul3A_49, %add3A_50 : i32
      "tpu.region"() ({
        %run_scoped3A = tpu.sem_alloc : memref<!tpu.dma_semaphore, #tpu.memory_space<semaphore_mem>>
        %dma_start3A_52 = arith.constant 0 : i32
        %dma_start3A_53 = tpu.memref_slice %arg6[%add3A_51, %dma_start3A_52] : memref<20000x128xf32, #tpu.memory_space<hbm>> -> memref<16x128xf32, #tpu.memory_space<hbm>>
        %dma_start3A_54 = arith.constant 9984 : i32
        %dma_start3A_55 = arith.constant 0 : i32
        %dma_start3A_56 = tpu.memref_slice %arg10[%dma_start3A_54, %dma_start3A_55] : memref<10000x128xf32, #tpu.memory_space<vmem_shared>> -> memref<16x128xf32, #tpu.memory_space<vmem_shared>>
        tpu.enqueue_dma source(%dma_start3A_56 : memref<16x128xf32, #tpu.memory_space<vmem_shared>>) target(%dma_start3A_53 : memref<16x128xf32, #tpu.memory_space<hbm>>) target_semaphore(%run_scoped3A : memref<!tpu.dma_semaphore, #tpu.memory_space<semaphore_mem>>)
        %dma_wait3A_57 = arith.constant 0 : i32
        %dma_wait3A_58 = tpu.memref_slice %arg6[%add3A_51, %dma_wait3A_57] : memref<20000x128xf32, #tpu.memory_space<hbm>> -> memref<16x128xf32, #tpu.memory_space<hbm>>
        %dma_wait3A_59 = arith.constant 9984 : i32
        %dma_wait3A_60 = arith.constant 0 : i32
        %dma_wait3A_61 = tpu.memref_slice %arg10[%dma_wait3A_59, %dma_wait3A_60] : memref<10000x128xf32, #tpu.memory_space<vmem_shared>> -> memref<16x128xf32, #tpu.memory_space<vmem_shared>>
        tpu.wait_dma2 semaphore(%run_scoped3A : memref<!tpu.dma_semaphore, #tpu.memory_space<semaphore_mem>>) src(%dma_wait3A_61 : memref<16x128xf32, #tpu.memory_space<vmem_shared>>) dst(%dma_wait3A_58 : memref<16x128xf32, #tpu.memory_space<hbm>>)
        tpu.yield
      }) : () -> ()
    } else {
    }
    return
  }
}

module attributes {stable_mosaic.version = 14 : i64} {
  func.func @body(%arg0: i32, %arg1: memref<2000x128xf32, #tpu.memory_space<vmem>>, %arg2: memref<128x128xf32, #tpu.memory_space<vmem>>, %arg3: memref<128x8xf32, #tpu.memory_space<vmem>>, %arg4: memref<128x8xf32, #tpu.memory_space<vmem>>, %arg5: memref<2000x256xf32, #tpu.memory_space<vmem>>, %arg6: memref<2000x128xf32, #tpu.memory_space<vmem>>, %arg7: memref<2000x8xf32, #tpu.memory_space<vmem>>, %arg8: memref<2000x8xf32, #tpu.memory_space<vmem>>) attributes {dimension_semantics = [#tpu.dimension_semantics<arbitrary>], iteration_bounds = array<i64: 5>, scalar_prefetch = 0 : i64, scratch_operands = 0 : i64, tpu.core_type = #tpu.core_type<tc>, window_params = [{transform_indices = @transform_0, window_bounds = array<i64: 2000, 128>}, {pipeline_mode = #tpu.pipeline_mode<synchronous>, transform_indices = @transform_1, window_bounds = array<i64: 128, 128>}, {pipeline_mode = #tpu.pipeline_mode<synchronous>, transform_indices = @transform_2, window_bounds = array<i64: 128, 8>}, {pipeline_mode = #tpu.pipeline_mode<synchronous>, transform_indices = @transform_3, window_bounds = array<i64: 128, 8>}, {transform_indices = @transform_4, window_bounds = array<i64: 2000, 256>}, {transform_indices = @transform_5, window_bounds = array<i64: 2000, 128>}, {transform_indices = @transform_6, window_bounds = array<i64: 2000, 8>}, {transform_indices = @transform_7, window_bounds = array<i64: 2000, 8>}]} {
    %get3A = arith.constant 0 : index
    %get3A_0 = arith.constant 0 : index
    %get3A_1 = vector.load %arg1[%get3A, %get3A_0] : memref<2000x128xf32, #tpu.memory_space<vmem>>, vector<2000x128xf32>
    %get3A_2 = arith.constant 0 : index
    %get3A_3 = arith.constant 0 : index
    %get3A_4 = vector.load %arg2[%get3A_2, %get3A_3] : memref<128x128xf32, #tpu.memory_space<vmem>>, vector<128x128xf32>
    %dot_general3A = arith.constant dense<0.000000e+00> : vector<2000x128xf32>
    %dot_general3A_5 = tpu.matmul %get3A_1, %get3A_4, %dot_general3A {dimension_numbers = #tpu.dot_dimension_numbers<[1], [0], [0], [1], [0, 0, 1, 1], [], []>, transpose_lhs_hint = false} : vector<2000x128xf32>, vector<128x128xf32>, vector<2000x128xf32> -> vector<2000x128xf32>
    %get3A_6 = arith.constant 0 : index
    %get3A_7 = arith.constant 0 : index
    %get3A_8 = vector.load %arg3[%get3A_6, %get3A_7] : memref<128x8xf32, #tpu.memory_space<vmem>>, vector<128x8xf32>
    %dot_general3A_9 = arith.constant dense<0.000000e+00> : vector<2000x8xf32>
    %dot_general3A_10 = tpu.matmul %dot_general3A_5, %get3A_8, %dot_general3A_9 {dimension_numbers = #tpu.dot_dimension_numbers<[1], [0], [0], [1], [0, 0, 1, 1], [], []>, transpose_lhs_hint = false} : vector<2000x128xf32>, vector<128x8xf32>, vector<2000x8xf32> -> vector<2000x8xf32>
    %get3A_11 = arith.constant 0 : index
    %get3A_12 = arith.constant 0 : index
    %get3A_13 = vector.load %arg4[%get3A_11, %get3A_12] : memref<128x8xf32, #tpu.memory_space<vmem>>, vector<128x8xf32>
    %dot_general3A_14 = arith.constant dense<0.000000e+00> : vector<2000x8xf32>
    %dot_general3A_15 = tpu.matmul %dot_general3A_5, %get3A_13, %dot_general3A_14 {dimension_numbers = #tpu.dot_dimension_numbers<[1], [0], [0], [1], [0, 0, 1, 1], [], []>, transpose_lhs_hint = false} : vector<2000x128xf32>, vector<128x8xf32>, vector<2000x8xf32> -> vector<2000x8xf32>
    %broadcast_in_dim3A = arith.constant 0.000000e+00 : f32
    %broadcast_in_dim3A_16 = vector.broadcast %broadcast_in_dim3A : f32 to vector<2000x120xf32>
    %concatenate3A = tpu.concatenate %dot_general3A_5, %dot_general3A_10, %broadcast_in_dim3A_16 in 1 : vector<2000x128xf32>, vector<2000x8xf32>, vector<2000x120xf32> -> vector<2000x256xf32>
    %swap3A = arith.constant 0 : index
    %swap3A_17 = arith.constant 0 : index
    %swap3A_18 = vector.load %arg5[%swap3A, %swap3A_17] : memref<2000x256xf32, #tpu.memory_space<vmem>>, vector<2000x256xf32>
    tpu.vector_store %arg5[%swap3A, %swap3A_17], %concatenate3A {strides = array<i32>} : memref<2000x256xf32, #tpu.memory_space<vmem>>, vector<2000x256xf32>,
    %broadcast_in_dim3A_19 = arith.constant 0.000000e+00 : f32
    %broadcast_in_dim3A_20 = vector.broadcast %broadcast_in_dim3A_19 : f32 to vector<2000x120xf32>
    %concatenate3A_21 = tpu.concatenate %dot_general3A_15, %broadcast_in_dim3A_20 in 1 : vector<2000x8xf32>, vector<2000x120xf32> -> vector<2000x128xf32>
    %swap3A_22 = arith.constant 0 : index
    %swap3A_23 = arith.constant 0 : index
    %swap3A_24 = vector.load %arg6[%swap3A_22, %swap3A_23] : memref<2000x128xf32, #tpu.memory_space<vmem>>, vector<2000x128xf32>
    tpu.vector_store %arg6[%swap3A_22, %swap3A_23], %concatenate3A_21 {strides = array<i32>} : memref<2000x128xf32, #tpu.memory_space<vmem>>, vector<2000x128xf32>,
    %swap3A_25 = arith.constant 0 : index
    %swap3A_26 = arith.constant 0 : index
    %swap3A_27 = vector.load %arg7[%swap3A_25, %swap3A_26] : memref<2000x8xf32, #tpu.memory_space<vmem>>, vector<2000x8xf32>
    tpu.vector_store %arg7[%swap3A_25, %swap3A_26], %dot_general3A_10 {strides = array<i32>} : memref<2000x8xf32, #tpu.memory_space<vmem>>, vector<2000x8xf32>,
    %swap3A_28 = arith.constant 0 : index
    %swap3A_29 = arith.constant 0 : index
    %swap3A_30 = vector.load %arg8[%swap3A_28, %swap3A_29] : memref<2000x8xf32, #tpu.memory_space<vmem>>, vector<2000x8xf32>
    tpu.vector_store %arg8[%swap3A_28, %swap3A_29], %dot_general3A_15 {strides = array<i32>} : memref<2000x8xf32, #tpu.memory_space<vmem>>, vector<2000x8xf32>,
    return
  }
  func.func @transform_0(%arg0: i32) -> (i32, i32) {
    %c0_i32 = arith.constant 0 : i32
    %c0_i32_0 = arith.constant 0 : i32
    return %arg0, %c0_i32 : i32, i32
  }
  func.func @transform_1(%arg0: i32) -> (i32, i32) {
    %c0_i32 = arith.constant 0 : i32
    %c0_i32_0 = arith.constant 0 : i32
    %c0_i32_1 = arith.constant 0 : i32
    return %c0_i32, %c0_i32_0 : i32, i32
  }
  func.func @transform_2(%arg0: i32) -> (i32, i32) {
    %c0_i32 = arith.constant 0 : i32
    %c0_i32_0 = arith.constant 0 : i32
    %c0_i32_1 = arith.constant 0 : i32
    return %c0_i32, %c0_i32_0 : i32, i32
  }
  func.func @transform_3(%arg0: i32) -> (i32, i32) {
    %c0_i32 = arith.constant 0 : i32
    %c0_i32_0 = arith.constant 0 : i32
    %c0_i32_1 = arith.constant 0 : i32
    return %c0_i32, %c0_i32_0 : i32, i32
  }
  func.func @transform_4(%arg0: i32) -> (i32, i32) {
    %c0_i32 = arith.constant 0 : i32
    %c0_i32_0 = arith.constant 0 : i32
    return %arg0, %c0_i32 : i32, i32
  }
  func.func @transform_5(%arg0: i32) -> (i32, i32) {
    %c0_i32 = arith.constant 0 : i32
    %c0_i32_0 = arith.constant 0 : i32
    return %arg0, %c0_i32 : i32, i32
  }
  func.func @transform_6(%arg0: i32) -> (i32, i32) {
    %c0_i32 = arith.constant 0 : i32
    %c0_i32_0 = arith.constant 0 : i32
    return %arg0, %c0_i32 : i32, i32
  }
  func.func @transform_7(%arg0: i32) -> (i32, i32) {
    %c0_i32 = arith.constant 0 : i32
    %c0_i32_0 = arith.constant 0 : i32
    return %arg0, %c0_i32 : i32, i32
  }
}

module attributes {stable_mosaic.version = 14 : i64} {
  func.func @body(%arg0: memref<10000x8xf32, #tpu.memory_space<vmem>>, %arg1: memref<10000x8xf32, #tpu.memory_space<vmem>>, %arg2: memref<1x1xf32, #tpu.memory_space<vmem>>) attributes {dimension_semantics = [], scalar_prefetch = 0 : i64, scratch_operands = 0 : i64, tpu.core_type = #tpu.core_type<tc>} {
    %get3A = arith.constant 0 : index
    %get3A_0 = arith.constant 0 : index
    %get3A_1 = vector.load %arg0[%get3A, %get3A_0] : memref<10000x8xf32, #tpu.memory_space<vmem>>, vector<10000x8xf32>
    %reduce_max3A = vector.shape_cast %get3A_1 : vector<10000x8xf32> to vector<1x10000x8xf32>
    %reduce_max3A_2 = arith.constant dense<0xFF800000> : vector<1xf32>
    %reduce_max3A_3 = vector.multi_reduction <maximumf>, %reduce_max3A, %reduce_max3A_2 [1, 2] : vector<1x10000x8xf32> to vector<1xf32>
    %reduce_max3A_4 = vector.shape_cast %reduce_max3A_3 : vector<1xf32> to vector<1x1x1xf32>
    %reduce_max3A_5 = vector.extract %reduce_max3A_4[0, 0, 0] : f32 from vector<1x1x1xf32>
    %get3A_6 = arith.constant 0 : index
    %get3A_7 = arith.constant 0 : index
    %get3A_8 = vector.load %arg1[%get3A_6, %get3A_7] : memref<10000x8xf32, #tpu.memory_space<vmem>>, vector<10000x8xf32>
    %reduce_max3A_9 = vector.shape_cast %get3A_8 : vector<10000x8xf32> to vector<1x10000x8xf32>
    %reduce_max3A_10 = arith.constant dense<0xFF800000> : vector<1xf32>
    %reduce_max3A_11 = vector.multi_reduction <maximumf>, %reduce_max3A_9, %reduce_max3A_10 [1, 2] : vector<1x10000x8xf32> to vector<1xf32>
    %reduce_max3A_12 = vector.shape_cast %reduce_max3A_11 : vector<1xf32> to vector<1x1x1xf32>
    %reduce_max3A_13 = vector.extract %reduce_max3A_12[0, 0, 0] : f32 from vector<1x1x1xf32>
    %add3A = arith.addf %reduce_max3A_5, %reduce_max3A_13 : f32
    %max3A = arith.constant 0.000000e+00 : f32
    %max3A_14 = arith.maximumf %add3A, %max3A : f32
    %broadcast_in_dim3A = vector.broadcast %max3A_14 : f32 to vector<1x1xf32>
    %swap3A = arith.constant 0 : index
    %swap3A_15 = arith.constant 0 : index
    %swap3A_16 = vector.load %arg2[%swap3A, %swap3A_15] : memref<1x1xf32, #tpu.memory_space<vmem>>, vector<1x1xf32>
    tpu.vector_store %arg2[%swap3A, %swap3A_15], %broadcast_in_dim3A {strides = array<i32>} : memref<1x1xf32, #tpu.memory_space<vmem>>, vector<1x1xf32>,
    return
  }
}

module attributes {stable_mosaic.version = 14 : i64} {
  func.func @body(%arg0: memref<2x10000x16xf32, #tpu.memory_space<vmem>>, %arg1: memref<4x4xf32, #tpu.memory_space<vmem>>, %arg2: memref<1x32xf32, #tpu.memory_space<vmem>>, %arg3: memref<32x32xf32, #tpu.memory_space<vmem>>, %arg4: memref<1x32xf32, #tpu.memory_space<vmem>>, %arg5: memref<8x32xf32, #tpu.memory_space<vmem>>, %arg6: memref<10000x8xf32, #tpu.memory_space<vmem>>, %arg7: memref<10000x1xf32, #tpu.memory_space<vmem>>, %arg8: memref<1x32xf32, #tpu.memory_space<vmem>>) attributes {dimension_semantics = [], scalar_prefetch = 0 : i64, scratch_operands = 0 : i64, tpu.core_type = #tpu.core_type<tc>} {
    %get3A = arith.constant 0 : index
    %get3A_0 = arith.constant 0 : index
    %get3A_1 = arith.constant 0 : index
    %get3A_2 = vector.load %arg0[%get3A, %get3A_0, %get3A_1] : memref<2x10000x16xf32, #tpu.memory_space<vmem>>, vector<1x10000x16xf32>
    %get3A_3 = vector.shape_cast %get3A_2 : vector<1x10000x16xf32> to vector<10000x16xf32>
    %get3A_4 = arith.constant 1 : index
    %get3A_5 = arith.constant 0 : index
    %get3A_6 = arith.constant 0 : index
    %get3A_7 = vector.load %arg0[%get3A_4, %get3A_5, %get3A_6] : memref<2x10000x16xf32, #tpu.memory_space<vmem>>, vector<1x10000x16xf32>
    %get3A_8 = vector.shape_cast %get3A_7 : vector<1x10000x16xf32> to vector<10000x16xf32>
    %add3A = arith.addf %get3A_3, %get3A_8 : vector<10000x16xf32>
    %slice3A = vector.extract_strided_slice %add3A {offsets = [0, 0], sizes = [10000, 8], strides = [1, 1]} : vector<10000x16xf32> to vector<10000x8xf32>
    %add3A_9 = arith.constant 1.000000e-16 : f32
    %add3A_10 = vector.broadcast %add3A_9 : f32 to vector<10000x8xf32>
    %add3A_11 = arith.addf %slice3A, %add3A_10 : vector<10000x8xf32>
    %div3A = arith.constant 1.000000e+00 : f32
    %div3A_12 = vector.broadcast %div3A : f32 to vector<10000x8xf32>
    %div3A_13 = arith.divf %div3A_12, %add3A_11 : vector<10000x8xf32>
    %swap3A = arith.constant 0 : index
    %swap3A_14 = arith.constant 0 : index
    %swap3A_15 = vector.load %arg6[%swap3A, %swap3A_14] : memref<10000x8xf32, #tpu.memory_space<vmem>>, vector<10000x8xf32>
    tpu.vector_store %arg6[%swap3A, %swap3A_14], %div3A_13 {strides = array<i32>} : memref<10000x8xf32, #tpu.memory_space<vmem>>, vector<10000x8xf32>,
    %slice3A_16 = vector.extract_strided_slice %add3A {offsets = [0, 8], sizes = [10000, 1], strides = [1, 1]} : vector<10000x16xf32> to vector<10000x1xf32>
    %max3A = arith.constant 1.000000e+00 : f32
    %max3A_17 = vector.broadcast %max3A : f32 to vector<10000x1xf32>
    %max3A_18 = arith.maximumf %slice3A_16, %max3A_17 : vector<10000x1xf32>
    %rsqrt3A = math.rsqrt %max3A_18 : vector<10000x1xf32>
    %swap3A_19 = arith.constant 0 : index
    %swap3A_20 = arith.constant 0 : index
    %swap3A_21 = vector.load %arg7[%swap3A_19, %swap3A_20] : memref<10000x1xf32, #tpu.memory_space<vmem>>, vector<10000x1xf32>
    tpu.vector_store %arg7[%swap3A_19, %swap3A_20], %rsqrt3A {strides = array<i32>} : memref<10000x1xf32, #tpu.memory_space<vmem>>, vector<10000x1xf32>,
    %mul3A = arith.mulf %slice3A, %div3A_13 : vector<10000x8xf32>
    %get3A_22 = arith.constant 0 : index
    %get3A_23 = arith.constant 0 : index
    %get3A_24 = vector.load %arg5[%get3A_22, %get3A_23] : memref<8x32xf32, #tpu.memory_space<vmem>>, vector<8x32xf32>
    %dot_general3A = arith.constant dense<0.000000e+00> : vector<10000x32xf32>
    %dot_general3A_25 = tpu.matmul %mul3A, %get3A_24, %dot_general3A {dimension_numbers = #tpu.dot_dimension_numbers<[1], [0], [0], [1], [0, 0, 1, 1], [], []>, transpose_lhs_hint = false} : vector<10000x8xf32>, vector<8x32xf32>, vector<10000x32xf32> -> vector<10000x32xf32>
    %get3A_26 = arith.constant 0 : index
    %get3A_27 = arith.constant 0 : index
    %get3A_28 = vector.load %arg1[%get3A_26, %get3A_27] : memref<4x4xf32, #tpu.memory_space<vmem>>, vector<4x4xf32>
    %reduce_sum3A = arith.constant dense<0.000000e+00> : vector<4xf32>
    %reduce_sum3A_29 = vector.multi_reduction <add>, %get3A_28, %reduce_sum3A [0] : vector<4x4xf32> to vector<4xf32>
    %broadcast_in_dim3A = vector.shape_cast %reduce_sum3A_29 : vector<4xf32> to vector<1x4xf32>
    %concatenate3A = tpu.concatenate %broadcast_in_dim3A, %broadcast_in_dim3A, %broadcast_in_dim3A, %broadcast_in_dim3A, %broadcast_in_dim3A, %broadcast_in_dim3A, %broadcast_in_dim3A, %broadcast_in_dim3A in 1 : vector<1x4xf32>, vector<1x4xf32>, vector<1x4xf32>, vector<1x4xf32>, vector<1x4xf32>, vector<1x4xf32>, vector<1x4xf32>, vector<1x4xf32> -> vector<1x32xf32>
    %mul3A_30 = vector.broadcast %concatenate3A : vector<1x32xf32> to vector<10000x32xf32>
    %mul3A_31 = arith.mulf %dot_general3A_25, %mul3A_30 : vector<10000x32xf32>
    %get3A_32 = arith.constant 0 : index
    %get3A_33 = arith.constant 0 : index
    %get3A_34 = vector.load %arg2[%get3A_32, %get3A_33] : memref<1x32xf32, #tpu.memory_space<vmem>>, vector<1x32xf32>
    %add3A_35 = vector.broadcast %get3A_34 : vector<1x32xf32> to vector<10000x32xf32>
    %add3A_36 = arith.addf %mul3A_31, %add3A_35 : vector<10000x32xf32>
    %tanh3A = math.tanh %add3A_36 : vector<10000x32xf32>
    %reduce_sum3A_37 = arith.constant dense<0.000000e+00> : vector<32xf32>
    %reduce_sum3A_38 = vector.multi_reduction <add>, %tanh3A, %reduce_sum3A_37 [0] : vector<10000x32xf32> to vector<32xf32>
    %broadcast_in_dim3A_39 = vector.shape_cast %reduce_sum3A_38 : vector<32xf32> to vector<1x32xf32>
    %div3A_40 = arith.constant 1.000000e+04 : f32
    %div3A_41 = vector.broadcast %div3A_40 : f32 to vector<1x32xf32>
    %div3A_42 = arith.divf %broadcast_in_dim3A_39, %div3A_41 : vector<1x32xf32>
    %get3A_43 = arith.constant 0 : index
    %get3A_44 = arith.constant 0 : index
    %get3A_45 = vector.load %arg3[%get3A_43, %get3A_44] : memref<32x32xf32, #tpu.memory_space<vmem>>, vector<32x32xf32>
    %dot_general3A_46 = arith.constant dense<0.000000e+00> : vector<1x32xf32>
    %dot_general3A_47 = tpu.matmul %div3A_42, %get3A_45, %dot_general3A_46 {dimension_numbers = #tpu.dot_dimension_numbers<[1], [0], [0], [1], [0, 0, 1, 1], [], []>, transpose_lhs_hint = false} : vector<1x32xf32>, vector<32x32xf32>, vector<1x32xf32> -> vector<1x32xf32>
    %get3A_48 = arith.constant 0 : index
    %get3A_49 = arith.constant 0 : index
    %get3A_50 = vector.load %arg4[%get3A_48, %get3A_49] : memref<1x32xf32, #tpu.memory_space<vmem>>, vector<1x32xf32>
    %add3A_51 = arith.addf %dot_general3A_47, %get3A_50 : vector<1x32xf32>
    %swap3A_52 = arith.constant 0 : index
    %swap3A_53 = arith.constant 0 : index
    %swap3A_54 = vector.load %arg8[%swap3A_52, %swap3A_53] : memref<1x32xf32, #tpu.memory_space<vmem>>, vector<1x32xf32>
    tpu.vector_store %arg8[%swap3A_52, %swap3A_53], %add3A_51 {strides = array<i32>} : memref<1x32xf32, #tpu.memory_space<vmem>>, vector<1x32xf32>,
    return
  }
}

module attributes {stable_mosaic.version = 14 : i64} {
  func.func @body(%arg0: i32, %arg1: memref<2x2000x128xf32, #tpu.memory_space<vmem>>, %arg2: memref<2000x8xf32, #tpu.memory_space<vmem>>, %arg3: memref<2000x1xf32, #tpu.memory_space<vmem>>, %arg4: memref<8x128xf32, #tpu.memory_space<vmem>>, %arg5: memref<1x128xf32, #tpu.memory_space<vmem>>, %arg6: memref<2000x128xf32, #tpu.memory_space<vmem>>, %arg7: memref<2000x128xf32, #tpu.memory_space<vmem>>) attributes {dimension_semantics = [#tpu.dimension_semantics<arbitrary>], iteration_bounds = array<i64: 5>, scalar_prefetch = 0 : i64, scratch_operands = 0 : i64, tpu.core_type = #tpu.core_type<tc>, window_params = [{transform_indices = @transform_0, window_bounds = array<i64: 2, 2000, 128>}, {transform_indices = @transform_1, window_bounds = array<i64: 2000, 8>}, {transform_indices = @transform_2, window_bounds = array<i64: 2000, 1>}, {pipeline_mode = #tpu.pipeline_mode<synchronous>, transform_indices = @transform_3, window_bounds = array<i64: 8, 128>}, {pipeline_mode = #tpu.pipeline_mode<synchronous>, transform_indices = @transform_4, window_bounds = array<i64: 1, 128>}, {transform_indices = @transform_5, window_bounds = array<i64: 2000, 128>}, {transform_indices = @transform_6, window_bounds = array<i64: 2000, 128>}]} {
    %get3A = arith.constant 0 : index
    %get3A_0 = arith.constant 0 : index
    %get3A_1 = vector.load %arg2[%get3A, %get3A_0] : memref<2000x8xf32, #tpu.memory_space<vmem>>, vector<2000x8xf32>
    %get3A_2 = arith.constant 0 : index
    %get3A_3 = arith.constant 0 : index
    %get3A_4 = vector.load %arg4[%get3A_2, %get3A_3] : memref<8x128xf32, #tpu.memory_space<vmem>>, vector<8x128xf32>
    %dot_general3A = arith.constant dense<0.000000e+00> : vector<2000x128xf32>
    %dot_general3A_5 = tpu.matmul %get3A_1, %get3A_4, %dot_general3A {dimension_numbers = #tpu.dot_dimension_numbers<[1], [0], [0], [1], [0, 0, 1, 1], [], []>, transpose_lhs_hint = false} : vector<2000x8xf32>, vector<8x128xf32>, vector<2000x128xf32> -> vector<2000x128xf32>
    %get3A_6 = arith.constant 0 : index
    %get3A_7 = arith.constant 0 : index
    %get3A_8 = arith.constant 0 : index
    %get3A_9 = vector.load %arg1[%get3A_6, %get3A_7, %get3A_8] : memref<2x2000x128xf32, #tpu.memory_space<vmem>>, vector<1x2000x128xf32>
    %get3A_10 = vector.shape_cast %get3A_9 : vector<1x2000x128xf32> to vector<2000x128xf32>
    %get3A_11 = arith.constant 1 : index
    %get3A_12 = arith.constant 0 : index
    %get3A_13 = arith.constant 0 : index
    %get3A_14 = vector.load %arg1[%get3A_11, %get3A_12, %get3A_13] : memref<2x2000x128xf32, #tpu.memory_space<vmem>>, vector<1x2000x128xf32>
    %get3A_15 = vector.shape_cast %get3A_14 : vector<1x2000x128xf32> to vector<2000x128xf32>
    %add3A = arith.addf %get3A_10, %get3A_15 : vector<2000x128xf32>
    %mul3A = arith.mulf %add3A, %dot_general3A_5 : vector<2000x128xf32>
    %get3A_16 = arith.constant 0 : index
    %get3A_17 = arith.constant 0 : index
    %get3A_18 = vector.load %arg5[%get3A_16, %get3A_17] : memref<1x128xf32, #tpu.memory_space<vmem>>, vector<1x128xf32>
    %add3A_19 = vector.broadcast %get3A_18 : vector<1x128xf32> to vector<2000x128xf32>
    %add3A_20 = arith.addf %mul3A, %add3A_19 : vector<2000x128xf32>
    %swap3A = arith.constant 0 : index
    %swap3A_21 = arith.constant 0 : index
    %swap3A_22 = vector.load %arg6[%swap3A, %swap3A_21] : memref<2000x128xf32, #tpu.memory_space<vmem>>, vector<2000x128xf32>
    tpu.vector_store %arg6[%swap3A, %swap3A_21], %add3A_20 {strides = array<i32>} : memref<2000x128xf32, #tpu.memory_space<vmem>>, vector<2000x128xf32>,
    %get3A_23 = arith.constant 0 : index
    %get3A_24 = arith.constant 0 : index
    %get3A_25 = vector.load %arg3[%get3A_23, %get3A_24] : memref<2000x1xf32, #tpu.memory_space<vmem>>, vector<2000x1xf32>
    %mul3A_26 = vector.broadcast %get3A_25 : vector<2000x1xf32> to vector<2000x128xf32>
    %mul3A_27 = arith.mulf %mul3A_26, %add3A_20 : vector<2000x128xf32>
    %swap3A_28 = arith.constant 0 : index
    %swap3A_29 = arith.constant 0 : index
    %swap3A_30 = vector.load %arg7[%swap3A_28, %swap3A_29] : memref<2000x128xf32, #tpu.memory_space<vmem>>, vector<2000x128xf32>
    tpu.vector_store %arg7[%swap3A_28, %swap3A_29], %mul3A_27 {strides = array<i32>} : memref<2000x128xf32, #tpu.memory_space<vmem>>, vector<2000x128xf32>,
    return
  }
  func.func @transform_0(%arg0: i32) -> (i32, i32, i32) {
    %c0_i32 = arith.constant 0 : i32
    %c0_i32_0 = arith.constant 0 : i32
    %c0_i32_1 = arith.constant 0 : i32
    return %c0_i32, %arg0, %c0_i32_0 : i32, i32, i32
  }
  func.func @transform_1(%arg0: i32) -> (i32, i32) {
    %c0_i32 = arith.constant 0 : i32
    %c0_i32_0 = arith.constant 0 : i32
    return %arg0, %c0_i32 : i32, i32
  }
  func.func @transform_2(%arg0: i32) -> (i32, i32) {
    %c0_i32 = arith.constant 0 : i32
    %c0_i32_0 = arith.constant 0 : i32
    return %arg0, %c0_i32 : i32, i32
  }
  func.func @transform_3(%arg0: i32) -> (i32, i32) {
    %c0_i32 = arith.constant 0 : i32
    %c0_i32_0 = arith.constant 0 : i32
    %c0_i32_1 = arith.constant 0 : i32
    return %c0_i32, %c0_i32_0 : i32, i32
  }
  func.func @transform_4(%arg0: i32) -> (i32, i32) {
    %c0_i32 = arith.constant 0 : i32
    %c0_i32_0 = arith.constant 0 : i32
    %c0_i32_1 = arith.constant 0 : i32
    return %c0_i32, %c0_i32_0 : i32, i32
  }
  func.func @transform_5(%arg0: i32) -> (i32, i32) {
    %c0_i32 = arith.constant 0 : i32
    %c0_i32_0 = arith.constant 0 : i32
    return %arg0, %c0_i32 : i32, i32
  }
  func.func @transform_6(%arg0: i32) -> (i32, i32) {
    %c0_i32 = arith.constant 0 : i32
    %c0_i32_0 = arith.constant 0 : i32
    return %arg0, %c0_i32 : i32, i32
  }
}

module attributes {stable_mosaic.version = 14 : i64} {
  func.func @body(%arg0: i32, %arg1: memref<2x2000x128xf32, #tpu.memory_space<vmem>>, %arg2: memref<2000x1xf32, #tpu.memory_space<vmem>>, %arg3: memref<2000x128xf32, #tpu.memory_space<vmem>>, %arg4: memref<2000x128xf32, #tpu.memory_space<vmem>>) attributes {dimension_semantics = [#tpu.dimension_semantics<arbitrary>], iteration_bounds = array<i64: 5>, scalar_prefetch = 0 : i64, scratch_operands = 0 : i64, tpu.core_type = #tpu.core_type<tc>, window_params = [{transform_indices = @transform_0, window_bounds = array<i64: 2, 2000, 128>}, {transform_indices = @transform_1, window_bounds = array<i64: 2000, 1>}, {transform_indices = @transform_2, window_bounds = array<i64: 2000, 128>}, {transform_indices = @transform_3, window_bounds = array<i64: 2000, 128>}]} {
    %get3A = arith.constant 0 : index
    %get3A_0 = arith.constant 0 : index
    %get3A_1 = vector.load %arg2[%get3A, %get3A_0] : memref<2000x1xf32, #tpu.memory_space<vmem>>, vector<2000x1xf32>
    %mul3A = arith.constant -1.000000e+00 : f32
    %mul3A_2 = vector.broadcast %mul3A : f32 to vector<2000x1xf32>
    %mul3A_3 = arith.mulf %mul3A_2, %get3A_1 : vector<2000x1xf32>
    %get3A_4 = arith.constant 0 : index
    %get3A_5 = arith.constant 0 : index
    %get3A_6 = arith.constant 0 : index
    %get3A_7 = vector.load %arg1[%get3A_4, %get3A_5, %get3A_6] : memref<2x2000x128xf32, #tpu.memory_space<vmem>>, vector<1x2000x128xf32>
    %get3A_8 = vector.shape_cast %get3A_7 : vector<1x2000x128xf32> to vector<2000x128xf32>
    %get3A_9 = arith.constant 1 : index
    %get3A_10 = arith.constant 0 : index
    %get3A_11 = arith.constant 0 : index
    %get3A_12 = vector.load %arg1[%get3A_9, %get3A_10, %get3A_11] : memref<2x2000x128xf32, #tpu.memory_space<vmem>>, vector<1x2000x128xf32>
    %get3A_13 = vector.shape_cast %get3A_12 : vector<1x2000x128xf32> to vector<2000x128xf32>
    %add3A = arith.addf %get3A_8, %get3A_13 : vector<2000x128xf32>
    %mul3A_14 = vector.broadcast %mul3A_3 : vector<2000x1xf32> to vector<2000x128xf32>
    %mul3A_15 = arith.mulf %mul3A_14, %add3A : vector<2000x128xf32>
    %swap3A = arith.constant 0 : index
    %swap3A_16 = arith.constant 0 : index
    %swap3A_17 = vector.load %arg3[%swap3A, %swap3A_16] : memref<2000x128xf32, #tpu.memory_space<vmem>>, vector<2000x128xf32>
    tpu.vector_store %arg3[%swap3A, %swap3A_16], %mul3A_15 {strides = array<i32>} : memref<2000x128xf32, #tpu.memory_space<vmem>>, vector<2000x128xf32>,
    %get3A_18 = arith.constant 0 : index
    %get3A_19 = arith.constant 0 : index
    %get3A_20 = vector.load %arg2[%get3A_18, %get3A_19] : memref<2000x1xf32, #tpu.memory_space<vmem>>, vector<2000x1xf32>
    %mul3A_21 = vector.broadcast %get3A_20 : vector<2000x1xf32> to vector<2000x128xf32>
    %mul3A_22 = arith.mulf %mul3A_21, %mul3A_15 : vector<2000x128xf32>
    %swap3A_23 = arith.constant 0 : index
    %swap3A_24 = arith.constant 0 : index
    %swap3A_25 = vector.load %arg4[%swap3A_23, %swap3A_24] : memref<2000x128xf32, #tpu.memory_space<vmem>>, vector<2000x128xf32>
    tpu.vector_store %arg4[%swap3A_23, %swap3A_24], %mul3A_22 {strides = array<i32>} : memref<2000x128xf32, #tpu.memory_space<vmem>>, vector<2000x128xf32>,
    return
  }
  func.func @transform_0(%arg0: i32) -> (i32, i32, i32) {
    %c0_i32 = arith.constant 0 : i32
    %c0_i32_0 = arith.constant 0 : i32
    %c0_i32_1 = arith.constant 0 : i32
    return %c0_i32, %arg0, %c0_i32_0 : i32, i32, i32
  }
  func.func @transform_1(%arg0: i32) -> (i32, i32) {
    %c0_i32 = arith.constant 0 : i32
    %c0_i32_0 = arith.constant 0 : i32
    return %arg0, %c0_i32 : i32, i32
  }
  func.func @transform_2(%arg0: i32) -> (i32, i32) {
    %c0_i32 = arith.constant 0 : i32
    %c0_i32_0 = arith.constant 0 : i32
    return %arg0, %c0_i32 : i32, i32
  }
  func.func @transform_3(%arg0: i32) -> (i32, i32) {
    %c0_i32 = arith.constant 0 : i32
    %c0_i32_0 = arith.constant 0 : i32
    return %arg0, %c0_i32 : i32, i32
  }
}

module attributes {stable_mosaic.version = 14 : i64} {
  func.func @body(%arg0: i32, %arg1: memref<2x2000x128xf32, #tpu.memory_space<vmem>>, %arg2: memref<2000x1xf32, #tpu.memory_space<vmem>>, %arg3: memref<2000x128xf32, #tpu.memory_space<vmem>>, %arg4: memref<2000x128xf32, #tpu.memory_space<vmem>>, %arg5: memref<2000x128xf32, #tpu.memory_space<vmem>>) attributes {dimension_semantics = [#tpu.dimension_semantics<arbitrary>], iteration_bounds = array<i64: 5>, scalar_prefetch = 0 : i64, scratch_operands = 0 : i64, tpu.core_type = #tpu.core_type<tc>, window_params = [{transform_indices = @transform_0, window_bounds = array<i64: 2, 2000, 128>}, {transform_indices = @transform_1, window_bounds = array<i64: 2000, 1>}, {transform_indices = @transform_2, window_bounds = array<i64: 2000, 128>}, {transform_indices = @transform_3, window_bounds = array<i64: 2000, 128>}, {transform_indices = @transform_4, window_bounds = array<i64: 2000, 128>}]} {
    %get3A = arith.constant 0 : index
    %get3A_0 = arith.constant 0 : index
    %get3A_1 = vector.load %arg2[%get3A, %get3A_0] : memref<2000x1xf32, #tpu.memory_space<vmem>>, vector<2000x1xf32>
    %mul3A = arith.constant -2.000000e+00 : f32
    %mul3A_2 = vector.broadcast %mul3A : f32 to vector<2000x1xf32>
    %mul3A_3 = arith.mulf %mul3A_2, %get3A_1 : vector<2000x1xf32>
    %get3A_4 = arith.constant 0 : index
    %get3A_5 = arith.constant 0 : index
    %get3A_6 = arith.constant 0 : index
    %get3A_7 = vector.load %arg1[%get3A_4, %get3A_5, %get3A_6] : memref<2x2000x128xf32, #tpu.memory_space<vmem>>, vector<1x2000x128xf32>
    %get3A_8 = vector.shape_cast %get3A_7 : vector<1x2000x128xf32> to vector<2000x128xf32>
    %get3A_9 = arith.constant 1 : index
    %get3A_10 = arith.constant 0 : index
    %get3A_11 = arith.constant 0 : index
    %get3A_12 = vector.load %arg1[%get3A_9, %get3A_10, %get3A_11] : memref<2x2000x128xf32, #tpu.memory_space<vmem>>, vector<1x2000x128xf32>
    %get3A_13 = vector.shape_cast %get3A_12 : vector<1x2000x128xf32> to vector<2000x128xf32>
    %add3A = arith.addf %get3A_8, %get3A_13 : vector<2000x128xf32>
    %mul3A_14 = vector.broadcast %mul3A_3 : vector<2000x1xf32> to vector<2000x128xf32>
    %mul3A_15 = arith.mulf %mul3A_14, %add3A : vector<2000x128xf32>
    %get3A_16 = arith.constant 0 : index
    %get3A_17 = arith.constant 0 : index
    %get3A_18 = vector.load %arg3[%get3A_16, %get3A_17] : memref<2000x128xf32, #tpu.memory_space<vmem>>, vector<2000x128xf32>
    %sub3A = arith.subf %mul3A_15, %get3A_18 : vector<2000x128xf32>
    %swap3A = arith.constant 0 : index
    %swap3A_19 = arith.constant 0 : index
    %swap3A_20 = vector.load %arg4[%swap3A, %swap3A_19] : memref<2000x128xf32, #tpu.memory_space<vmem>>, vector<2000x128xf32>
    tpu.vector_store %arg4[%swap3A, %swap3A_19], %sub3A {strides = array<i32>} : memref<2000x128xf32, #tpu.memory_space<vmem>>, vector<2000x128xf32>,
    %get3A_21 = arith.constant 0 : index
    %get3A_22 = arith.constant 0 : index
    %get3A_23 = vector.load %arg2[%get3A_21, %get3A_22] : memref<2000x1xf32, #tpu.memory_space<vmem>>, vector<2000x1xf32>
    %mul3A_24 = vector.broadcast %get3A_23 : vector<2000x1xf32> to vector<2000x128xf32>
    %mul3A_25 = arith.mulf %mul3A_24, %sub3A : vector<2000x128xf32>
    %swap3A_26 = arith.constant 0 : index
    %swap3A_27 = arith.constant 0 : index
    %swap3A_28 = vector.load %arg5[%swap3A_26, %swap3A_27] : memref<2000x128xf32, #tpu.memory_space<vmem>>, vector<2000x128xf32>
    tpu.vector_store %arg5[%swap3A_26, %swap3A_27], %mul3A_25 {strides = array<i32>} : memref<2000x128xf32, #tpu.memory_space<vmem>>, vector<2000x128xf32>,
    return
  }
  func.func @transform_0(%arg0: i32) -> (i32, i32, i32) {
    %c0_i32 = arith.constant 0 : i32
    %c0_i32_0 = arith.constant 0 : i32
    %c0_i32_1 = arith.constant 0 : i32
    return %c0_i32, %arg0, %c0_i32_0 : i32, i32, i32
  }
  func.func @transform_1(%arg0: i32) -> (i32, i32) {
    %c0_i32 = arith.constant 0 : i32
    %c0_i32_0 = arith.constant 0 : i32
    return %arg0, %c0_i32 : i32, i32
  }
  func.func @transform_2(%arg0: i32) -> (i32, i32) {
    %c0_i32 = arith.constant 0 : i32
    %c0_i32_0 = arith.constant 0 : i32
    return %arg0, %c0_i32 : i32, i32
  }
  func.func @transform_3(%arg0: i32) -> (i32, i32) {
    %c0_i32 = arith.constant 0 : i32
    %c0_i32_0 = arith.constant 0 : i32
    return %arg0, %c0_i32 : i32, i32
  }
  func.func @transform_4(%arg0: i32) -> (i32, i32) {
    %c0_i32 = arith.constant 0 : i32
    %c0_i32_0 = arith.constant 0 : i32
    return %arg0, %c0_i32 : i32, i32
  }
}

module attributes {stable_mosaic.version = 14 : i64} {
  func.func @body(%arg0: i32, %arg1: memref<2x2000x128xf32, #tpu.memory_space<vmem>>, %arg2: memref<2000x1xf32, #tpu.memory_space<vmem>>, %arg3: memref<2000x128xf32, #tpu.memory_space<vmem>>, %arg4: memref<2000x128xf32, #tpu.memory_space<vmem>>, %arg5: memref<2000x128xf32, #tpu.memory_space<vmem>>, %arg6: memref<4x128xf32, #tpu.memory_space<vmem>>, %arg7: memref<4x128x128xf32, #tpu.memory_space<vmem>>, %arg8: memref<128x128xf32, #tpu.memory_space<vmem>>, %arg9: memref<1x128xf32, #tpu.memory_space<vmem>>, %arg10: memref<1x128xf32, #tpu.memory_space<vmem>>, %arg11: memref<2000x128xf32, #tpu.memory_space<vmem>>, %arg12: memref<2000x128xf32, #tpu.memory_space<vmem>>) attributes {dimension_semantics = [#tpu.dimension_semantics<arbitrary>], iteration_bounds = array<i64: 5>, scalar_prefetch = 0 : i64, scratch_operands = 0 : i64, tpu.core_type = #tpu.core_type<tc>, window_params = [{transform_indices = @transform_0, window_bounds = array<i64: 2, 2000, 128>}, {transform_indices = @transform_1, window_bounds = array<i64: 2000, 1>}, {transform_indices = @transform_2, window_bounds = array<i64: 2000, 128>}, {transform_indices = @transform_3, window_bounds = array<i64: 2000, 128>}, {transform_indices = @transform_4, window_bounds = array<i64: 2000, 128>}, {pipeline_mode = #tpu.pipeline_mode<synchronous>, transform_indices = @transform_5, window_bounds = array<i64: 4, 128>}, {pipeline_mode = #tpu.pipeline_mode<synchronous>, transform_indices = @transform_6, window_bounds = array<i64: 4, 128, 128>}, {pipeline_mode = #tpu.pipeline_mode<synchronous>, transform_indices = @transform_7, window_bounds = array<i64: 128, 128>}, {pipeline_mode = #tpu.pipeline_mode<synchronous>, transform_indices = @transform_8, window_bounds = array<i64: 1, 128>}, {pipeline_mode = #tpu.pipeline_mode<synchronous>, transform_indices = @transform_9, window_bounds = array<i64: 1, 128>}, {transform_indices = @transform_10, window_bounds = array<i64: 2000, 128>}, {transform_indices = @transform_11, window_bounds = array<i64: 2000, 128>}]} {
    %get3A = arith.constant 0 : index
    %get3A_0 = arith.constant 0 : index
    %get3A_1 = vector.load %arg2[%get3A, %get3A_0] : memref<2000x1xf32, #tpu.memory_space<vmem>>, vector<2000x1xf32>
    %mul3A = arith.constant -2.000000e+00 : f32
    %mul3A_2 = vector.broadcast %mul3A : f32 to vector<2000x1xf32>
    %mul3A_3 = arith.mulf %mul3A_2, %get3A_1 : vector<2000x1xf32>
    %get3A_4 = arith.constant 0 : index
    %get3A_5 = arith.constant 0 : index
    %get3A_6 = arith.constant 0 : index
    %get3A_7 = vector.load %arg1[%get3A_4, %get3A_5, %get3A_6] : memref<2x2000x128xf32, #tpu.memory_space<vmem>>, vector<1x2000x128xf32>
    %get3A_8 = vector.shape_cast %get3A_7 : vector<1x2000x128xf32> to vector<2000x128xf32>
    %get3A_9 = arith.constant 1 : index
    %get3A_10 = arith.constant 0 : index
    %get3A_11 = arith.constant 0 : index
    %get3A_12 = vector.load %arg1[%get3A_9, %get3A_10, %get3A_11] : memref<2x2000x128xf32, #tpu.memory_space<vmem>>, vector<1x2000x128xf32>
    %get3A_13 = vector.shape_cast %get3A_12 : vector<1x2000x128xf32> to vector<2000x128xf32>
    %add3A = arith.addf %get3A_8, %get3A_13 : vector<2000x128xf32>
    %mul3A_14 = vector.broadcast %mul3A_3 : vector<2000x1xf32> to vector<2000x128xf32>
    %mul3A_15 = arith.mulf %mul3A_14, %add3A : vector<2000x128xf32>
    %get3A_16 = arith.constant 0 : index
    %get3A_17 = arith.constant 0 : index
    %get3A_18 = vector.load %arg3[%get3A_16, %get3A_17] : memref<2000x128xf32, #tpu.memory_space<vmem>>, vector<2000x128xf32>
    %sub3A = arith.subf %mul3A_15, %get3A_18 : vector<2000x128xf32>
    %get3A_19 = arith.constant 0 : index
    %get3A_20 = arith.constant 0 : index
    %get3A_21 = vector.load %arg5[%get3A_19, %get3A_20] : memref<2000x128xf32, #tpu.memory_space<vmem>>, vector<2000x128xf32>
    %get3A_22 = arith.constant 0 : index
    %get3A_23 = arith.constant 0 : index
    %get3A_24 = vector.load %arg3[%get3A_22, %get3A_23] : memref<2000x128xf32, #tpu.memory_space<vmem>>, vector<2000x128xf32>
    %get3A_25 = arith.constant 0 : index
    %get3A_26 = arith.constant 0 : index
    %get3A_27 = vector.load %arg4[%get3A_25, %get3A_26] : memref<2000x128xf32, #tpu.memory_space<vmem>>, vector<2000x128xf32>
    %broadcast_in_dim3A = arith.constant 0.000000e+00 : f32
    %broadcast_in_dim3A_28 = vector.broadcast %broadcast_in_dim3A : f32 to vector<2000x128xf32>
    %get3A_29 = arith.constant 0 : index
    %get3A_30 = arith.constant 0 : index
    %get3A_31 = vector.load %arg9[%get3A_29, %get3A_30] : memref<1x128xf32, #tpu.memory_space<vmem>>, vector<1x128xf32>
    %add3A_32 = vector.broadcast %get3A_31 : vector<1x128xf32> to vector<2000x128xf32>
    %add3A_33 = arith.addf %broadcast_in_dim3A_28, %add3A_32 : vector<2000x128xf32>
    %get3A_34 = arith.constant 0 : index
    %get3A_35 = arith.constant 0 : index
    %get3A_36 = vector.load %arg6[%get3A_34, %get3A_35] : memref<4x128xf32, #tpu.memory_space<vmem>>, vector<1x128xf32>
    %mul3A_37 = vector.broadcast %get3A_36 : vector<1x128xf32> to vector<2000x128xf32>
    %mul3A_38 = arith.mulf %mul3A_37, %get3A_21 : vector<2000x128xf32>
    %get3A_39 = arith.constant 0 : index
    %get3A_40 = arith.constant 0 : index
    %get3A_41 = arith.constant 0 : index
    %get3A_42 = vector.load %arg7[%get3A_39, %get3A_40, %get3A_41] : memref<4x128x128xf32, #tpu.memory_space<vmem>>, vector<1x128x128xf32>
    %get3A_43 = vector.shape_cast %get3A_42 : vector<1x128x128xf32> to vector<128x128xf32>
    %dot_general3A = arith.constant dense<0.000000e+00> : vector<2000x128xf32>
    %dot_general3A_44 = tpu.matmul %mul3A_38, %get3A_43, %dot_general3A {dimension_numbers = #tpu.dot_dimension_numbers<[1], [0], [0], [1], [0, 0, 1, 1], [], []>, transpose_lhs_hint = false} : vector<2000x128xf32>, vector<128x128xf32>, vector<2000x128xf32> -> vector<2000x128xf32>
    %add3A_45 = arith.addf %add3A_33, %dot_general3A_44 : vector<2000x128xf32>
    %get3A_46 = arith.constant 1 : index
    %get3A_47 = arith.constant 0 : index
    %get3A_48 = vector.load %arg6[%get3A_46, %get3A_47] : memref<4x128xf32, #tpu.memory_space<vmem>>, vector<1x128xf32>
    %mul3A_49 = vector.broadcast %get3A_48 : vector<1x128xf32> to vector<2000x128xf32>
    %mul3A_50 = arith.mulf %mul3A_49, %get3A_24 : vector<2000x128xf32>
    %get3A_51 = arith.constant 1 : index
    %get3A_52 = arith.constant 0 : index
    %get3A_53 = arith.constant 0 : index
    %get3A_54 = vector.load %arg7[%get3A_51, %get3A_52, %get3A_53] : memref<4x128x128xf32, #tpu.memory_space<vmem>>, vector<1x128x128xf32>
    %get3A_55 = vector.shape_cast %get3A_54 : vector<1x128x128xf32> to vector<128x128xf32>
    %dot_general3A_56 = arith.constant dense<0.000000e+00> : vector<2000x128xf32>
    %dot_general3A_57 = tpu.matmul %mul3A_50, %get3A_55, %dot_general3A_56 {dimension_numbers = #tpu.dot_dimension_numbers<[1], [0], [0], [1], [0, 0, 1, 1], [], []>, transpose_lhs_hint = false} : vector<2000x128xf32>, vector<128x128xf32>, vector<2000x128xf32> -> vector<2000x128xf32>
    %add3A_58 = arith.addf %add3A_45, %dot_general3A_57 : vector<2000x128xf32>
    %get3A_59 = arith.constant 2 : index
    %get3A_60 = arith.constant 0 : index
    %get3A_61 = vector.load %arg6[%get3A_59, %get3A_60] : memref<4x128xf32, #tpu.memory_space<vmem>>, vector<1x128xf32>
    %mul3A_62 = vector.broadcast %get3A_61 : vector<1x128xf32> to vector<2000x128xf32>
    %mul3A_63 = arith.mulf %mul3A_62, %get3A_27 : vector<2000x128xf32>
    %get3A_64 = arith.constant 2 : index
    %get3A_65 = arith.constant 0 : index
    %get3A_66 = arith.constant 0 : index
    %get3A_67 = vector.load %arg7[%get3A_64, %get3A_65, %get3A_66] : memref<4x128x128xf32, #tpu.memory_space<vmem>>, vector<1x128x128xf32>
    %get3A_68 = vector.shape_cast %get3A_67 : vector<1x128x128xf32> to vector<128x128xf32>
    %dot_general3A_69 = arith.constant dense<0.000000e+00> : vector<2000x128xf32>
    %dot_general3A_70 = tpu.matmul %mul3A_63, %get3A_68, %dot_general3A_69 {dimension_numbers = #tpu.dot_dimension_numbers<[1], [0], [0], [1], [0, 0, 1, 1], [], []>, transpose_lhs_hint = false} : vector<2000x128xf32>, vector<128x128xf32>, vector<2000x128xf32> -> vector<2000x128xf32>
    %add3A_71 = arith.addf %add3A_58, %dot_general3A_70 : vector<2000x128xf32>
    %get3A_72 = arith.constant 3 : index
    %get3A_73 = arith.constant 0 : index
    %get3A_74 = vector.load %arg6[%get3A_72, %get3A_73] : memref<4x128xf32, #tpu.memory_space<vmem>>, vector<1x128xf32>
    %mul3A_75 = vector.broadcast %get3A_74 : vector<1x128xf32> to vector<2000x128xf32>
    %mul3A_76 = arith.mulf %mul3A_75, %sub3A : vector<2000x128xf32>
    %get3A_77 = arith.constant 3 : index
    %get3A_78 = arith.constant 0 : index
    %get3A_79 = arith.constant 0 : index
    %get3A_80 = vector.load %arg7[%get3A_77, %get3A_78, %get3A_79] : memref<4x128x128xf32, #tpu.memory_space<vmem>>, vector<1x128x128xf32>
    %get3A_81 = vector.shape_cast %get3A_80 : vector<1x128x128xf32> to vector<128x128xf32>
    %dot_general3A_82 = arith.constant dense<0.000000e+00> : vector<2000x128xf32>
    %dot_general3A_83 = tpu.matmul %mul3A_76, %get3A_81, %dot_general3A_82 {dimension_numbers = #tpu.dot_dimension_numbers<[1], [0], [0], [1], [0, 0, 1, 1], [], []>, transpose_lhs_hint = false} : vector<2000x128xf32>, vector<128x128xf32>, vector<2000x128xf32> -> vector<2000x128xf32>
    %add3A_84 = arith.addf %add3A_71, %dot_general3A_83 : vector<2000x128xf32>
    %tanh3A = math.tanh %add3A_84 : vector<2000x128xf32>
    %get3A_85 = arith.constant 0 : index
    %get3A_86 = arith.constant 0 : index
    %get3A_87 = vector.load %arg8[%get3A_85, %get3A_86] : memref<128x128xf32, #tpu.memory_space<vmem>>, vector<128x128xf32>
    %dot_general3A_88 = arith.constant dense<0.000000e+00> : vector<2000x128xf32>
    %dot_general3A_89 = tpu.matmul %tanh3A, %get3A_87, %dot_general3A_88 {dimension_numbers = #tpu.dot_dimension_numbers<[1], [0], [0], [1], [0, 0, 1, 1], [], []>, transpose_lhs_hint = false} : vector<2000x128xf32>, vector<128x128xf32>, vector<2000x128xf32> -> vector<2000x128xf32>
    %get3A_90 = arith.constant 0 : index
    %get3A_91 = arith.constant 0 : index
    %get3A_92 = vector.load %arg10[%get3A_90, %get3A_91] : memref<1x128xf32, #tpu.memory_space<vmem>>, vector<1x128xf32>
    %add3A_93 = vector.broadcast %get3A_92 : vector<1x128xf32> to vector<2000x128xf32>
    %add3A_94 = arith.addf %dot_general3A_89, %add3A_93 : vector<2000x128xf32>
    %get3A_95 = arith.constant 0 : index
    %get3A_96 = arith.constant 0 : index
    %get3A_97 = vector.load %arg5[%get3A_95, %get3A_96] : memref<2000x128xf32, #tpu.memory_space<vmem>>, vector<2000x128xf32>
    %add3A_98 = arith.addf %get3A_97, %add3A_94 : vector<2000x128xf32>
    %gt3A = arith.constant 0.000000e+00 : f32
    %gt3A_99 = vector.broadcast %gt3A : f32 to vector<2000x128xf32>
    %gt3A_100 = arith.cmpf ogt, %add3A_98, %gt3A_99 : vector<2000x128xf32>
    %min3A = arith.constant 0.000000e+00 : f32
    %min3A_101 = vector.broadcast %min3A : f32 to vector<2000x128xf32>
    %min3A_102 = arith.minimumf %add3A_98, %min3A_101 : vector<2000x128xf32>
    %exp3A = math.exp %min3A_102 : vector<2000x128xf32>
    %sub3A_103 = arith.constant 1.000000e+00 : f32
    %sub3A_104 = vector.broadcast %sub3A_103 : f32 to vector<2000x128xf32>
    %sub3A_105 = arith.subf %exp3A, %sub3A_104 : vector<2000x128xf32>
    %select_n3A = arith.select %gt3A_100, %add3A_98, %sub3A_105 : vector<2000x128xi1>, vector<2000x128xf32>
    %get3A_106 = arith.constant 0 : index
    %get3A_107 = arith.constant 0 : index
    %get3A_108 = vector.load %arg11[%get3A_106, %get3A_107] : memref<2000x128xf32, #tpu.memory_space<vmem>>, vector<2000x128xf32>
    %add3A_109 = arith.addf %get3A_108, %select_n3A : vector<2000x128xf32>
    %swap3A = arith.constant 0 : index
    %swap3A_110 = arith.constant 0 : index
    %swap3A_111 = vector.load %arg12[%swap3A, %swap3A_110] : memref<2000x128xf32, #tpu.memory_space<vmem>>, vector<2000x128xf32>
    tpu.vector_store %arg12[%swap3A, %swap3A_110], %add3A_109 {strides = array<i32>} : memref<2000x128xf32, #tpu.memory_space<vmem>>, vector<2000x128xf32>,
    return
  }
  func.func @transform_0(%arg0: i32) -> (i32, i32, i32) {
    %c0_i32 = arith.constant 0 : i32
    %c0_i32_0 = arith.constant 0 : i32
    %c0_i32_1 = arith.constant 0 : i32
    return %c0_i32, %arg0, %c0_i32_0 : i32, i32, i32
  }
  func.func @transform_1(%arg0: i32) -> (i32, i32) {
    %c0_i32 = arith.constant 0 : i32
    %c0_i32_0 = arith.constant 0 : i32
    return %arg0, %c0_i32 : i32, i32
  }
  func.func @transform_2(%arg0: i32) -> (i32, i32) {
    %c0_i32 = arith.constant 0 : i32
    %c0_i32_0 = arith.constant 0 : i32
    return %arg0, %c0_i32 : i32, i32
  }
  func.func @transform_3(%arg0: i32) -> (i32, i32) {
    %c0_i32 = arith.constant 0 : i32
    %c0_i32_0 = arith.constant 0 : i32
    return %arg0, %c0_i32 : i32, i32
  }
  func.func @transform_4(%arg0: i32) -> (i32, i32) {
    %c0_i32 = arith.constant 0 : i32
    %c0_i32_0 = arith.constant 0 : i32
    return %arg0, %c0_i32 : i32, i32
  }
  func.func @transform_5(%arg0: i32) -> (i32, i32) {
    %c0_i32 = arith.constant 0 : i32
    %c0_i32_0 = arith.constant 0 : i32
    %c0_i32_1 = arith.constant 0 : i32
    return %c0_i32, %c0_i32_0 : i32, i32
  }
  func.func @transform_6(%arg0: i32) -> (i32, i32, i32) {
    %c0_i32 = arith.constant 0 : i32
    %c0_i32_0 = arith.constant 0 : i32
    %c0_i32_1 = arith.constant 0 : i32
    %c0_i32_2 = arith.constant 0 : i32
    return %c0_i32, %c0_i32_0, %c0_i32_1 : i32, i32, i32
  }
  func.func @transform_7(%arg0: i32) -> (i32, i32) {
    %c0_i32 = arith.constant 0 : i32
    %c0_i32_0 = arith.constant 0 : i32
    %c0_i32_1 = arith.constant 0 : i32
    return %c0_i32, %c0_i32_0 : i32, i32
  }
  func.func @transform_8(%arg0: i32) -> (i32, i32) {
    %c0_i32 = arith.constant 0 : i32
    %c0_i32_0 = arith.constant 0 : i32
    %c0_i32_1 = arith.constant 0 : i32
    return %c0_i32, %c0_i32_0 : i32, i32
  }
  func.func @transform_9(%arg0: i32) -> (i32, i32) {
    %c0_i32 = arith.constant 0 : i32
    %c0_i32_0 = arith.constant 0 : i32
    %c0_i32_1 = arith.constant 0 : i32
    return %c0_i32, %c0_i32_0 : i32, i32
  }
  func.func @transform_10(%arg0: i32) -> (i32, i32) {
    %c0_i32 = arith.constant 0 : i32
    %c0_i32_0 = arith.constant 0 : i32
    return %arg0, %c0_i32 : i32, i32
  }
  func.func @transform_11(%arg0: i32) -> (i32, i32) {
    %c0_i32 = arith.constant 0 : i32
    %c0_i32_0 = arith.constant 0 : i32
    return %arg0, %c0_i32 : i32, i32
  }
}

</mosaic_0001>

<sc_bundles>
// kernel: kernel.15.cloned.1.call-start
scs
__scs_entry_jumppad:
0x0: {  	(pc) =	sbr.rel $0x88, $3  }
0x1: {  	(tag) =	ssettag $0x0;
	lr =	simm.s32 $0x1  }
0x2: {  	[smem:$0x3F93] =	sst lr;
	_ =	strace $0xD0000000  }
0x3: {  	_ = 	snop  }
0x4: {  	_ = 	snop  }
0x5: {  	_ = 	snop  }
0x6: {  	_ = 	snop  }
0x7: {  	_ = 	snop  }
__scs_overlays_trampoline_lowered:
0x8: {  	[smem:$0x3FA2] =	sst s0  }
0x9: {  	[smem:$0x3FA3] =	sst s1  }
0xa: {  	[smem:$0x3FA4] =	sst s2  }
0xb: {  	[smem:$0x3FA5] =	sst s3  }
0xc: {  	[smem:$0x3FA6] =	sst s4  }
0xd: {  	[smem:$0x3FA7] =	sst s5  }
0xe: {  	[smem:$0x3FA8] =	sst s6  }
0xf: {  	[smem:$0x3FA9] =	sst s7  }
0x10: {  	[smem:$0x3FAA] =	sst s8  }
0x11: {  	[smem:$0x3FAB] =	sst s9;
	s0 =	simm.s32 @!p0 $0x0  }
0x12: {  	s1 =	sld [smem:$0x3F91];
	s0 =	simm.s32 @p0 $0x1  }
0x13: {  	[smem:$0x3FAC] =	sst s0;
	s0 =	simm.s32 @!p1 $0x0  }
0x14: {  	s2 =	sld [smem:$0x3F90];
	s0 =	simm.s32 @p1 $0x1  }
0x15: {  	[smem:$0x3FAD] =	sst s0;
	s0 =	simm.s32 @!p2 $0x0  }
0x16: {  	s3 =	sld [smem:$0x3FDB];
	s0 =	simm.s32 @p2 $0x1  }
0x17: {  	s4 =	simm.s32 $0x1BF5;
	[smem:$0x3FAF] =	sst s0  }
0x18: {  	s0 =	sld [smem:$0x3F92];
	_ =	swait.ge [sflag:s4], $0x0  }
0x19: {  	s7 =	sld [smem:$0x3F93]  }
0x1a: {  	s8 =	sadd.s32 $0xFFFFE003, lr  }
0x1b: {  	s9 =	sadd.s32 $0xFFFFFEF7, lr;
	s5 =	simm.s32 $0xFFFFFFFF;
	p2 =	slt.u32 s8, $0xFFFFF086  }
0x1c: {  	p1 =	slt.u32 s9, $0xF7A;
	s5 =	simm.s32 @!p2 $0x0  }
0x1d: {  	s5 =	simm.s32 @p1 $0x1;
	p0 =	seq.s32 s7, s2  }
0x1e: {  	s7 =	smul.u32 @!p0 $0xF7A, s2;
	p2 =	seq.s32 @!p0 s5, $0x0  }
0x1f: {  	s9 =	smul.u32 $0xF7A, s1;
	s8 =	simm.s32 @!p0 $0x1BF5;
	p2 =	por !p2, p0  }
0x20: {  	[sflag:s8] =	ssyncset.s32 @!p0 $0xFFFFF086;
	s6 =	sadd.s32 @!p0 s3, s7;
	s7 =	simm.s32 @!p0 $0x108  }
0x21: {  	s3 =	sadd.s32 s3, s9;
	s6 =	sadd.s32 @!p0 $0x88, s6;
	s7 =	simm.s32 @p2 $0x1082  }
0x22: {  	[simem:s7], [sflag:s8] =	dma.local @!p0 [hbm:s6], $0xF7A  }
0x23: {  	s9 =	sor.u32 $0xD0000000, s2;
	s6 =	simm.s32 $0x108;
	_ =	swait.ge @!p0 [sflag:s8], $0x0  }
0x24: {  	s3 =	sadd.s32 $0x88, s3;
	s6 =	simm.s32 @!p1 $0x1082;
	[sflag:s4] =	ssyncset.s32 $0xFFFFF086  }
0x25: {  	[simem:s6], [sflag:s4] =	dma.local [hbm:s3], $0xF7A  }
0x26: {  	[smem:$0x3F93] =	sst s1;
	(tag) =	ssettag s2;
	_ =	strace s9  }
0x27: {  	s1 =	sld [smem:$0x3FA3]  }
0x28: {  	s2 =	sld [smem:$0x3FA4]  }
0x29: {  	s4 =	sld [smem:$0x3FA6]  }
0x2a: {  	p0 =	seq.s32 s5, $0x0;
	s5 =	sld [smem:$0x3FA7]  }
0x2b: {  	s6 =	sld [smem:$0x3FA8]  }
0x2c: {  	s7 =	sld [smem:$0x3FA9]  }
0x2d: {  	s3 =	simm.s32 $0x108;
	s8 =	sld [smem:$0x3FAA]  }
0x2e: {  	s3 =	simm.s32 @!p0 $0x1082;
	s9 =	sld [smem:$0x3FAB]  }
0x2f: {  	lr =	sadd.s32 s0, s3;
	s0 =	sld [smem:$0x3FA2]  }
0x30: {  	s3 =	sld [smem:$0x3FA5]  }
0x31: {  	[smem:$0x3FAE] =	sst s10  }
0x32: {  	s10 =	sld [smem:$0x3FAC];
	_ =	sdelay $0x3  }
0x33: {  	p0 =	seq.s32 s10, $0x1;
	s10 =	sld [smem:$0x3FAE];
	_ =	sdelay $0x3  }
0x34: {  	[smem:$0x3FAE] =	sst s10  }
0x35: {  	s10 =	sld [smem:$0x3FAD];
	_ =	sdelay $0x3  }
0x36: {  	p1 =	seq.s32 s10, $0x1;
	s10 =	sld [smem:$0x3FAE];
	_ =	sdelay $0x3  }
0x37: {  	[smem:$0x3FAE] =	sst s10  }
0x38: {  	s10 =	sld [smem:$0x3FAF]  }
0x39: {  	_ = 	snop;
	(pc) =	sbr.ind lr, $3  }
0x3a: {  	_ = 	snop  }
0x3b: {  	_ = 	snop  }
0x3c: {  	p2 =	seq.s32 s10, $0x1;
	s10 =	sld [smem:$0x3FAE]  }
0x3d: {  	_ =	shalt  }
0x3e: {  	_ =	shalt  }
0x3f: {  	_ =	shalt  }
0x40: {  	_ =	shalt  }
0x41: {  	_ =	shalt  }
0x42: {  	_ =	shalt  }
0x43: {  	_ =	shalt  }
0x44: {  	_ =	shalt  }
0x45: {  	_ =	shalt  }
0x46: {  	_ =	shalt  }
0x47: {  	_ =	shalt  }
0x48: {  	_ =	shalt  }
0x49: {  	_ =	shalt  }
0x4a: {  	_ =	shalt  }
0x4b: {  	_ =	shalt  }
0x4c: {  	_ =	shalt  }
0x4d: {  	_ =	shalt  }
0x4e: {  	_ =	shalt  }
0x4f: {  	_ =	shalt  }
0x50: {  	_ =	shalt  }
0x51: {  	_ =	shalt  }
0x52: {  	_ =	shalt  }
0x53: {  	_ =	shalt  }
0x54: {  	_ =	shalt  }
0x55: {  	_ =	shalt  }
0x56: {  	_ =	shalt  }
0x57: {  	_ =	shalt  }
0x58: {  	_ =	shalt  }
0x59: {  	_ =	shalt  }
0x5a: {  	_ =	shalt  }
0x5b: {  	_ =	shalt  }
0x5c: {  	_ =	shalt  }
0x5d: {  	_ =	shalt  }
0x5e: {  	_ =	shalt  }
0x5f: {  	_ =	shalt  }
0x60: {  	_ =	shalt  }
0x61: {  	_ =	shalt  }
0x62: {  	_ =	shalt  }
0x63: {  	_ =	shalt  }
0x64: {  	_ =	shalt  }
0x65: {  	_ =	shalt  }
0x66: {  	_ =	shalt  }
0x67: {  	_ =	shalt  }
0x68: {  	_ =	shalt  }
0x69: {  	_ =	shalt  }
0x6a: {  	_ =	shalt  }
0x6b: {  	_ =	shalt  }
0x6c: {  	_ =	shalt  }
0x6d: {  	_ =	shalt  }
0x6e: {  	_ =	shalt  }
0x6f: {  	_ =	shalt  }
0x70: {  	_ =	shalt  }
0x71: {  	_ =	shalt  }
0x72: {  	_ =	shalt  }
0x73: {  	_ =	shalt  }
0x74: {  	_ =	shalt  }
0x75: {  	_ =	shalt  }
0x76: {  	_ =	shalt  }
0x77: {  	_ =	shalt  }
0x78: {  	_ =	shalt  }
0x79: {  	_ =	shalt  }
0x7a: {  	_ =	shalt  }
0x7b: {  	_ =	shalt  }
0x7c: {  	_ =	shalt  }
0x7d: {  	_ =	shalt  }
0x7e: {  	_ =	shalt  }
0x7f: {  	_ =	shalt  }
0x80: {  	_ =	shalt  }
0x81: {  	_ =	shalt  }
0x82: {  	_ =	shalt  }
0x83: {  	_ =	shalt  }
0x84: {  	_ =	shalt  }
0x85: {  	_ =	shalt  }
0x86: {  	_ =	shalt  }
0x87: {  	_ =	shalt  }
.Lfunc_end0:
.L_simem_size_0:
called_computation_lowered:
.L_overlay_start_0:
0x88: {  	s2 =	sld [smem:$0x3FD9]  }
0x89: {  	s3 =	sld [smem:$0x3FFE];
	_ =	sdelay $0x1  }
0x8a: {  	s1 =	srdreg.scid  }
0x8b: {  	s0 =	sand.u32 $0x1, s1  }
0x8c: {  	s17 =	sshll.u32 s0, $0xA;
	s2 =	sadd.s32 s3, s2  }
0x8d: {  	s2 =	sadd.s32 s2, s17  }
0x8e: {  	[smem:$0x3FBA] =	sst s2  }
0x8f: {  	_ = 	snop  }
0x90: {  	s2 =	sld [smem:$0x3FD0];
	(tm) =	ssettm $0x1  }
0x91: {  	s18 =	sld [smem:$0x3FFB];
	_ =	sdelay $0x3  }
0x92: {  	_ =	strace s18  }
0x93: {  	s3 =	sld [smem:$0x3FFC];
	_ =	sdelay $0x3  }
0x94: {  	_ =	strace s3  }
0x95: {  	s3 =	sld [smem:$0x3FFD];
	_ =	sdelay $0x3  }
0x96: {  	_ =	strace s3  }
0x97: {  	_ =	strace $0x8FFFFFFF  }
0x98: {  	s19 =	sld [smem:$0x3FDB];
	_ =	sdelay $0x1  }
0x99: {  	s4 =	simm.s32 $_scs_section_size  }
0x9a: {  	s5 =	simm.s32 $_size__tile_overlayer_lowered;
	s6 =	simm.s32 $_tile_overlayer_lowered  }
0x9b: {  	s22 =	simm.s32 $0x1BFF;
	s21 =	sshll.u32 s6, $0x1;
	s3 =	sadd.s32 s4, s19  }
0x9c: {  	s7 =	simm.s32 $0x0;
	s20 =	sshll.u32 s5, $0x1;
	s5 =	sadd.s32 s21, s3  }
0x9d: {  	[timem:s7], [sflag:s22] =	dma.local [hbm:s5], s20  }
0x9e: {  	_ =	swait.ge [sflag:s22], s20  }
0x9f: {  	s4 =	ssub.s32 $0x0, s20;
	[sflag:s22] =	ssyncset.done $0x0  }
0xa0: {  	[sflag:s22] =	ssyncadd.s32 s4;
	_ =	sdelay $0x1  }
0xa1: {  	s23 =	simm.s32 $0x1B8B  }
0xa2: {  	_ =	swait.ge [sflag:s23], $0x1  }
0xa3: {  	[sflag:s23] =	ssyncset.done $0x0  }
0xa4: {  	s25 =	simm.s32 $0x1B8E;
	s24 =	sld [smem:$0x3FFE];
	[sflag:s23] =	ssyncadd.s32 $0xFFFFFFFF  }
0xa5: {  	s26 =	simm.s32 $execute0_lowered;
	[smem:$0x3FD2] =	sst s25  }
0xa6: {  	s5 =	sshll.u32 s26, $0x1;
	_ =	strace $0x80000046;
	[dreg:$0x1] =	wrdreg $0xFFFFFFFF  }
0xa7: {  	s28 =	simm.s32 $_size_execute0_lowered;
	s3 =	sadd.s32 s3, s5;
	[dreg:$0x0] =	wrdreg $0x0  }
0xa8: {  	s5 =	sshll.u32 s28, $0x1;
	[dreg:$0x2] =	wrdreg s3  }
0xa9: {  	[dreg:$0x3] =	wrdreg s5  }
0xaa: {  	[dreg:$0x4] =	wrdreg $0xC0  }
0xab: {  	_ =	task [dreg:s7], $0x5FFFF  }
0xac: {  	[dreg:$0x1] =	wrdreg $0xFFFFFFFF  }
0xad: {  	[dreg:$0x0] =	wrdreg $0x60  }
0xae: {  	[dreg:$0x2] =	wrdreg s24  }
0xaf: {  	[dreg:$0x3] =	wrdreg s2  }
0xb0: {  	[dreg:$0x4] =	wrdreg $0x9  }
0xb1: {  	_ =	task.clear_ibuf [dreg:s7], $0x5FFFF;
	_ =	strace $0x90000046  }
0xb2: {  	s29 =	simm.s32 $0x9;
	_ =	strace $0x80000048  }
0xb3: {  	_ =	swait.ge [sflag:s29], $0x1  }
0xb4: {  	[sflag:s29] =	ssyncadd.s32 $0xFFFFFFFF  }
0xb5: {  	_ =	strace $0x90000048  }
0xb6: {  	_ =	sfence  }
0xb7: {  	s30 =	sld [smem:$0x0];
	_ =	sdelay $0x2  }
0xb8: {  	s31 =	sshll.u32 s1, $0xD;
	s1 =	sshrl.u32 s1, $0x2  }
0xb9: {  	s3 =	sand.u32 $0x4000, s31;
	s1 =	sadd.s32 s1, s30  }
0xba: {  	s0 =	sor.u32 s3, s0;
	s1 =	sshll.u32 s1, $0x11  }
0xbb: {  	s0 =	sor.u32 s1, s0  }
0xbc: {  	s0 =	sadd.s32 $0x8F2B, s0  }
0xbd: {  	[sflag:s0] =	ssyncadd.remote.s32 $0x1  }
0xbe: {  	_ =	sfence.sel $0xFFFF  }
0xbf: {  	[dreg:$0x0] =	wrdreg $0xFFFFFFFF;
	(pc) =	sbr.abs _section_cstart, $3  }
0xc0: {  	[dreg:$0x1] =	wrdreg $0xFFFFFFFF  }
0xc1: {  	_ =	task.clear_ibuf [dreg:s7], $0x2FFFF;
	_ =	strace $0x9FFFFFFF  }
0xc2: {  	(tm) =	ssettm $0x7FFFFFFF  }
0xc3: {  	_ =	shalt  }
tec
execute0_lowered:
.L_overlay_start_1:
0x0: {  	(tag) =	ssettag $0x1  }
0x1: {  	s0 =	srdreg.scid  }
0x2: {  	s2 =	stileid.u32;
	s1 =	rddreg [dreg:$0x0];
	s13 =	simm.s32 $0x4  }
0x3: {  	s14 =	simm.s32 $0x2780;
	s22 =	simm.s32 $0x8700;
	s23 =	simm.s32 $0x8F00  }
0x4: {  	s24 =	simm.s32 $0x9700;
	s25 =	simm.s32 $0x50;
	s26 =	simm.s32 $0xEF00  }
0x5: {  	s28 =	simm.s32 $0x1;
	s29 =	simm.s32 $0x2;
	s30 =	simm.s32 $0x3  }
0x6: {  	s31 =	simm.s32 $0x0;
	s0 =	sand.u32 $0x1, s0;
	s3 =	sshll.u32 s2, $0x1  }
0x7: {  	s2 =	rddreg [dreg:$0x1];
	s5 =	sadd.s32 $0x16A00, s1;
	s4 =	sor.u32 s0, s3  }
0x8: {  	s7 =	sadd.s32 $0x64E00, s1;
	s0 =	ssub.s32 $0x2, s0;
	s4 =	smul.u32 $0x2710, s4  }
0x9: {  	s8 =	sadd.s32 $0x546E00, s1;
	s3 =	simm.s32 $0x0;
	s9 =	sshrl.u32 s0, $0x1  }
0xa: {  	v2 =	vlaneseq.u32;
	[smem:$0x7FF] =	sst s3;
	s0 =	ssub.s32 s0, s9;
	s6 =	sshrl.u32 s4, $0x3  }
0xb: {  	vm0 =	vmmov $0xffff;
	v1 =	vshrl.u32 v2, $0x3;
	_ =	strace $0x80000047;
	s11 =	smax.u32 s0, $0x1;
	s10 =	sadd.s32 s6, s1  }
0xc: {  	v0 =	vand.u32 $0x7, v2;
	v2 =	vor.u32 $0x8, v2;
	v1 =	vmul.u32 $0x8, v1;
	s6 =	sadd.s32 $0x64C00, s1;
	s9 =	sadd.s32 $0xCC00, s10;
	s10 =	sadd.s32 $0x2E00, s10  }
.LBB2_1:
0xd: {  	s0 =	simm.s32 $0x1DF00  }
0xe: {  	[tilespmem:s0], [sflag:$0x4] =	stream.linear.gather [hbm4b:s6+s3], $0x80, $0x38;
	[tilespmem:$0x1DF80] =	vst v63  }
0xf: {  	_ =	swait.ge [sflag:s13], $0x80  }
0x10: {  	[sflag:s13] =	ssyncset.done $0x0  }
0x11: {  	[sflag:s13] =	ssyncadd.s32 $0xFFFFFF80  }
0x12: {  	[tilespmem:s3], [sflag:$0x4] =	stream.linear.gather [hbm4b:s9+s3], $0x2710, $0x38;
	[tilespmem:$0x1DF80] =	vst v63  }
0x13: {  	_ =	swait.ge [sflag:s13], $0x2710  }
0x14: {  	[sflag:s13] =	ssyncset.done $0x0  }
0x15: {  	[sflag:s13] =	ssyncadd.s32 $0xFFFFD8F0  }
0x16: {  	[tilespmem:s14], [sflag:$0x4] =	stream.linear.gather [hbm4b:s10+s3], $0x2710, $0x38;
	[tilespmem:$0x1DF80] =	vst v63  }
0x17: {  	_ =	swait.ge [sflag:s13], $0x2710  }
0x18: {  	[sflag:s13] =	ssyncset.done $0x0  }
0x19: {  	[sflag:s13] =	ssyncadd.s32 $0xFFFFD8F0  }
0x1a: {  	v3 =	vld [tilespmem:$0x0];
	_ =	sdelay $0x4  }
0x1b: {  	v4 =	vshll.u32 v3, $0x1  }
0x1c: {  	v3 =	vand.u32 $0x7, v3;
	v4 =	vand.u32 $0xFFFFFFF0, v4  }
0x1d: {  	v3 =	vor.u32 v3, v4  }
0x1e: {  	v4 =	vperm.xlane v3, v0;
	_ =	sdelay $0x1  }
0x1f: {  	v3 =	vperm.xlane v3, v2;
	v4 =	vadd.s32 v1, v4;
	_ =	sdelay $0x1  }
0x20: {  	v5 =	vadd.s32 v1, v3;
	_ =	sdelay $0x1  }
0x21: {  	s15 =	simm.s32 $0x4F00  }
0x22: {  	v3 =	vld [tilespmem:$0x1DF00];
	[tilespmem:s15], [sflag:$0x1] =	stream.indirect_vreg.gather [hbm4b:s5+s3], $0x80, v4, vm0, $0xb8  }
0x23: {  	s16 =	simm.s32 $0x5700  }
0x24: {  	[tilespmem:s16], [sflag:$0x1] =	stream.indirect_vreg.gather [hbm4b:s5+s3], $0x80, v5, vm0, $0xb8;
	[tilespmem:$0x1DF80] =	vst v63  }
0x25: {  	v4 =	vld [tilespmem:$0x10];
	_ =	sdelay $0x4  }
0x26: {  	v5 =	vshll.u32 v4, $0x1  }
0x27: {  	v4 =	vand.u32 $0x7, v4;
	v5 =	vand.u32 $0xFFFFFFF0, v5  }
0x28: {  	v4 =	vor.u32 v4, v5  }
0x29: {  	v5 =	vperm.xlane v4, v0;
	_ =	sdelay $0x1  }
0x2a: {  	v4 =	vperm.xlane v4, v2;
	v5 =	vadd.s32 v1, v5;
	_ =	sdelay $0x1  }
0x2b: {  	v4 =	vadd.s32 v1, v4;
	_ =	sdelay $0x1  }
0x2c: {  	s17 =	simm.s32 $0x5F00  }
0x2d: {  	[tilespmem:s17], [sflag:$0x1] =	stream.indirect_vreg.gather [hbm4b:s5+s3], $0x80, v5, vm0, $0xb8;
	[tilespmem:$0x1DF80] =	vst v63  }
0x2e: {  	s18 =	simm.s32 $0x6700  }
0x2f: {  	[tilespmem:s18], [sflag:$0x1] =	stream.indirect_vreg.gather [hbm4b:s5+s3], $0x80, v4, vm0, $0xb8;
	[tilespmem:$0x1DF80] =	vst v63  }
0x30: {  	v4 =	vld [tilespmem:$0x20];
	_ =	sdelay $0x4  }
0x31: {  	v5 =	vshll.u32 v4, $0x1  }
0x32: {  	v4 =	vand.u32 $0x7, v4;
	v5 =	vand.u32 $0xFFFFFFF0, v5  }
0x33: {  	v4 =	vor.u32 v4, v5  }
0x34: {  	v5 =	vperm.xlane v4, v0;
	_ =	sdelay $0x1  }
0x35: {  	v4 =	vperm.xlane v4, v2;
	v5 =	vadd.s32 v1, v5;
	_ =	sdelay $0x1  }
0x36: {  	v4 =	vadd.s32 v1, v4;
	_ =	sdelay $0x1  }
0x37: {  	s19 =	simm.s32 $0x6F00  }
0x38: {  	[tilespmem:s19], [sflag:$0x1] =	stream.indirect_vreg.gather [hbm4b:s5+s3], $0x80, v5, vm0, $0xb8;
	[tilespmem:$0x1DF80] =	vst v63  }
0x39: {  	s20 =	simm.s32 $0x7700  }
0x3a: {  	[tilespmem:s20], [sflag:$0x1] =	stream.indirect_vreg.gather [hbm4b:s5+s3], $0x80, v4, vm0, $0xb8;
	[tilespmem:$0x1DF80] =	vst v63  }
0x3b: {  	v4 =	vld [tilespmem:$0x30];
	_ =	sdelay $0x4  }
0x3c: {  	v5 =	vshll.u32 v4, $0x1  }
0x3d: {  	v4 =	vand.u32 $0x7, v4;
	v5 =	vand.u32 $0xFFFFFFF0, v5  }
0x3e: {  	v4 =	vor.u32 v4, v5  }
0x3f: {  	v5 =	vperm.xlane v4, v0;
	_ =	sdelay $0x1  }
0x40: {  	v4 =	vperm.xlane v4, v2;
	v5 =	vadd.s32 v1, v5;
	_ =	sdelay $0x1  }
0x41: {  	v4 =	vadd.s32 v1, v4;
	_ =	sdelay $0x1  }
0x42: {  	s21 =	simm.s32 $0x7F00  }
0x43: {  	[tilespmem:s21], [sflag:$0x1] =	stream.indirect_vreg.gather [hbm4b:s5+s3], $0x80, v5, vm0, $0xb8;
	[tilespmem:$0x1DF80] =	vst v63  }
0x44: {  	_ = 	snop  }
0x45: {  	[tilespmem:s22], [sflag:$0x1] =	stream.indirect_vreg.gather [hbm4b:s5+s3], $0x80, v4, vm0, $0xb8;
	[tilespmem:$0x1DF80] =	vst v63  }
0x46: {  	v4 =	vld [tilespmem:$0x40];
	_ =	sdelay $0x4  }
0x47: {  	v5 =	vshll.u32 v4, $0x1  }
0x48: {  	v4 =	vand.u32 $0x7, v4;
	v5 =	vand.u32 $0xFFFFFFF0, v5  }
0x49: {  	v4 =	vor.u32 v4, v5  }
0x4a: {  	v5 =	vperm.xlane v4, v0;
	_ =	sdelay $0x1  }
0x4b: {  	v4 =	vperm.xlane v4, v2;
	v5 =	vadd.s32 v1, v5;
	_ =	sdelay $0x1  }
0x4c: {  	v4 =	vadd.s32 v1, v4;
	_ =	sdelay $0x2  }
0x4d: {  	[tilespmem:s23], [sflag:$0x1] =	stream.indirect_vreg.gather [hbm4b:s5+s3], $0x80, v5, vm0, $0xb8;
	[tilespmem:$0x1DF80] =	vst v63  }
0x4e: {  	_ = 	snop  }
0x4f: {  	[tilespmem:s24], [sflag:$0x1] =	stream.indirect_vreg.gather [hbm4b:s5+s3], $0x80, v4, vm0, $0xb8;
	[tilespmem:$0x1DF80] =	vst v63  }
0x50: {  	p0 =	por $0x0, $0x0;
	s1 =	simm.s32 $0x0  }
0x51: {  	[tilespmem:s26], [sflag:$0x1] =	stream.indirect.gather [hbm4b:s2+s25], $0x80, s14, s25, $0xb8;
	[tilespmem:$0x1DF80] =	vst v63  }
.LBB2_2:
0x52: {  	p1 =	seq.s32 s1, $0x0  }
0x53: {  	s0 =	simm.s32 @!p1 $0x2;
	p2 =	seq.s32 @!p1 s1, $0x7C  }
0x54: {  	_ =	swait.ge @!p1 [sflag:s0], $0x2800;
	p2 =	por p1, !p2  }
.Ltmp0:
0x55: {  	[sflag:s0] =	ssyncset.done @!p1 $0x0;
	(pc) =	sbr.rel @!p2 .LBB2_4-.Ltmp0, $4  }
0x56: {  	s12 =	simm.s32 @!p1 $0x3;
	[sflag:s0] =	ssyncadd.s32 @!p1 $0xFFFFD800  }
0x57: {  	_ =	swait.ge @!p1 [sflag:s12], $0x2800  }
0x58: {  	[sflag:s12] =	ssyncset.done @!p1 $0x0  }
0x59: {  	s0 =	sand.u32 $0x1, s1;
	[sflag:s12] =	ssyncadd.s32 @!p1 $0xFFFFD800  }
0x5a: {  	s12 =	smul.u32 $0x50, s1;
	_ =	sdelay $0x1  }
0x5b: {  	v4 =	vld [tilespmem:s12+$0x50];
	_ =	sdelay $0x4  }
0x5c: {  	v5 =	vshll.u32 v4, $0x1  }
0x5d: {  	v4 =	vand.u32 $0x7, v4;
	v5 =	vand.u32 $0xFFFFFFF0, v5  }
0x5e: {  	v4 =	vor.u32 v4, v5  }
0x5f: {  	v5 =	vperm.xlane v4, v0;
	_ =	sdelay $0x1  }
0x60: {  	s15 =	sxor.u32 $0x1, s0;
	v4 =	vperm.xlane v4, v2;
	v5 =	vadd.s32 v1, v5  }
0x61: {  	s16 =	smul.u32 $0x14000, s15  }
0x62: {  	v4 =	vadd.s32 v1, v4  }
0x63: {  	s16 =	sshrl.u32 s16, $0x2  }
0x64: {  	s17 =	sadd.s32 $0x4F00, s16  }
0x65: {  	[tilespmem:s17], [sflag:$0x1] =	stream.indirect_vreg.gather [hbm4b:s5+s3], $0x80, v5, vm0, $0xb8;
	[tilespmem:$0x1DF80] =	vst v63  }
0x66: {  	s18 =	sadd.s32 $0x5700, s16  }
0x67: {  	[tilespmem:s18], [sflag:$0x1] =	stream.indirect_vreg.gather [hbm4b:s5+s3], $0x80, v4, vm0, $0xb8;
	[tilespmem:$0x1DF80] =	vst v63  }
0x68: {  	v4 =	vld [tilespmem:s12+$0x60];
	_ =	sdelay $0x4  }
0x69: {  	v5 =	vshll.u32 v4, $0x1  }
0x6a: {  	v4 =	vand.u32 $0x7, v4;
	v5 =	vand.u32 $0xFFFFFFF0, v5  }
0x6b: {  	v4 =	vor.u32 v4, v5  }
0x6c: {  	v5 =	vperm.xlane v4, v0;
	_ =	sdelay $0x1  }
0x6d: {  	v4 =	vperm.xlane v4, v2;
	v5 =	vadd.s32 v1, v5;
	_ =	sdelay $0x1  }
0x6e: {  	v4 =	vadd.s32 v1, v4;
	_ =	sdelay $0x1  }
0x6f: {  	s19 =	sadd.s32 $0x5F00, s16  }
0x70: {  	[tilespmem:s19], [sflag:$0x1] =	stream.indirect_vreg.gather [hbm4b:s5+s3], $0x80, v5, vm0, $0xb8;
	[tilespmem:$0x1DF80] =	vst v63  }
0x71: {  	s20 =	sadd.s32 $0x6700, s16  }
0x72: {  	[tilespmem:s20], [sflag:$0x1] =	stream.indirect_vreg.gather [hbm4b:s5+s3], $0x80, v4, vm0, $0xb8;
	[tilespmem:$0x1DF80] =	vst v63  }
0x73: {  	v4 =	vld [tilespmem:s12+$0x70];
	_ =	sdelay $0x4  }
0x74: {  	v5 =	vshll.u32 v4, $0x1  }
0x75: {  	v4 =	vand.u32 $0x7, v4;
	v5 =	vand.u32 $0xFFFFFFF0, v5  }
0x76: {  	v4 =	vor.u32 v4, v5  }
0x77: {  	v5 =	vperm.xlane v4, v0;
	_ =	sdelay $0x1  }
0x78: {  	v4 =	vperm.xlane v4, v2;
	v5 =	vadd.s32 v1, v5;
	_ =	sdelay $0x1  }
0x79: {  	v4 =	vadd.s32 v1, v4;
	_ =	sdelay $0x1  }
0x7a: {  	s21 =	sadd.s32 $0x6F00, s16  }
0x7b: {  	[tilespmem:s21], [sflag:$0x1] =	stream.indirect_vreg.gather [hbm4b:s5+s3], $0x80, v5, vm0, $0xb8;
	[tilespmem:$0x1DF80] =	vst v63  }
0x7c: {  	s18 =	sadd.s32 $0x7700, s16  }
0x7d: {  	[tilespmem:s18], [sflag:$0x1] =	stream.indirect_vreg.gather [hbm4b:s5+s3], $0x80, v4, vm0, $0xb8;
	[tilespmem:$0x1DF80] =	vst v63  }
0x7e: {  	v4 =	vld [tilespmem:s12+$0x80];
	_ =	sdelay $0x4  }
0x7f: {  	v5 =	vshll.u32 v4, $0x1  }
0x80: {  	v4 =	vand.u32 $0x7, v4;
	v5 =	vand.u32 $0xFFFFFFF0, v5  }
0x81: {  	v4 =	vor.u32 v4, v5  }
0x82: {  	v5 =	vperm.xlane v4, v0;
	_ =	sdelay $0x1  }
0x83: {  	v4 =	vperm.xlane v4, v2;
	v5 =	vadd.s32 v1, v5;
	_ =	sdelay $0x1  }
0x84: {  	v4 =	vadd.s32 v1, v4;
	_ =	sdelay $0x1  }
0x85: {  	s19 =	sadd.s32 $0x7F00, s16  }
0x86: {  	[tilespmem:s19], [sflag:$0x1] =	stream.indirect_vreg.gather [hbm4b:s5+s3], $0x80, v5, vm0, $0xb8;
	[tilespmem:$0x1DF80] =	vst v63  }
0x87: {  	s20 =	sor.u32 $0x8700, s16  }
0x88: {  	[tilespmem:s20], [sflag:$0x1] =	stream.indirect_vreg.gather [hbm4b:s5+s3], $0x80, v4, vm0, $0xb8;
	[tilespmem:$0x1DF80] =	vst v63  }
0x89: {  	v4 =	vld [tilespmem:s12+$0x90];
	_ =	sdelay $0x4  }
0x8a: {  	v5 =	vshll.u32 v4, $0x1  }
0x8b: {  	v4 =	vand.u32 $0x7, v4;
	v5 =	vand.u32 $0xFFFFFFF0, v5  }
0x8c: {  	v4 =	vor.u32 v4, v5  }
0x8d: {  	v5 =	vperm.xlane v4, v0;
	_ =	sdelay $0x1  }
0x8e: {  	v4 =	vperm.xlane v4, v2;
	v5 =	vadd.s32 v1, v5;
	_ =	sdelay $0x1  }
0x8f: {  	v4 =	vadd.s32 v1, v4;
	_ =	sdelay $0x1  }
0x90: {  	s15 =	smul.u32 $0xA000, s15;
	s21 =	sor.u32 $0x8F00, s16  }
0x91: {  	[tilespmem:s21], [sflag:$0x1] =	stream.indirect_vreg.gather [hbm4b:s5+s3], $0x80, v5, vm0, $0xb8;
	[tilespmem:$0x1DF80] =	vst v63  }
0x92: {  	s15 =	sshrl.u32 s15, $0x2;
	s16 =	sadd.s32 $0x9700, s16  }
0x93: {  	[tilespmem:s16], [sflag:$0x1] =	stream.indirect_vreg.gather [hbm4b:s5+s3], $0x80, v4, vm0, $0xb8;
	[tilespmem:$0x1DF80] =	vst v63  }
0x94: {  	s15 =	sadd.s32 $0xEF00, s15;
	s12 =	sadd.s32 $0x27D0, s12  }
0x95: {  	[tilespmem:s15], [sflag:$0x1] =	stream.indirect.gather [hbm4b:s2+s25], $0x80, s12, s25, $0xb8;
	[tilespmem:$0x1DF80] =	vst v63  }
.LBB2_4:
0x96: {  	s12 =	simm.s32 $0x1  }
0x97: {  	_ =	swait.ge [sflag:s28], $0x5000;
	s12 =	simm.s32 @!p0 $0x0  }
0x98: {  	[sflag:s28] =	ssyncset.done $0x0;
	s15 =	smul.u32 $0xA000, s12  }
0x99: {  	s18 =	simm.s32 $0xFFFFFFFC;
	s19 =	simm.s32 $0x180;
	[sflag:s28] =	ssyncadd.s32 $0xFFFFB000  }
0x9a: {  	p1 =	por $0x0, $0x0;
	_ =	swait.ge [sflag:s28], $0x2800;
	s17 =	sshrl.u32 s15, $0x2  }
0x9b: {  	s12 =	smul.u32 $0x5000, s12;
	[sflag:s28] =	ssyncset.done $0x0;
	s15 =	sor.u32 $0x14000, s17  }
0x9c: {  	s16 =	sadd.s32 $0x19000, s17;
	s17 =	sadd.s32 $0xF000, s17;
	[sflag:s28] =	ssyncadd.s32 $0xFFFFD800  }
.LBB2_5:
0x9d: {  	s20 =	simm.s32 $0x1  }
0x9e: {  	s20 =	simm.s32 @!p1 $0x0  }
0x9f: {  	s20 =	sshll.u32 s20, $0x9  }
0xa0: {  	s20 =	sadd.s32 s20, s12  }
0xa1: {  	v5 =	vld [tilespmem:s17+$0xFFFFFF00];
	s20 =	sor.u32 $0x400, s20  }
0xa2: {  	v4 =	vld [tilespmem:s20+$0x4F00];
	_ =	sdelay $0x4  }
0xa3: {  	v4 =	vadd.f32 v5, v4;
	_ =	sdelay $0x1  }
0xa4: {  	v5 =	vmul.f32 $2.000000030e-01, v4  }
0xa5: {  	vm1 =	vgt.f32 v4, $0.0e+00  }
0xa6: {  	v4 =	vsel vm1, v4, v5  }
0xa7: {  	v4 =	vsub.f32 v4, v3;
	_ =	sdelay $0x1  }
0xa8: {  	v4 =	vmul.f32 $1.442695020e+00, v4;
	_ =	sdelay $0x1  }
0xa9: {  	(erf) = vpow2.f32 v4;
	_ =	sdelay $0x7  }
0xaa: {  	s20 =	sadd.s32 $0xFFFFFE80, s19  }
0xab: {  	s21 =	sand.u32 $0xF800, s12;
	s20 =	sand.u32 $0x200, s20;
	v4 =	vpop (erf)  }
0xac: {  	s20 =	sor.u32 s20, s21;
	[tilespmem:s16+$0xFFFFFF00] =	vst v4  }
0xad: {  	v5 =	vld [tilespmem:s20+$0x4F00];
	_ =	sdelay $0x2  }
0xae: {  	v6 =	vbroadcast v4, $0x0;
	_ =	sdelay $0x1  }
0xaf: {  	v5 =	vmul.f32 v6, v5;
	_ =	sdelay $0x1  }
0xb0: {  	[tilespmem:s15+$0xFFFFFF00] =	vst v5  }
0xb1: {  	v5 =	vld [tilespmem:s20+$0x4F10];
	_ =	sdelay $0x2  }
0xb2: {  	v37 =	vbroadcast v4, $0x1;
	_ =	sdelay $0x1  }
0xb3: {  	v5 =	vmul.f32 v37, v5;
	_ =	sdelay $0x1  }
0xb4: {  	[tilespmem:s15+$0xFFFFFF10] =	vst v5  }
0xb5: {  	v5 =	vld [tilespmem:s20+$0x4F20];
	_ =	sdelay $0x2  }
0xb6: {  	v38 =	vbroadcast v4, $0x2;
	_ =	sdelay $0x1  }
0xb7: {  	v5 =	vmul.f32 v38, v5;
	_ =	sdelay $0x1  }
0xb8: {  	[tilespmem:s15+$0xFFFFFF20] =	vst v5  }
0xb9: {  	v5 =	vld [tilespmem:s20+$0x4F30];
	_ =	sdelay $0x2  }
0xba: {  	v39 =	vbroadcast v4, $0x3;
	_ =	sdelay $0x1  }
0xbb: {  	v5 =	vmul.f32 v5, v39;
	_ =	sdelay $0x1  }
0xbc: {  	[tilespmem:s15+$0xFFFFFF30] =	vst v5  }
0xbd: {  	v5 =	vld [tilespmem:s20+$0x4F40];
	_ =	sdelay $0x2  }
0xbe: {  	v40 =	vbroadcast v4, $0x4;
	_ =	sdelay $0x1  }
0xbf: {  	v5 =	vmul.f32 v5, v40;
	_ =	sdelay $0x1  }
0xc0: {  	[tilespmem:s15+$0xFFFFFF40] =	vst v5  }
0xc1: {  	v5 =	vld [tilespmem:s20+$0x4F50];
	_ =	sdelay $0x2  }
0xc2: {  	v41 =	vbroadcast v4, $0x5;
	_ =	sdelay $0x1  }
0xc3: {  	v5 =	vmul.f32 v5, v41;
	_ =	sdelay $0x1  }
0xc4: {  	[tilespmem:s15+$0xFFFFFF50] =	vst v5  }
0xc5: {  	v5 =	vld [tilespmem:s20+$0x4F60];
	_ =	sdelay $0x2  }
0xc6: {  	v42 =	vbroadcast v4, $0x6;
	_ =	sdelay $0x1  }
0xc7: {  	v5 =	vmul.f32 v5, v42;
	_ =	sdelay $0x1  }
0xc8: {  	[tilespmem:s15+$0xFFFFFF60] =	vst v5  }
0xc9: {  	v5 =	vld [tilespmem:s20+$0x4F70];
	_ =	sdelay $0x2  }
0xca: {  	v4 =	vbroadcast v4, $0x7;
	_ =	sdelay $0x1  }
0xcb: {  	s21 =	sadd.s32 $0xFFFFFF00, s19;
	s20 =	sadd.s32 $0x100, s12;
	v4 =	vmul.f32 v5, v4  }
0xcc: {  	s21 =	sand.u32 $0x280, s21;
	s20 =	sand.u32 $0xF800, s20  }
0xcd: {  	s20 =	sor.u32 s21, s20;
	[tilespmem:s15+$0xFFFFFF70] =	vst v4  }
0xce: {  	v4 =	vld [tilespmem:s20+$0x5300]  }
0xcf: {  	v5 =	vld [tilespmem:s17+$0xFFFFFF80];
	_ =	sdelay $0x4  }
0xd0: {  	v4 =	vadd.f32 v5, v4;
	_ =	sdelay $0x1  }
0xd1: {  	v5 =	vmul.f32 $2.000000030e-01, v4  }
0xd2: {  	vm1 =	vgt.f32 v4, $0.0e+00  }
0xd3: {  	v4 =	vsel vm1, v4, v5  }
0xd4: {  	v4 =	vsub.f32 v4, v3;
	_ =	sdelay $0x1  }
0xd5: {  	v4 =	vmul.f32 $1.442695020e+00, v4;
	_ =	sdelay $0x1  }
0xd6: {  	(erf) = vpow2.f32 v4;
	_ =	sdelay $0x8  }
0xd7: {  	v4 =	vpop (erf)  }
0xd8: {  	[tilespmem:s16+$0xFFFFFF80] =	vst v4  }
0xd9: {  	v5 =	vld [tilespmem:s20+$0x4F00];
	_ =	sdelay $0x2  }
0xda: {  	v43 =	vbroadcast v4, $0x0;
	_ =	sdelay $0x1  }
0xdb: {  	v5 =	vmul.f32 v43, v5;
	_ =	sdelay $0x1  }
0xdc: {  	[tilespmem:s15+$0xFFFFFF80] =	vst v5  }
0xdd: {  	v5 =	vld [tilespmem:s20+$0x4F10];
	_ =	sdelay $0x2  }
0xde: {  	v44 =	vbroadcast v4, $0x1;
	_ =	sdelay $0x1  }
0xdf: {  	v5 =	vmul.f32 v44, v5;
	_ =	sdelay $0x1  }
0xe0: {  	[tilespmem:s15+$0xFFFFFF90] =	vst v5  }
0xe1: {  	v5 =	vld [tilespmem:s20+$0x4F20];
	_ =	sdelay $0x2  }
0xe2: {  	v45 =	vbroadcast v4, $0x2;
	_ =	sdelay $0x1  }
0xe3: {  	v5 =	vmul.f32 v45, v5;
	_ =	sdelay $0x1  }
0xe4: {  	[tilespmem:s15+$0xFFFFFFA0] =	vst v5  }
0xe5: {  	v5 =	vld [tilespmem:s20+$0x4F30];
	_ =	sdelay $0x2  }
0xe6: {  	v46 =	vbroadcast v4, $0x3;
	_ =	sdelay $0x1  }
0xe7: {  	v5 =	vmul.f32 v5, v46;
	_ =	sdelay $0x1  }
0xe8: {  	[tilespmem:s15+$0xFFFFFFB0] =	vst v5  }
0xe9: {  	v5 =	vld [tilespmem:s20+$0x4F40];
	_ =	sdelay $0x2  }
0xea: {  	v47 =	vbroadcast v4, $0x4;
	_ =	sdelay $0x1  }
0xeb: {  	v5 =	vmul.f32 v5, v47;
	_ =	sdelay $0x1  }
0xec: {  	[tilespmem:s15+$0xFFFFFFC0] =	vst v5  }
0xed: {  	v5 =	vld [tilespmem:s20+$0x4F50];
	_ =	sdelay $0x2  }
0xee: {  	v48 =	vbroadcast v4, $0x5;
	_ =	sdelay $0x1  }
0xef: {  	v5 =	vmul.f32 v5, v48;
	_ =	sdelay $0x1  }
0xf0: {  	[tilespmem:s15+$0xFFFFFFD0] =	vst v5  }
0xf1: {  	v5 =	vld [tilespmem:s20+$0x4F60];
	_ =	sdelay $0x2  }
0xf2: {  	v49 =	vbroadcast v4, $0x6;
	_ =	sdelay $0x1  }
0xf3: {  	v5 =	vmul.f32 v5, v49;
	_ =	sdelay $0x1  }
0xf4: {  	[tilespmem:s15+$0xFFFFFFE0] =	vst v5  }
0xf5: {  	v5 =	vld [tilespmem:s20+$0x4F70];
	_ =	sdelay $0x2  }
0xf6: {  	v4 =	vbroadcast v4, $0x7;
	_ =	sdelay $0x1  }
0xf7: {  	s21 =	sadd.s32 $0xFFFFFF80, s19;
	s20 =	sadd.s32 $0x200, s12;
	v4 =	vmul.f32 v5, v4  }
0xf8: {  	s21 =	sand.u32 $0x300, s21;
	s20 =	sand.u32 $0xF800, s20  }
0xf9: {  	s20 =	sor.u32 s21, s20;
	[tilespmem:s15+$0xFFFFFFF0] =	vst v4  }
0xfa: {  	v4 =	vld [tilespmem:s20+$0x5300]  }
0xfb: {  	v5 =	vld [tilespmem:s17+$0x0];
	_ =	sdelay $0x4  }
0xfc: {  	v4 =	vadd.f32 v5, v4;
	_ =	sdelay $0x1  }
0xfd: {  	v5 =	vmul.f32 $2.000000030e-01, v4  }
0xfe: {  	vm1 =	vgt.f32 v4, $0.0e+00  }
0xff: {  	v4 =	vsel vm1, v4, v5  }
0x100: {  	v4 =	vsub.f32 v4, v3;
	_ =	sdelay $0x1  }
0x101: {  	v4 =	vmul.f32 $1.442695020e+00, v4;
	_ =	sdelay $0x1  }
0x102: {  	(erf) = vpow2.f32 v4;
	_ =	sdelay $0x8  }
0x103: {  	v4 =	vpop (erf)  }
0x104: {  	[tilespmem:s16+$0x0] =	vst v4  }
0x105: {  	v5 =	vld [tilespmem:s20+$0x4F00];
	_ =	sdelay $0x2  }
0x106: {  	v50 =	vbroadcast v4, $0x0;
	_ =	sdelay $0x1  }
0x107: {  	v5 =	vmul.f32 v50, v5;
	_ =	sdelay $0x1  }
0x108: {  	[tilespmem:s15+$0x0] =	vst v5  }
0x109: {  	v5 =	vld [tilespmem:s20+$0x4F10];
	_ =	sdelay $0x2  }
0x10a: {  	v51 =	vbroadcast v4, $0x1;
	_ =	sdelay $0x1  }
0x10b: {  	v5 =	vmul.f32 v51, v5;
	_ =	sdelay $0x1  }
0x10c: {  	[tilespmem:s15+$0x10] =	vst v5  }
0x10d: {  	v5 =	vld [tilespmem:s20+$0x4F20];
	_ =	sdelay $0x2  }
0x10e: {  	v52 =	vbroadcast v4, $0x2;
	_ =	sdelay $0x1  }
0x10f: {  	v5 =	vmul.f32 v52, v5;
	_ =	sdelay $0x1  }
0x110: {  	[tilespmem:s15+$0x20] =	vst v5  }
0x111: {  	v5 =	vld [tilespmem:s20+$0x4F30];
	_ =	sdelay $0x2  }
0x112: {  	v53 =	vbroadcast v4, $0x3;
	_ =	sdelay $0x1  }
0x113: {  	v5 =	vmul.f32 v5, v53;
	_ =	sdelay $0x1  }
0x114: {  	[tilespmem:s15+$0x30] =	vst v5  }
0x115: {  	v5 =	vld [tilespmem:s20+$0x4F40];
	_ =	sdelay $0x2  }
0x116: {  	v54 =	vbroadcast v4, $0x4;
	_ =	sdelay $0x1  }
0x117: {  	v5 =	vmul.f32 v5, v54;
	_ =	sdelay $0x1  }
0x118: {  	[tilespmem:s15+$0x40] =	vst v5  }
0x119: {  	v5 =	vld [tilespmem:s20+$0x4F50];
	_ =	sdelay $0x2  }
0x11a: {  	v55 =	vbroadcast v4, $0x5;
	_ =	sdelay $0x1  }
0x11b: {  	v5 =	vmul.f32 v5, v55;
	_ =	sdelay $0x1  }
0x11c: {  	[tilespmem:s15+$0x50] =	vst v5  }
0x11d: {  	v5 =	vld [tilespmem:s20+$0x4F60];
	_ =	sdelay $0x2  }
0x11e: {  	v56 =	vbroadcast v4, $0x6;
	_ =	sdelay $0x1  }
0x11f: {  	v5 =	vmul.f32 v5, v56;
	_ =	sdelay $0x1  }
0x120: {  	[tilespmem:s15+$0x60] =	vst v5  }
0x121: {  	v5 =	vld [tilespmem:s20+$0x4F70];
	_ =	sdelay $0x2  }
0x122: {  	v4 =	vbroadcast v4, $0x7;
	_ =	sdelay $0x1  }
0x123: {  	s21 =	sadd.s32 $0x300, s12;
	v4 =	vmul.f32 v5, v4  }
0x124: {  	s20 =	sand.u32 $0xF800, s21;
	s21 =	sand.u32 $0x380, s19  }
0x125: {  	s20 =	sor.u32 s21, s20;
	[tilespmem:s15+$0x70] =	vst v4  }
0x126: {  	v4 =	vld [tilespmem:s20+$0x5300]  }
0x127: {  	v5 =	vld [tilespmem:s17+$0x80];
	_ =	sdelay $0x4  }
0x128: {  	v4 =	vadd.f32 v5, v4;
	_ =	sdelay $0x1  }
0x129: {  	v5 =	vmul.f32 $2.000000030e-01, v4  }
0x12a: {  	vm1 =	vgt.f32 v4, $0.0e+00  }
0x12b: {  	v4 =	vsel vm1, v4, v5  }
0x12c: {  	v4 =	vsub.f32 v4, v3;
	_ =	sdelay $0x1  }
0x12d: {  	v4 =	vmul.f32 $1.442695020e+00, v4;
	_ =	sdelay $0x1  }
0x12e: {  	(erf) = vpow2.f32 v4;
	_ =	sdelay $0x8  }
0x12f: {  	v4 =	vpop (erf)  }
0x130: {  	[tilespmem:s16+$0x80] =	vst v4  }
0x131: {  	v5 =	vld [tilespmem:s20+$0x4F00];
	_ =	sdelay $0x2  }
0x132: {  	v57 =	vbroadcast v4, $0x0;
	_ =	sdelay $0x1  }
0x133: {  	v5 =	vmul.f32 v57, v5;
	_ =	sdelay $0x1  }
0x134: {  	[tilespmem:s15+$0x80] =	vst v5  }
0x135: {  	v5 =	vld [tilespmem:s20+$0x4F10];
	_ =	sdelay $0x2  }
0x136: {  	v58 =	vbroadcast v4, $0x1;
	_ =	sdelay $0x1  }
0x137: {  	v5 =	vmul.f32 v58, v5;
	_ =	sdelay $0x1  }
0x138: {  	[tilespmem:s15+$0x90] =	vst v5  }
0x139: {  	v5 =	vld [tilespmem:s20+$0x4F20];
	_ =	sdelay $0x2  }
0x13a: {  	v59 =	vbroadcast v4, $0x2;
	_ =	sdelay $0x1  }
0x13b: {  	v5 =	vmul.f32 v59, v5;
	_ =	sdelay $0x1  }
0x13c: {  	[tilespmem:s15+$0xA0] =	vst v5  }
0x13d: {  	v5 =	vld [tilespmem:s20+$0x4F30];
	_ =	sdelay $0x2  }
0x13e: {  	v60 =	vbroadcast v4, $0x3;
	_ =	sdelay $0x1  }
0x13f: {  	v5 =	vmul.f32 v5, v60;
	_ =	sdelay $0x1  }
0x140: {  	[tilespmem:s15+$0xB0] =	vst v5  }
0x141: {  	v5 =	vld [tilespmem:s20+$0x4F40];
	_ =	sdelay $0x2  }
0x142: {  	v61 =	vbroadcast v4, $0x4;
	_ =	sdelay $0x1  }
0x143: {  	v5 =	vmul.f32 v5, v61;
	_ =	sdelay $0x1  }
0x144: {  	[tilespmem:s15+$0xC0] =	vst v5  }
0x145: {  	v5 =	vld [tilespmem:s20+$0x4F50];
	_ =	sdelay $0x2  }
0x146: {  	v62 =	vbroadcast v4, $0x5;
	_ =	sdelay $0x1  }
0x147: {  	v5 =	vmul.f32 v5, v62;
	_ =	sdelay $0x1  }
0x148: {  	[tilespmem:s15+$0xD0] =	vst v5  }
0x149: {  	v5 =	vld [tilespmem:s20+$0x4F60];
	_ =	sdelay $0x2  }
0x14a: {  	v63 =	vbroadcast v4, $0x6;
	_ =	sdelay $0x1  }
0x14b: {  	v5 =	vmul.f32 v5, v63;
	_ =	sdelay $0x1  }
0x14c: {  	[tilespmem:s15+$0xE0] =	vst v5  }
0x14d: {  	v5 =	vld [tilespmem:s20+$0x4F70]  }
0x14e: {  	s18 =	sadd.s32 $0x4, s18  }
0x14f: {  	p2 =	slt.u32 s18, $0x4C  }
.Ltmp1:
0x150: {  	v4 =	vbroadcast v4, $0x7;
	(pc) =	sbr.rel @p2 .LBB2_5-.Ltmp1, $4  }
0x151: {  	_ = 	snop  }
0x152: {  	v4 =	vmul.f32 v5, v4  }
0x153: {  	p1 =	por !p1, !p1;
	s12 =	sadd.s32 $0x400, s12;
	s19 =	sadd.s32 $0x200, s19  }
0x154: {  	s17 =	sadd.s32 $0x200, s17;
	s16 =	sadd.s32 $0x200, s16;
	[tilespmem:s15+$0xF0] =	vst v4;
	s15 =	sadd.s32 $0x200, s15  }
0x155: {  	s12 =	smul.u32 $0x50, s1  }
0x156: {  	s1 =	sadd.s32 $0x1, s1  }
0x157: {  	s0 =	smul.u32 $0x2800, s0;
	p1 =	sne.s32 s1, $0x7D;
	s12 =	sadd.s32 s4, s12  }
.Ltmp2:
0x158: {  	s12 =	sshll.u32 s12, $0x4;
	(pc) =	sbr.rel @p1 .LBB2_2-.Ltmp2, $4  }
0x159: {  	s15 =	sadd.s32 $0x18F00, s0;
	s16 =	sadd.s32 s7, s12  }
0x15a: {  	[hbm4b:s16+s3] =	stream.linear.scatter [tilespmem:s15], [sflag:$0x3], $0x2800, $0x38;
	[tilespmem:$0x1DF80] =	vst v63  }
0x15b: {  	p0 =	por !p0, !p0;
	s0 =	sadd.s32 $0x13F00, s0;
	s12 =	sadd.s32 s8, s12  }
0x15c: {  	[hbm4b:s12+s3] =	stream.linear.scatter [tilespmem:s0], [sflag:$0x2], $0x2800, $0x38;
	[tilespmem:$0x1DF80] =	vst v63  }
0x15d: {  	s31 =	sadd.s32 $0x1, s31  }
0x15e: {  	_ =	swait.ge [sflag:s29], $0x2800;
	p0 =	sne.s32 s31, s11  }
.Ltmp3:
0x15f: {  	[sflag:s29] =	ssyncset.done $0x0;
	(pc) =	sbr.rel @p0 .LBB2_1-.Ltmp3, $4  }
0x160: {  	[sflag:s29] =	ssyncadd.s32 $0xFFFFD800  }
0x161: {  	_ =	swait.ge [sflag:s30], $0x2800  }
0x162: {  	[sflag:s30] =	ssyncset.done $0x0  }
0x163: {  	[sflag:s30] =	ssyncadd.s32 $0xFFFFD800  }
0x164: {  	_ =	sfence.sel $0x180000  }
0x165: {  	[bflag:$0x0] =	sbarrier.arrive $0xFFFF  }
0x166: {  	_ =	strace $0x90000047  }
0x167: {  	s0 =	stileid.u32;
	[bflag:$0x2] =	sbarrier.arrive $0xFFFF  }
0x168: {  	p0 =	sne.s32 s0, $0x0;
	s0 =	rddreg [dreg:$0x2]  }
0x169: {  	s0 =	sadd.s32 @!p0 $0x100000, s0  }
0x16a: {  	[sflag:s0] =	ssyncadd.tile.s32 @!p0 $0x1;
	_ =	shalt  }
.Lfunc_end2:
_tile_overlayer_lowered:
.L_overlay_start_2:
0x16b: {  	(tag) =	ssettag $0x2  }
0x16c: {  	s0 =	rddreg [dreg:$0x0];
	s2 =	stileid.u32  }
0x16d: {  	s1 =	rddreg [dreg:$0x1];
	p0 =	sne.s32 s2, $0x0  }
0x16e: {  	s3 =	rddreg [dreg:$0x2];
	[bflag:$0x3] =	sbarrier.arrive $0xFFFF;
	s2 =	simm.s32 @!p0 $0x1C04  }
0x16f: {  	[timem:s3], [sflag:s2] =	dma.local @!p0 [hbm:s0], s1  }
0x170: {  	s0 =	simm.s32 @!p0 $0x4  }
0x171: {  	_ =	swait.ge @!p0 [sflag:s0], s1  }
0x172: {  	s1 =	ssub.s32 @!p0 $0x0, s1;
	[sflag:s0] =	ssyncset.done @!p0 $0x0  }
0x173: {  	[sflag:s0] =	ssyncadd.s32 @!p0 s1  }
0x174: {  	[bflag:$0x3] =	sbarrier.arrive $0xFFFF  }
0x175: {  	_ =	shalt  }

// kernel: kernel.18.cloned.1.call-start
scs
__scs_entry_jumppad:
0x0: {  	(pc) =	sbr.rel $0x88, $3  }
0x1: {  	(tag) =	ssettag $0x0;
	lr =	simm.s32 $0x1  }
0x2: {  	[smem:$0x3F93] =	sst lr;
	_ =	strace $0xD0000000  }
0x3: {  	_ = 	snop  }
0x4: {  	_ = 	snop  }
0x5: {  	_ = 	snop  }
0x6: {  	_ = 	snop  }
0x7: {  	_ = 	snop  }
__scs_overlays_trampoline_lowered:
0x8: {  	[smem:$0x3FA2] =	sst s0  }
0x9: {  	[smem:$0x3FA3] =	sst s1  }
0xa: {  	[smem:$0x3FA4] =	sst s2  }
0xb: {  	[smem:$0x3FA5] =	sst s3  }
0xc: {  	[smem:$0x3FA6] =	sst s4  }
0xd: {  	[smem:$0x3FA7] =	sst s5  }
0xe: {  	[smem:$0x3FA8] =	sst s6  }
0xf: {  	[smem:$0x3FA9] =	sst s7  }
0x10: {  	[smem:$0x3FAA] =	sst s8  }
0x11: {  	[smem:$0x3FAB] =	sst s9;
	s0 =	simm.s32 @!p0 $0x0  }
0x12: {  	s1 =	sld [smem:$0x3F91];
	s0 =	simm.s32 @p0 $0x1  }
0x13: {  	[smem:$0x3FAC] =	sst s0;
	s0 =	simm.s32 @!p1 $0x0  }
0x14: {  	s2 =	sld [smem:$0x3F90];
	s0 =	simm.s32 @p1 $0x1  }
0x15: {  	[smem:$0x3FAD] =	sst s0;
	s0 =	simm.s32 @!p2 $0x0  }
0x16: {  	s3 =	sld [smem:$0x3FDB];
	s0 =	simm.s32 @p2 $0x1  }
0x17: {  	s4 =	simm.s32 $0x1BF5;
	[smem:$0x3FAF] =	sst s0  }
0x18: {  	s0 =	sld [smem:$0x3F92];
	_ =	swait.ge [sflag:s4], $0x0  }
0x19: {  	s7 =	sld [smem:$0x3F93]  }
0x1a: {  	s8 =	sadd.s32 $0xFFFFE003, lr  }
0x1b: {  	s9 =	sadd.s32 $0xFFFFFEF7, lr;
	s5 =	simm.s32 $0xFFFFFFFF;
	p2 =	slt.u32 s8, $0xFFFFF086  }
0x1c: {  	p1 =	slt.u32 s9, $0xF7A;
	s5 =	simm.s32 @!p2 $0x0  }
0x1d: {  	s5 =	simm.s32 @p1 $0x1;
	p0 =	seq.s32 s7, s2  }
0x1e: {  	s7 =	smul.u32 @!p0 $0xF7A, s2;
	p2 =	seq.s32 @!p0 s5, $0x0  }
0x1f: {  	s9 =	smul.u32 $0xF7A, s1;
	s8 =	simm.s32 @!p0 $0x1BF5;
	p2 =	por !p2, p0  }
0x20: {  	[sflag:s8] =	ssyncset.s32 @!p0 $0xFFFFF086;
	s6 =	sadd.s32 @!p0 s3, s7;
	s7 =	simm.s32 @!p0 $0x108  }
0x21: {  	s3 =	sadd.s32 s3, s9;
	s6 =	sadd.s32 @!p0 $0x88, s6;
	s7 =	simm.s32 @p2 $0x1082  }
0x22: {  	[simem:s7], [sflag:s8] =	dma.local @!p0 [hbm:s6], $0xF7A  }
0x23: {  	s9 =	sor.u32 $0xD0000000, s2;
	s6 =	simm.s32 $0x108;
	_ =	swait.ge @!p0 [sflag:s8], $0x0  }
0x24: {  	s3 =	sadd.s32 $0x88, s3;
	s6 =	simm.s32 @!p1 $0x1082;
	[sflag:s4] =	ssyncset.s32 $0xFFFFF086  }
0x25: {  	[simem:s6], [sflag:s4] =	dma.local [hbm:s3], $0xF7A  }
0x26: {  	[smem:$0x3F93] =	sst s1;
	(tag) =	ssettag s2;
	_ =	strace s9  }
0x27: {  	s1 =	sld [smem:$0x3FA3]  }
0x28: {  	s2 =	sld [smem:$0x3FA4]  }
0x29: {  	s4 =	sld [smem:$0x3FA6]  }
0x2a: {  	p0 =	seq.s32 s5, $0x0;
	s5 =	sld [smem:$0x3FA7]  }
0x2b: {  	s6 =	sld [smem:$0x3FA8]  }
0x2c: {  	s7 =	sld [smem:$0x3FA9]  }
0x2d: {  	s3 =	simm.s32 $0x108;
	s8 =	sld [smem:$0x3FAA]  }
0x2e: {  	s3 =	simm.s32 @!p0 $0x1082;
	s9 =	sld [smem:$0x3FAB]  }
0x2f: {  	lr =	sadd.s32 s0, s3;
	s0 =	sld [smem:$0x3FA2]  }
0x30: {  	s3 =	sld [smem:$0x3FA5]  }
0x31: {  	[smem:$0x3FAE] =	sst s10  }
0x32: {  	s10 =	sld [smem:$0x3FAC];
	_ =	sdelay $0x3  }
0x33: {  	p0 =	seq.s32 s10, $0x1;
	s10 =	sld [smem:$0x3FAE];
	_ =	sdelay $0x3  }
0x34: {  	[smem:$0x3FAE] =	sst s10  }
0x35: {  	s10 =	sld [smem:$0x3FAD];
	_ =	sdelay $0x3  }
0x36: {  	p1 =	seq.s32 s10, $0x1;
	s10 =	sld [smem:$0x3FAE];
	_ =	sdelay $0x3  }
0x37: {  	[smem:$0x3FAE] =	sst s10  }
0x38: {  	s10 =	sld [smem:$0x3FAF]  }
0x39: {  	_ = 	snop;
	(pc) =	sbr.ind lr, $3  }
0x3a: {  	_ = 	snop  }
0x3b: {  	_ = 	snop  }
0x3c: {  	p2 =	seq.s32 s10, $0x1;
	s10 =	sld [smem:$0x3FAE]  }
0x3d: {  	_ =	shalt  }
0x3e: {  	_ =	shalt  }
0x3f: {  	_ =	shalt  }
0x40: {  	_ =	shalt  }
0x41: {  	_ =	shalt  }
0x42: {  	_ =	shalt  }
0x43: {  	_ =	shalt  }
0x44: {  	_ =	shalt  }
0x45: {  	_ =	shalt  }
0x46: {  	_ =	shalt  }
0x47: {  	_ =	shalt  }
0x48: {  	_ =	shalt  }
0x49: {  	_ =	shalt  }
0x4a: {  	_ =	shalt  }
0x4b: {  	_ =	shalt  }
0x4c: {  	_ =	shalt  }
0x4d: {  	_ =	shalt  }
0x4e: {  	_ =	shalt  }
0x4f: {  	_ =	shalt  }
0x50: {  	_ =	shalt  }
0x51: {  	_ =	shalt  }
0x52: {  	_ =	shalt  }
0x53: {  	_ =	shalt  }
0x54: {  	_ =	shalt  }
0x55: {  	_ =	shalt  }
0x56: {  	_ =	shalt  }
0x57: {  	_ =	shalt  }
0x58: {  	_ =	shalt  }
0x59: {  	_ =	shalt  }
0x5a: {  	_ =	shalt  }
0x5b: {  	_ =	shalt  }
0x5c: {  	_ =	shalt  }
0x5d: {  	_ =	shalt  }
0x5e: {  	_ =	shalt  }
0x5f: {  	_ =	shalt  }
0x60: {  	_ =	shalt  }
0x61: {  	_ =	shalt  }
0x62: {  	_ =	shalt  }
0x63: {  	_ =	shalt  }
0x64: {  	_ =	shalt  }
0x65: {  	_ =	shalt  }
0x66: {  	_ =	shalt  }
0x67: {  	_ =	shalt  }
0x68: {  	_ =	shalt  }
0x69: {  	_ =	shalt  }
0x6a: {  	_ =	shalt  }
0x6b: {  	_ =	shalt  }
0x6c: {  	_ =	shalt  }
0x6d: {  	_ =	shalt  }
0x6e: {  	_ =	shalt  }
0x6f: {  	_ =	shalt  }
0x70: {  	_ =	shalt  }
0x71: {  	_ =	shalt  }
0x72: {  	_ =	shalt  }
0x73: {  	_ =	shalt  }
0x74: {  	_ =	shalt  }
0x75: {  	_ =	shalt  }
0x76: {  	_ =	shalt  }
0x77: {  	_ =	shalt  }
0x78: {  	_ =	shalt  }
0x79: {  	_ =	shalt  }
0x7a: {  	_ =	shalt  }
0x7b: {  	_ =	shalt  }
0x7c: {  	_ =	shalt  }
0x7d: {  	_ =	shalt  }
0x7e: {  	_ =	shalt  }
0x7f: {  	_ =	shalt  }
0x80: {  	_ =	shalt  }
0x81: {  	_ =	shalt  }
0x82: {  	_ =	shalt  }
0x83: {  	_ =	shalt  }
0x84: {  	_ =	shalt  }
0x85: {  	_ =	shalt  }
0x86: {  	_ =	shalt  }
0x87: {  	_ =	shalt  }
.Lfunc_end0:
.L_simem_size_0:
called_computation.1_lowered:
.L_overlay_start_0:
0x88: {  	s2 =	sld [smem:$0x3FD9]  }
0x89: {  	s3 =	sld [smem:$0x3FFE];
	_ =	sdelay $0x1  }
0x8a: {  	s1 =	srdreg.scid  }
0x8b: {  	s0 =	sand.u32 $0x1, s1  }
0x8c: {  	s17 =	sshll.u32 s0, $0xA;
	s2 =	sadd.s32 s3, s2  }
0x8d: {  	s2 =	sadd.s32 s2, s17  }
0x8e: {  	[smem:$0x3FBA] =	sst s2  }
0x8f: {  	_ = 	snop  }
0x90: {  	(tm) =	ssettm $0x1  }
0x91: {  	s18 =	sld [smem:$0x3FFB];
	_ =	sdelay $0x3  }
0x92: {  	_ =	strace s18  }
0x93: {  	s2 =	sld [smem:$0x3FFC];
	_ =	sdelay $0x3  }
0x94: {  	_ =	strace s2  }
0x95: {  	s2 =	sld [smem:$0x3FFD];
	_ =	sdelay $0x3  }
0x96: {  	_ =	strace s2  }
0x97: {  	_ =	strace $0x8FFFFFFF  }
0x98: {  	s19 =	sld [smem:$0x3FDB];
	_ =	sdelay $0x1  }
0x99: {  	s20 =	simm.s32 $_scs_section_size  }
0x9a: {  	s4 =	simm.s32 $_size__tile_overlayer_lowered;
	s5 =	simm.s32 $_tile_overlayer_lowered  }
0x9b: {  	s6 =	simm.s32 $0x1BFF;
	s21 =	sshll.u32 s5, $0x1;
	s3 =	sadd.s32 s20, s19  }
0x9c: {  	s22 =	simm.s32 $0x0;
	s4 =	sshll.u32 s4, $0x1;
	s5 =	sadd.s32 s21, s3  }
0x9d: {  	[timem:s22], [sflag:s6] =	dma.local [hbm:s5], s4  }
0x9e: {  	_ =	swait.ge [sflag:s6], s4  }
0x9f: {  	s4 =	ssub.s32 $0x0, s4;
	[sflag:s6] =	ssyncset.done $0x0  }
0xa0: {  	[sflag:s6] =	ssyncadd.s32 s4;
	_ =	sdelay $0x1  }
0xa1: {  	s23 =	simm.s32 $0x1B8B  }
0xa2: {  	_ =	swait.ge [sflag:s23], $0x1  }
0xa3: {  	[sflag:s23] =	ssyncset.done $0x0  }
0xa4: {  	[sflag:s23] =	ssyncadd.s32 $0xFFFFFFFF  }
0xa5: {  	s4 =	sld [smem:$0x0]  }
0xa6: {  	s5 =	sand.u32 $0xFFFFFFFE, s1  }
0xa7: {  	p0 =	sne.s32 s1, s5  }
0xa8: {  	s5 =	sshll.u32 @p0 s5, $0xE  }
0xa9: {  	s5 =	sadd.s32 @p0 $0x11B8D, s5;
	s6 =	sshll.u32 @p0 s4, $0x11  }
0xaa: {  	s5 =	sor.u32 @p0 s6, s5  }
0xab: {  	[sflag:s5] =	ssyncadd.remote.s32 @p0 $0x1;
	_ =	sdelay $0x1  }
0xac: {  	s5 =	simm.s32 @p0 $0x1B8D  }
0xad: {  	_ =	swait.eq @p0 [sflag:s5], $0x1  }
0xae: {  	[sflag:s5] =	ssyncadd.s32 @p0 $0xFFFFFFFF  }
0xaf: {  	s6 =	sshll.u32 @!p0 s1, $0xE  }
0xb0: {  	s6 =	sor.u32 @!p0 $0x4000, s6;
	s5 =	simm.s32 @!p0 $0x1B8D  }
0xb1: {  	s4 =	sshll.u32 @!p0 s4, $0x11;
	s6 =	sadd.s32 @!p0 $0x11B8D, s6;
	_ =	swait.eq @!p0 [sflag:s5], $0x1  }
0xb2: {  	s4 =	sor.u32 @!p0 s4, s6;
	[sflag:s5] =	ssyncadd.s32 @!p0 $0xFFFFFFFF  }
0xb3: {  	s25 =	simm.s32 $0x1B8E;
	s24 =	sld [smem:$0x3FFE];
	[sflag:s4] =	ssyncadd.remote.s32 @!p0 $0x1  }
0xb4: {  	s26 =	simm.s32 $execute0_lowered;
	[smem:$0x3FD2] =	sst s25  }
0xb5: {  	s5 =	sshll.u32 s26, $0x1;
	_ =	strace $0x8000004C;
	[dreg:$0x1] =	wrdreg $0xFFFFFFFF  }
0xb6: {  	s28 =	simm.s32 $_size_execute0_lowered;
	s3 =	sadd.s32 s3, s5;
	[dreg:$0x0] =	wrdreg $0x0  }
0xb7: {  	s5 =	sshll.u32 s28, $0x1;
	[dreg:$0x2] =	wrdreg s3  }
0xb8: {  	[dreg:$0x3] =	wrdreg s5  }
0xb9: {  	[dreg:$0x4] =	wrdreg $0xC0  }
0xba: {  	_ =	task [dreg:s22], $0x5FFFF  }
0xbb: {  	[dreg:$0x1] =	wrdreg $0xFFFFFFFF  }
0xbc: {  	[dreg:$0x0] =	wrdreg $0x60  }
0xbd: {  	[dreg:$0x2] =	wrdreg s24  }
0xbe: {  	[dreg:$0x3] =	wrdreg $0x90000  }
0xbf: {  	[dreg:$0x4] =	wrdreg $0x9  }
0xc0: {  	_ =	task.clear_ibuf [dreg:s22], $0x5FFFF;
	_ =	strace $0x9000004C  }
0xc1: {  	s29 =	simm.s32 $0x9;
	_ =	strace $0x8000004E  }
0xc2: {  	_ =	swait.ge [sflag:s29], $0x1  }
0xc3: {  	[sflag:s29] =	ssyncadd.s32 $0xFFFFFFFF  }
0xc4: {  	_ =	strace $0x9000004E  }
0xc5: {  	_ =	sfence  }
0xc6: {  	s30 =	sld [smem:$0x0];
	_ =	sdelay $0x2  }
0xc7: {  	s31 =	sshll.u32 s1, $0xD;
	s1 =	sshrl.u32 s1, $0x2  }
0xc8: {  	s4 =	sand.u32 $0x4000, s31;
	s1 =	sadd.s32 s1, s30  }
0xc9: {  	s0 =	sor.u32 s4, s0;
	s1 =	sshll.u32 s1, $0x11  }
0xca: {  	s0 =	sor.u32 s1, s0  }
0xcb: {  	s0 =	sadd.s32 $0x8F2B, s0  }
0xcc: {  	[sflag:s0] =	ssyncadd.remote.s32 $0x1  }
0xcd: {  	_ =	sfence.sel $0xFFFF  }
0xce: {  	[dreg:$0x0] =	wrdreg $0xFFFFFFFF;
	(pc) =	sbr.abs _section_cstart, $3  }
0xcf: {  	[dreg:$0x1] =	wrdreg $0xFFFFFFFF  }
0xd0: {  	_ =	task.clear_ibuf [dreg:s22], $0x2FFFF;
	_ =	strace $0x9FFFFFFF  }
0xd1: {  	(tm) =	ssettm $0x7FFFFFFF  }
tec
execute0_lowered:
.L_overlay_start_1:
0x0: {  	(tag) =	ssettag $0x1  }
0x1: {  	s6 =	rddreg [dreg:$0x0]  }
0x2: {  	s1 =	rddreg [dreg:$0x1];
	s3 =	simm.s32 $0x0  }
0x3: {  	s4 =	srdreg.scid;
	s0 =	stileid.u32;
	s19 =	simm.s32 $0x50  }
0x4: {  	s20 =	simm.s32 $0x2;
	[smem:$0x7FF] =	sst s3;
	s7 =	sand.u32 $0x1, s4  }
0x5: {  	s21 =	sshll.u32 s0, $0x1;
	s11 =	sadd.s32 $0x546E00, s6;
	s9 =	smul.u32 $0x2700, s0  }
0x6: {  	s10 =	smul.u32 $0x4E000, s0;
	s14 =	sadd.s32 $0xA77000, s6;
	s24 =	sshll.u32 s0, $0x6  }
0x7: {  	s16 =	sadd.s32 $0x138000, s1;
	s18 =	smul.u32 $0x4E200, s0;
	p0 =	sne.s32 s0, $0xF  }
0x8: {  	_ =	strace $0x8000004D;
	s4 =	sor.u32 s7, s21;
	s26 =	smul.u32 $0x138800, s7  }
0x9: {  	s8 =	ssub.s32 $0x2, s7;
	s17 =	smul.u32 $0x27100, s7;
	s16 =	sshrl.u32 @!p0 s16, $0x3  }
0xa: {  	s21 =	simm.s32 $0x1;
	s5 =	sshll.u32 s4, $0xB;
	s22 =	sadd.s32 s9, s6  }
0xb: {  	s13 =	sshrl.u32 s8, $0x1;
	s23 =	sshrl.u32 s10, $0x2;
	s25 =	smul.u32 $0x27100, s4  }
0xc: {  	s30 =	sadd.s32 s18, s11;
	s18 =	simm.s32 $0x6800;
	s12 =	sadd.s32 s5, s6  }
0xd: {  	s13 =	ssub.s32 s8, s13;
	s15 =	sadd.s32 s23, s1;
	s4 =	sadd.s32 $0x16A00, s22  }
0xe: {  	s5 =	sor.u32 $0x1C03, s24;
	s6 =	sadd.s32 $0x3DA00, s6;
	s28 =	sshrl.u32 s26, $0x3  }
0xf: {  	s9 =	sadd.s32 s9, s17;
	s31 =	sadd.s32 s17, s30;
	s17 =	simm.s32 $0x4000  }
0x10: {  	s22 =	simm.s32 $0x3E00;
	s23 =	simm.s32 $0x0;
	s7 =	sadd.s32 $0x3EA00, s12  }
0x11: {  	s8 =	sadd.s32 s11, s25;
	s29 =	sadd.s32 s14, s28;
	s9 =	sadd.s32 s14, s9  }
0x12: {  	s11 =	smax.u32 s13, $0x1;
	s13 =	sadd.s32 $0xA00, s31;
	s14 =	sshrl.u32 s15, $0x3  }
0x13: {  	s15 =	simm.s32 $0x3;
	s10 =	sadd.s32 $0x27000, s29;
	s12 =	sadd.s32 $0x500, s8  }
.LBB2_1:
0x14: {  	[spmem:s14], [sflag:s5] =	dma.local [hbm:s4], $0x2700  }
0x15: {  	_ =	swait.ge [sflag:s15], $0x2700  }
0x16: {  	[sflag:s15] =	ssyncset.done $0x0  }
0x17: {  	s24 =	simm.s32 @!p0 $0x3;
	[sflag:s15] =	ssyncadd.s32 $0xFFFFD900  }
0x18: {  	[spmem:s16], [sflag:s5] =	dma.local @!p0 [hbm:s6], $0x100  }
0x19: {  	_ =	swait.ge @!p0 [sflag:s24], $0x100  }
0x1a: {  	[sflag:s24] =	ssyncset.done @!p0 $0x0  }
0x1b: {  	[sflag:s24] =	ssyncadd.s32 @!p0 $0xFFFFFF00  }
0x1c: {  	[tilespmem:s3], [sflag:$0x3] =	stream.linear.gather [hbm4b:s7+s3], $0x4000, $0x38;
	[tilespmem:$0x1C880] =	vst v63  }
0x1d: {  	_ =	swait.ge [sflag:s15], $0x4000  }
0x1e: {  	[sflag:s15] =	ssyncset.done $0x0  }
0x1f: {  	[sflag:s15] =	ssyncadd.s32 $0xFFFFC000  }
0x20: {  	[bflag:$0x0] =	sbarrier.arrive $0xFFFF  }
0x21: {  	[tilespmem:s17], [sflag:$0x1] =	stream.linear.gather [hbm4b:s8+s3], $0x2800, $0x38;
	[tilespmem:$0x1C880] =	vst v63  }
0x22: {  	_ = 	snop  }
0x23: {  	[tilespmem:s18], [sflag:$0x1] =	stream.linear.gather [hbm4b:s12+s3], $0x2800, $0x38;
	[tilespmem:$0x1C880] =	vst v63  }
0x24: {  	s25 =	sand.u32 $0x1, s21;
	_ =	swait.ge [sflag:s21], $0x2800  }
0x25: {  	s26 =	sxor.u32 $0x1, s25;
	s25 =	smul.u32 $0xA000, s25;
	[sflag:s21] =	ssyncset.done $0x0  }
0x26: {  	s26 =	smul.u32 $0xA000, s26;
	[sflag:s21] =	ssyncadd.s32 $0xFFFFD800  }
0x27: {  	[spmem:s1] =	stream.indirect.scatter.add.f32 [tilespmem:s17], [sflag:$0x2], $0x80, s3, s19, $0xb8;
	[tilespmem:$0x1C880] =	vst v63  }
0x28: {  	s31 =	simm.s32 $0x2;
	s30 =	simm.s32 $0x3;
	_ =	swait.ge [sflag:s20], $0x2800  }
0x29: {  	s28 =	sshrl.u32 s25, $0x2;
	s26 =	sshrl.u32 s26, $0x2;
	[sflag:s20] =	ssyncset.done $0x0  }
0x2a: {  	s25 =	sadd.s32 $0x500, s13;
	s26 =	sor.u32 $0x4000, s26;
	[sflag:s20] =	ssyncadd.s32 $0xFFFFD800  }
0x2b: {  	[tilespmem:s26], [sflag:$0x1] =	stream.linear.gather [hbm4b:s13+s3], $0x2800, $0x38;
	[tilespmem:$0x1C880] =	vst v63  }
0x2c: {  	s29 =	sor.u32 $0x4000, s28;
	s28 =	simm.s32 $0x80;
	_ =	swait.ge [sflag:s21], $0x2800  }
0x2d: {  	s24 =	simm.s32 $0x80;
	s26 =	sand.u32 $0x1, s31;
	[sflag:s21] =	ssyncset.done $0x0  }
.LBB2_2:
0x2e: {  	s31 =	sxor.u32 $0x1, s26  }
0x2f: {  	s24 =	sadd.s32 $0x80, s24;
	s0 =	smov.u32 s30;
	s2 =	sadd.s32 $0x1, s30  }
0x30: {  	p1 =	sne.s32 s30, $0x7B;
	s30 =	smul.u32 $0xA000, s31;
	[sflag:s21] =	ssyncadd.s32 $0xFFFFD800  }
0x31: {  	[spmem:s1] =	stream.indirect.scatter.add.f32 [tilespmem:s29], [sflag:$0x2], $0x80, s28, s19, $0xb8;
	[tilespmem:$0x1C880] =	vst v63  }
0x32: {  	s28 =	smov.u32 s24;
	_ =	swait.ge [sflag:s20], $0x2800;
	s29 =	sshrl.u32 s30, $0x2  }
.Ltmp0:
0x33: {  	[sflag:s20] =	ssyncset.done $0x0;
	s29 =	sor.u32 $0x4000, s29;
	(pc) =	sbr.rel @p1 .LBB2_2-.Ltmp0, $4  }
0x34: {  	s26 =	smul.u32 $0xA000, s26;
	s30 =	smov.u32 s2;
	[sflag:s20] =	ssyncadd.s32 $0xFFFFD800  }
0x35: {  	[tilespmem:s29], [sflag:$0x1] =	stream.linear.gather [hbm4b:s25+s3], $0x2800, $0x38;
	[tilespmem:$0x1C880] =	vst v63  }
0x36: {  	s29 =	sshrl.u32 s26, $0x2;
	s25 =	sadd.s32 $0x500, s25;
	_ =	swait.ge [sflag:s21], $0x2800  }
0x37: {  	s26 =	sand.u32 $0x1, s0;
	s29 =	sor.u32 $0x4000, s29;
	[sflag:s21] =	ssyncset.done $0x0  }
0x38: {  	s0 =	sxor.u32 $0x1, s26  }
0x39: {  	[sflag:s21] =	ssyncadd.s32 $0xFFFFD800;
	s0 =	smul.u32 $0xA000, s0  }
0x3a: {  	[spmem:s1] =	stream.indirect.scatter.add.f32 [tilespmem:s29], [sflag:$0x2], $0x80, s28, s19, $0xb8;
	[tilespmem:$0x1C880] =	vst v63  }
0x3b: {  	_ =	swait.ge [sflag:s20], $0x2800  }
0x3c: {  	s0 =	sshrl.u32 s0, $0x2;
	[sflag:s20] =	ssyncset.done $0x0  }
0x3d: {  	s2 =	smul.u32 $0xA000, s26;
	s0 =	sor.u32 $0x4000, s0;
	[sflag:s20] =	ssyncadd.s32 $0xFFFFD800  }
0x3e: {  	[tilespmem:s0], [sflag:$0x1] =	stream.linear.gather [hbm4b:s25+s3], $0x2800, $0x38;
	[tilespmem:$0x1C880] =	vst v63  }
0x3f: {  	_ =	swait.ge [sflag:s21], $0x2800  }
0x40: {  	s30 =	sshrl.u32 s2, $0x2;
	[sflag:s21] =	ssyncset.done $0x0  }
0x41: {  	s31 =	sadd.s32 $0x80, s24;
	s0 =	sor.u32 $0x4000, s30;
	[sflag:s21] =	ssyncadd.s32 $0xFFFFD800  }
0x42: {  	[spmem:s1] =	stream.indirect.scatter.add.f32 [tilespmem:s0], [sflag:$0x2], $0x80, s31, s19, $0xb8;
	[tilespmem:$0x1C880] =	vst v63  }
0x43: {  	_ =	swait.ge [sflag:s20], $0x2800  }
0x44: {  	[sflag:s20] =	ssyncset.done $0x0  }
0x45: {  	[sflag:s20] =	ssyncadd.s32 $0xFFFFD800  }
0x46: {  	_ =	swait.ge [sflag:s21], $0x2800  }
0x47: {  	[sflag:s21] =	ssyncset.done $0x0  }
0x48: {  	[sflag:s21] =	ssyncadd.s32 $0xFFFFD800  }
0x49: {  	[spmem:s1] =	stream.indirect.scatter.add.f32 [tilespmem:s17], [sflag:$0x2], $0x80, s22, s19, $0xb8;
	[tilespmem:$0x1C880] =	vst v63  }
0x4a: {  	_ =	swait.ge [sflag:s20], $0x2800  }
0x4b: {  	[sflag:s20] =	ssyncset.done $0x0  }
0x4c: {  	[sflag:s20] =	ssyncadd.s32 $0xFFFFD800  }
0x4d: {  	[bflag:$0x0] =	sbarrier.arrive $0xFFFF  }
0x4e: {  	[hbm:s9], [sflag:s5] =	dma.local [spmem:s14], $0x2700  }
0x4f: {  	s23 =	sadd.s32 $0x1, s23;
	_ =	swait.ge [sflag:s15], $0x2700  }
0x50: {  	p1 =	sne.s32 s23, s11;
	[sflag:s15] =	ssyncset.done $0x0  }
.Ltmp1:
0x51: {  	s0 =	simm.s32 @!p0 $0x3;
	[sflag:s15] =	ssyncadd.s32 $0xFFFFD900;
	(pc) =	sbr.rel @p1 .LBB2_1-.Ltmp1, $4  }
0x52: {  	[hbm:s10], [sflag:s5] =	dma.local @!p0 [spmem:s16], $0x100  }
0x53: {  	_ =	swait.ge @!p0 [sflag:s0], $0x100  }
0x54: {  	[sflag:s0] =	ssyncset.done @!p0 $0x0  }
0x55: {  	[sflag:s0] =	ssyncadd.s32 @!p0 $0xFFFFFF00  }
0x56: {  	_ =	sfence.sel $0x180000  }
0x57: {  	[bflag:$0x0] =	sbarrier.arrive $0xFFFF  }
0x58: {  	_ =	strace $0x9000004D  }
0x59: {  	s0 =	stileid.u32;
	[bflag:$0x2] =	sbarrier.arrive $0xFFFF  }
0x5a: {  	p0 =	sne.s32 s0, $0x0;
	s0 =	rddreg [dreg:$0x2]  }
0x5b: {  	s0 =	sadd.s32 @!p0 $0x100000, s0  }
0x5c: {  	[sflag:s0] =	ssyncadd.tile.s32 @!p0 $0x1;
	_ =	shalt  }
.Lfunc_end2:
_tile_overlayer_lowered:
.L_overlay_start_2:
0x5d: {  	(tag) =	ssettag $0x2  }
0x5e: {  	s0 =	rddreg [dreg:$0x0];
	s2 =	stileid.u32  }
0x5f: {  	s1 =	rddreg [dreg:$0x1];
	p0 =	sne.s32 s2, $0x0  }
0x60: {  	s3 =	rddreg [dreg:$0x2];
	[bflag:$0x3] =	sbarrier.arrive $0xFFFF;
	s2 =	simm.s32 @!p0 $0x1C03  }
0x61: {  	[timem:s3], [sflag:s2] =	dma.local @!p0 [hbm:s0], s1  }
0x62: {  	s0 =	simm.s32 @!p0 $0x3  }
0x63: {  	_ =	swait.ge @!p0 [sflag:s0], s1  }
0x64: {  	s1 =	ssub.s32 @!p0 $0x0, s1;
	[sflag:s0] =	ssyncset.done @!p0 $0x0  }
0x65: {  	[sflag:s0] =	ssyncadd.s32 @!p0 s1  }
0x66: {  	[bflag:$0x3] =	sbarrier.arrive $0xFFFF  }
0x67: {  	_ =	shalt  }

// kernel: kernel.21.cloned.1.call-start
scs
__scs_entry_jumppad:
0x0: {  	(pc) =	sbr.rel $0x88, $3  }
0x1: {  	(tag) =	ssettag $0x0;
	lr =	simm.s32 $0x1  }
0x2: {  	[smem:$0x3F93] =	sst lr;
	_ =	strace $0xD0000000  }
0x3: {  	_ = 	snop  }
0x4: {  	_ = 	snop  }
0x5: {  	_ = 	snop  }
0x6: {  	_ = 	snop  }
0x7: {  	_ = 	snop  }
__scs_overlays_trampoline_lowered:
0x8: {  	[smem:$0x3FA2] =	sst s0  }
0x9: {  	[smem:$0x3FA3] =	sst s1  }
0xa: {  	[smem:$0x3FA4] =	sst s2  }
0xb: {  	[smem:$0x3FA5] =	sst s3  }
0xc: {  	[smem:$0x3FA6] =	sst s4  }
0xd: {  	[smem:$0x3FA7] =	sst s5  }
0xe: {  	[smem:$0x3FA8] =	sst s6  }
0xf: {  	[smem:$0x3FA9] =	sst s7  }
0x10: {  	[smem:$0x3FAA] =	sst s8  }
0x11: {  	[smem:$0x3FAB] =	sst s9;
	s0 =	simm.s32 @!p0 $0x0  }
0x12: {  	s1 =	sld [smem:$0x3F91];
	s0 =	simm.s32 @p0 $0x1  }
0x13: {  	[smem:$0x3FAC] =	sst s0;
	s0 =	simm.s32 @!p1 $0x0  }
0x14: {  	s2 =	sld [smem:$0x3F90];
	s0 =	simm.s32 @p1 $0x1  }
0x15: {  	[smem:$0x3FAD] =	sst s0;
	s0 =	simm.s32 @!p2 $0x0  }
0x16: {  	s3 =	sld [smem:$0x3FDB];
	s0 =	simm.s32 @p2 $0x1  }
0x17: {  	s4 =	simm.s32 $0x1BF5;
	[smem:$0x3FAF] =	sst s0  }
0x18: {  	s0 =	sld [smem:$0x3F92];
	_ =	swait.ge [sflag:s4], $0x0  }
0x19: {  	s7 =	sld [smem:$0x3F93]  }
0x1a: {  	s8 =	sadd.s32 $0xFFFFE003, lr  }
0x1b: {  	s9 =	sadd.s32 $0xFFFFFEF7, lr;
	s5 =	simm.s32 $0xFFFFFFFF;
	p2 =	slt.u32 s8, $0xFFFFF086  }
0x1c: {  	p1 =	slt.u32 s9, $0xF7A;
	s5 =	simm.s32 @!p2 $0x0  }
0x1d: {  	s5 =	simm.s32 @p1 $0x1;
	p0 =	seq.s32 s7, s2  }
0x1e: {  	s7 =	smul.u32 @!p0 $0xF7A, s2;
	p2 =	seq.s32 @!p0 s5, $0x0  }
0x1f: {  	s9 =	smul.u32 $0xF7A, s1;
	s8 =	simm.s32 @!p0 $0x1BF5;
	p2 =	por !p2, p0  }
0x20: {  	[sflag:s8] =	ssyncset.s32 @!p0 $0xFFFFF086;
	s6 =	sadd.s32 @!p0 s3, s7;
	s7 =	simm.s32 @!p0 $0x108  }
0x21: {  	s3 =	sadd.s32 s3, s9;
	s6 =	sadd.s32 @!p0 $0x88, s6;
	s7 =	simm.s32 @p2 $0x1082  }
0x22: {  	[simem:s7], [sflag:s8] =	dma.local @!p0 [hbm:s6], $0xF7A  }
0x23: {  	s9 =	sor.u32 $0xD0000000, s2;
	s6 =	simm.s32 $0x108;
	_ =	swait.ge @!p0 [sflag:s8], $0x0  }
0x24: {  	s3 =	sadd.s32 $0x88, s3;
	s6 =	simm.s32 @!p1 $0x1082;
	[sflag:s4] =	ssyncset.s32 $0xFFFFF086  }
0x25: {  	[simem:s6], [sflag:s4] =	dma.local [hbm:s3], $0xF7A  }
0x26: {  	[smem:$0x3F93] =	sst s1;
	(tag) =	ssettag s2;
	_ =	strace s9  }
0x27: {  	s1 =	sld [smem:$0x3FA3]  }
0x28: {  	s2 =	sld [smem:$0x3FA4]  }
0x29: {  	s4 =	sld [smem:$0x3FA6]  }
0x2a: {  	p0 =	seq.s32 s5, $0x0;
	s5 =	sld [smem:$0x3FA7]  }
0x2b: {  	s6 =	sld [smem:$0x3FA8]  }
0x2c: {  	s7 =	sld [smem:$0x3FA9]  }
0x2d: {  	s3 =	simm.s32 $0x108;
	s8 =	sld [smem:$0x3FAA]  }
0x2e: {  	s3 =	simm.s32 @!p0 $0x1082;
	s9 =	sld [smem:$0x3FAB]  }
0x2f: {  	lr =	sadd.s32 s0, s3;
	s0 =	sld [smem:$0x3FA2]  }
0x30: {  	s3 =	sld [smem:$0x3FA5]  }
0x31: {  	[smem:$0x3FAE] =	sst s10  }
0x32: {  	s10 =	sld [smem:$0x3FAC];
	_ =	sdelay $0x3  }
0x33: {  	p0 =	seq.s32 s10, $0x1;
	s10 =	sld [smem:$0x3FAE];
	_ =	sdelay $0x3  }
0x34: {  	[smem:$0x3FAE] =	sst s10  }
0x35: {  	s10 =	sld [smem:$0x3FAD];
	_ =	sdelay $0x3  }
0x36: {  	p1 =	seq.s32 s10, $0x1;
	s10 =	sld [smem:$0x3FAE];
	_ =	sdelay $0x3  }
0x37: {  	[smem:$0x3FAE] =	sst s10  }
0x38: {  	s10 =	sld [smem:$0x3FAF]  }
0x39: {  	_ = 	snop;
	(pc) =	sbr.ind lr, $3  }
0x3a: {  	_ = 	snop  }
0x3b: {  	_ = 	snop  }
0x3c: {  	p2 =	seq.s32 s10, $0x1;
	s10 =	sld [smem:$0x3FAE]  }
0x3d: {  	_ =	shalt  }
0x3e: {  	_ =	shalt  }
0x3f: {  	_ =	shalt  }
0x40: {  	_ =	shalt  }
0x41: {  	_ =	shalt  }
0x42: {  	_ =	shalt  }
0x43: {  	_ =	shalt  }
0x44: {  	_ =	shalt  }
0x45: {  	_ =	shalt  }
0x46: {  	_ =	shalt  }
0x47: {  	_ =	shalt  }
0x48: {  	_ =	shalt  }
0x49: {  	_ =	shalt  }
0x4a: {  	_ =	shalt  }
0x4b: {  	_ =	shalt  }
0x4c: {  	_ =	shalt  }
0x4d: {  	_ =	shalt  }
0x4e: {  	_ =	shalt  }
0x4f: {  	_ =	shalt  }
0x50: {  	_ =	shalt  }
0x51: {  	_ =	shalt  }
0x52: {  	_ =	shalt  }
0x53: {  	_ =	shalt  }
0x54: {  	_ =	shalt  }
0x55: {  	_ =	shalt  }
0x56: {  	_ =	shalt  }
0x57: {  	_ =	shalt  }
0x58: {  	_ =	shalt  }
0x59: {  	_ =	shalt  }
0x5a: {  	_ =	shalt  }
0x5b: {  	_ =	shalt  }
0x5c: {  	_ =	shalt  }
0x5d: {  	_ =	shalt  }
0x5e: {  	_ =	shalt  }
0x5f: {  	_ =	shalt  }
0x60: {  	_ =	shalt  }
0x61: {  	_ =	shalt  }
0x62: {  	_ =	shalt  }
0x63: {  	_ =	shalt  }
0x64: {  	_ =	shalt  }
0x65: {  	_ =	shalt  }
0x66: {  	_ =	shalt  }
0x67: {  	_ =	shalt  }
0x68: {  	_ =	shalt  }
0x69: {  	_ =	shalt  }
0x6a: {  	_ =	shalt  }
0x6b: {  	_ =	shalt  }
0x6c: {  	_ =	shalt  }
0x6d: {  	_ =	shalt  }
0x6e: {  	_ =	shalt  }
0x6f: {  	_ =	shalt  }
0x70: {  	_ =	shalt  }
0x71: {  	_ =	shalt  }
0x72: {  	_ =	shalt  }
0x73: {  	_ =	shalt  }
0x74: {  	_ =	shalt  }
0x75: {  	_ =	shalt  }
0x76: {  	_ =	shalt  }
0x77: {  	_ =	shalt  }
0x78: {  	_ =	shalt  }
0x79: {  	_ =	shalt  }
0x7a: {  	_ =	shalt  }
0x7b: {  	_ =	shalt  }
0x7c: {  	_ =	shalt  }
0x7d: {  	_ =	shalt  }
0x7e: {  	_ =	shalt  }
0x7f: {  	_ =	shalt  }
0x80: {  	_ =	shalt  }
0x81: {  	_ =	shalt  }
0x82: {  	_ =	shalt  }
0x83: {  	_ =	shalt  }
0x84: {  	_ =	shalt  }
0x85: {  	_ =	shalt  }
0x86: {  	_ =	shalt  }
0x87: {  	_ =	shalt  }
.Lfunc_end0:
.L_simem_size_0:
called_computation.2_lowered:
.L_overlay_start_0:
0x88: {  	s2 =	sld [smem:$0x3FD9]  }
0x89: {  	s3 =	sld [smem:$0x3FFE];
	_ =	sdelay $0x1  }
0x8a: {  	s1 =	srdreg.scid  }
0x8b: {  	s0 =	sand.u32 $0x1, s1  }
0x8c: {  	s16 =	sshll.u32 s0, $0xA;
	s2 =	sadd.s32 s3, s2  }
0x8d: {  	s2 =	sadd.s32 s2, s16  }
0x8e: {  	[smem:$0x3FBA] =	sst s2  }
0x8f: {  	_ = 	snop  }
0x90: {  	(tm) =	ssettm $0x1  }
0x91: {  	s17 =	sld [smem:$0x3FFB];
	_ =	sdelay $0x3  }
0x92: {  	_ =	strace s17  }
0x93: {  	s2 =	sld [smem:$0x3FFC];
	_ =	sdelay $0x3  }
0x94: {  	_ =	strace s2  }
0x95: {  	s2 =	sld [smem:$0x3FFD];
	_ =	sdelay $0x3  }
0x96: {  	_ =	strace s2  }
0x97: {  	_ =	strace $0x8FFFFFFF  }
0x98: {  	s18 =	sld [smem:$0x3FDB];
	_ =	sdelay $0x1  }
0x99: {  	s19 =	simm.s32 $_scs_section_size  }
0x9a: {  	s4 =	simm.s32 $_size__tile_overlayer_lowered;
	s5 =	simm.s32 $_tile_overlayer_lowered  }
0x9b: {  	s22 =	simm.s32 $0x1BFF;
	s21 =	sshll.u32 s5, $0x1;
	s2 =	sadd.s32 s19, s18  }
0x9c: {  	s6 =	simm.s32 $0x0;
	s20 =	sshll.u32 s4, $0x1;
	s4 =	sadd.s32 s21, s2  }
0x9d: {  	[timem:s6], [sflag:s22] =	dma.local [hbm:s4], s20  }
0x9e: {  	_ =	swait.ge [sflag:s22], s20  }
0x9f: {  	s3 =	ssub.s32 $0x0, s20;
	[sflag:s22] =	ssyncset.done $0x0  }
0xa0: {  	[sflag:s22] =	ssyncadd.s32 s3;
	_ =	sdelay $0x1  }
0xa1: {  	s23 =	simm.s32 $0x1B8B  }
0xa2: {  	_ =	swait.ge [sflag:s23], $0x1  }
0xa3: {  	[sflag:s23] =	ssyncset.done $0x0  }
0xa4: {  	s25 =	simm.s32 $0x1B8E;
	s24 =	sld [smem:$0x3FFE];
	[sflag:s23] =	ssyncadd.s32 $0xFFFFFFFF  }
0xa5: {  	s26 =	simm.s32 $execute0_lowered;
	[smem:$0x3FD2] =	sst s25  }
0xa6: {  	s4 =	sshll.u32 s26, $0x1;
	_ =	strace $0x80000049;
	[dreg:$0x1] =	wrdreg $0xFFFFFFFF  }
0xa7: {  	s28 =	simm.s32 $_size_execute0_lowered;
	s2 =	sadd.s32 s2, s4;
	[dreg:$0x0] =	wrdreg $0x0  }
0xa8: {  	s4 =	sshll.u32 s28, $0x1;
	[dreg:$0x2] =	wrdreg s2  }
0xa9: {  	[dreg:$0x3] =	wrdreg s4  }
0xaa: {  	[dreg:$0x4] =	wrdreg $0xC0  }
0xab: {  	_ =	task [dreg:s6], $0x5FFFF  }
0xac: {  	[dreg:$0x1] =	wrdreg $0xFFFFFFFF  }
0xad: {  	[dreg:$0x0] =	wrdreg $0x60  }
0xae: {  	[dreg:$0x2] =	wrdreg s24  }
0xaf: {  	[dreg:$0x3] =	wrdreg $0x51000  }
0xb0: {  	[dreg:$0x4] =	wrdreg $0xA  }
0xb1: {  	_ =	task.clear_ibuf [dreg:s6], $0x5FFFF;
	_ =	strace $0x90000049  }
0xb2: {  	s29 =	simm.s32 $0xA;
	_ =	strace $0x8000004B  }
0xb3: {  	_ =	swait.ge [sflag:s29], $0x1  }
0xb4: {  	[sflag:s29] =	ssyncadd.s32 $0xFFFFFFFF  }
0xb5: {  	_ =	strace $0x9000004B  }
0xb6: {  	_ =	sfence  }
0xb7: {  	s30 =	sld [smem:$0x0];
	_ =	sdelay $0x2  }
0xb8: {  	s31 =	sshll.u32 s1, $0xD;
	s1 =	sshrl.u32 s1, $0x2  }
0xb9: {  	s3 =	sand.u32 $0x4000, s31;
	s1 =	sadd.s32 s1, s30  }
0xba: {  	s0 =	sor.u32 s3, s0;
	s1 =	sshll.u32 s1, $0x11  }
0xbb: {  	s0 =	sor.u32 s1, s0  }
0xbc: {  	s0 =	sadd.s32 $0x8F2B, s0  }
0xbd: {  	[sflag:s0] =	ssyncadd.remote.s32 $0x1  }
0xbe: {  	_ =	sfence.sel $0xFFFF  }
0xbf: {  	[dreg:$0x0] =	wrdreg $0xFFFFFFFF;
	(pc) =	sbr.abs _section_cstart, $3  }
0xc0: {  	[dreg:$0x1] =	wrdreg $0xFFFFFFFF  }
0xc1: {  	_ =	task.clear_ibuf [dreg:s6], $0x2FFFF;
	_ =	strace $0x9FFFFFFF  }
0xc2: {  	(tm) =	ssettm $0x7FFFFFFF  }
0xc3: {  	_ =	shalt  }
tec
execute0_lowered:
.L_overlay_start_1:
0x0: {  	(tag) =	ssettag $0x1  }
0x1: {  	s7 =	rddreg [dreg:$0x0]  }
0x2: {  	s2 =	rddreg [dreg:$0x1]  }
0x3: {  	s0 =	rddreg [dreg:$0x2];
	s3 =	simm.s32 $0x0;
	s1 =	stileid.u32  }
0x4: {  	s5 =	srdreg.scid;
	s20 =	simm.s32 $0x80;
	s4 =	smul.u32 $0x4E200, s1  }
0x5: {  	s21 =	simm.s32 $0x1500;
	s28 =	simm.s32 $0x0;
	s22 =	smul.u32 $0x4E000, s1  }
0x6: {  	[smem:$0x7FF] =	sst s3;
	s13 =	sadd.s32 $0x2E00, s7;
	s10 =	smul.u32 $0x2700, s1  }
0x7: {  	s8 =	sand.u32 $0x1, s5;
	s9 =	sadd.s32 $0xA28E00, s7;
	s17 =	smul.u32 $0x4E20, s1  }
0x8: {  	s18 =	sadd.s32 $0x138000, s2;
	p0 =	sne.s32 s1, $0xF;
	s14 =	smul.u32 $0x27100, s8  }
0x9: {  	s23 =	sshll.u32 s1, $0x6;
	_ =	strace $0x8000004A;
	s16 =	smul.u32 $0x138800, s8  }
0xa: {  	s6 =	ssub.s32 $0x2, s8;
	s19 =	smul.u32 $0x2710, s8;
	s11 =	sadd.s32 s4, s7  }
0xb: {  	s4 =	sadd.s32 $0x16A00, s7;
	s12 =	sshrl.u32 s6, $0x1;
	s5 =	sshrl.u32 s22, $0x2  }
0xc: {  	s7 =	sadd.s32 $0x3DA00, s7;
	s22 =	simm.s32 $0x1;
	s12 =	ssub.s32 s6, s12  }
0xd: {  	s15 =	sadd.s32 s5, s2;
	s5 =	sadd.s32 s4, s10;
	s6 =	sor.u32 $0x1C05, s23  }
0xe: {  	s24 =	sadd.s32 s10, s14;
	s25 =	sshrl.u32 s16, $0x3;
	s26 =	sadd.s32 s19, s17  }
0xf: {  	s11 =	sadd.s32 s14, s11;
	s16 =	sshrl.u32 @!p0 s18, $0x3;
	s17 =	simm.s32 $0x2900  }
0x10: {  	s18 =	simm.s32 $0x3D00;
	s19 =	simm.s32 $0x100;
	s23 =	simm.s32 $0x28  }
0x11: {  	s8 =	sadd.s32 s9, s24;
	s9 =	sadd.s32 s9, s25;
	s10 =	smax.u32 s12, $0x1  }
0x12: {  	s29 =	sadd.s32 $0x28, s26;
	s30 =	sshrl.u32 s26, $0x3;
	s11 =	sadd.s32 $0x64E00, s11  }
0x13: {  	s14 =	sshrl.u32 s15, $0x3;
	s15 =	simm.s32 $0x5;
	s24 =	simm.s32 $0x2  }
0x14: {  	s25 =	simm.s32 $0x3;
	s26 =	simm.s32 $0x4;
	s31 =	sshrl.u32 s29, $0x3  }
0x15: {  	s9 =	sadd.s32 $0x27000, s9;
	s12 =	sadd.s32 s30, s13;
	s13 =	sadd.s32 s31, s13  }
.LBB2_1:
0x16: {  	[spmem:s14], [sflag:s6] =	dma.local [hbm:s5], $0x2700  }
0x17: {  	_ =	swait.ge [sflag:s15], $0x2700  }
0x18: {  	[sflag:s15] =	ssyncset.done $0x0  }
0x19: {  	s29 =	simm.s32 @!p0 $0x5;
	[sflag:s15] =	ssyncadd.s32 $0xFFFFD900  }
0x1a: {  	[spmem:s16], [sflag:s6] =	dma.local @!p0 [hbm:s7], $0x100  }
0x1b: {  	_ =	swait.ge @!p0 [sflag:s29], $0x100  }
0x1c: {  	[sflag:s29] =	ssyncset.done @!p0 $0x0  }
0x1d: {  	[sflag:s29] =	ssyncadd.s32 @!p0 $0xFFFFFF00  }
0x1e: {  	[tilespmem:s17], [sflag:$0x5] =	stream.linear.gather [hbm4b:s4+s3], $0x1400, $0x38;
	[tilespmem:$0x18980] =	vst v63  }
0x1f: {  	_ =	swait.ge [sflag:s15], $0x1400  }
0x20: {  	[sflag:s15] =	ssyncset.done $0x0  }
0x21: {  	[sflag:s15] =	ssyncadd.s32 $0xFFFFEC00  }
0x22: {  	[tilespmem:s18], [sflag:$0x5] =	stream.linear.gather [hbm4b:s4+s3], $0x1400, $0x38;
	[tilespmem:$0x18980] =	vst v63  }
0x23: {  	_ =	swait.ge [sflag:s15], $0x1400  }
0x24: {  	[sflag:s15] =	ssyncset.done $0x0  }
0x25: {  	[sflag:s15] =	ssyncadd.s32 $0xFFFFEC00  }
0x26: {  	s30 =	simm.s32 $0x0;
	s29 =	smov.u32 s11;
	[bflag:$0x0] =	sbarrier.arrive $0xFFFF  }
.LBB2_2:
0x27: {  	s31 =	sadd.s32 s30, s12  }
0x28: {  	[tilespmem:s3], [sflag:$0x5] =	stream.linear.gather [hbm4b:s31+s3], $0x28, $0x38;
	[tilespmem:$0x18980] =	vst v63  }
0x29: {  	_ =	swait.ge [sflag:s15], $0x28  }
0x2a: {  	[sflag:s15] =	ssyncset.done $0x0  }
0x2b: {  	[sflag:s15] =	ssyncadd.s32 $0xFFFFFFD8  }
0x2c: {  	[tilespmem:s19], [sflag:$0x1] =	stream.linear.gather [hbm4b:s29+s3], $0x1400, $0x38;
	[tilespmem:$0x18980] =	vst v63  }
0x2d: {  	s31 =	sadd.s32 s30, s13  }
0x2e: {  	[tilespmem:s20], [sflag:$0x5] =	stream.linear.gather [hbm4b:s31+s3], $0x28, $0x38;
	[tilespmem:$0x18980] =	vst v63  }
0x2f: {  	_ =	swait.ge [sflag:s15], $0x28  }
0x30: {  	[sflag:s15] =	ssyncset.done $0x0  }
0x31: {  	s31 =	sadd.s32 $0x280, s29;
	[sflag:s15] =	ssyncadd.s32 $0xFFFFFFD8  }
0x32: {  	[tilespmem:s21], [sflag:$0x2] =	stream.linear.gather [hbm4b:s31+s3], $0x1400, $0x38;
	[tilespmem:$0x18980] =	vst v63  }
0x33: {  	_ =	swait.ge [sflag:s22], $0x1400  }
0x34: {  	[sflag:s22] =	ssyncset.done $0x0  }
0x35: {  	[sflag:s22] =	ssyncadd.s32 $0xFFFFEC00  }
0x36: {  	v0 =	vld [tilespmem:$0x100]  }
0x37: {  	v1 =	vld [tilespmem:$0x180]  }
0x38: {  	v2 =	vld [tilespmem:$0x200]  }
0x39: {  	v3 =	vld [tilespmem:$0x280]  }
0x3a: {  	v4 =	vld [tilespmem:$0x300]  }
0x3b: {  	v45 =	vld [tilespmem:$0x380];
	[tilespmem:$0x2900] =	vst v0  }
0x3c: {  	v46 =	vld [tilespmem:$0x400];
	[tilespmem:$0x2980] =	vst v1  }
0x3d: {  	v47 =	vld [tilespmem:$0x480];
	[tilespmem:$0x2A00] =	vst v2  }
0x3e: {  	v48 =	vld [tilespmem:$0x500];
	[tilespmem:$0x2A80] =	vst v3  }
0x3f: {  	v49 =	vld [tilespmem:$0x580];
	[tilespmem:$0x2B00] =	vst v4  }
0x40: {  	v50 =	vld [tilespmem:$0x600];
	[tilespmem:$0x2B80] =	vst v45  }
0x41: {  	v51 =	vld [tilespmem:$0x680];
	[tilespmem:$0x2C00] =	vst v46  }
0x42: {  	v52 =	vld [tilespmem:$0x700];
	[tilespmem:$0x2C80] =	vst v47  }
0x43: {  	v53 =	vld [tilespmem:$0x780];
	[tilespmem:$0x2D00] =	vst v48  }
0x44: {  	v54 =	vld [tilespmem:$0x800];
	[tilespmem:$0x2D80] =	vst v49  }
0x45: {  	v55 =	vld [tilespmem:$0x880];
	[tilespmem:$0x2E00] =	vst v50  }
0x46: {  	v56 =	vld [tilespmem:$0x900];
	[tilespmem:$0x2E80] =	vst v51  }
0x47: {  	v57 =	vld [tilespmem:$0x980];
	[tilespmem:$0x2F00] =	vst v52  }
0x48: {  	v58 =	vld [tilespmem:$0xA00];
	[tilespmem:$0x2F80] =	vst v53  }
0x49: {  	v59 =	vld [tilespmem:$0xA80];
	[tilespmem:$0x3000] =	vst v54  }
0x4a: {  	v60 =	vld [tilespmem:$0xB00];
	[tilespmem:$0x3080] =	vst v55  }
0x4b: {  	v61 =	vld [tilespmem:$0xB80];
	[tilespmem:$0x3100] =	vst v56  }
0x4c: {  	v62 =	vld [tilespmem:$0xC00];
	[tilespmem:$0x3180] =	vst v57  }
0x4d: {  	v63 =	vld [tilespmem:$0xC80];
	[tilespmem:$0x3200] =	vst v58  }
0x4e: {  	v8 =	vld [tilespmem:$0xD00];
	[tilespmem:$0x3280] =	vst v59  }
0x4f: {  	v9 =	vld [tilespmem:$0xD80];
	[tilespmem:$0x3300] =	vst v60  }
0x50: {  	v10 =	vld [tilespmem:$0xE00];
	[tilespmem:$0x3380] =	vst v61  }
0x51: {  	v11 =	vld [tilespmem:$0xE80];
	[tilespmem:$0x3400] =	vst v62  }
0x52: {  	v12 =	vld [tilespmem:$0xF00];
	[tilespmem:$0x3480] =	vst v63  }
0x53: {  	v13 =	vld [tilespmem:$0xF80];
	[tilespmem:$0x3500] =	vst v8  }
0x54: {  	v14 =	vld [tilespmem:$0x1000];
	[tilespmem:$0x3580] =	vst v9  }
0x55: {  	v15 =	vld [tilespmem:$0x1080];
	[tilespmem:$0x3600] =	vst v10  }
0x56: {  	v16 =	vld [tilespmem:$0x1100];
	[tilespmem:$0x3680] =	vst v11  }
0x57: {  	v17 =	vld [tilespmem:$0x1180];
	[tilespmem:$0x3700] =	vst v12  }
0x58: {  	v18 =	vld [tilespmem:$0x1200];
	[tilespmem:$0x3780] =	vst v13  }
0x59: {  	v19 =	vld [tilespmem:$0x1280];
	[tilespmem:$0x3800] =	vst v14  }
0x5a: {  	v20 =	vld [tilespmem:$0x1300];
	[tilespmem:$0x3880] =	vst v15  }
0x5b: {  	v21 =	vld [tilespmem:$0x1380];
	[tilespmem:$0x3900] =	vst v16  }
0x5c: {  	v22 =	vld [tilespmem:$0x1400];
	[tilespmem:$0x3980] =	vst v17  }
0x5d: {  	v23 =	vld [tilespmem:$0x1480];
	[tilespmem:$0x3A00] =	vst v18  }
0x5e: {  	[tilespmem:$0x3A80] =	vst v19  }
0x5f: {  	[tilespmem:$0x3B00] =	vst v20  }
0x60: {  	[tilespmem:$0x3B80] =	vst v21  }
0x61: {  	[tilespmem:$0x3C00] =	vst v22  }
0x62: {  	[tilespmem:$0x3C80] =	vst v23  }
0x63: {  	[spmem:s2] =	stream.indirect.scatter.add.f32 [tilespmem:s17], [sflag:$0x3], $0x80, s3, s23, $0xb8;
	[tilespmem:$0x18980] =	vst v63  }
0x64: {  	_ =	swait.ge [sflag:s24], $0x1400  }
0x65: {  	[sflag:s24] =	ssyncset.done $0x0  }
0x66: {  	[sflag:s24] =	ssyncadd.s32 $0xFFFFEC00  }
0x67: {  	v24 =	vld [tilespmem:$0x1500]  }
0x68: {  	v25 =	vld [tilespmem:$0x1580]  }
0x69: {  	v26 =	vld [tilespmem:$0x1600]  }
0x6a: {  	v27 =	vld [tilespmem:$0x1680]  }
0x6b: {  	v28 =	vld [tilespmem:$0x1700]  }
0x6c: {  	v29 =	vld [tilespmem:$0x1780];
	[tilespmem:$0x3D00] =	vst v24  }
0x6d: {  	v30 =	vld [tilespmem:$0x1800];
	[tilespmem:$0x3D80] =	vst v25  }
0x6e: {  	v31 =	vld [tilespmem:$0x1880];
	[tilespmem:$0x3E00] =	vst v26  }
0x6f: {  	v32 =	vld [tilespmem:$0x1900];
	[tilespmem:$0x3E80] =	vst v27  }
0x70: {  	v33 =	vld [tilespmem:$0x1980];
	[tilespmem:$0x3F00] =	vst v28  }
0x71: {  	v34 =	vld [tilespmem:$0x1A00];
	[tilespmem:$0x3F80] =	vst v29  }
0x72: {  	v35 =	vld [tilespmem:$0x1A80];
	[tilespmem:$0x4000] =	vst v30  }
0x73: {  	v36 =	vld [tilespmem:$0x1B00];
	[tilespmem:$0x4080] =	vst v31  }
0x74: {  	v37 =	vld [tilespmem:$0x1B80];
	[tilespmem:$0x4100] =	vst v32  }
0x75: {  	v38 =	vld [tilespmem:$0x1C00];
	[tilespmem:$0x4180] =	vst v33  }
0x76: {  	v39 =	vld [tilespmem:$0x1C80];
	[tilespmem:$0x4200] =	vst v34  }
0x77: {  	v40 =	vld [tilespmem:$0x1D00];
	[tilespmem:$0x4280] =	vst v35  }
0x78: {  	v41 =	vld [tilespmem:$0x1D80];
	[tilespmem:$0x4300] =	vst v36  }
0x79: {  	v42 =	vld [tilespmem:$0x1E00];
	[tilespmem:$0x4380] =	vst v37  }
0x7a: {  	v43 =	vld [tilespmem:$0x1E80];
	[tilespmem:$0x4400] =	vst v38  }
0x7b: {  	v44 =	vld [tilespmem:$0x1F00];
	[tilespmem:$0x4480] =	vst v39  }
0x7c: {  	v45 =	vld [tilespmem:$0x1F80];
	[tilespmem:$0x4500] =	vst v40  }
0x7d: {  	v46 =	vld [tilespmem:$0x2000];
	[tilespmem:$0x4580] =	vst v41  }
0x7e: {  	v47 =	vld [tilespmem:$0x2080];
	[tilespmem:$0x4600] =	vst v42  }
0x7f: {  	v48 =	vld [tilespmem:$0x2100];
	[tilespmem:$0x4680] =	vst v43  }
0x80: {  	v49 =	vld [tilespmem:$0x2180];
	[tilespmem:$0x4700] =	vst v44  }
0x81: {  	v50 =	vld [tilespmem:$0x2200];
	[tilespmem:$0x4780] =	vst v45  }
0x82: {  	v51 =	vld [tilespmem:$0x2280];
	[tilespmem:$0x4800] =	vst v46  }
0x83: {  	v52 =	vld [tilespmem:$0x2300];
	[tilespmem:$0x4880] =	vst v47  }
0x84: {  	v53 =	vld [tilespmem:$0x2380];
	[tilespmem:$0x4900] =	vst v48  }
0x85: {  	v54 =	vld [tilespmem:$0x2400];
	[tilespmem:$0x4980] =	vst v49  }
0x86: {  	v55 =	vld [tilespmem:$0x2480];
	[tilespmem:$0x4A00] =	vst v50  }
0x87: {  	v56 =	vld [tilespmem:$0x2500];
	[tilespmem:$0x4A80] =	vst v51  }
0x88: {  	v57 =	vld [tilespmem:$0x2580];
	[tilespmem:$0x4B00] =	vst v52  }
0x89: {  	v58 =	vld [tilespmem:$0x2600];
	[tilespmem:$0x4B80] =	vst v53  }
0x8a: {  	v59 =	vld [tilespmem:$0x2680];
	[tilespmem:$0x4C00] =	vst v54  }
0x8b: {  	v60 =	vld [tilespmem:$0x2700];
	[tilespmem:$0x4C80] =	vst v55  }
0x8c: {  	v61 =	vld [tilespmem:$0x2780];
	[tilespmem:$0x4D00] =	vst v56  }
0x8d: {  	v62 =	vld [tilespmem:$0x2800];
	[tilespmem:$0x4D80] =	vst v57  }
0x8e: {  	v63 =	vld [tilespmem:$0x2880];
	[tilespmem:$0x4E00] =	vst v58  }
0x8f: {  	[tilespmem:$0x4E80] =	vst v59  }
0x90: {  	[tilespmem:$0x4F00] =	vst v60  }
0x91: {  	[tilespmem:$0x4F80] =	vst v61  }
0x92: {  	[tilespmem:$0x5000] =	vst v62  }
0x93: {  	[tilespmem:$0x5080] =	vst v63  }
0x94: {  	[spmem:s2] =	stream.indirect.scatter.add.f32 [tilespmem:s18], [sflag:$0x4], $0x80, s20, s23, $0xb8;
	[tilespmem:$0x18980] =	vst v63  }
0x95: {  	p1 =	sne.s32 s30, $0x4D8;
	_ =	swait.ge [sflag:s25], $0x1400  }
.Ltmp0:
0x96: {  	[sflag:s25] =	ssyncset.done $0x0;
	(pc) =	sbr.rel @p1 .LBB2_2-.Ltmp0, $4  }
0x97: {  	[sflag:s25] =	ssyncadd.s32 $0xFFFFEC00  }
0x98: {  	_ =	swait.ge [sflag:s26], $0x1400  }
0x99: {  	[sflag:s26] =	ssyncset.done $0x0  }
0x9a: {  	s30 =	sadd.s32 $0xA, s30;
	s29 =	sadd.s32 $0x500, s29;
	[sflag:s26] =	ssyncadd.s32 $0xFFFFEC00  }
0x9b: {  	[bflag:$0x0] =	sbarrier.arrive $0xFFFF  }
0x9c: {  	[hbm:s8], [sflag:s6] =	dma.local [spmem:s14], $0x2700  }
0x9d: {  	s28 =	sadd.s32 $0x1, s28;
	_ =	swait.ge [sflag:s15], $0x2700  }
0x9e: {  	p1 =	sne.s32 s28, s10;
	[sflag:s15] =	ssyncset.done $0x0  }
.Ltmp1:
0x9f: {  	s29 =	simm.s32 @!p0 $0x5;
	[sflag:s15] =	ssyncadd.s32 $0xFFFFD900;
	(pc) =	sbr.rel @p1 .LBB2_1-.Ltmp1, $4  }
0xa0: {  	[hbm:s9], [sflag:s6] =	dma.local @!p0 [spmem:s16], $0x100  }
0xa1: {  	_ =	swait.ge @!p0 [sflag:s29], $0x100  }
0xa2: {  	[sflag:s29] =	ssyncset.done @!p0 $0x0  }
0xa3: {  	[sflag:s29] =	ssyncadd.s32 @!p0 $0xFFFFFF00  }
0xa4: {  	_ =	sfence.sel $0x180000  }
0xa5: {  	[bflag:$0x0] =	sbarrier.arrive $0xFFFF  }
0xa6: {  	p0 =	sne.s32 s1, $0x0;
	_ =	strace $0x9000004A  }
0xa7: {  	s0 =	sadd.s32 @!p0 $0x100000, s0;
	[bflag:$0x2] =	sbarrier.arrive $0xFFFF  }
0xa8: {  	[sflag:s0] =	ssyncadd.tile.s32 @!p0 $0x1;
	_ =	shalt  }
.Lfunc_end2:
_tile_overlayer_lowered:
.L_overlay_start_2:
0xa9: {  	(tag) =	ssettag $0x2  }
0xaa: {  	s0 =	rddreg [dreg:$0x0];
	s2 =	stileid.u32  }
0xab: {  	s1 =	rddreg [dreg:$0x1];
	p0 =	sne.s32 s2, $0x0  }
0xac: {  	s3 =	rddreg [dreg:$0x2];
	[bflag:$0x3] =	sbarrier.arrive $0xFFFF;
	s2 =	simm.s32 @!p0 $0x1C05  }
0xad: {  	[timem:s3], [sflag:s2] =	dma.local @!p0 [hbm:s0], s1  }
0xae: {  	s0 =	simm.s32 @!p0 $0x5  }
0xaf: {  	_ =	swait.ge @!p0 [sflag:s0], s1  }
0xb0: {  	s1 =	ssub.s32 @!p0 $0x0, s1;
	[sflag:s0] =	ssyncset.done @!p0 $0x0  }
0xb1: {  	[sflag:s0] =	ssyncadd.s32 @!p0 s1  }
0xb2: {  	[bflag:$0x3] =	sbarrier.arrive $0xFFFF  }
0xb3: {  	_ =	shalt  }

// kernel: kernel.24.cloned.1.call-start
scs
__scs_entry_jumppad:
0x0: {  	(pc) =	sbr.rel $0x88, $3  }
0x1: {  	(tag) =	ssettag $0x0;
	lr =	simm.s32 $0x1  }
0x2: {  	[smem:$0x3F93] =	sst lr;
	_ =	strace $0xD0000000  }
0x3: {  	_ = 	snop  }
0x4: {  	_ = 	snop  }
0x5: {  	_ = 	snop  }
0x6: {  	_ = 	snop  }
0x7: {  	_ = 	snop  }
__scs_overlays_trampoline_lowered:
0x8: {  	[smem:$0x3FA2] =	sst s0  }
0x9: {  	[smem:$0x3FA3] =	sst s1  }
0xa: {  	[smem:$0x3FA4] =	sst s2  }
0xb: {  	[smem:$0x3FA5] =	sst s3  }
0xc: {  	[smem:$0x3FA6] =	sst s4  }
0xd: {  	[smem:$0x3FA7] =	sst s5  }
0xe: {  	[smem:$0x3FA8] =	sst s6  }
0xf: {  	[smem:$0x3FA9] =	sst s7  }
0x10: {  	[smem:$0x3FAA] =	sst s8  }
0x11: {  	[smem:$0x3FAB] =	sst s9;
	s0 =	simm.s32 @!p0 $0x0  }
0x12: {  	s1 =	sld [smem:$0x3F91];
	s0 =	simm.s32 @p0 $0x1  }
0x13: {  	[smem:$0x3FAC] =	sst s0;
	s0 =	simm.s32 @!p1 $0x0  }
0x14: {  	s2 =	sld [smem:$0x3F90];
	s0 =	simm.s32 @p1 $0x1  }
0x15: {  	[smem:$0x3FAD] =	sst s0;
	s0 =	simm.s32 @!p2 $0x0  }
0x16: {  	s3 =	sld [smem:$0x3FDB];
	s0 =	simm.s32 @p2 $0x1  }
0x17: {  	s4 =	simm.s32 $0x1BF5;
	[smem:$0x3FAF] =	sst s0  }
0x18: {  	s0 =	sld [smem:$0x3F92];
	_ =	swait.ge [sflag:s4], $0x0  }
0x19: {  	s7 =	sld [smem:$0x3F93]  }
0x1a: {  	s8 =	sadd.s32 $0xFFFFE003, lr  }
0x1b: {  	s9 =	sadd.s32 $0xFFFFFEF7, lr;
	s5 =	simm.s32 $0xFFFFFFFF;
	p2 =	slt.u32 s8, $0xFFFFF086  }
0x1c: {  	p1 =	slt.u32 s9, $0xF7A;
	s5 =	simm.s32 @!p2 $0x0  }
0x1d: {  	s5 =	simm.s32 @p1 $0x1;
	p0 =	seq.s32 s7, s2  }
0x1e: {  	s7 =	smul.u32 @!p0 $0xF7A, s2;
	p2 =	seq.s32 @!p0 s5, $0x0  }
0x1f: {  	s9 =	smul.u32 $0xF7A, s1;
	s8 =	simm.s32 @!p0 $0x1BF5;
	p2 =	por !p2, p0  }
0x20: {  	[sflag:s8] =	ssyncset.s32 @!p0 $0xFFFFF086;
	s6 =	sadd.s32 @!p0 s3, s7;
	s7 =	simm.s32 @!p0 $0x108  }
0x21: {  	s3 =	sadd.s32 s3, s9;
	s6 =	sadd.s32 @!p0 $0x88, s6;
	s7 =	simm.s32 @p2 $0x1082  }
0x22: {  	[simem:s7], [sflag:s8] =	dma.local @!p0 [hbm:s6], $0xF7A  }
0x23: {  	s9 =	sor.u32 $0xD0000000, s2;
	s6 =	simm.s32 $0x108;
	_ =	swait.ge @!p0 [sflag:s8], $0x0  }
0x24: {  	s3 =	sadd.s32 $0x88, s3;
	s6 =	simm.s32 @!p1 $0x1082;
	[sflag:s4] =	ssyncset.s32 $0xFFFFF086  }
0x25: {  	[simem:s6], [sflag:s4] =	dma.local [hbm:s3], $0xF7A  }
0x26: {  	[smem:$0x3F93] =	sst s1;
	(tag) =	ssettag s2;
	_ =	strace s9  }
0x27: {  	s1 =	sld [smem:$0x3FA3]  }
0x28: {  	s2 =	sld [smem:$0x3FA4]  }
0x29: {  	s4 =	sld [smem:$0x3FA6]  }
0x2a: {  	p0 =	seq.s32 s5, $0x0;
	s5 =	sld [smem:$0x3FA7]  }
0x2b: {  	s6 =	sld [smem:$0x3FA8]  }
0x2c: {  	s7 =	sld [smem:$0x3FA9]  }
0x2d: {  	s3 =	simm.s32 $0x108;
	s8 =	sld [smem:$0x3FAA]  }
0x2e: {  	s3 =	simm.s32 @!p0 $0x1082;
	s9 =	sld [smem:$0x3FAB]  }
0x2f: {  	lr =	sadd.s32 s0, s3;
	s0 =	sld [smem:$0x3FA2]  }
0x30: {  	s3 =	sld [smem:$0x3FA5]  }
0x31: {  	[smem:$0x3FAE] =	sst s10  }
0x32: {  	s10 =	sld [smem:$0x3FAC];
	_ =	sdelay $0x3  }
0x33: {  	p0 =	seq.s32 s10, $0x1;
	s10 =	sld [smem:$0x3FAE];
	_ =	sdelay $0x3  }
0x34: {  	[smem:$0x3FAE] =	sst s10  }
0x35: {  	s10 =	sld [smem:$0x3FAD];
	_ =	sdelay $0x3  }
0x36: {  	p1 =	seq.s32 s10, $0x1;
	s10 =	sld [smem:$0x3FAE];
	_ =	sdelay $0x3  }
0x37: {  	[smem:$0x3FAE] =	sst s10  }
0x38: {  	s10 =	sld [smem:$0x3FAF]  }
0x39: {  	_ = 	snop;
	(pc) =	sbr.ind lr, $3  }
0x3a: {  	_ = 	snop  }
0x3b: {  	_ = 	snop  }
0x3c: {  	p2 =	seq.s32 s10, $0x1;
	s10 =	sld [smem:$0x3FAE]  }
0x3d: {  	_ =	shalt  }
0x3e: {  	_ =	shalt  }
0x3f: {  	_ =	shalt  }
0x40: {  	_ =	shalt  }
0x41: {  	_ =	shalt  }
0x42: {  	_ =	shalt  }
0x43: {  	_ =	shalt  }
0x44: {  	_ =	shalt  }
0x45: {  	_ =	shalt  }
0x46: {  	_ =	shalt  }
0x47: {  	_ =	shalt  }
0x48: {  	_ =	shalt  }
0x49: {  	_ =	shalt  }
0x4a: {  	_ =	shalt  }
0x4b: {  	_ =	shalt  }
0x4c: {  	_ =	shalt  }
0x4d: {  	_ =	shalt  }
0x4e: {  	_ =	shalt  }
0x4f: {  	_ =	shalt  }
0x50: {  	_ =	shalt  }
0x51: {  	_ =	shalt  }
0x52: {  	_ =	shalt  }
0x53: {  	_ =	shalt  }
0x54: {  	_ =	shalt  }
0x55: {  	_ =	shalt  }
0x56: {  	_ =	shalt  }
0x57: {  	_ =	shalt  }
0x58: {  	_ =	shalt  }
0x59: {  	_ =	shalt  }
0x5a: {  	_ =	shalt  }
0x5b: {  	_ =	shalt  }
0x5c: {  	_ =	shalt  }
0x5d: {  	_ =	shalt  }
0x5e: {  	_ =	shalt  }
0x5f: {  	_ =	shalt  }
0x60: {  	_ =	shalt  }
0x61: {  	_ =	shalt  }
0x62: {  	_ =	shalt  }
0x63: {  	_ =	shalt  }
0x64: {  	_ =	shalt  }
0x65: {  	_ =	shalt  }
0x66: {  	_ =	shalt  }
0x67: {  	_ =	shalt  }
0x68: {  	_ =	shalt  }
0x69: {  	_ =	shalt  }
0x6a: {  	_ =	shalt  }
0x6b: {  	_ =	shalt  }
0x6c: {  	_ =	shalt  }
0x6d: {  	_ =	shalt  }
0x6e: {  	_ =	shalt  }
0x6f: {  	_ =	shalt  }
0x70: {  	_ =	shalt  }
0x71: {  	_ =	shalt  }
0x72: {  	_ =	shalt  }
0x73: {  	_ =	shalt  }
0x74: {  	_ =	shalt  }
0x75: {  	_ =	shalt  }
0x76: {  	_ =	shalt  }
0x77: {  	_ =	shalt  }
0x78: {  	_ =	shalt  }
0x79: {  	_ =	shalt  }
0x7a: {  	_ =	shalt  }
0x7b: {  	_ =	shalt  }
0x7c: {  	_ =	shalt  }
0x7d: {  	_ =	shalt  }
0x7e: {  	_ =	shalt  }
0x7f: {  	_ =	shalt  }
0x80: {  	_ =	shalt  }
0x81: {  	_ =	shalt  }
0x82: {  	_ =	shalt  }
0x83: {  	_ =	shalt  }
0x84: {  	_ =	shalt  }
0x85: {  	_ =	shalt  }
0x86: {  	_ =	shalt  }
0x87: {  	_ =	shalt  }
.Lfunc_end0:
.L_simem_size_0:
called_computation.3_lowered:
.L_overlay_start_0:
0x88: {  	s2 =	sld [smem:$0x3FD9]  }
0x89: {  	s3 =	sld [smem:$0x3FFE];
	_ =	sdelay $0x1  }
0x8a: {  	s1 =	srdreg.scid  }
0x8b: {  	s0 =	sand.u32 $0x1, s1  }
0x8c: {  	s17 =	sshll.u32 s0, $0xA;
	s2 =	sadd.s32 s3, s2  }
0x8d: {  	s2 =	sadd.s32 s2, s17  }
0x8e: {  	[smem:$0x3FBA] =	sst s2  }
0x8f: {  	_ = 	snop  }
0x90: {  	s2 =	sld [smem:$0x3FD0];
	(tm) =	ssettm $0x1  }
0x91: {  	s18 =	sld [smem:$0x3FFB];
	_ =	sdelay $0x3  }
0x92: {  	_ =	strace s18  }
0x93: {  	s3 =	sld [smem:$0x3FFC];
	_ =	sdelay $0x3  }
0x94: {  	_ =	strace s3  }
0x95: {  	s3 =	sld [smem:$0x3FFD];
	_ =	sdelay $0x3  }
0x96: {  	_ =	strace s3  }
0x97: {  	_ =	strace $0x8FFFFFFF  }
0x98: {  	s19 =	sld [smem:$0x3FDB];
	_ =	sdelay $0x1  }
0x99: {  	s4 =	simm.s32 $_scs_section_size  }
0x9a: {  	s5 =	simm.s32 $_size__tile_overlayer_lowered;
	s6 =	simm.s32 $_tile_overlayer_lowered  }
0x9b: {  	s22 =	simm.s32 $0x1BFF;
	s21 =	sshll.u32 s6, $0x1;
	s3 =	sadd.s32 s4, s19  }
0x9c: {  	s7 =	simm.s32 $0x0;
	s20 =	sshll.u32 s5, $0x1;
	s5 =	sadd.s32 s21, s3  }
0x9d: {  	[timem:s7], [sflag:s22] =	dma.local [hbm:s5], s20  }
0x9e: {  	_ =	swait.ge [sflag:s22], s20  }
0x9f: {  	s4 =	ssub.s32 $0x0, s20;
	[sflag:s22] =	ssyncset.done $0x0  }
0xa0: {  	[sflag:s22] =	ssyncadd.s32 s4;
	_ =	sdelay $0x1  }
0xa1: {  	s23 =	simm.s32 $0x1B8B  }
0xa2: {  	_ =	swait.ge [sflag:s23], $0x1  }
0xa3: {  	[sflag:s23] =	ssyncset.done $0x0  }
0xa4: {  	s25 =	simm.s32 $0x1B8E;
	s24 =	sld [smem:$0x3FFE];
	[sflag:s23] =	ssyncadd.s32 $0xFFFFFFFF  }
0xa5: {  	s26 =	simm.s32 $execute0_lowered;
	[smem:$0x3FD2] =	sst s25  }
0xa6: {  	s5 =	sshll.u32 s26, $0x1;
	_ =	strace $0x8000004F;
	[dreg:$0x1] =	wrdreg $0xFFFFFFFF  }
0xa7: {  	s28 =	simm.s32 $_size_execute0_lowered;
	s3 =	sadd.s32 s3, s5;
	[dreg:$0x0] =	wrdreg $0x0  }
0xa8: {  	s5 =	sshll.u32 s28, $0x1;
	[dreg:$0x2] =	wrdreg s3  }
0xa9: {  	[dreg:$0x3] =	wrdreg s5  }
0xaa: {  	[dreg:$0x4] =	wrdreg $0xC0  }
0xab: {  	_ =	task [dreg:s7], $0x5FFFF  }
0xac: {  	[dreg:$0x1] =	wrdreg $0xFFFFFFFF  }
0xad: {  	[dreg:$0x0] =	wrdreg $0x60  }
0xae: {  	[dreg:$0x2] =	wrdreg s2  }
0xaf: {  	[dreg:$0x3] =	wrdreg s24  }
0xb0: {  	[dreg:$0x4] =	wrdreg $0xB7800  }
0xb1: {  	[dreg:$0x5] =	wrdreg $0x9  }
0xb2: {  	_ =	task.clear_ibuf [dreg:s7], $0x6FFFF;
	_ =	strace $0x9000004F  }
0xb3: {  	s29 =	simm.s32 $0x9;
	_ =	strace $0x80000051  }
0xb4: {  	_ =	swait.ge [sflag:s29], $0x1  }
0xb5: {  	[sflag:s29] =	ssyncadd.s32 $0xFFFFFFFF  }
0xb6: {  	_ =	strace $0x90000051  }
0xb7: {  	_ =	sfence  }
0xb8: {  	s30 =	sld [smem:$0x0];
	_ =	sdelay $0x2  }
0xb9: {  	s31 =	sshll.u32 s1, $0xD;
	s1 =	sshrl.u32 s1, $0x2  }
0xba: {  	s3 =	sand.u32 $0x4000, s31;
	s1 =	sadd.s32 s1, s30  }
0xbb: {  	s0 =	sor.u32 s3, s0;
	s1 =	sshll.u32 s1, $0x11  }
0xbc: {  	s0 =	sor.u32 s1, s0  }
0xbd: {  	s0 =	sadd.s32 $0x8F2B, s0  }
0xbe: {  	[sflag:s0] =	ssyncadd.remote.s32 $0x1  }
0xbf: {  	_ =	sfence.sel $0xFFFF  }
0xc0: {  	[dreg:$0x0] =	wrdreg $0xFFFFFFFF;
	(pc) =	sbr.abs _section_cstart, $3  }
0xc1: {  	[dreg:$0x1] =	wrdreg $0xFFFFFFFF  }
0xc2: {  	_ =	task.clear_ibuf [dreg:s7], $0x2FFFF;
	_ =	strace $0x9FFFFFFF  }
0xc3: {  	(tm) =	ssettm $0x7FFFFFFF  }
tec
execute0_lowered:
.L_overlay_start_1:
0x0: {  	(tag) =	ssettag $0x1  }
0x1: {  	s1 =	rddreg [dreg:$0x0]  }
0x2: {  	s2 =	srdreg.scid;
	s7 =	rddreg [dreg:$0x1]  }
0x3: {  	s0 =	stileid.u32;
	s3 =	rddreg [dreg:$0x2];
	s4 =	simm.s32 $0x0  }
0x4: {  	s18 =	simm.s32 $0x6780;
	s19 =	simm.s32 $0x8F80;
	s20 =	simm.s32 $0x2  }
0x5: {  	s21 =	simm.s32 $0x1;
	s22 =	simm.s32 $0x6580;
	s23 =	simm.s32 $0x0  }
0x6: {  	s8 =	sand.u32 $0x1, s2;
	s25 =	sshll.u32 s0, $0x1;
	s10 =	smul.u32 $0x2700, s0  }
0x7: {  	[smem:$0x7FF] =	sst s4;
	s9 =	smul.u32 $0x4E000, s0;
	s14 =	sadd.s32 $0x4EA00, s7  }
0x8: {  	s29 =	sshll.u32 s0, $0x6;
	s16 =	sadd.s32 $0x138000, s3;
	s30 =	smul.u32 $0x138800, s8  }
0x9: {  	p0 =	sne.s32 s0, $0xF;
	s5 =	sor.u32 s8, s25;
	s17 =	smul.u32 $0x27100, s8  }
0xa: {  	_ =	strace $0x80000050;
	s26 =	ssub.s32 $0x2, s8;
	s6 =	smul.u32 $0x4E2, s5  }
0xb: {  	s5 =	sshll.u32 s5, $0xB;
	s28 =	sadd.s32 s10, s7;
	s13 =	sshrl.u32 s26, $0x1  }
0xc: {  	s9 =	sshrl.u32 s9, $0x2;
	s12 =	sadd.s32 s5, s7;
	s13 =	ssub.s32 s26, s13  }
0xd: {  	s15 =	sadd.s32 s9, s3;
	s5 =	sadd.s32 $0x16A00, s28;
	s31 =	sshrl.u32 s30, $0x3  }
0xe: {  	s10 =	sadd.s32 s10, s17;
	s17 =	simm.s32 $0x50;
	s11 =	sadd.s32 s6, s7  }
0xf: {  	s6 =	sor.u32 $0x1C03, s29;
	s7 =	sadd.s32 $0x3DA00, s7;
	s9 =	sadd.s32 $0x3EA00, s12  }
0x10: {  	s10 =	sadd.s32 s14, s10;
	s12 =	smax.u32 s13, $0x1;
	s13 =	sshrl.u32 s15, $0x3  }
0x11: {  	s15 =	sshrl.u32 @!p0 s16, $0x3;
	s8 =	sadd.s32 $0xCC00, s11;
	s11 =	sadd.s32 s14, s31  }
0x12: {  	s16 =	simm.s32 $0x2780;
	s14 =	simm.s32 $0x3;
	s11 =	sadd.s32 $0x27000, s11  }
.LBB2_1:
0x13: {  	[spmem:s13], [sflag:s6] =	dma.local [hbm:s5], $0x2700  }
0x14: {  	_ =	swait.ge [sflag:s14], $0x2700  }
0x15: {  	[sflag:s14] =	ssyncset.done $0x0  }
0x16: {  	s24 =	simm.s32 @!p0 $0x3;
	[sflag:s14] =	ssyncadd.s32 $0xFFFFD900  }
0x17: {  	[spmem:s15], [sflag:s6] =	dma.local @!p0 [hbm:s7], $0x100  }
0x18: {  	_ =	swait.ge @!p0 [sflag:s24], $0x100  }
0x19: {  	[sflag:s24] =	ssyncset.done @!p0 $0x0  }
0x1a: {  	[sflag:s24] =	ssyncadd.s32 @!p0 $0xFFFFFF00  }
0x1b: {  	[tilespmem:s4], [sflag:$0x3] =	stream.linear.gather [hbm4b:s8+s4], $0x2710, $0x38;
	[tilespmem:$0x1F000] =	vst v63  }
0x1c: {  	_ =	swait.ge [sflag:s14], $0x2710  }
0x1d: {  	[sflag:s14] =	ssyncset.done $0x0  }
0x1e: {  	[sflag:s14] =	ssyncadd.s32 $0xFFFFD8F0  }
0x1f: {  	[tilespmem:s16], [sflag:$0x3] =	stream.linear.gather [hbm4b:s9+s4], $0x4000, $0x38;
	[tilespmem:$0x1F000] =	vst v63  }
0x20: {  	_ =	swait.ge [sflag:s14], $0x4000  }
0x21: {  	[sflag:s14] =	ssyncset.done $0x0  }
0x22: {  	[sflag:s14] =	ssyncadd.s32 $0xFFFFC000  }
0x23: {  	[bflag:$0x0] =	sbarrier.arrive $0xFFFF  }
0x24: {  	[tilespmem:s18], [sflag:$0x1] =	stream.indirect.gather [hbm4b:s1+s17], $0x80, s4, s17, $0xb8;
	[tilespmem:$0x1F000] =	vst v63  }
0x25: {  	_ = 	snop  }
0x26: {  	[tilespmem:s19], [sflag:$0x1] =	stream.indirect.gather [hbm4b:s1+s17], $0x80, s17, s17, $0xb8;
	[tilespmem:$0x1F000] =	vst v63  }
0x27: {  	s25 =	sand.u32 $0x1, s21;
	_ =	swait.ge [sflag:s21], $0x2800  }
0x28: {  	s26 =	sxor.u32 $0x1, s25;
	[sflag:s21] =	ssyncset.done $0x0  }
0x29: {  	s26 =	smul.u32 $0xA000, s26;
	[sflag:s21] =	ssyncadd.s32 $0xFFFFD800  }
0x2a: {  	[spmem:s3] =	stream.indirect.scatter.add.f32 [tilespmem:s18], [sflag:$0x2], $0x80, s16, s17, $0xb8;
	[tilespmem:$0x1F000] =	vst v63  }
0x2b: {  	s28 =	simm.s32 $0xA0;
	_ =	swait.ge [sflag:s20], $0x2800  }
0x2c: {  	s31 =	simm.s32 $0x2;
	s26 =	sshrl.u32 s26, $0x2;
	[sflag:s20] =	ssyncset.done $0x0  }
0x2d: {  	s25 =	smul.u32 $0xA000, s25;
	s26 =	sadd.s32 $0x6780, s26;
	[sflag:s20] =	ssyncadd.s32 $0xFFFFD800  }
0x2e: {  	[tilespmem:s26], [sflag:$0x1] =	stream.indirect.gather [hbm4b:s1+s17], $0x80, s28, s17, $0xb8;
	[tilespmem:$0x1F000] =	vst v63  }
0x2f: {  	s30 =	simm.s32 $0x3;
	s24 =	simm.s32 $0x2800;
	s28 =	sshrl.u32 s25, $0x2  }
0x30: {  	s25 =	simm.s32 $0xF0;
	s26 =	sand.u32 $0x1, s31;
	_ =	swait.ge [sflag:s21], $0x2800  }
0x31: {  	s29 =	sadd.s32 $0x6780, s28;
	s28 =	simm.s32 $0x2800;
	[sflag:s21] =	ssyncset.done $0x0  }
.LBB2_2:
0x32: {  	s31 =	sxor.u32 $0x1, s26  }
0x33: {  	s24 =	sadd.s32 $0x80, s24;
	s2 =	smov.u32 s30;
	s0 =	sadd.s32 $0x1, s30  }
0x34: {  	p1 =	sne.s32 s30, $0x7B;
	s30 =	smul.u32 $0xA000, s31;
	[sflag:s21] =	ssyncadd.s32 $0xFFFFD800  }
0x35: {  	[spmem:s3] =	stream.indirect.scatter.add.f32 [tilespmem:s29], [sflag:$0x2], $0x80, s28, s17, $0xb8;
	[tilespmem:$0x1F000] =	vst v63  }
0x36: {  	s28 =	smov.u32 s24;
	_ =	swait.ge [sflag:s20], $0x2800;
	s29 =	sshrl.u32 s30, $0x2  }
.Ltmp0:
0x37: {  	[sflag:s20] =	ssyncset.done $0x0;
	s29 =	sadd.s32 $0x6780, s29;
	(pc) =	sbr.rel @p1 .LBB2_2-.Ltmp0, $4  }
0x38: {  	s26 =	smul.u32 $0xA000, s26;
	s30 =	smov.u32 s0;
	[sflag:s20] =	ssyncadd.s32 $0xFFFFD800  }
0x39: {  	[tilespmem:s29], [sflag:$0x1] =	stream.indirect.gather [hbm4b:s1+s17], $0x80, s25, s17, $0xb8;
	[tilespmem:$0x1F000] =	vst v63  }
0x3a: {  	s29 =	sshrl.u32 s26, $0x2;
	s25 =	sadd.s32 $0x50, s25;
	_ =	swait.ge [sflag:s21], $0x2800  }
0x3b: {  	s26 =	sand.u32 $0x1, s2;
	s29 =	sadd.s32 $0x6780, s29;
	[sflag:s21] =	ssyncset.done $0x0  }
0x3c: {  	s0 =	sxor.u32 $0x1, s26  }
0x3d: {  	[sflag:s21] =	ssyncadd.s32 $0xFFFFD800;
	s0 =	smul.u32 $0xA000, s0  }
0x3e: {  	[spmem:s3] =	stream.indirect.scatter.add.f32 [tilespmem:s29], [sflag:$0x2], $0x80, s28, s17, $0xb8;
	[tilespmem:$0x1F000] =	vst v63  }
0x3f: {  	_ =	swait.ge [sflag:s20], $0x2800  }
0x40: {  	s0 =	sshrl.u32 s0, $0x2;
	[sflag:s20] =	ssyncset.done $0x0  }
0x41: {  	s2 =	smul.u32 $0xA000, s26;
	s0 =	sadd.s32 $0x6780, s0;
	[sflag:s20] =	ssyncadd.s32 $0xFFFFD800  }
0x42: {  	[tilespmem:s0], [sflag:$0x1] =	stream.indirect.gather [hbm4b:s1+s17], $0x80, s25, s17, $0xb8;
	[tilespmem:$0x1F000] =	vst v63  }
0x43: {  	_ =	swait.ge [sflag:s21], $0x2800  }
0x44: {  	s30 =	sshrl.u32 s2, $0x2;
	[sflag:s21] =	ssyncset.done $0x0  }
0x45: {  	s31 =	sadd.s32 $0x80, s24;
	s0 =	sadd.s32 $0x6780, s30;
	[sflag:s21] =	ssyncadd.s32 $0xFFFFD800  }
0x46: {  	[spmem:s3] =	stream.indirect.scatter.add.f32 [tilespmem:s0], [sflag:$0x2], $0x80, s31, s17, $0xb8;
	[tilespmem:$0x1F000] =	vst v63  }
0x47: {  	_ =	swait.ge [sflag:s20], $0x2800  }
0x48: {  	[sflag:s20] =	ssyncset.done $0x0  }
0x49: {  	[sflag:s20] =	ssyncadd.s32 $0xFFFFD800  }
0x4a: {  	_ =	swait.ge [sflag:s21], $0x2800  }
0x4b: {  	[sflag:s21] =	ssyncset.done $0x0  }
0x4c: {  	[sflag:s21] =	ssyncadd.s32 $0xFFFFD800  }
0x4d: {  	[spmem:s3] =	stream.indirect.scatter.add.f32 [tilespmem:s18], [sflag:$0x2], $0x80, s22, s17, $0xb8;
	[tilespmem:$0x1F000] =	vst v63  }
0x4e: {  	_ =	swait.ge [sflag:s20], $0x2800  }
0x4f: {  	[sflag:s20] =	ssyncset.done $0x0  }
0x50: {  	[sflag:s20] =	ssyncadd.s32 $0xFFFFD800  }
0x51: {  	[bflag:$0x0] =	sbarrier.arrive $0xFFFF  }
0x52: {  	[hbm:s10], [sflag:s6] =	dma.local [spmem:s13], $0x2700  }
0x53: {  	s23 =	sadd.s32 $0x1, s23;
	_ =	swait.ge [sflag:s14], $0x2700  }
0x54: {  	p1 =	sne.s32 s23, s12;
	[sflag:s14] =	ssyncset.done $0x0  }
.Ltmp1:
0x55: {  	s0 =	simm.s32 @!p0 $0x3;
	[sflag:s14] =	ssyncadd.s32 $0xFFFFD900;
	(pc) =	sbr.rel @p1 .LBB2_1-.Ltmp1, $4  }
0x56: {  	[hbm:s11], [sflag:s6] =	dma.local @!p0 [spmem:s15], $0x100  }
0x57: {  	_ =	swait.ge @!p0 [sflag:s0], $0x100  }
0x58: {  	[sflag:s0] =	ssyncset.done @!p0 $0x0  }
0x59: {  	[sflag:s0] =	ssyncadd.s32 @!p0 $0xFFFFFF00  }
0x5a: {  	_ =	sfence.sel $0x180000  }
0x5b: {  	[bflag:$0x0] =	sbarrier.arrive $0xFFFF  }
0x5c: {  	_ =	strace $0x90000050  }
0x5d: {  	s0 =	stileid.u32;
	[bflag:$0x2] =	sbarrier.arrive $0xFFFF  }
0x5e: {  	p0 =	sne.s32 s0, $0x0;
	s0 =	rddreg [dreg:$0x3]  }
0x5f: {  	s0 =	sadd.s32 @!p0 $0x100000, s0  }
0x60: {  	[sflag:s0] =	ssyncadd.tile.s32 @!p0 $0x1;
	_ =	shalt  }
.Lfunc_end2:
_tile_overlayer_lowered:
.L_overlay_start_2:
0x61: {  	(tag) =	ssettag $0x2  }
0x62: {  	s0 =	rddreg [dreg:$0x0];
	s2 =	stileid.u32  }
0x63: {  	s1 =	rddreg [dreg:$0x1];
	p0 =	sne.s32 s2, $0x0  }
0x64: {  	s3 =	rddreg [dreg:$0x2];
	[bflag:$0x3] =	sbarrier.arrive $0xFFFF;
	s2 =	simm.s32 @!p0 $0x1C03  }
0x65: {  	[timem:s3], [sflag:s2] =	dma.local @!p0 [hbm:s0], s1  }
0x66: {  	s0 =	simm.s32 @!p0 $0x3  }
0x67: {  	_ =	swait.ge @!p0 [sflag:s0], s1  }
0x68: {  	s1 =	ssub.s32 @!p0 $0x0, s1;
	[sflag:s0] =	ssyncset.done @!p0 $0x0  }
0x69: {  	[sflag:s0] =	ssyncadd.s32 @!p0 s1  }
0x6a: {  	[bflag:$0x3] =	sbarrier.arrive $0xFFFF  }
0x6b: {  	_ =	shalt  }

// kernel: kernel.27.cloned.1.call-start
scs
__scs_entry_jumppad:
0x0: {  	(pc) =	sbr.rel $0x88, $3  }
0x1: {  	(tag) =	ssettag $0x0;
	lr =	simm.s32 $0x1  }
0x2: {  	[smem:$0x3F93] =	sst lr;
	_ =	strace $0xD0000000  }
0x3: {  	_ = 	snop  }
0x4: {  	_ = 	snop  }
0x5: {  	_ = 	snop  }
0x6: {  	_ = 	snop  }
0x7: {  	_ = 	snop  }
__scs_overlays_trampoline_lowered:
0x8: {  	[smem:$0x3FA2] =	sst s0  }
0x9: {  	[smem:$0x3FA3] =	sst s1  }
0xa: {  	[smem:$0x3FA4] =	sst s2  }
0xb: {  	[smem:$0x3FA5] =	sst s3  }
0xc: {  	[smem:$0x3FA6] =	sst s4  }
0xd: {  	[smem:$0x3FA7] =	sst s5  }
0xe: {  	[smem:$0x3FA8] =	sst s6  }
0xf: {  	[smem:$0x3FA9] =	sst s7  }
0x10: {  	[smem:$0x3FAA] =	sst s8  }
0x11: {  	[smem:$0x3FAB] =	sst s9;
	s0 =	simm.s32 @!p0 $0x0  }
0x12: {  	s1 =	sld [smem:$0x3F91];
	s0 =	simm.s32 @p0 $0x1  }
0x13: {  	[smem:$0x3FAC] =	sst s0;
	s0 =	simm.s32 @!p1 $0x0  }
0x14: {  	s2 =	sld [smem:$0x3F90];
	s0 =	simm.s32 @p1 $0x1  }
0x15: {  	[smem:$0x3FAD] =	sst s0;
	s0 =	simm.s32 @!p2 $0x0  }
0x16: {  	s3 =	sld [smem:$0x3FDB];
	s0 =	simm.s32 @p2 $0x1  }
0x17: {  	s4 =	simm.s32 $0x1BF5;
	[smem:$0x3FAF] =	sst s0  }
0x18: {  	s0 =	sld [smem:$0x3F92];
	_ =	swait.ge [sflag:s4], $0x0  }
0x19: {  	s7 =	sld [smem:$0x3F93]  }
0x1a: {  	s8 =	sadd.s32 $0xFFFFE003, lr  }
0x1b: {  	s9 =	sadd.s32 $0xFFFFFEF7, lr;
	s5 =	simm.s32 $0xFFFFFFFF;
	p2 =	slt.u32 s8, $0xFFFFF086  }
0x1c: {  	p1 =	slt.u32 s9, $0xF7A;
	s5 =	simm.s32 @!p2 $0x0  }
0x1d: {  	s5 =	simm.s32 @p1 $0x1;
	p0 =	seq.s32 s7, s2  }
0x1e: {  	s7 =	smul.u32 @!p0 $0xF7A, s2;
	p2 =	seq.s32 @!p0 s5, $0x0  }
0x1f: {  	s9 =	smul.u32 $0xF7A, s1;
	s8 =	simm.s32 @!p0 $0x1BF5;
	p2 =	por !p2, p0  }
0x20: {  	[sflag:s8] =	ssyncset.s32 @!p0 $0xFFFFF086;
	s6 =	sadd.s32 @!p0 s3, s7;
	s7 =	simm.s32 @!p0 $0x108  }
0x21: {  	s3 =	sadd.s32 s3, s9;
	s6 =	sadd.s32 @!p0 $0x88, s6;
	s7 =	simm.s32 @p2 $0x1082  }
0x22: {  	[simem:s7], [sflag:s8] =	dma.local @!p0 [hbm:s6], $0xF7A  }
0x23: {  	s9 =	sor.u32 $0xD0000000, s2;
	s6 =	simm.s32 $0x108;
	_ =	swait.ge @!p0 [sflag:s8], $0x0  }
0x24: {  	s3 =	sadd.s32 $0x88, s3;
	s6 =	simm.s32 @!p1 $0x1082;
	[sflag:s4] =	ssyncset.s32 $0xFFFFF086  }
0x25: {  	[simem:s6], [sflag:s4] =	dma.local [hbm:s3], $0xF7A  }
0x26: {  	[smem:$0x3F93] =	sst s1;
	(tag) =	ssettag s2;
	_ =	strace s9  }
0x27: {  	s1 =	sld [smem:$0x3FA3]  }
0x28: {  	s2 =	sld [smem:$0x3FA4]  }
0x29: {  	s4 =	sld [smem:$0x3FA6]  }
0x2a: {  	p0 =	seq.s32 s5, $0x0;
	s5 =	sld [smem:$0x3FA7]  }
0x2b: {  	s6 =	sld [smem:$0x3FA8]  }
0x2c: {  	s7 =	sld [smem:$0x3FA9]  }
0x2d: {  	s3 =	simm.s32 $0x108;
	s8 =	sld [smem:$0x3FAA]  }
0x2e: {  	s3 =	simm.s32 @!p0 $0x1082;
	s9 =	sld [smem:$0x3FAB]  }
0x2f: {  	lr =	sadd.s32 s0, s3;
	s0 =	sld [smem:$0x3FA2]  }
0x30: {  	s3 =	sld [smem:$0x3FA5]  }
0x31: {  	[smem:$0x3FAE] =	sst s10  }
0x32: {  	s10 =	sld [smem:$0x3FAC];
	_ =	sdelay $0x3  }
0x33: {  	p0 =	seq.s32 s10, $0x1;
	s10 =	sld [smem:$0x3FAE];
	_ =	sdelay $0x3  }
0x34: {  	[smem:$0x3FAE] =	sst s10  }
0x35: {  	s10 =	sld [smem:$0x3FAD];
	_ =	sdelay $0x3  }
0x36: {  	p1 =	seq.s32 s10, $0x1;
	s10 =	sld [smem:$0x3FAE];
	_ =	sdelay $0x3  }
0x37: {  	[smem:$0x3FAE] =	sst s10  }
0x38: {  	s10 =	sld [smem:$0x3FAF]  }
0x39: {  	_ = 	snop;
	(pc) =	sbr.ind lr, $3  }
0x3a: {  	_ = 	snop  }
0x3b: {  	_ = 	snop  }
0x3c: {  	p2 =	seq.s32 s10, $0x1;
	s10 =	sld [smem:$0x3FAE]  }
0x3d: {  	_ =	shalt  }
0x3e: {  	_ =	shalt  }
0x3f: {  	_ =	shalt  }
0x40: {  	_ =	shalt  }
0x41: {  	_ =	shalt  }
0x42: {  	_ =	shalt  }
0x43: {  	_ =	shalt  }
0x44: {  	_ =	shalt  }
0x45: {  	_ =	shalt  }
0x46: {  	_ =	shalt  }
0x47: {  	_ =	shalt  }
0x48: {  	_ =	shalt  }
0x49: {  	_ =	shalt  }
0x4a: {  	_ =	shalt  }
0x4b: {  	_ =	shalt  }
0x4c: {  	_ =	shalt  }
0x4d: {  	_ =	shalt  }
0x4e: {  	_ =	shalt  }
0x4f: {  	_ =	shalt  }
0x50: {  	_ =	shalt  }
0x51: {  	_ =	shalt  }
0x52: {  	_ =	shalt  }
0x53: {  	_ =	shalt  }
0x54: {  	_ =	shalt  }
0x55: {  	_ =	shalt  }
0x56: {  	_ =	shalt  }
0x57: {  	_ =	shalt  }
0x58: {  	_ =	shalt  }
0x59: {  	_ =	shalt  }
0x5a: {  	_ =	shalt  }
0x5b: {  	_ =	shalt  }
0x5c: {  	_ =	shalt  }
0x5d: {  	_ =	shalt  }
0x5e: {  	_ =	shalt  }
0x5f: {  	_ =	shalt  }
0x60: {  	_ =	shalt  }
0x61: {  	_ =	shalt  }
0x62: {  	_ =	shalt  }
0x63: {  	_ =	shalt  }
0x64: {  	_ =	shalt  }
0x65: {  	_ =	shalt  }
0x66: {  	_ =	shalt  }
0x67: {  	_ =	shalt  }
0x68: {  	_ =	shalt  }
0x69: {  	_ =	shalt  }
0x6a: {  	_ =	shalt  }
0x6b: {  	_ =	shalt  }
0x6c: {  	_ =	shalt  }
0x6d: {  	_ =	shalt  }
0x6e: {  	_ =	shalt  }
0x6f: {  	_ =	shalt  }
0x70: {  	_ =	shalt  }
0x71: {  	_ =	shalt  }
0x72: {  	_ =	shalt  }
0x73: {  	_ =	shalt  }
0x74: {  	_ =	shalt  }
0x75: {  	_ =	shalt  }
0x76: {  	_ =	shalt  }
0x77: {  	_ =	shalt  }
0x78: {  	_ =	shalt  }
0x79: {  	_ =	shalt  }
0x7a: {  	_ =	shalt  }
0x7b: {  	_ =	shalt  }
0x7c: {  	_ =	shalt  }
0x7d: {  	_ =	shalt  }
0x7e: {  	_ =	shalt  }
0x7f: {  	_ =	shalt  }
0x80: {  	_ =	shalt  }
0x81: {  	_ =	shalt  }
0x82: {  	_ =	shalt  }
0x83: {  	_ =	shalt  }
0x84: {  	_ =	shalt  }
0x85: {  	_ =	shalt  }
0x86: {  	_ =	shalt  }
0x87: {  	_ =	shalt  }
.Lfunc_end0:
.L_simem_size_0:
called_computation.4_lowered:
.L_overlay_start_0:
0x88: {  	s2 =	sld [smem:$0x3FD9]  }
0x89: {  	s3 =	sld [smem:$0x3FFE];
	_ =	sdelay $0x1  }
0x8a: {  	s1 =	srdreg.scid  }
0x8b: {  	s0 =	sand.u32 $0x1, s1  }
0x8c: {  	s17 =	sshll.u32 s0, $0xA;
	s2 =	sadd.s32 s3, s2  }
0x8d: {  	s2 =	sadd.s32 s2, s17  }
0x8e: {  	[smem:$0x3FBA] =	sst s2  }
0x8f: {  	_ = 	snop  }
0x90: {  	s2 =	sld [smem:$0x3FD0];
	(tm) =	ssettm $0x1  }
0x91: {  	s18 =	sld [smem:$0x3FFB];
	_ =	sdelay $0x3  }
0x92: {  	_ =	strace s18  }
0x93: {  	s3 =	sld [smem:$0x3FFC];
	_ =	sdelay $0x3  }
0x94: {  	_ =	strace s3  }
0x95: {  	s3 =	sld [smem:$0x3FFD];
	_ =	sdelay $0x3  }
0x96: {  	_ =	strace s3  }
0x97: {  	_ =	strace $0x8FFFFFFF  }
0x98: {  	s19 =	sld [smem:$0x3FDB];
	_ =	sdelay $0x1  }
0x99: {  	s4 =	simm.s32 $_scs_section_size  }
0x9a: {  	s5 =	simm.s32 $_size__tile_overlayer_lowered;
	s6 =	simm.s32 $_tile_overlayer_lowered  }
0x9b: {  	s22 =	simm.s32 $0x1BFF;
	s21 =	sshll.u32 s6, $0x1;
	s3 =	sadd.s32 s4, s19  }
0x9c: {  	s7 =	simm.s32 $0x0;
	s20 =	sshll.u32 s5, $0x1;
	s5 =	sadd.s32 s21, s3  }
0x9d: {  	[timem:s7], [sflag:s22] =	dma.local [hbm:s5], s20  }
0x9e: {  	_ =	swait.ge [sflag:s22], s20  }
0x9f: {  	s4 =	ssub.s32 $0x0, s20;
	[sflag:s22] =	ssyncset.done $0x0  }
0xa0: {  	[sflag:s22] =	ssyncadd.s32 s4;
	_ =	sdelay $0x1  }
0xa1: {  	s23 =	simm.s32 $0x1B8B  }
0xa2: {  	_ =	swait.ge [sflag:s23], $0x1  }
0xa3: {  	[sflag:s23] =	ssyncset.done $0x0  }
0xa4: {  	s25 =	simm.s32 $0x1B8E;
	s24 =	sld [smem:$0x3FFE];
	[sflag:s23] =	ssyncadd.s32 $0xFFFFFFFF  }
0xa5: {  	s26 =	simm.s32 $execute0_lowered;
	[smem:$0x3FD2] =	sst s25  }
0xa6: {  	s5 =	sshll.u32 s26, $0x1;
	_ =	strace $0x80000052;
	[dreg:$0x1] =	wrdreg $0xFFFFFFFF  }
0xa7: {  	s28 =	simm.s32 $_size_execute0_lowered;
	s3 =	sadd.s32 s3, s5;
	[dreg:$0x0] =	wrdreg $0x0  }
0xa8: {  	s5 =	sshll.u32 s28, $0x1;
	[dreg:$0x2] =	wrdreg s3  }
0xa9: {  	[dreg:$0x3] =	wrdreg s5  }
0xaa: {  	[dreg:$0x4] =	wrdreg $0xC0  }
0xab: {  	_ =	task [dreg:s7], $0x5FFFF  }
0xac: {  	[dreg:$0x1] =	wrdreg $0xFFFFFFFF  }
0xad: {  	[dreg:$0x0] =	wrdreg $0x60  }
0xae: {  	[dreg:$0x2] =	wrdreg s2  }
0xaf: {  	[dreg:$0x3] =	wrdreg s24  }
0xb0: {  	[dreg:$0x4] =	wrdreg $0xB7800  }
0xb1: {  	[dreg:$0x5] =	wrdreg $0x9  }
0xb2: {  	_ =	task.clear_ibuf [dreg:s7], $0x6FFFF;
	_ =	strace $0x90000052  }
0xb3: {  	s29 =	simm.s32 $0x9;
	_ =	strace $0x80000054  }
0xb4: {  	_ =	swait.ge [sflag:s29], $0x1  }
0xb5: {  	[sflag:s29] =	ssyncadd.s32 $0xFFFFFFFF  }
0xb6: {  	_ =	strace $0x90000054  }
0xb7: {  	_ =	sfence  }
0xb8: {  	s30 =	sld [smem:$0x0];
	_ =	sdelay $0x2  }
0xb9: {  	s31 =	sshll.u32 s1, $0xD;
	s1 =	sshrl.u32 s1, $0x2  }
0xba: {  	s3 =	sand.u32 $0x4000, s31;
	s1 =	sadd.s32 s1, s30  }
0xbb: {  	s0 =	sor.u32 s3, s0;
	s1 =	sshll.u32 s1, $0x11  }
0xbc: {  	s0 =	sor.u32 s1, s0  }
0xbd: {  	s0 =	sadd.s32 $0x8F2B, s0  }
0xbe: {  	[sflag:s0] =	ssyncadd.remote.s32 $0x1  }
0xbf: {  	_ =	sfence.sel $0xFFFF  }
0xc0: {  	[dreg:$0x0] =	wrdreg $0xFFFFFFFF;
	(pc) =	sbr.abs _section_cstart, $3  }
0xc1: {  	[dreg:$0x1] =	wrdreg $0xFFFFFFFF  }
0xc2: {  	_ =	task.clear_ibuf [dreg:s7], $0x2FFFF;
	_ =	strace $0x9FFFFFFF  }
0xc3: {  	(tm) =	ssettm $0x7FFFFFFF  }
tec
execute0_lowered:
.L_overlay_start_1:
0x0: {  	(tag) =	ssettag $0x1  }
0x1: {  	s1 =	rddreg [dreg:$0x0]  }
0x2: {  	s2 =	srdreg.scid;
	s7 =	rddreg [dreg:$0x1]  }
0x3: {  	s0 =	stileid.u32;
	s3 =	rddreg [dreg:$0x2];
	s4 =	simm.s32 $0x0  }
0x4: {  	s18 =	simm.s32 $0x6780;
	s19 =	simm.s32 $0x8F80;
	s20 =	simm.s32 $0x2  }
0x5: {  	s21 =	simm.s32 $0x1;
	s22 =	simm.s32 $0x6580;
	s23 =	simm.s32 $0x0  }
0x6: {  	s8 =	sand.u32 $0x1, s2;
	s25 =	sshll.u32 s0, $0x1;
	s10 =	smul.u32 $0x2700, s0  }
0x7: {  	[smem:$0x7FF] =	sst s4;
	s9 =	smul.u32 $0x4E000, s0;
	s14 =	sadd.s32 $0x4EA00, s7  }
0x8: {  	s29 =	sshll.u32 s0, $0x6;
	s16 =	sadd.s32 $0x138000, s3;
	s30 =	smul.u32 $0x138800, s8  }
0x9: {  	p0 =	sne.s32 s0, $0xF;
	s5 =	sor.u32 s8, s25;
	s17 =	smul.u32 $0x27100, s8  }
0xa: {  	_ =	strace $0x80000053;
	s26 =	ssub.s32 $0x2, s8;
	s6 =	smul.u32 $0x4E2, s5  }
0xb: {  	s5 =	sshll.u32 s5, $0xB;
	s28 =	sadd.s32 s10, s7;
	s13 =	sshrl.u32 s26, $0x1  }
0xc: {  	s9 =	sshrl.u32 s9, $0x2;
	s12 =	sadd.s32 s5, s7;
	s13 =	ssub.s32 s26, s13  }
0xd: {  	s15 =	sadd.s32 s9, s3;
	s5 =	sadd.s32 $0x16A00, s28;
	s31 =	sshrl.u32 s30, $0x3  }
0xe: {  	s10 =	sadd.s32 s10, s17;
	s17 =	simm.s32 $0x50;
	s11 =	sadd.s32 s6, s7  }
0xf: {  	s6 =	sor.u32 $0x1C03, s29;
	s7 =	sadd.s32 $0x3DA00, s7;
	s9 =	sadd.s32 $0x3EA00, s12  }
0x10: {  	s10 =	sadd.s32 s14, s10;
	s12 =	smax.u32 s13, $0x1;
	s13 =	sshrl.u32 s15, $0x3  }
0x11: {  	s15 =	sshrl.u32 @!p0 s16, $0x3;
	s8 =	sadd.s32 $0xCC00, s11;
	s11 =	sadd.s32 s14, s31  }
0x12: {  	s16 =	simm.s32 $0x2780;
	s14 =	simm.s32 $0x3;
	s11 =	sadd.s32 $0x27000, s11  }
.LBB2_1:
0x13: {  	[spmem:s13], [sflag:s6] =	dma.local [hbm:s5], $0x2700  }
0x14: {  	_ =	swait.ge [sflag:s14], $0x2700  }
0x15: {  	[sflag:s14] =	ssyncset.done $0x0  }
0x16: {  	s24 =	simm.s32 @!p0 $0x3;
	[sflag:s14] =	ssyncadd.s32 $0xFFFFD900  }
0x17: {  	[spmem:s15], [sflag:s6] =	dma.local @!p0 [hbm:s7], $0x100  }
0x18: {  	_ =	swait.ge @!p0 [sflag:s24], $0x100  }
0x19: {  	[sflag:s24] =	ssyncset.done @!p0 $0x0  }
0x1a: {  	[sflag:s24] =	ssyncadd.s32 @!p0 $0xFFFFFF00  }
0x1b: {  	[tilespmem:s4], [sflag:$0x3] =	stream.linear.gather [hbm4b:s8+s4], $0x2710, $0x38;
	[tilespmem:$0x1F000] =	vst v63  }
0x1c: {  	_ =	swait.ge [sflag:s14], $0x2710  }
0x1d: {  	[sflag:s14] =	ssyncset.done $0x0  }
0x1e: {  	[sflag:s14] =	ssyncadd.s32 $0xFFFFD8F0  }
0x1f: {  	[tilespmem:s16], [sflag:$0x3] =	stream.linear.gather [hbm4b:s9+s4], $0x4000, $0x38;
	[tilespmem:$0x1F000] =	vst v63  }
0x20: {  	_ =	swait.ge [sflag:s14], $0x4000  }
0x21: {  	[sflag:s14] =	ssyncset.done $0x0  }
0x22: {  	[sflag:s14] =	ssyncadd.s32 $0xFFFFC000  }
0x23: {  	[bflag:$0x0] =	sbarrier.arrive $0xFFFF  }
0x24: {  	[tilespmem:s18], [sflag:$0x1] =	stream.indirect.gather [hbm4b:s1+s17], $0x80, s4, s17, $0xb8;
	[tilespmem:$0x1F000] =	vst v63  }
0x25: {  	_ = 	snop  }
0x26: {  	[tilespmem:s19], [sflag:$0x1] =	stream.indirect.gather [hbm4b:s1+s17], $0x80, s17, s17, $0xb8;
	[tilespmem:$0x1F000] =	vst v63  }
0x27: {  	s25 =	sand.u32 $0x1, s21;
	_ =	swait.ge [sflag:s21], $0x2800  }
0x28: {  	s26 =	sxor.u32 $0x1, s25;
	[sflag:s21] =	ssyncset.done $0x0  }
0x29: {  	s26 =	smul.u32 $0xA000, s26;
	[sflag:s21] =	ssyncadd.s32 $0xFFFFD800  }
0x2a: {  	[spmem:s3] =	stream.indirect.scatter.add.f32 [tilespmem:s18], [sflag:$0x2], $0x80, s16, s17, $0xb8;
	[tilespmem:$0x1F000] =	vst v63  }
0x2b: {  	s28 =	simm.s32 $0xA0;
	_ =	swait.ge [sflag:s20], $0x2800  }
0x2c: {  	s31 =	simm.s32 $0x2;
	s26 =	sshrl.u32 s26, $0x2;
	[sflag:s20] =	ssyncset.done $0x0  }
0x2d: {  	s25 =	smul.u32 $0xA000, s25;
	s26 =	sadd.s32 $0x6780, s26;
	[sflag:s20] =	ssyncadd.s32 $0xFFFFD800  }
0x2e: {  	[tilespmem:s26], [sflag:$0x1] =	stream.indirect.gather [hbm4b:s1+s17], $0x80, s28, s17, $0xb8;
	[tilespmem:$0x1F000] =	vst v63  }
0x2f: {  	s30 =	simm.s32 $0x3;
	s24 =	simm.s32 $0x2800;
	s28 =	sshrl.u32 s25, $0x2  }
0x30: {  	s25 =	simm.s32 $0xF0;
	s26 =	sand.u32 $0x1, s31;
	_ =	swait.ge [sflag:s21], $0x2800  }
0x31: {  	s29 =	sadd.s32 $0x6780, s28;
	s28 =	simm.s32 $0x2800;
	[sflag:s21] =	ssyncset.done $0x0  }
.LBB2_2:
0x32: {  	s31 =	sxor.u32 $0x1, s26  }
0x33: {  	s24 =	sadd.s32 $0x80, s24;
	s2 =	smov.u32 s30;
	s0 =	sadd.s32 $0x1, s30  }
0x34: {  	p1 =	sne.s32 s30, $0x7B;
	s30 =	smul.u32 $0xA000, s31;
	[sflag:s21] =	ssyncadd.s32 $0xFFFFD800  }
0x35: {  	[spmem:s3] =	stream.indirect.scatter.add.f32 [tilespmem:s29], [sflag:$0x2], $0x80, s28, s17, $0xb8;
	[tilespmem:$0x1F000] =	vst v63  }
0x36: {  	s28 =	smov.u32 s24;
	_ =	swait.ge [sflag:s20], $0x2800;
	s29 =	sshrl.u32 s30, $0x2  }
.Ltmp0:
0x37: {  	[sflag:s20] =	ssyncset.done $0x0;
	s29 =	sadd.s32 $0x6780, s29;
	(pc) =	sbr.rel @p1 .LBB2_2-.Ltmp0, $4  }
0x38: {  	s26 =	smul.u32 $0xA000, s26;
	s30 =	smov.u32 s0;
	[sflag:s20] =	ssyncadd.s32 $0xFFFFD800  }
0x39: {  	[tilespmem:s29], [sflag:$0x1] =	stream.indirect.gather [hbm4b:s1+s17], $0x80, s25, s17, $0xb8;
	[tilespmem:$0x1F000] =	vst v63  }
0x3a: {  	s29 =	sshrl.u32 s26, $0x2;
	s25 =	sadd.s32 $0x50, s25;
	_ =	swait.ge [sflag:s21], $0x2800  }
0x3b: {  	s26 =	sand.u32 $0x1, s2;
	s29 =	sadd.s32 $0x6780, s29;
	[sflag:s21] =	ssyncset.done $0x0  }
0x3c: {  	s0 =	sxor.u32 $0x1, s26  }
0x3d: {  	[sflag:s21] =	ssyncadd.s32 $0xFFFFD800;
	s0 =	smul.u32 $0xA000, s0  }
0x3e: {  	[spmem:s3] =	stream.indirect.scatter.add.f32 [tilespmem:s29], [sflag:$0x2], $0x80, s28, s17, $0xb8;
	[tilespmem:$0x1F000] =	vst v63  }
0x3f: {  	_ =	swait.ge [sflag:s20], $0x2800  }
0x40: {  	s0 =	sshrl.u32 s0, $0x2;
	[sflag:s20] =	ssyncset.done $0x0  }
0x41: {  	s2 =	smul.u32 $0xA000, s26;
	s0 =	sadd.s32 $0x6780, s0;
	[sflag:s20] =	ssyncadd.s32 $0xFFFFD800  }
0x42: {  	[tilespmem:s0], [sflag:$0x1] =	stream.indirect.gather [hbm4b:s1+s17], $0x80, s25, s17, $0xb8;
	[tilespmem:$0x1F000] =	vst v63  }
0x43: {  	_ =	swait.ge [sflag:s21], $0x2800  }
0x44: {  	s30 =	sshrl.u32 s2, $0x2;
	[sflag:s21] =	ssyncset.done $0x0  }
0x45: {  	s31 =	sadd.s32 $0x80, s24;
	s0 =	sadd.s32 $0x6780, s30;
	[sflag:s21] =	ssyncadd.s32 $0xFFFFD800  }
0x46: {  	[spmem:s3] =	stream.indirect.scatter.add.f32 [tilespmem:s0], [sflag:$0x2], $0x80, s31, s17, $0xb8;
	[tilespmem:$0x1F000] =	vst v63  }
0x47: {  	_ =	swait.ge [sflag:s20], $0x2800  }
0x48: {  	[sflag:s20] =	ssyncset.done $0x0  }
0x49: {  	[sflag:s20] =	ssyncadd.s32 $0xFFFFD800  }
0x4a: {  	_ =	swait.ge [sflag:s21], $0x2800  }
0x4b: {  	[sflag:s21] =	ssyncset.done $0x0  }
0x4c: {  	[sflag:s21] =	ssyncadd.s32 $0xFFFFD800  }
0x4d: {  	[spmem:s3] =	stream.indirect.scatter.add.f32 [tilespmem:s18], [sflag:$0x2], $0x80, s22, s17, $0xb8;
	[tilespmem:$0x1F000] =	vst v63  }
0x4e: {  	_ =	swait.ge [sflag:s20], $0x2800  }
0x4f: {  	[sflag:s20] =	ssyncset.done $0x0  }
0x50: {  	[sflag:s20] =	ssyncadd.s32 $0xFFFFD800  }
0x51: {  	[bflag:$0x0] =	sbarrier.arrive $0xFFFF  }
0x52: {  	[hbm:s10], [sflag:s6] =	dma.local [spmem:s13], $0x2700  }
0x53: {  	s23 =	sadd.s32 $0x1, s23;
	_ =	swait.ge [sflag:s14], $0x2700  }
0x54: {  	p1 =	sne.s32 s23, s12;
	[sflag:s14] =	ssyncset.done $0x0  }
.Ltmp1:
0x55: {  	s0 =	simm.s32 @!p0 $0x3;
	[sflag:s14] =	ssyncadd.s32 $0xFFFFD900;
	(pc) =	sbr.rel @p1 .LBB2_1-.Ltmp1, $4  }
0x56: {  	[hbm:s11], [sflag:s6] =	dma.local @!p0 [spmem:s15], $0x100  }
0x57: {  	_ =	swait.ge @!p0 [sflag:s0], $0x100  }
0x58: {  	[sflag:s0] =	ssyncset.done @!p0 $0x0  }
0x59: {  	[sflag:s0] =	ssyncadd.s32 @!p0 $0xFFFFFF00  }
0x5a: {  	_ =	sfence.sel $0x180000  }
0x5b: {  	[bflag:$0x0] =	sbarrier.arrive $0xFFFF  }
0x5c: {  	_ =	strace $0x90000053  }
0x5d: {  	s0 =	stileid.u32;
	[bflag:$0x2] =	sbarrier.arrive $0xFFFF  }
0x5e: {  	p0 =	sne.s32 s0, $0x0;
	s0 =	rddreg [dreg:$0x3]  }
0x5f: {  	s0 =	sadd.s32 @!p0 $0x100000, s0  }
0x60: {  	[sflag:s0] =	ssyncadd.tile.s32 @!p0 $0x1;
	_ =	shalt  }
.Lfunc_end2:
_tile_overlayer_lowered:
.L_overlay_start_2:
0x61: {  	(tag) =	ssettag $0x2  }
0x62: {  	s0 =	rddreg [dreg:$0x0];
	s2 =	stileid.u32  }
0x63: {  	s1 =	rddreg [dreg:$0x1];
	p0 =	sne.s32 s2, $0x0  }
0x64: {  	s3 =	rddreg [dreg:$0x2];
	[bflag:$0x3] =	sbarrier.arrive $0xFFFF;
	s2 =	simm.s32 @!p0 $0x1C03  }
0x65: {  	[timem:s3], [sflag:s2] =	dma.local @!p0 [hbm:s0], s1  }
0x66: {  	s0 =	simm.s32 @!p0 $0x3  }
0x67: {  	_ =	swait.ge @!p0 [sflag:s0], s1  }
0x68: {  	s1 =	ssub.s32 @!p0 $0x0, s1;
	[sflag:s0] =	ssyncset.done @!p0 $0x0  }
0x69: {  	[sflag:s0] =	ssyncadd.s32 @!p0 s1  }
0x6a: {  	[bflag:$0x3] =	sbarrier.arrive $0xFFFF  }
0x6b: {  	_ =	shalt  }

// kernel: kernel.30.cloned.1.call-start
scs
__scs_entry_jumppad:
0x0: {  	(pc) =	sbr.rel $0x88, $3  }
0x1: {  	(tag) =	ssettag $0x0;
	lr =	simm.s32 $0x1  }
0x2: {  	[smem:$0x3F93] =	sst lr;
	_ =	strace $0xD0000000  }
0x3: {  	_ = 	snop  }
0x4: {  	_ = 	snop  }
0x5: {  	_ = 	snop  }
0x6: {  	_ = 	snop  }
0x7: {  	_ = 	snop  }
__scs_overlays_trampoline_lowered:
0x8: {  	[smem:$0x3FA2] =	sst s0  }
0x9: {  	[smem:$0x3FA3] =	sst s1  }
0xa: {  	[smem:$0x3FA4] =	sst s2  }
0xb: {  	[smem:$0x3FA5] =	sst s3  }
0xc: {  	[smem:$0x3FA6] =	sst s4  }
0xd: {  	[smem:$0x3FA7] =	sst s5  }
0xe: {  	[smem:$0x3FA8] =	sst s6  }
0xf: {  	[smem:$0x3FA9] =	sst s7  }
0x10: {  	[smem:$0x3FAA] =	sst s8  }
0x11: {  	[smem:$0x3FAB] =	sst s9;
	s0 =	simm.s32 @!p0 $0x0  }
0x12: {  	s1 =	sld [smem:$0x3F91];
	s0 =	simm.s32 @p0 $0x1  }
0x13: {  	[smem:$0x3FAC] =	sst s0;
	s0 =	simm.s32 @!p1 $0x0  }
0x14: {  	s2 =	sld [smem:$0x3F90];
	s0 =	simm.s32 @p1 $0x1  }
0x15: {  	[smem:$0x3FAD] =	sst s0;
	s0 =	simm.s32 @!p2 $0x0  }
0x16: {  	s3 =	sld [smem:$0x3FDB];
	s0 =	simm.s32 @p2 $0x1  }
0x17: {  	s4 =	simm.s32 $0x1BF5;
	[smem:$0x3FAF] =	sst s0  }
0x18: {  	s0 =	sld [smem:$0x3F92];
	_ =	swait.ge [sflag:s4], $0x0  }
0x19: {  	s7 =	sld [smem:$0x3F93]  }
0x1a: {  	s8 =	sadd.s32 $0xFFFFE003, lr  }
0x1b: {  	s9 =	sadd.s32 $0xFFFFFEF7, lr;
	s5 =	simm.s32 $0xFFFFFFFF;
	p2 =	slt.u32 s8, $0xFFFFF086  }
0x1c: {  	p1 =	slt.u32 s9, $0xF7A;
	s5 =	simm.s32 @!p2 $0x0  }
0x1d: {  	s5 =	simm.s32 @p1 $0x1;
	p0 =	seq.s32 s7, s2  }
0x1e: {  	s7 =	smul.u32 @!p0 $0xF7A, s2;
	p2 =	seq.s32 @!p0 s5, $0x0  }
0x1f: {  	s9 =	smul.u32 $0xF7A, s1;
	s8 =	simm.s32 @!p0 $0x1BF5;
	p2 =	por !p2, p0  }
0x20: {  	[sflag:s8] =	ssyncset.s32 @!p0 $0xFFFFF086;
	s6 =	sadd.s32 @!p0 s3, s7;
	s7 =	simm.s32 @!p0 $0x108  }
0x21: {  	s3 =	sadd.s32 s3, s9;
	s6 =	sadd.s32 @!p0 $0x88, s6;
	s7 =	simm.s32 @p2 $0x1082  }
0x22: {  	[simem:s7], [sflag:s8] =	dma.local @!p0 [hbm:s6], $0xF7A  }
0x23: {  	s9 =	sor.u32 $0xD0000000, s2;
	s6 =	simm.s32 $0x108;
	_ =	swait.ge @!p0 [sflag:s8], $0x0  }
0x24: {  	s3 =	sadd.s32 $0x88, s3;
	s6 =	simm.s32 @!p1 $0x1082;
	[sflag:s4] =	ssyncset.s32 $0xFFFFF086  }
0x25: {  	[simem:s6], [sflag:s4] =	dma.local [hbm:s3], $0xF7A  }
0x26: {  	[smem:$0x3F93] =	sst s1;
	(tag) =	ssettag s2;
	_ =	strace s9  }
0x27: {  	s1 =	sld [smem:$0x3FA3]  }
0x28: {  	s2 =	sld [smem:$0x3FA4]  }
0x29: {  	s4 =	sld [smem:$0x3FA6]  }
0x2a: {  	p0 =	seq.s32 s5, $0x0;
	s5 =	sld [smem:$0x3FA7]  }
0x2b: {  	s6 =	sld [smem:$0x3FA8]  }
0x2c: {  	s7 =	sld [smem:$0x3FA9]  }
0x2d: {  	s3 =	simm.s32 $0x108;
	s8 =	sld [smem:$0x3FAA]  }
0x2e: {  	s3 =	simm.s32 @!p0 $0x1082;
	s9 =	sld [smem:$0x3FAB]  }
0x2f: {  	lr =	sadd.s32 s0, s3;
	s0 =	sld [smem:$0x3FA2]  }
0x30: {  	s3 =	sld [smem:$0x3FA5]  }
0x31: {  	[smem:$0x3FAE] =	sst s10  }
0x32: {  	s10 =	sld [smem:$0x3FAC];
	_ =	sdelay $0x3  }
0x33: {  	p0 =	seq.s32 s10, $0x1;
	s10 =	sld [smem:$0x3FAE];
	_ =	sdelay $0x3  }
0x34: {  	[smem:$0x3FAE] =	sst s10  }
0x35: {  	s10 =	sld [smem:$0x3FAD];
	_ =	sdelay $0x3  }
0x36: {  	p1 =	seq.s32 s10, $0x1;
	s10 =	sld [smem:$0x3FAE];
	_ =	sdelay $0x3  }
0x37: {  	[smem:$0x3FAE] =	sst s10  }
0x38: {  	s10 =	sld [smem:$0x3FAF]  }
0x39: {  	_ = 	snop;
	(pc) =	sbr.ind lr, $3  }
0x3a: {  	_ = 	snop  }
0x3b: {  	_ = 	snop  }
0x3c: {  	p2 =	seq.s32 s10, $0x1;
	s10 =	sld [smem:$0x3FAE]  }
0x3d: {  	_ =	shalt  }
0x3e: {  	_ =	shalt  }
0x3f: {  	_ =	shalt  }
0x40: {  	_ =	shalt  }
0x41: {  	_ =	shalt  }
0x42: {  	_ =	shalt  }
0x43: {  	_ =	shalt  }
0x44: {  	_ =	shalt  }
0x45: {  	_ =	shalt  }
0x46: {  	_ =	shalt  }
0x47: {  	_ =	shalt  }
0x48: {  	_ =	shalt  }
0x49: {  	_ =	shalt  }
0x4a: {  	_ =	shalt  }
0x4b: {  	_ =	shalt  }
0x4c: {  	_ =	shalt  }
0x4d: {  	_ =	shalt  }
0x4e: {  	_ =	shalt  }
0x4f: {  	_ =	shalt  }
0x50: {  	_ =	shalt  }
0x51: {  	_ =	shalt  }
0x52: {  	_ =	shalt  }
0x53: {  	_ =	shalt  }
0x54: {  	_ =	shalt  }
0x55: {  	_ =	shalt  }
0x56: {  	_ =	shalt  }
0x57: {  	_ =	shalt  }
0x58: {  	_ =	shalt  }
0x59: {  	_ =	shalt  }
0x5a: {  	_ =	shalt  }
0x5b: {  	_ =	shalt  }
0x5c: {  	_ =	shalt  }
0x5d: {  	_ =	shalt  }
0x5e: {  	_ =	shalt  }
0x5f: {  	_ =	shalt  }
0x60: {  	_ =	shalt  }
0x61: {  	_ =	shalt  }
0x62: {  	_ =	shalt  }
0x63: {  	_ =	shalt  }
0x64: {  	_ =	shalt  }
0x65: {  	_ =	shalt  }
0x66: {  	_ =	shalt  }
0x67: {  	_ =	shalt  }
0x68: {  	_ =	shalt  }
0x69: {  	_ =	shalt  }
0x6a: {  	_ =	shalt  }
0x6b: {  	_ =	shalt  }
0x6c: {  	_ =	shalt  }
0x6d: {  	_ =	shalt  }
0x6e: {  	_ =	shalt  }
0x6f: {  	_ =	shalt  }
0x70: {  	_ =	shalt  }
0x71: {  	_ =	shalt  }
0x72: {  	_ =	shalt  }
0x73: {  	_ =	shalt  }
0x74: {  	_ =	shalt  }
0x75: {  	_ =	shalt  }
0x76: {  	_ =	shalt  }
0x77: {  	_ =	shalt  }
0x78: {  	_ =	shalt  }
0x79: {  	_ =	shalt  }
0x7a: {  	_ =	shalt  }
0x7b: {  	_ =	shalt  }
0x7c: {  	_ =	shalt  }
0x7d: {  	_ =	shalt  }
0x7e: {  	_ =	shalt  }
0x7f: {  	_ =	shalt  }
0x80: {  	_ =	shalt  }
0x81: {  	_ =	shalt  }
0x82: {  	_ =	shalt  }
0x83: {  	_ =	shalt  }
0x84: {  	_ =	shalt  }
0x85: {  	_ =	shalt  }
0x86: {  	_ =	shalt  }
0x87: {  	_ =	shalt  }
.Lfunc_end0:
.L_simem_size_0:
called_computation.5_lowered:
.L_overlay_start_0:
0x88: {  	s2 =	sld [smem:$0x3FD9]  }
0x89: {  	s3 =	sld [smem:$0x3FFE];
	_ =	sdelay $0x1  }
0x8a: {  	s1 =	srdreg.scid  }
0x8b: {  	s0 =	sand.u32 $0x1, s1  }
0x8c: {  	s17 =	sshll.u32 s0, $0xA;
	s2 =	sadd.s32 s3, s2  }
0x8d: {  	s2 =	sadd.s32 s2, s17  }
0x8e: {  	[smem:$0x3FBA] =	sst s2  }
0x8f: {  	_ = 	snop  }
0x90: {  	s2 =	sld [smem:$0x3FD0];
	(tm) =	ssettm $0x1  }
0x91: {  	s18 =	sld [smem:$0x3FFB];
	_ =	sdelay $0x3  }
0x92: {  	_ =	strace s18  }
0x93: {  	s3 =	sld [smem:$0x3FFC];
	_ =	sdelay $0x3  }
0x94: {  	_ =	strace s3  }
0x95: {  	s3 =	sld [smem:$0x3FFD];
	_ =	sdelay $0x3  }
0x96: {  	_ =	strace s3  }
0x97: {  	_ =	strace $0x8FFFFFFF  }
0x98: {  	s19 =	sld [smem:$0x3FDB];
	_ =	sdelay $0x1  }
0x99: {  	s4 =	simm.s32 $_scs_section_size  }
0x9a: {  	s5 =	simm.s32 $_size__tile_overlayer_lowered;
	s6 =	simm.s32 $_tile_overlayer_lowered  }
0x9b: {  	s22 =	simm.s32 $0x1BFF;
	s21 =	sshll.u32 s6, $0x1;
	s3 =	sadd.s32 s4, s19  }
0x9c: {  	s7 =	simm.s32 $0x0;
	s20 =	sshll.u32 s5, $0x1;
	s5 =	sadd.s32 s21, s3  }
0x9d: {  	[timem:s7], [sflag:s22] =	dma.local [hbm:s5], s20  }
0x9e: {  	_ =	swait.ge [sflag:s22], s20  }
0x9f: {  	s4 =	ssub.s32 $0x0, s20;
	[sflag:s22] =	ssyncset.done $0x0  }
0xa0: {  	[sflag:s22] =	ssyncadd.s32 s4;
	_ =	sdelay $0x1  }
0xa1: {  	s23 =	simm.s32 $0x1B8B  }
0xa2: {  	_ =	swait.ge [sflag:s23], $0x1  }
0xa3: {  	[sflag:s23] =	ssyncset.done $0x0  }
0xa4: {  	s25 =	simm.s32 $0x1B8E;
	s24 =	sld [smem:$0x3FFE];
	[sflag:s23] =	ssyncadd.s32 $0xFFFFFFFF  }
0xa5: {  	s26 =	simm.s32 $execute0_lowered;
	[smem:$0x3FD2] =	sst s25  }
0xa6: {  	s5 =	sshll.u32 s26, $0x1;
	_ =	strace $0x80000055;
	[dreg:$0x1] =	wrdreg $0xFFFFFFFF  }
0xa7: {  	s28 =	simm.s32 $_size_execute0_lowered;
	s3 =	sadd.s32 s3, s5;
	[dreg:$0x0] =	wrdreg $0x0  }
0xa8: {  	s5 =	sshll.u32 s28, $0x1;
	[dreg:$0x2] =	wrdreg s3  }
0xa9: {  	[dreg:$0x3] =	wrdreg s5  }
0xaa: {  	[dreg:$0x4] =	wrdreg $0xC0  }
0xab: {  	_ =	task [dreg:s7], $0x5FFFF  }
0xac: {  	[dreg:$0x1] =	wrdreg $0xFFFFFFFF  }
0xad: {  	[dreg:$0x0] =	wrdreg $0x60  }
0xae: {  	[dreg:$0x2] =	wrdreg s2  }
0xaf: {  	[dreg:$0x3] =	wrdreg s24  }
0xb0: {  	[dreg:$0x4] =	wrdreg $0xB7800  }
0xb1: {  	[dreg:$0x5] =	wrdreg $0x9  }
0xb2: {  	_ =	task.clear_ibuf [dreg:s7], $0x6FFFF;
	_ =	strace $0x90000055  }
0xb3: {  	s29 =	simm.s32 $0x9;
	_ =	strace $0x80000057  }
0xb4: {  	_ =	swait.ge [sflag:s29], $0x1  }
0xb5: {  	[sflag:s29] =	ssyncadd.s32 $0xFFFFFFFF  }
0xb6: {  	_ =	strace $0x90000057  }
0xb7: {  	_ =	sfence  }
0xb8: {  	s30 =	sld [smem:$0x0];
	_ =	sdelay $0x2  }
0xb9: {  	s31 =	sshll.u32 s1, $0xD;
	s1 =	sshrl.u32 s1, $0x2  }
0xba: {  	s3 =	sand.u32 $0x4000, s31;
	s1 =	sadd.s32 s1, s30  }
0xbb: {  	s0 =	sor.u32 s3, s0;
	s1 =	sshll.u32 s1, $0x11  }
0xbc: {  	s0 =	sor.u32 s1, s0  }
0xbd: {  	s0 =	sadd.s32 $0x8F2B, s0  }
0xbe: {  	[sflag:s0] =	ssyncadd.remote.s32 $0x1  }
0xbf: {  	_ =	sfence.sel $0xFFFF  }
0xc0: {  	[dreg:$0x0] =	wrdreg $0xFFFFFFFF;
	(pc) =	sbr.abs _section_cstart, $3  }
0xc1: {  	[dreg:$0x1] =	wrdreg $0xFFFFFFFF  }
0xc2: {  	_ =	task.clear_ibuf [dreg:s7], $0x2FFFF;
	_ =	strace $0x9FFFFFFF  }
0xc3: {  	(tm) =	ssettm $0x7FFFFFFF  }
tec
execute0_lowered:
.L_overlay_start_1:
0x0: {  	(tag) =	ssettag $0x1  }
0x1: {  	s1 =	rddreg [dreg:$0x0]  }
0x2: {  	s2 =	srdreg.scid;
	s7 =	rddreg [dreg:$0x1]  }
0x3: {  	s0 =	stileid.u32;
	s3 =	rddreg [dreg:$0x2];
	s4 =	simm.s32 $0x0  }
0x4: {  	s18 =	simm.s32 $0x6780;
	s19 =	simm.s32 $0x8F80;
	s20 =	simm.s32 $0x2  }
0x5: {  	s21 =	simm.s32 $0x1;
	s22 =	simm.s32 $0x6580;
	s23 =	simm.s32 $0x0  }
0x6: {  	s8 =	sand.u32 $0x1, s2;
	s25 =	sshll.u32 s0, $0x1;
	s10 =	smul.u32 $0x2700, s0  }
0x7: {  	[smem:$0x7FF] =	sst s4;
	s9 =	smul.u32 $0x4E000, s0;
	s14 =	sadd.s32 $0x4EA00, s7  }
0x8: {  	s29 =	sshll.u32 s0, $0x6;
	s16 =	sadd.s32 $0x138000, s3;
	s30 =	smul.u32 $0x138800, s8  }
0x9: {  	p0 =	sne.s32 s0, $0xF;
	s5 =	sor.u32 s8, s25;
	s17 =	smul.u32 $0x27100, s8  }
0xa: {  	_ =	strace $0x80000056;
	s26 =	ssub.s32 $0x2, s8;
	s6 =	smul.u32 $0x4E2, s5  }
0xb: {  	s5 =	sshll.u32 s5, $0xB;
	s28 =	sadd.s32 s10, s7;
	s13 =	sshrl.u32 s26, $0x1  }
0xc: {  	s9 =	sshrl.u32 s9, $0x2;
	s12 =	sadd.s32 s5, s7;
	s13 =	ssub.s32 s26, s13  }
0xd: {  	s15 =	sadd.s32 s9, s3;
	s5 =	sadd.s32 $0x16A00, s28;
	s31 =	sshrl.u32 s30, $0x3  }
0xe: {  	s10 =	sadd.s32 s10, s17;
	s17 =	simm.s32 $0x50;
	s11 =	sadd.s32 s6, s7  }
0xf: {  	s6 =	sor.u32 $0x1C03, s29;
	s7 =	sadd.s32 $0x3DA00, s7;
	s9 =	sadd.s32 $0x3EA00, s12  }
0x10: {  	s10 =	sadd.s32 s14, s10;
	s12 =	smax.u32 s13, $0x1;
	s13 =	sshrl.u32 s15, $0x3  }
0x11: {  	s15 =	sshrl.u32 @!p0 s16, $0x3;
	s8 =	sadd.s32 $0xCC00, s11;
	s11 =	sadd.s32 s14, s31  }
0x12: {  	s16 =	simm.s32 $0x2780;
	s14 =	simm.s32 $0x3;
	s11 =	sadd.s32 $0x27000, s11  }
.LBB2_1:
0x13: {  	[spmem:s13], [sflag:s6] =	dma.local [hbm:s5], $0x2700  }
0x14: {  	_ =	swait.ge [sflag:s14], $0x2700  }
0x15: {  	[sflag:s14] =	ssyncset.done $0x0  }
0x16: {  	s24 =	simm.s32 @!p0 $0x3;
	[sflag:s14] =	ssyncadd.s32 $0xFFFFD900  }
0x17: {  	[spmem:s15], [sflag:s6] =	dma.local @!p0 [hbm:s7], $0x100  }
0x18: {  	_ =	swait.ge @!p0 [sflag:s24], $0x100  }
0x19: {  	[sflag:s24] =	ssyncset.done @!p0 $0x0  }
0x1a: {  	[sflag:s24] =	ssyncadd.s32 @!p0 $0xFFFFFF00  }
0x1b: {  	[tilespmem:s4], [sflag:$0x3] =	stream.linear.gather [hbm4b:s8+s4], $0x2710, $0x38;
	[tilespmem:$0x1F000] =	vst v63  }
0x1c: {  	_ =	swait.ge [sflag:s14], $0x2710  }
0x1d: {  	[sflag:s14] =	ssyncset.done $0x0  }
0x1e: {  	[sflag:s14] =	ssyncadd.s32 $0xFFFFD8F0  }
0x1f: {  	[tilespmem:s16], [sflag:$0x3] =	stream.linear.gather [hbm4b:s9+s4], $0x4000, $0x38;
	[tilespmem:$0x1F000] =	vst v63  }
0x20: {  	_ =	swait.ge [sflag:s14], $0x4000  }
0x21: {  	[sflag:s14] =	ssyncset.done $0x0  }
0x22: {  	[sflag:s14] =	ssyncadd.s32 $0xFFFFC000  }
0x23: {  	[bflag:$0x0] =	sbarrier.arrive $0xFFFF  }
0x24: {  	[tilespmem:s18], [sflag:$0x1] =	stream.indirect.gather [hbm4b:s1+s17], $0x80, s4, s17, $0xb8;
	[tilespmem:$0x1F000] =	vst v63  }
0x25: {  	_ = 	snop  }
0x26: {  	[tilespmem:s19], [sflag:$0x1] =	stream.indirect.gather [hbm4b:s1+s17], $0x80, s17, s17, $0xb8;
	[tilespmem:$0x1F000] =	vst v63  }
0x27: {  	s25 =	sand.u32 $0x1, s21;
	_ =	swait.ge [sflag:s21], $0x2800  }
0x28: {  	s26 =	sxor.u32 $0x1, s25;
	[sflag:s21] =	ssyncset.done $0x0  }
0x29: {  	s26 =	smul.u32 $0xA000, s26;
	[sflag:s21] =	ssyncadd.s32 $0xFFFFD800  }
0x2a: {  	[spmem:s3] =	stream.indirect.scatter.add.f32 [tilespmem:s18], [sflag:$0x2], $0x80, s16, s17, $0xb8;
	[tilespmem:$0x1F000] =	vst v63  }
0x2b: {  	s28 =	simm.s32 $0xA0;
	_ =	swait.ge [sflag:s20], $0x2800  }
0x2c: {  	s31 =	simm.s32 $0x2;
	s26 =	sshrl.u32 s26, $0x2;
	[sflag:s20] =	ssyncset.done $0x0  }
0x2d: {  	s25 =	smul.u32 $0xA000, s25;
	s26 =	sadd.s32 $0x6780, s26;
	[sflag:s20] =	ssyncadd.s32 $0xFFFFD800  }
0x2e: {  	[tilespmem:s26], [sflag:$0x1] =	stream.indirect.gather [hbm4b:s1+s17], $0x80, s28, s17, $0xb8;
	[tilespmem:$0x1F000] =	vst v63  }
0x2f: {  	s30 =	simm.s32 $0x3;
	s24 =	simm.s32 $0x2800;
	s28 =	sshrl.u32 s25, $0x2  }
0x30: {  	s25 =	simm.s32 $0xF0;
	s26 =	sand.u32 $0x1, s31;
	_ =	swait.ge [sflag:s21], $0x2800  }
0x31: {  	s29 =	sadd.s32 $0x6780, s28;
	s28 =	simm.s32 $0x2800;
	[sflag:s21] =	ssyncset.done $0x0  }
.LBB2_2:
0x32: {  	s31 =	sxor.u32 $0x1, s26  }
0x33: {  	s24 =	sadd.s32 $0x80, s24;
	s2 =	smov.u32 s30;
	s0 =	sadd.s32 $0x1, s30  }
0x34: {  	p1 =	sne.s32 s30, $0x7B;
	s30 =	smul.u32 $0xA000, s31;
	[sflag:s21] =	ssyncadd.s32 $0xFFFFD800  }
0x35: {  	[spmem:s3] =	stream.indirect.scatter.add.f32 [tilespmem:s29], [sflag:$0x2], $0x80, s28, s17, $0xb8;
	[tilespmem:$0x1F000] =	vst v63  }
0x36: {  	s28 =	smov.u32 s24;
	_ =	swait.ge [sflag:s20], $0x2800;
	s29 =	sshrl.u32 s30, $0x2  }
.Ltmp0:
0x37: {  	[sflag:s20] =	ssyncset.done $0x0;
	s29 =	sadd.s32 $0x6780, s29;
	(pc) =	sbr.rel @p1 .LBB2_2-.Ltmp0, $4  }
0x38: {  	s26 =	smul.u32 $0xA000, s26;
	s30 =	smov.u32 s0;
	[sflag:s20] =	ssyncadd.s32 $0xFFFFD800  }
0x39: {  	[tilespmem:s29], [sflag:$0x1] =	stream.indirect.gather [hbm4b:s1+s17], $0x80, s25, s17, $0xb8;
	[tilespmem:$0x1F000] =	vst v63  }
0x3a: {  	s29 =	sshrl.u32 s26, $0x2;
	s25 =	sadd.s32 $0x50, s25;
	_ =	swait.ge [sflag:s21], $0x2800  }
0x3b: {  	s26 =	sand.u32 $0x1, s2;
	s29 =	sadd.s32 $0x6780, s29;
	[sflag:s21] =	ssyncset.done $0x0  }
0x3c: {  	s0 =	sxor.u32 $0x1, s26  }
0x3d: {  	[sflag:s21] =	ssyncadd.s32 $0xFFFFD800;
	s0 =	smul.u32 $0xA000, s0  }
0x3e: {  	[spmem:s3] =	stream.indirect.scatter.add.f32 [tilespmem:s29], [sflag:$0x2], $0x80, s28, s17, $0xb8;
	[tilespmem:$0x1F000] =	vst v63  }
0x3f: {  	_ =	swait.ge [sflag:s20], $0x2800  }
0x40: {  	s0 =	sshrl.u32 s0, $0x2;
	[sflag:s20] =	ssyncset.done $0x0  }
0x41: {  	s2 =	smul.u32 $0xA000, s26;
	s0 =	sadd.s32 $0x6780, s0;
	[sflag:s20] =	ssyncadd.s32 $0xFFFFD800  }
0x42: {  	[tilespmem:s0], [sflag:$0x1] =	stream.indirect.gather [hbm4b:s1+s17], $0x80, s25, s17, $0xb8;
	[tilespmem:$0x1F000] =	vst v63  }
0x43: {  	_ =	swait.ge [sflag:s21], $0x2800  }
0x44: {  	s30 =	sshrl.u32 s2, $0x2;
	[sflag:s21] =	ssyncset.done $0x0  }
0x45: {  	s31 =	sadd.s32 $0x80, s24;
	s0 =	sadd.s32 $0x6780, s30;
	[sflag:s21] =	ssyncadd.s32 $0xFFFFD800  }
0x46: {  	[spmem:s3] =	stream.indirect.scatter.add.f32 [tilespmem:s0], [sflag:$0x2], $0x80, s31, s17, $0xb8;
	[tilespmem:$0x1F000] =	vst v63  }
0x47: {  	_ =	swait.ge [sflag:s20], $0x2800  }
0x48: {  	[sflag:s20] =	ssyncset.done $0x0  }
0x49: {  	[sflag:s20] =	ssyncadd.s32 $0xFFFFD800  }
0x4a: {  	_ =	swait.ge [sflag:s21], $0x2800  }
0x4b: {  	[sflag:s21] =	ssyncset.done $0x0  }
0x4c: {  	[sflag:s21] =	ssyncadd.s32 $0xFFFFD800  }
0x4d: {  	[spmem:s3] =	stream.indirect.scatter.add.f32 [tilespmem:s18], [sflag:$0x2], $0x80, s22, s17, $0xb8;
	[tilespmem:$0x1F000] =	vst v63  }
0x4e: {  	_ =	swait.ge [sflag:s20], $0x2800  }
0x4f: {  	[sflag:s20] =	ssyncset.done $0x0  }
0x50: {  	[sflag:s20] =	ssyncadd.s32 $0xFFFFD800  }
0x51: {  	[bflag:$0x0] =	sbarrier.arrive $0xFFFF  }
0x52: {  	[hbm:s10], [sflag:s6] =	dma.local [spmem:s13], $0x2700  }
0x53: {  	s23 =	sadd.s32 $0x1, s23;
	_ =	swait.ge [sflag:s14], $0x2700  }
0x54: {  	p1 =	sne.s32 s23, s12;
	[sflag:s14] =	ssyncset.done $0x0  }
.Ltmp1:
0x55: {  	s0 =	simm.s32 @!p0 $0x3;
	[sflag:s14] =	ssyncadd.s32 $0xFFFFD900;
	(pc) =	sbr.rel @p1 .LBB2_1-.Ltmp1, $4  }
0x56: {  	[hbm:s11], [sflag:s6] =	dma.local @!p0 [spmem:s15], $0x100  }
0x57: {  	_ =	swait.ge @!p0 [sflag:s0], $0x100  }
0x58: {  	[sflag:s0] =	ssyncset.done @!p0 $0x0  }
0x59: {  	[sflag:s0] =	ssyncadd.s32 @!p0 $0xFFFFFF00  }
0x5a: {  	_ =	sfence.sel $0x180000  }
0x5b: {  	[bflag:$0x0] =	sbarrier.arrive $0xFFFF  }
0x5c: {  	_ =	strace $0x90000056  }
0x5d: {  	s0 =	stileid.u32;
	[bflag:$0x2] =	sbarrier.arrive $0xFFFF  }
0x5e: {  	p0 =	sne.s32 s0, $0x0;
	s0 =	rddreg [dreg:$0x3]  }
0x5f: {  	s0 =	sadd.s32 @!p0 $0x100000, s0  }
0x60: {  	[sflag:s0] =	ssyncadd.tile.s32 @!p0 $0x1;
	_ =	shalt  }
.Lfunc_end2:
_tile_overlayer_lowered:
.L_overlay_start_2:
0x61: {  	(tag) =	ssettag $0x2  }
0x62: {  	s0 =	rddreg [dreg:$0x0];
	s2 =	stileid.u32  }
0x63: {  	s1 =	rddreg [dreg:$0x1];
	p0 =	sne.s32 s2, $0x0  }
0x64: {  	s3 =	rddreg [dreg:$0x2];
	[bflag:$0x3] =	sbarrier.arrive $0xFFFF;
	s2 =	simm.s32 @!p0 $0x1C03  }
0x65: {  	[timem:s3], [sflag:s2] =	dma.local @!p0 [hbm:s0], s1  }
0x66: {  	s0 =	simm.s32 @!p0 $0x3  }
0x67: {  	_ =	swait.ge @!p0 [sflag:s0], s1  }
0x68: {  	s1 =	ssub.s32 @!p0 $0x0, s1;
	[sflag:s0] =	ssyncset.done @!p0 $0x0  }
0x69: {  	[sflag:s0] =	ssyncadd.s32 @!p0 s1  }
0x6a: {  	[bflag:$0x3] =	sbarrier.arrive $0xFFFF  }
0x6b: {  	_ =	shalt  }

</sc_bundles>
